<compile_context>
chip_gen: v7x
topology: tpu7x:2x2x1
jax: 0.10.2.dev20260603
libtpu: 0.0.44.dev20260713+nightly
codegen_flags: <defaults>
</compile_context>

<pallas_src>
import functools
import math

import jax
import jax.numpy as jnp
from jax import lax
from jax.experimental import pallas as pl
from jax.experimental.pallas import tpu as pltpu
from jax.experimental.pallas import tpu_sc as plsc

D_MODEL = 64
BATCH = 4096
HIST = 200
NC = 2
NS = 16
NW = NC * NS
IBLK = BATCH // NW
SCALE = math.sqrt(float(D_MODEL))


def _emb_body(x_hbm, lut_hbm, out_hbm, idx_v, g0, g1, t0, t1, gsems, ssems):
    wid = lax.axis_index("s") * NC + lax.axis_index("c")
    ibase = wid * IBLK
    gbufs = (g0, g1)
    tbufs = (t0, t1)
    pltpu.sync_copy(x_hbm.at[:, pl.ds(ibase, IBLK)], idx_v)

    def start_gather(h, b):
        pltpu.async_copy(lut_hbm.at[idx_v.at[h]], gbufs[b], gsems.at[b])

    def wait_gather(b):
        pltpu.make_async_copy(
            lut_hbm.at[idx_v.at[0]], gbufs[b], gsems.at[b]
        ).wait()

    def start_store(h, b):
        pltpu.async_copy(
            tbufs[b], out_hbm.at[h, :, pl.ds(ibase, IBLK)], ssems.at[b]
        )

    def wait_store(b):
        pltpu.make_async_copy(
            tbufs[b], out_hbm.at[0, :, pl.ds(ibase, IBLK)], ssems.at[b]
        ).wait()

    def transpose_scale(b):
        iota = lax.iota(jnp.int32, 16)

        def grp_body(g, carry):
            rowv = iota + g * 16
            for q in range(D_MODEL // 16):
                vals = []
                for k in range(16):
                    colv = ((iota + k) & 15) + 16 * q
                    vals.append(
                        plsc.load_gather(gbufs[b], [rowv, colv]) * SCALE
                    )
                for k in range(16):
                    colv = ((iota + k) & 15) + 16 * q
                    plsc.store_scatter(tbufs[b], [colv, rowv], vals[k])
            return carry

        lax.fori_loop(0, IBLK // 16, grp_body, 0)

    start_gather(0, 0)
    start_gather(1, 1)

    def body(i, carry):
        for b in range(2):
            h = 2 * i + b
            wait_gather(b)

            @pl.when(h >= 2)
            def _():
                wait_store(b)

            transpose_scale(b)
            start_store(h, b)

            @pl.when(h + 2 < HIST)
            def _():
                start_gather(h + 2, b)
        return carry

    lax.fori_loop(0, HIST // 2, body, 0)
    wait_store(0)
    wait_store(1)


_emb_call = functools.partial(
    pl.kernel,
    mesh=plsc.VectorSubcoreMesh(core_axis_name="c", subcore_axis_name="s"),
    out_type=jax.ShapeDtypeStruct((HIST, D_MODEL, BATCH), jnp.float32),
    scratch_types=[
        pltpu.VMEM((HIST, IBLK), jnp.int32),
        pltpu.VMEM((IBLK, 128), jnp.float32),
        pltpu.VMEM((IBLK, 128), jnp.float32),
        pltpu.VMEM((D_MODEL, IBLK), jnp.float32),
        pltpu.VMEM((D_MODEL, IBLK), jnp.float32),
        pltpu.SemaphoreType.DMA((2,)),
        pltpu.SemaphoreType.DMA((2,)),
    ],
    compiler_params=pltpu.CompilerParams(needs_layout_passes=False),
)(_emb_body)


def kernel(x, lut):
    xt = x.T.astype(jnp.int32)
    lutp = jnp.pad(lut, ((0, 0), (0, 128 - D_MODEL)))
    out = _emb_call(xt, lutp)
    return out.transpose(2, 0, 1)

# --- scband reference (transcript-rebuilt; emitter-appended) ---
"""Pipeline reference for scband-embeddings-33861522161949 (READ-ONLY COPY).

The authoritative reference and input builder live on the scoring server;
editing this copy changes nothing except your own understanding.
"""

import jax, jax.numpy as jnp
import numpy as np

D_MODEL = 64
VOCAB = 1000000
BATCH = 4096
HIST = 200


def setup_inputs(seed: int = 0) -> dict:
    key = jax.random.key(seed)
    k_idx, k_tab = jax.random.split(key)
    x = jax.random.randint(k_idx, (BATCH, HIST), 0, VOCAB, dtype=jnp.int64 if jax.config.jax_enable_x64 else jnp.int32)
    lut = jax.random.normal(k_tab, (VOCAB, D_MODEL), dtype=jnp.float32)
    return {"x": x, "lut": lut}


def reference(x, lut):
    # Embedding lookup (gather) followed by scaling by sqrt(d_model),
    # faithful to: self.lut(x) * np.sqrt(self.d_model)
    emb = jnp.take(lut, x, axis=0)
    return emb * np.sqrt(float(D_MODEL))

if __name__ == "__main__":
    import jax
    _d = setup_inputs()
    print(jax.jit(kernel)(*tuple(_d.values())))

</pallas_src>

<mosaic_0001>
#map = affine_map<(d0, d1) -> (0, 0)>
#map1 = affine_map<(d0, d1) -> (0, 0, 0)>
module attributes {stable_mosaic.version = 14 : i64} {
  func.func @_emb_body(%arg0: i32, %arg1: i32, %arg2: memref<200x4096xi32, #tpu.memory_space<hbm>>, %arg3: memref<1000000x128xf32, #tpu.memory_space<hbm>>, %arg4: memref<200x64x4096xf32, #tpu.memory_space<hbm>>, %arg5: memref<200x128xi32, #tpu.memory_space<vmem>>, %arg6: memref<128x128xf32, #tpu.memory_space<vmem>>, %arg7: memref<128x128xf32, #tpu.memory_space<vmem>>, %arg8: memref<64x128xf32, #tpu.memory_space<vmem>>, %arg9: memref<64x128xf32, #tpu.memory_space<vmem>>, %arg10: memref<2x!tpu.dma_semaphore, #tpu.memory_space<semaphore_mem>>, %arg11: memref<2x!tpu.dma_semaphore, #tpu.memory_space<semaphore_mem>>) attributes {dimension_semantics = [#tpu.dimension_semantics<core_parallel>, #tpu.dimension_semantics<subcore_parallel>], iteration_bounds = array<i64: 2, 16>, scalar_prefetch = 0 : i64, scratch_operands = 7 : i64, tpu.core_type = #tpu.core_type<sc_vector_subcore>, window_params = [{transform_indices = #map}, {transform_indices = #map}, {transform_indices = #map1}]} {
    %mul3A = arith.constant 2 : i32
    %mul3A_0 = arith.muli %arg1, %mul3A : i32
    %add3A = arith.addi %mul3A_0, %arg0 : i32
    %mul3A_1 = arith.constant 128 : i32
    %mul3A_2 = arith.muli %add3A, %mul3A_1 : i32
    "tpu.region"() ({
      %run_scoped3A = tpu.sem_alloc : memref<!tpu.dma_semaphore, #tpu.memory_space<semaphore_mem>>
      %dma_start3A_46 = arith.constant 0 : i32
      %dma_start3A_47 = tpu.memref_slice %arg2[%dma_start3A_46, %mul3A_2] : memref<200x4096xi32, #tpu.memory_space<hbm>> -> memref<200x128xi32, #tpu.memory_space<hbm>>
      %dma_start3A_48 = arith.constant 0 : i32
      %dma_start3A_49 = tpu.memref_slice %arg2[%dma_start3A_48, %mul3A_2] : memref<200x4096xi32, #tpu.memory_space<hbm>> -> memref<200x128xi32, #tpu.memory_space<hbm>>
      tpu.enqueue_dma source(%dma_start3A_49 : memref<200x128xi32, #tpu.memory_space<hbm>>) target(%arg5 : memref<200x128xi32, #tpu.memory_space<vmem>>) target_semaphore(%run_scoped3A : memref<!tpu.dma_semaphore, #tpu.memory_space<semaphore_mem>>)
      %dma_wait3A_50 = arith.constant 0 : i32
      %dma_wait3A_51 = tpu.memref_slice %arg2[%dma_wait3A_50, %mul3A_2] : memref<200x4096xi32, #tpu.memory_space<hbm>> -> memref<200x128xi32, #tpu.memory_space<hbm>>
      %dma_wait3A_52 = arith.constant 0 : i32
      %dma_wait3A_53 = tpu.memref_slice %arg2[%dma_wait3A_52, %mul3A_2] : memref<200x4096xi32, #tpu.memory_space<hbm>> -> memref<200x128xi32, #tpu.memory_space<hbm>>
      tpu.wait_dma2 semaphore(%run_scoped3A : memref<!tpu.dma_semaphore, #tpu.memory_space<semaphore_mem>>) src(%dma_wait3A_53 : memref<200x128xi32, #tpu.memory_space<hbm>>) dst(%arg5 : memref<200x128xi32, #tpu.memory_space<vmem>>)
      tpu.yield
    }) : () -> ()
    %dma_start3A = arith.constant 0 : i32
    %dma_start3A_3 = arith.constant 0 : i32
    %dma_start3A_4 = arith.constant 0 : i32
    %dma_start3A_5 = tpu.memref_slice %arg5[%dma_start3A, %dma_start3A_4] : memref<200x128xi32, #tpu.memory_space<vmem>> -> memref<1x128xi32, #tpu.memory_space<vmem>>
    %dma_start3A_6 = tpu.memref_squeeze %dma_start3A_5 : memref<1x128xi32, #tpu.memory_space<vmem>> -> memref<128xi32, #tpu.memory_space<vmem>>
    %dma_start3A_7 = arith.constant 0 : i32
    %dma_start3A_8 = arith.constant 0 : i32
    %dma_start3A_9 = tpu.memref_slice %arg3[%dma_start3A_7, %dma_start3A_8] : memref<1000000x128xf32, #tpu.memory_space<hbm>> -> memref<1000000x128xf32, #tpu.memory_space<hbm>>
    %dma_start3A_10 = tpu.memref_slice %arg10[%dma_start3A_3] : memref<2x!tpu.dma_semaphore, #tpu.memory_space<semaphore_mem>> -> memref<1x!tpu.dma_semaphore, #tpu.memory_space<semaphore_mem>>
    %dma_start3A_11 = tpu.memref_squeeze %dma_start3A_10 : memref<1x!tpu.dma_semaphore, #tpu.memory_space<semaphore_mem>> -> memref<!tpu.dma_semaphore, #tpu.memory_space<semaphore_mem>>
    tpu.enqueue_indirect_dma source(%dma_start3A_9 : memref<1000000x128xf32, #tpu.memory_space<hbm>>) target(%arg6 : memref<128x128xf32, #tpu.memory_space<vmem>>) offsets(%dma_start3A_6 : memref<128xi32, #tpu.memory_space<vmem>>) semaphore(%dma_start3A_11 : memref<!tpu.dma_semaphore, #tpu.memory_space<semaphore_mem>>)
    %dma_start3A_12 = arith.constant 1 : i32
    %dma_start3A_13 = arith.constant 1 : i32
    %dma_start3A_14 = arith.constant 0 : i32
    %dma_start3A_15 = tpu.memref_slice %arg5[%dma_start3A_12, %dma_start3A_14] : memref<200x128xi32, #tpu.memory_space<vmem>> -> memref<1x128xi32, #tpu.memory_space<vmem>>
    %dma_start3A_16 = tpu.memref_squeeze %dma_start3A_15 : memref<1x128xi32, #tpu.memory_space<vmem>> -> memref<128xi32, #tpu.memory_space<vmem>>
    %dma_start3A_17 = arith.constant 0 : i32
    %dma_start3A_18 = arith.constant 0 : i32
    %dma_start3A_19 = tpu.memref_slice %arg3[%dma_start3A_17, %dma_start3A_18] : memref<1000000x128xf32, #tpu.memory_space<hbm>> -> memref<1000000x128xf32, #tpu.memory_space<hbm>>
    %dma_start3A_20 = tpu.memref_slice %arg10[%dma_start3A_13] : memref<2x!tpu.dma_semaphore, #tpu.memory_space<semaphore_mem>> -> memref<1x!tpu.dma_semaphore, #tpu.memory_space<semaphore_mem>>
    %dma_start3A_21 = tpu.memref_squeeze %dma_start3A_20 : memref<1x!tpu.dma_semaphore, #tpu.memory_space<semaphore_mem>> -> memref<!tpu.dma_semaphore, #tpu.memory_space<semaphore_mem>>
    tpu.enqueue_indirect_dma source(%dma_start3A_19 : memref<1000000x128xf32, #tpu.memory_space<hbm>>) target(%arg7 : memref<128x128xf32, #tpu.memory_space<vmem>>) offsets(%dma_start3A_16 : memref<128xi32, #tpu.memory_space<vmem>>) semaphore(%dma_start3A_21 : memref<!tpu.dma_semaphore, #tpu.memory_space<semaphore_mem>>)
    %scan3A = arith.constant 0 : i32
    %scan3A_22 = arith.constant 0 : i32
    %scan3A_23 = arith.constant 100 : i32
    %scan3A_24 = arith.addi %scan3A_22, %scan3A_23 : i32
    %scan3A_25 = arith.constant 1 : i32
    scf.for %scan3A_46 = %scan3A_22 to %scan3A_24 step %scan3A_25  : i32 {
      %mul3A_47 = arith.constant 2 : i32
      %mul3A_48 = arith.muli %mul3A_47, %scan3A_46 : i32
      %add3A_49 = arith.constant 0 : i32
      %add3A_50 = arith.addi %mul3A_48, %add3A_49 : i32
      %dma_wait3A_51 = arith.constant 0 : i32
      %dma_wait3A_52 = arith.constant 0 : i32
      %dma_wait3A_53 = arith.constant 0 : i32
      %dma_wait3A_54 = tpu.memref_slice %arg5[%dma_wait3A_51, %dma_wait3A_53] : memref<200x128xi32, #tpu.memory_space<vmem>> -> memref<1x128xi32, #tpu.memory_space<vmem>>
      %dma_wait3A_55 = tpu.memref_squeeze %dma_wait3A_54 : memref<1x128xi32, #tpu.memory_space<vmem>> -> memref<128xi32, #tpu.memory_space<vmem>>
      %dma_wait3A_56 = arith.constant 0 : i32
      %dma_wait3A_57 = arith.constant 0 : i32
      %dma_wait3A_58 = tpu.memref_slice %arg3[%dma_wait3A_56, %dma_wait3A_57] : memref<1000000x128xf32, #tpu.memory_space<hbm>> -> memref<1000000x128xf32, #tpu.memory_space<hbm>>
      %dma_wait3A_59 = tpu.memref_slice %arg10[%dma_wait3A_52] : memref<2x!tpu.dma_semaphore, #tpu.memory_space<semaphore_mem>> -> memref<1x!tpu.dma_semaphore, #tpu.memory_space<semaphore_mem>>
      %dma_wait3A_60 = tpu.memref_squeeze %dma_wait3A_59 : memref<1x!tpu.dma_semaphore, #tpu.memory_space<semaphore_mem>> -> memref<!tpu.dma_semaphore, #tpu.memory_space<semaphore_mem>>
      tpu.wait_indirect_dma semaphore(%dma_wait3A_60 : memref<!tpu.dma_semaphore, #tpu.memory_space<semaphore_mem>>) src(%dma_wait3A_58 : memref<1000000x128xf32, #tpu.memory_space<hbm>>) dst(%arg6 : memref<128x128xf32, #tpu.memory_space<vmem>>)
      %ge3A = arith.constant 2 : i32
      %ge3A_61 = arith.cmpi sge, %add3A_50, %ge3A : i32
      %convert_element_type3A = arith.extui %ge3A_61 : i1 to i32
      %cond3A = arith.constant 0 : i32
      %cond3A_62 = arith.cmpi ne, %convert_element_type3A, %cond3A : i32
      scf.if %cond3A_62 {
        %dma_wait3A_126 = arith.constant 0 : i32
        %dma_wait3A_127 = arith.constant 0 : i32
        %dma_wait3A_128 = arith.constant 0 : i32
        %dma_wait3A_129 = tpu.memref_slice %arg4[%dma_wait3A_126, %dma_wait3A_128, %mul3A_2] : memref<200x64x4096xf32, #tpu.memory_space<hbm>> -> memref<1x64x128xf32, #tpu.memory_space<hbm>>
        %dma_wait3A_130 = tpu.memref_squeeze %dma_wait3A_129 : memref<1x64x128xf32, #tpu.memory_space<hbm>> -> memref<64x128xf32, #tpu.memory_space<hbm>>
        %dma_wait3A_131 = tpu.memref_slice %arg11[%dma_wait3A_127] : memref<2x!tpu.dma_semaphore, #tpu.memory_space<semaphore_mem>> -> memref<1x!tpu.dma_semaphore, #tpu.memory_space<semaphore_mem>>
        %dma_wait3A_132 = tpu.memref_squeeze %dma_wait3A_131 : memref<1x!tpu.dma_semaphore, #tpu.memory_space<semaphore_mem>> -> memref<!tpu.dma_semaphore, #tpu.memory_space<semaphore_mem>>
        %dma_wait3A_133 = arith.constant 0 : i32
        %dma_wait3A_134 = tpu.memref_slice %arg4[%dma_wait3A_126, %dma_wait3A_133, %mul3A_2] : memref<200x64x4096xf32, #tpu.memory_space<hbm>> -> memref<1x64x128xf32, #tpu.memory_space<hbm>>
        %dma_wait3A_135 = tpu.memref_squeeze %dma_wait3A_134 : memref<1x64x128xf32, #tpu.memory_space<hbm>> -> memref<64x128xf32, #tpu.memory_space<hbm>>
        tpu.wait_dma2 semaphore(%dma_wait3A_132 : memref<!tpu.dma_semaphore, #tpu.memory_space<semaphore_mem>>) src(%arg8 : memref<64x128xf32, #tpu.memory_space<vmem>>) dst(%dma_wait3A_135 : memref<64x128xf32, #tpu.memory_space<hbm>>)
      } else {
      }
      %iota3A = tpu.iota {dimensions = array<i32: 0>} : vector<16xi32>
      %scan3A_63 = arith.constant 0 : i32
      %scan3A_64 = arith.constant 0 : i32
      %scan3A_65 = arith.constant 8 : i32
      %scan3A_66 = arith.addi %scan3A_64, %scan3A_65 : i32
      %scan3A_67 = arith.constant 1 : i32
      scf.for %scan3A_126 = %scan3A_64 to %scan3A_66 step %scan3A_67  : i32 {
        %mul3A_127 = arith.constant 16 : i32
        %mul3A_128 = arith.muli %scan3A_126, %mul3A_127 : i32
        %add3A_129 = vector.broadcast %mul3A_128 : i32 to vector<16xi32>
        %add3A_130 = arith.addi %iota3A, %add3A_129 : vector<16xi32>
        %add3A_131 = arith.constant 0 : i32
        %add3A_132 = vector.broadcast %add3A_131 : i32 to vector<16xi32>
        %add3A_133 = arith.addi %iota3A, %add3A_132 : vector<16xi32>
        %and3A = arith.constant 15 : i32
        %and3A_134 = vector.broadcast %and3A : i32 to vector<16xi32>
        %and3A_135 = arith.andi %add3A_133, %and3A_134 : vector<16xi32>
        %add3A_136 = arith.constant 0 : i32
        %add3A_137 = vector.broadcast %add3A_136 : i32 to vector<16xi32>
        %add3A_138 = arith.addi %and3A_135, %add3A_137 : vector<16xi32>
        %gather3A = tpu.vector_load_idx %arg6[%add3A_130, %add3A_138] : memref<128x128xf32, #tpu.memory_space<vmem>>[vector<16xi32>, vector<16xi32>], vector<16xf32>,
        %mul3A_139 = arith.constant 8.000000e+00 : f32
        %mul3A_140 = vector.broadcast %mul3A_139 : f32 to vector<16xf32>
        %mul3A_141 = arith.mulf %gather3A, %mul3A_140 : vector<16xf32>
        %add3A_142 = arith.constant 1 : i32
        %add3A_143 = vector.broadcast %add3A_142 : i32 to vector<16xi32>
        %add3A_144 = arith.addi %iota3A, %add3A_143 : vector<16xi32>
        %and3A_145 = arith.constant 15 : i32
        %and3A_146 = vector.broadcast %and3A_145 : i32 to vector<16xi32>
        %and3A_147 = arith.andi %add3A_144, %and3A_146 : vector<16xi32>
        %add3A_148 = arith.constant 0 : i32
        %add3A_149 = vector.broadcast %add3A_148 : i32 to vector<16xi32>
        %add3A_150 = arith.addi %and3A_147, %add3A_149 : vector<16xi32>
        %gather3A_151 = tpu.vector_load_idx %arg6[%add3A_130, %add3A_150] : memref<128x128xf32, #tpu.memory_space<vmem>>[vector<16xi32>, vector<16xi32>], vector<16xf32>,
        %mul3A_152 = arith.constant 8.000000e+00 : f32
        %mul3A_153 = vector.broadcast %mul3A_152 : f32 to vector<16xf32>
        %mul3A_154 = arith.mulf %gather3A_151, %mul3A_153 : vector<16xf32>
        %add3A_155 = arith.constant 2 : i32
        %add3A_156 = vector.broadcast %add3A_155 : i32 to vector<16xi32>
        %add3A_157 = arith.addi %iota3A, %add3A_156 : vector<16xi32>
        %and3A_158 = arith.constant 15 : i32
        %and3A_159 = vector.broadcast %and3A_158 : i32 to vector<16xi32>
        %and3A_160 = arith.andi %add3A_157, %and3A_159 : vector<16xi32>
        %add3A_161 = arith.constant 0 : i32
        %add3A_162 = vector.broadcast %add3A_161 : i32 to vector<16xi32>
        %add3A_163 = arith.addi %and3A_160, %add3A_162 : vector<16xi32>
        %gather3A_164 = tpu.vector_load_idx %arg6[%add3A_130, %add3A_163] : memref<128x128xf32, #tpu.memory_space<vmem>>[vector<16xi32>, vector<16xi32>], vector<16xf32>,
        %mul3A_165 = arith.constant 8.000000e+00 : f32
        %mul3A_166 = vector.broadcast %mul3A_165 : f32 to vector<16xf32>
        %mul3A_167 = arith.mulf %gather3A_164, %mul3A_166 : vector<16xf32>
        %add3A_168 = arith.constant 3 : i32
        %add3A_169 = vector.broadcast %add3A_168 : i32 to vector<16xi32>
        %add3A_170 = arith.addi %iota3A, %add3A_169 : vector<16xi32>
        %and3A_171 = arith.constant 15 : i32
        %and3A_172 = vector.broadcast %and3A_171 : i32 to vector<16xi32>
        %and3A_173 = arith.andi %add3A_170, %and3A_172 : vector<16xi32>
        %add3A_174 = arith.constant 0 : i32
        %add3A_175 = vector.broadcast %add3A_174 : i32 to vector<16xi32>
        %add3A_176 = arith.addi %and3A_173, %add3A_175 : vector<16xi32>
        %gather3A_177 = tpu.vector_load_idx %arg6[%add3A_130, %add3A_176] : memref<128x128xf32, #tpu.memory_space<vmem>>[vector<16xi32>, vector<16xi32>], vector<16xf32>,
        %mul3A_178 = arith.constant 8.000000e+00 : f32
        %mul3A_179 = vector.broadcast %mul3A_178 : f32 to vector<16xf32>
        %mul3A_180 = arith.mulf %gather3A_177, %mul3A_179 : vector<16xf32>
        %add3A_181 = arith.constant 4 : i32
        %add3A_182 = vector.broadcast %add3A_181 : i32 to vector<16xi32>
        %add3A_183 = arith.addi %iota3A, %add3A_182 : vector<16xi32>
        %and3A_184 = arith.constant 15 : i32
        %and3A_185 = vector.broadcast %and3A_184 : i32 to vector<16xi32>
        %and3A_186 = arith.andi %add3A_183, %and3A_185 : vector<16xi32>
        %add3A_187 = arith.constant 0 : i32
        %add3A_188 = vector.broadcast %add3A_187 : i32 to vector<16xi32>
        %add3A_189 = arith.addi %and3A_186, %add3A_188 : vector<16xi32>
        %gather3A_190 = tpu.vector_load_idx %arg6[%add3A_130, %add3A_189] : memref<128x128xf32, #tpu.memory_space<vmem>>[vector<16xi32>, vector<16xi32>], vector<16xf32>,
        %mul3A_191 = arith.constant 8.000000e+00 : f32
        %mul3A_192 = vector.broadcast %mul3A_191 : f32 to vector<16xf32>
        %mul3A_193 = arith.mulf %gather3A_190, %mul3A_192 : vector<16xf32>
        %add3A_194 = arith.constant 5 : i32
        %add3A_195 = vector.broadcast %add3A_194 : i32 to vector<16xi32>
        %add3A_196 = arith.addi %iota3A, %add3A_195 : vector<16xi32>
        %and3A_197 = arith.constant 15 : i32
        %and3A_198 = vector.broadcast %and3A_197 : i32 to vector<16xi32>
        %and3A_199 = arith.andi %add3A_196, %and3A_198 : vector<16xi32>
        %add3A_200 = arith.constant 0 : i32
        %add3A_201 = vector.broadcast %add3A_200 : i32 to vector<16xi32>
        %add3A_202 = arith.addi %and3A_199, %add3A_201 : vector<16xi32>
        %gather3A_203 = tpu.vector_load_idx %arg6[%add3A_130, %add3A_202] : memref<128x128xf32, #tpu.memory_space<vmem>>[vector<16xi32>, vector<16xi32>], vector<16xf32>,
        %mul3A_204 = arith.constant 8.000000e+00 : f32
        %mul3A_205 = vector.broadcast %mul3A_204 : f32 to vector<16xf32>
        %mul3A_206 = arith.mulf %gather3A_203, %mul3A_205 : vector<16xf32>
        %add3A_207 = arith.constant 6 : i32
        %add3A_208 = vector.broadcast %add3A_207 : i32 to vector<16xi32>
        %add3A_209 = arith.addi %iota3A, %add3A_208 : vector<16xi32>
        %and3A_210 = arith.constant 15 : i32
        %and3A_211 = vector.broadcast %and3A_210 : i32 to vector<16xi32>
        %and3A_212 = arith.andi %add3A_209, %and3A_211 : vector<16xi32>
        %add3A_213 = arith.constant 0 : i32
        %add3A_214 = vector.broadcast %add3A_213 : i32 to vector<16xi32>
        %add3A_215 = arith.addi %and3A_212, %add3A_214 : vector<16xi32>
        %gather3A_216 = tpu.vector_load_idx %arg6[%add3A_130, %add3A_215] : memref<128x128xf32, #tpu.memory_space<vmem>>[vector<16xi32>, vector<16xi32>], vector<16xf32>,
        %mul3A_217 = arith.constant 8.000000e+00 : f32
        %mul3A_218 = vector.broadcast %mul3A_217 : f32 to vector<16xf32>
        %mul3A_219 = arith.mulf %gather3A_216, %mul3A_218 : vector<16xf32>
        %add3A_220 = arith.constant 7 : i32
        %add3A_221 = vector.broadcast %add3A_220 : i32 to vector<16xi32>
        %add3A_222 = arith.addi %iota3A, %add3A_221 : vector<16xi32>
        %and3A_223 = arith.constant 15 : i32
        %and3A_224 = vector.broadcast %and3A_223 : i32 to vector<16xi32>
        %and3A_225 = arith.andi %add3A_222, %and3A_224 : vector<16xi32>
        %add3A_226 = arith.constant 0 : i32
        %add3A_227 = vector.broadcast %add3A_226 : i32 to vector<16xi32>
        %add3A_228 = arith.addi %and3A_225, %add3A_227 : vector<16xi32>
        %gather3A_229 = tpu.vector_load_idx %arg6[%add3A_130, %add3A_228] : memref<128x128xf32, #tpu.memory_space<vmem>>[vector<16xi32>, vector<16xi32>], vector<16xf32>,
        %mul3A_230 = arith.constant 8.000000e+00 : f32
        %mul3A_231 = vector.broadcast %mul3A_230 : f32 to vector<16xf32>
        %mul3A_232 = arith.mulf %gather3A_229, %mul3A_231 : vector<16xf32>
        %add3A_233 = arith.constant 8 : i32
        %add3A_234 = vector.broadcast %add3A_233 : i32 to vector<16xi32>
        %add3A_235 = arith.addi %iota3A, %add3A_234 : vector<16xi32>
        %and3A_236 = arith.constant 15 : i32
        %and3A_237 = vector.broadcast %and3A_236 : i32 to vector<16xi32>
        %and3A_238 = arith.andi %add3A_235, %and3A_237 : vector<16xi32>
        %add3A_239 = arith.constant 0 : i32
        %add3A_240 = vector.broadcast %add3A_239 : i32 to vector<16xi32>
        %add3A_241 = arith.addi %and3A_238, %add3A_240 : vector<16xi32>
        %gather3A_242 = tpu.vector_load_idx %arg6[%add3A_130, %add3A_241] : memref<128x128xf32, #tpu.memory_space<vmem>>[vector<16xi32>, vector<16xi32>], vector<16xf32>,
        %mul3A_243 = arith.constant 8.000000e+00 : f32
        %mul3A_244 = vector.broadcast %mul3A_243 : f32 to vector<16xf32>
        %mul3A_245 = arith.mulf %gather3A_242, %mul3A_244 : vector<16xf32>
        %add3A_246 = arith.constant 9 : i32
        %add3A_247 = vector.broadcast %add3A_246 : i32 to vector<16xi32>
        %add3A_248 = arith.addi %iota3A, %add3A_247 : vector<16xi32>
        %and3A_249 = arith.constant 15 : i32
        %and3A_250 = vector.broadcast %and3A_249 : i32 to vector<16xi32>
        %and3A_251 = arith.andi %add3A_248, %and3A_250 : vector<16xi32>
        %add3A_252 = arith.constant 0 : i32
        %add3A_253 = vector.broadcast %add3A_252 : i32 to vector<16xi32>
        %add3A_254 = arith.addi %and3A_251, %add3A_253 : vector<16xi32>
        %gather3A_255 = tpu.vector_load_idx %arg6[%add3A_130, %add3A_254] : memref<128x128xf32, #tpu.memory_space<vmem>>[vector<16xi32>, vector<16xi32>], vector<16xf32>,
        %mul3A_256 = arith.constant 8.000000e+00 : f32
        %mul3A_257 = vector.broadcast %mul3A_256 : f32 to vector<16xf32>
        %mul3A_258 = arith.mulf %gather3A_255, %mul3A_257 : vector<16xf32>
        %add3A_259 = arith.constant 10 : i32
        %add3A_260 = vector.broadcast %add3A_259 : i32 to vector<16xi32>
        %add3A_261 = arith.addi %iota3A, %add3A_260 : vector<16xi32>
        %and3A_262 = arith.constant 15 : i32
        %and3A_263 = vector.broadcast %and3A_262 : i32 to vector<16xi32>
        %and3A_264 = arith.andi %add3A_261, %and3A_263 : vector<16xi32>
        %add3A_265 = arith.constant 0 : i32
        %add3A_266 = vector.broadcast %add3A_265 : i32 to vector<16xi32>
        %add3A_267 = arith.addi %and3A_264, %add3A_266 : vector<16xi32>
        %gather3A_268 = tpu.vector_load_idx %arg6[%add3A_130, %add3A_267] : memref<128x128xf32, #tpu.memory_space<vmem>>[vector<16xi32>, vector<16xi32>], vector<16xf32>,
        %mul3A_269 = arith.constant 8.000000e+00 : f32
        %mul3A_270 = vector.broadcast %mul3A_269 : f32 to vector<16xf32>
        %mul3A_271 = arith.mulf %gather3A_268, %mul3A_270 : vector<16xf32>
        %add3A_272 = arith.constant 11 : i32
        %add3A_273 = vector.broadcast %add3A_272 : i32 to vector<16xi32>
        %add3A_274 = arith.addi %iota3A, %add3A_273 : vector<16xi32>
        %and3A_275 = arith.constant 15 : i32
        %and3A_276 = vector.broadcast %and3A_275 : i32 to vector<16xi32>
        %and3A_277 = arith.andi %add3A_274, %and3A_276 : vector<16xi32>
        %add3A_278 = arith.constant 0 : i32
        %add3A_279 = vector.broadcast %add3A_278 : i32 to vector<16xi32>
        %add3A_280 = arith.addi %and3A_277, %add3A_279 : vector<16xi32>
        %gather3A_281 = tpu.vector_load_idx %arg6[%add3A_130, %add3A_280] : memref<128x128xf32, #tpu.memory_space<vmem>>[vector<16xi32>, vector<16xi32>], vector<16xf32>,
        %mul3A_282 = arith.constant 8.000000e+00 : f32
        %mul3A_283 = vector.broadcast %mul3A_282 : f32 to vector<16xf32>
        %mul3A_284 = arith.mulf %gather3A_281, %mul3A_283 : vector<16xf32>
        %add3A_285 = arith.constant 12 : i32
        %add3A_286 = vector.broadcast %add3A_285 : i32 to vector<16xi32>
        %add3A_287 = arith.addi %iota3A, %add3A_286 : vector<16xi32>
        %and3A_288 = arith.constant 15 : i32
        %and3A_289 = vector.broadcast %and3A_288 : i32 to vector<16xi32>
        %and3A_290 = arith.andi %add3A_287, %and3A_289 : vector<16xi32>
        %add3A_291 = arith.constant 0 : i32
        %add3A_292 = vector.broadcast %add3A_291 : i32 to vector<16xi32>
        %add3A_293 = arith.addi %and3A_290, %add3A_292 : vector<16xi32>
        %gather3A_294 = tpu.vector_load_idx %arg6[%add3A_130, %add3A_293] : memref<128x128xf32, #tpu.memory_space<vmem>>[vector<16xi32>, vector<16xi32>], vector<16xf32>,
        %mul3A_295 = arith.constant 8.000000e+00 : f32
        %mul3A_296 = vector.broadcast %mul3A_295 : f32 to vector<16xf32>
        %mul3A_297 = arith.mulf %gather3A_294, %mul3A_296 : vector<16xf32>
        %add3A_298 = arith.constant 13 : i32
        %add3A_299 = vector.broadcast %add3A_298 : i32 to vector<16xi32>
        %add3A_300 = arith.addi %iota3A, %add3A_299 : vector<16xi32>
        %and3A_301 = arith.constant 15 : i32
        %and3A_302 = vector.broadcast %and3A_301 : i32 to vector<16xi32>
        %and3A_303 = arith.andi %add3A_300, %and3A_302 : vector<16xi32>
        %add3A_304 = arith.constant 0 : i32
        %add3A_305 = vector.broadcast %add3A_304 : i32 to vector<16xi32>
        %add3A_306 = arith.addi %and3A_303, %add3A_305 : vector<16xi32>
        %gather3A_307 = tpu.vector_load_idx %arg6[%add3A_130, %add3A_306] : memref<128x128xf32, #tpu.memory_space<vmem>>[vector<16xi32>, vector<16xi32>], vector<16xf32>,
        %mul3A_308 = arith.constant 8.000000e+00 : f32
        %mul3A_309 = vector.broadcast %mul3A_308 : f32 to vector<16xf32>
        %mul3A_310 = arith.mulf %gather3A_307, %mul3A_309 : vector<16xf32>
        %add3A_311 = arith.constant 14 : i32
        %add3A_312 = vector.broadcast %add3A_311 : i32 to vector<16xi32>
        %add3A_313 = arith.addi %iota3A, %add3A_312 : vector<16xi32>
        %and3A_314 = arith.constant 15 : i32
        %and3A_315 = vector.broadcast %and3A_314 : i32 to vector<16xi32>
        %and3A_316 = arith.andi %add3A_313, %and3A_315 : vector<16xi32>
        %add3A_317 = arith.constant 0 : i32
        %add3A_318 = vector.broadcast %add3A_317 : i32 to vector<16xi32>
        %add3A_319 = arith.addi %and3A_316, %add3A_318 : vector<16xi32>
        %gather3A_320 = tpu.vector_load_idx %arg6[%add3A_130, %add3A_319] : memref<128x128xf32, #tpu.memory_space<vmem>>[vector<16xi32>, vector<16xi32>], vector<16xf32>,
        %mul3A_321 = arith.constant 8.000000e+00 : f32
        %mul3A_322 = vector.broadcast %mul3A_321 : f32 to vector<16xf32>
        %mul3A_323 = arith.mulf %gather3A_320, %mul3A_322 : vector<16xf32>
        %add3A_324 = arith.constant 15 : i32
        %add3A_325 = vector.broadcast %add3A_324 : i32 to vector<16xi32>
        %add3A_326 = arith.addi %iota3A, %add3A_325 : vector<16xi32>
        %and3A_327 = arith.constant 15 : i32
        %and3A_328 = vector.broadcast %and3A_327 : i32 to vector<16xi32>
        %and3A_329 = arith.andi %add3A_326, %and3A_328 : vector<16xi32>
        %add3A_330 = arith.constant 0 : i32
        %add3A_331 = vector.broadcast %add3A_330 : i32 to vector<16xi32>
        %add3A_332 = arith.addi %and3A_329, %add3A_331 : vector<16xi32>
        %gather3A_333 = tpu.vector_load_idx %arg6[%add3A_130, %add3A_332] : memref<128x128xf32, #tpu.memory_space<vmem>>[vector<16xi32>, vector<16xi32>], vector<16xf32>,
        %mul3A_334 = arith.constant 8.000000e+00 : f32
        %mul3A_335 = vector.broadcast %mul3A_334 : f32 to vector<16xf32>
        %mul3A_336 = arith.mulf %gather3A_333, %mul3A_335 : vector<16xf32>
        %add3A_337 = arith.constant 0 : i32
        %add3A_338 = vector.broadcast %add3A_337 : i32 to vector<16xi32>
        %add3A_339 = arith.addi %iota3A, %add3A_338 : vector<16xi32>
        %and3A_340 = arith.constant 15 : i32
        %and3A_341 = vector.broadcast %and3A_340 : i32 to vector<16xi32>
        %and3A_342 = arith.andi %add3A_339, %and3A_341 : vector<16xi32>
        %add3A_343 = arith.constant 0 : i32
        %add3A_344 = vector.broadcast %add3A_343 : i32 to vector<16xi32>
        %add3A_345 = arith.addi %and3A_342, %add3A_344 : vector<16xi32>
        tpu.vector_store_idx %arg8[%add3A_345, %add3A_130], %mul3A_141 : memref<64x128xf32, #tpu.memory_space<vmem>>[vector<16xi32>, vector<16xi32>], vector<16xf32>,
        %add3A_346 = arith.constant 1 : i32
        %add3A_347 = vector.broadcast %add3A_346 : i32 to vector<16xi32>
        %add3A_348 = arith.addi %iota3A, %add3A_347 : vector<16xi32>
        %and3A_349 = arith.constant 15 : i32
        %and3A_350 = vector.broadcast %and3A_349 : i32 to vector<16xi32>
        %and3A_351 = arith.andi %add3A_348, %and3A_350 : vector<16xi32>
        %add3A_352 = arith.constant 0 : i32
        %add3A_353 = vector.broadcast %add3A_352 : i32 to vector<16xi32>
        %add3A_354 = arith.addi %and3A_351, %add3A_353 : vector<16xi32>
        tpu.vector_store_idx %arg8[%add3A_354, %add3A_130], %mul3A_154 : memref<64x128xf32, #tpu.memory_space<vmem>>[vector<16xi32>, vector<16xi32>], vector<16xf32>,
        %add3A_355 = arith.constant 2 : i32
        %add3A_356 = vector.broadcast %add3A_355 : i32 to vector<16xi32>
        %add3A_357 = arith.addi %iota3A, %add3A_356 : vector<16xi32>
        %and3A_358 = arith.constant 15 : i32
        %and3A_359 = vector.broadcast %and3A_358 : i32 to vector<16xi32>
        %and3A_360 = arith.andi %add3A_357, %and3A_359 : vector<16xi32>
        %add3A_361 = arith.constant 0 : i32
        %add3A_362 = vector.broadcast %add3A_361 : i32 to vector<16xi32>
        %add3A_363 = arith.addi %and3A_360, %add3A_362 : vector<16xi32>
        tpu.vector_store_idx %arg8[%add3A_363, %add3A_130], %mul3A_167 : memref<64x128xf32, #tpu.memory_space<vmem>>[vector<16xi32>, vector<16xi32>], vector<16xf32>,
        %add3A_364 = arith.constant 3 : i32
        %add3A_365 = vector.broadcast %add3A_364 : i32 to vector<16xi32>
        %add3A_366 = arith.addi %iota3A, %add3A_365 : vector<16xi32>
        %and3A_367 = arith.constant 15 : i32
        %and3A_368 = vector.broadcast %and3A_367 : i32 to vector<16xi32>
        %and3A_369 = arith.andi %add3A_366, %and3A_368 : vector<16xi32>
        %add3A_370 = arith.constant 0 : i32
        %add3A_371 = vector.broadcast %add3A_370 : i32 to vector<16xi32>
        %add3A_372 = arith.addi %and3A_369, %add3A_371 : vector<16xi32>
        tpu.vector_store_idx %arg8[%add3A_372, %add3A_130], %mul3A_180 : memref<64x128xf32, #tpu.memory_space<vmem>>[vector<16xi32>, vector<16xi32>], vector<16xf32>,
        %add3A_373 = arith.constant 4 : i32
        %add3A_374 = vector.broadcast %add3A_373 : i32 to vector<16xi32>
        %add3A_375 = arith.addi %iota3A, %add3A_374 : vector<16xi32>
        %and3A_376 = arith.constant 15 : i32
        %and3A_377 = vector.broadcast %and3A_376 : i32 to vector<16xi32>
        %and3A_378 = arith.andi %add3A_375, %and3A_377 : vector<16xi32>
        %add3A_379 = arith.constant 0 : i32
        %add3A_380 = vector.broadcast %add3A_379 : i32 to vector<16xi32>
        %add3A_381 = arith.addi %and3A_378, %add3A_380 : vector<16xi32>
        tpu.vector_store_idx %arg8[%add3A_381, %add3A_130], %mul3A_193 : memref<64x128xf32, #tpu.memory_space<vmem>>[vector<16xi32>, vector<16xi32>], vector<16xf32>,
        %add3A_382 = arith.constant 5 : i32
        %add3A_383 = vector.broadcast %add3A_382 : i32 to vector<16xi32>
        %add3A_384 = arith.addi %iota3A, %add3A_383 : vector<16xi32>
        %and3A_385 = arith.constant 15 : i32
        %and3A_386 = vector.broadcast %and3A_385 : i32 to vector<16xi32>
        %and3A_387 = arith.andi %add3A_384, %and3A_386 : vector<16xi32>
        %add3A_388 = arith.constant 0 : i32
        %add3A_389 = vector.broadcast %add3A_388 : i32 to vector<16xi32>
        %add3A_390 = arith.addi %and3A_387, %add3A_389 : vector<16xi32>
        tpu.vector_store_idx %arg8[%add3A_390, %add3A_130], %mul3A_206 : memref<64x128xf32, #tpu.memory_space<vmem>>[vector<16xi32>, vector<16xi32>], vector<16xf32>,
        %add3A_391 = arith.constant 6 : i32
        %add3A_392 = vector.broadcast %add3A_391 : i32 to vector<16xi32>
        %add3A_393 = arith.addi %iota3A, %add3A_392 : vector<16xi32>
        %and3A_394 = arith.constant 15 : i32
        %and3A_395 = vector.broadcast %and3A_394 : i32 to vector<16xi32>
        %and3A_396 = arith.andi %add3A_393, %and3A_395 : vector<16xi32>
        %add3A_397 = arith.constant 0 : i32
        %add3A_398 = vector.broadcast %add3A_397 : i32 to vector<16xi32>
        %add3A_399 = arith.addi %and3A_396, %add3A_398 : vector<16xi32>
        tpu.vector_store_idx %arg8[%add3A_399, %add3A_130], %mul3A_219 : memref<64x128xf32, #tpu.memory_space<vmem>>[vector<16xi32>, vector<16xi32>], vector<16xf32>,
        %add3A_400 = arith.constant 7 : i32
        %add3A_401 = vector.broadcast %add3A_400 : i32 to vector<16xi32>
        %add3A_402 = arith.addi %iota3A, %add3A_401 : vector<16xi32>
        %and3A_403 = arith.constant 15 : i32
        %and3A_404 = vector.broadcast %and3A_403 : i32 to vector<16xi32>
        %and3A_405 = arith.andi %add3A_402, %and3A_404 : vector<16xi32>
        %add3A_406 = arith.constant 0 : i32
        %add3A_407 = vector.broadcast %add3A_406 : i32 to vector<16xi32>
        %add3A_408 = arith.addi %and3A_405, %add3A_407 : vector<16xi32>
        tpu.vector_store_idx %arg8[%add3A_408, %add3A_130], %mul3A_232 : memref<64x128xf32, #tpu.memory_space<vmem>>[vector<16xi32>, vector<16xi32>], vector<16xf32>,
        %add3A_409 = arith.constant 8 : i32
        %add3A_410 = vector.broadcast %add3A_409 : i32 to vector<16xi32>
        %add3A_411 = arith.addi %iota3A, %add3A_410 : vector<16xi32>
        %and3A_412 = arith.constant 15 : i32
        %and3A_413 = vector.broadcast %and3A_412 : i32 to vector<16xi32>
        %and3A_414 = arith.andi %add3A_411, %and3A_413 : vector<16xi32>
        %add3A_415 = arith.constant 0 : i32
        %add3A_416 = vector.broadcast %add3A_415 : i32 to vector<16xi32>
        %add3A_417 = arith.addi %and3A_414, %add3A_416 : vector<16xi32>
        tpu.vector_store_idx %arg8[%add3A_417, %add3A_130], %mul3A_245 : memref<64x128xf32, #tpu.memory_space<vmem>>[vector<16xi32>, vector<16xi32>], vector<16xf32>,
        %add3A_418 = arith.constant 9 : i32
        %add3A_419 = vector.broadcast %add3A_418 : i32 to vector<16xi32>
        %add3A_420 = arith.addi %iota3A, %add3A_419 : vector<16xi32>
        %and3A_421 = arith.constant 15 : i32
        %and3A_422 = vector.broadcast %and3A_421 : i32 to vector<16xi32>
        %and3A_423 = arith.andi %add3A_420, %and3A_422 : vector<16xi32>
        %add3A_424 = arith.constant 0 : i32
        %add3A_425 = vector.broadcast %add3A_424 : i32 to vector<16xi32>
        %add3A_426 = arith.addi %and3A_423, %add3A_425 : vector<16xi32>
        tpu.vector_store_idx %arg8[%add3A_426, %add3A_130], %mul3A_258 : memref<64x128xf32, #tpu.memory_space<vmem>>[vector<16xi32>, vector<16xi32>], vector<16xf32>,
        %add3A_427 = arith.constant 10 : i32
        %add3A_428 = vector.broadcast %add3A_427 : i32 to vector<16xi32>
        %add3A_429 = arith.addi %iota3A, %add3A_428 : vector<16xi32>
        %and3A_430 = arith.constant 15 : i32
        %and3A_431 = vector.broadcast %and3A_430 : i32 to vector<16xi32>
        %and3A_432 = arith.andi %add3A_429, %and3A_431 : vector<16xi32>
        %add3A_433 = arith.constant 0 : i32
        %add3A_434 = vector.broadcast %add3A_433 : i32 to vector<16xi32>
        %add3A_435 = arith.addi %and3A_432, %add3A_434 : vector<16xi32>
        tpu.vector_store_idx %arg8[%add3A_435, %add3A_130], %mul3A_271 : memref<64x128xf32, #tpu.memory_space<vmem>>[vector<16xi32>, vector<16xi32>], vector<16xf32>,
        %add3A_436 = arith.constant 11 : i32
        %add3A_437 = vector.broadcast %add3A_436 : i32 to vector<16xi32>
        %add3A_438 = arith.addi %iota3A, %add3A_437 : vector<16xi32>
        %and3A_439 = arith.constant 15 : i32
        %and3A_440 = vector.broadcast %and3A_439 : i32 to vector<16xi32>
        %and3A_441 = arith.andi %add3A_438, %and3A_440 : vector<16xi32>
        %add3A_442 = arith.constant 0 : i32
        %add3A_443 = vector.broadcast %add3A_442 : i32 to vector<16xi32>
        %add3A_444 = arith.addi %and3A_441, %add3A_443 : vector<16xi32>
        tpu.vector_store_idx %arg8[%add3A_444, %add3A_130], %mul3A_284 : memref<64x128xf32, #tpu.memory_space<vmem>>[vector<16xi32>, vector<16xi32>], vector<16xf32>,
        %add3A_445 = arith.constant 12 : i32
        %add3A_446 = vector.broadcast %add3A_445 : i32 to vector<16xi32>
        %add3A_447 = arith.addi %iota3A, %add3A_446 : vector<16xi32>
        %and3A_448 = arith.constant 15 : i32
        %and3A_449 = vector.broadcast %and3A_448 : i32 to vector<16xi32>
        %and3A_450 = arith.andi %add3A_447, %and3A_449 : vector<16xi32>
        %add3A_451 = arith.constant 0 : i32
        %add3A_452 = vector.broadcast %add3A_451 : i32 to vector<16xi32>
        %add3A_453 = arith.addi %and3A_450, %add3A_452 : vector<16xi32>
        tpu.vector_store_idx %arg8[%add3A_453, %add3A_130], %mul3A_297 : memref<64x128xf32, #tpu.memory_space<vmem>>[vector<16xi32>, vector<16xi32>], vector<16xf32>,
        %add3A_454 = arith.constant 13 : i32
        %add3A_455 = vector.broadcast %add3A_454 : i32 to vector<16xi32>
        %add3A_456 = arith.addi %iota3A, %add3A_455 : vector<16xi32>
        %and3A_457 = arith.constant 15 : i32
        %and3A_458 = vector.broadcast %and3A_457 : i32 to vector<16xi32>
        %and3A_459 = arith.andi %add3A_456, %and3A_458 : vector<16xi32>
        %add3A_460 = arith.constant 0 : i32
        %add3A_461 = vector.broadcast %add3A_460 : i32 to vector<16xi32>
        %add3A_462 = arith.addi %and3A_459, %add3A_461 : vector<16xi32>
        tpu.vector_store_idx %arg8[%add3A_462, %add3A_130], %mul3A_310 : memref<64x128xf32, #tpu.memory_space<vmem>>[vector<16xi32>, vector<16xi32>], vector<16xf32>,
        %add3A_463 = arith.constant 14 : i32
        %add3A_464 = vector.broadcast %add3A_463 : i32 to vector<16xi32>
        %add3A_465 = arith.addi %iota3A, %add3A_464 : vector<16xi32>
        %and3A_466 = arith.constant 15 : i32
        %and3A_467 = vector.broadcast %and3A_466 : i32 to vector<16xi32>
        %and3A_468 = arith.andi %add3A_465, %and3A_467 : vector<16xi32>
        %add3A_469 = arith.constant 0 : i32
        %add3A_470 = vector.broadcast %add3A_469 : i32 to vector<16xi32>
        %add3A_471 = arith.addi %and3A_468, %add3A_470 : vector<16xi32>
        tpu.vector_store_idx %arg8[%add3A_471, %add3A_130], %mul3A_323 : memref<64x128xf32, #tpu.memory_space<vmem>>[vector<16xi32>, vector<16xi32>], vector<16xf32>,
        %add3A_472 = arith.constant 15 : i32
        %add3A_473 = vector.broadcast %add3A_472 : i32 to vector<16xi32>
        %add3A_474 = arith.addi %iota3A, %add3A_473 : vector<16xi32>
        %and3A_475 = arith.constant 15 : i32
        %and3A_476 = vector.broadcast %and3A_475 : i32 to vector<16xi32>
        %and3A_477 = arith.andi %add3A_474, %and3A_476 : vector<16xi32>
        %add3A_478 = arith.constant 0 : i32
        %add3A_479 = vector.broadcast %add3A_478 : i32 to vector<16xi32>
        %add3A_480 = arith.addi %and3A_477, %add3A_479 : vector<16xi32>
        tpu.vector_store_idx %arg8[%add3A_480, %add3A_130], %mul3A_336 : memref<64x128xf32, #tpu.memory_space<vmem>>[vector<16xi32>, vector<16xi32>], vector<16xf32>,
        %add3A_481 = arith.constant 0 : i32
        %add3A_482 = vector.broadcast %add3A_481 : i32 to vector<16xi32>
        %add3A_483 = arith.addi %iota3A, %add3A_482 : vector<16xi32>
        %and3A_484 = arith.constant 15 : i32
        %and3A_485 = vector.broadcast %and3A_484 : i32 to vector<16xi32>
        %and3A_486 = arith.andi %add3A_483, %and3A_485 : vector<16xi32>
        %add3A_487 = arith.constant 16 : i32
        %add3A_488 = vector.broadcast %add3A_487 : i32 to vector<16xi32>
        %add3A_489 = arith.addi %and3A_486, %add3A_488 : vector<16xi32>
        %gather3A_490 = tpu.vector_load_idx %arg6[%add3A_130, %add3A_489] : memref<128x128xf32, #tpu.memory_space<vmem>>[vector<16xi32>, vector<16xi32>], vector<16xf32>,
        %mul3A_491 = arith.constant 8.000000e+00 : f32
        %mul3A_492 = vector.broadcast %mul3A_491 : f32 to vector<16xf32>
        %mul3A_493 = arith.mulf %gather3A_490, %mul3A_492 : vector<16xf32>
        %add3A_494 = arith.constant 1 : i32
        %add3A_495 = vector.broadcast %add3A_494 : i32 to vector<16xi32>
        %add3A_496 = arith.addi %iota3A, %add3A_495 : vector<16xi32>
        %and3A_497 = arith.constant 15 : i32
        %and3A_498 = vector.broadcast %and3A_497 : i32 to vector<16xi32>
        %and3A_499 = arith.andi %add3A_496, %and3A_498 : vector<16xi32>
        %add3A_500 = arith.constant 16 : i32
        %add3A_501 = vector.broadcast %add3A_500 : i32 to vector<16xi32>
        %add3A_502 = arith.addi %and3A_499, %add3A_501 : vector<16xi32>
        %gather3A_503 = tpu.vector_load_idx %arg6[%add3A_130, %add3A_502] : memref<128x128xf32, #tpu.memory_space<vmem>>[vector<16xi32>, vector<16xi32>], vector<16xf32>,
        %mul3A_504 = arith.constant 8.000000e+00 : f32
        %mul3A_505 = vector.broadcast %mul3A_504 : f32 to vector<16xf32>
        %mul3A_506 = arith.mulf %gather3A_503, %mul3A_505 : vector<16xf32>
        %add3A_507 = arith.constant 2 : i32
        %add3A_508 = vector.broadcast %add3A_507 : i32 to vector<16xi32>
        %add3A_509 = arith.addi %iota3A, %add3A_508 : vector<16xi32>
        %and3A_510 = arith.constant 15 : i32
        %and3A_511 = vector.broadcast %and3A_510 : i32 to vector<16xi32>
        %and3A_512 = arith.andi %add3A_509, %and3A_511 : vector<16xi32>
        %add3A_513 = arith.constant 16 : i32
        %add3A_514 = vector.broadcast %add3A_513 : i32 to vector<16xi32>
        %add3A_515 = arith.addi %and3A_512, %add3A_514 : vector<16xi32>
        %gather3A_516 = tpu.vector_load_idx %arg6[%add3A_130, %add3A_515] : memref<128x128xf32, #tpu.memory_space<vmem>>[vector<16xi32>, vector<16xi32>], vector<16xf32>,
        %mul3A_517 = arith.constant 8.000000e+00 : f32
        %mul3A_518 = vector.broadcast %mul3A_517 : f32 to vector<16xf32>
        %mul3A_519 = arith.mulf %gather3A_516, %mul3A_518 : vector<16xf32>
        %add3A_520 = arith.constant 3 : i32
        %add3A_521 = vector.broadcast %add3A_520 : i32 to vector<16xi32>
        %add3A_522 = arith.addi %iota3A, %add3A_521 : vector<16xi32>
        %and3A_523 = arith.constant 15 : i32
        %and3A_524 = vector.broadcast %and3A_523 : i32 to vector<16xi32>
        %and3A_525 = arith.andi %add3A_522, %and3A_524 : vector<16xi32>
        %add3A_526 = arith.constant 16 : i32
        %add3A_527 = vector.broadcast %add3A_526 : i32 to vector<16xi32>
        %add3A_528 = arith.addi %and3A_525, %add3A_527 : vector<16xi32>
        %gather3A_529 = tpu.vector_load_idx %arg6[%add3A_130, %add3A_528] : memref<128x128xf32, #tpu.memory_space<vmem>>[vector<16xi32>, vector<16xi32>], vector<16xf32>,
        %mul3A_530 = arith.constant 8.000000e+00 : f32
        %mul3A_531 = vector.broadcast %mul3A_530 : f32 to vector<16xf32>
        %mul3A_532 = arith.mulf %gather3A_529, %mul3A_531 : vector<16xf32>
        %add3A_533 = arith.constant 4 : i32
        %add3A_534 = vector.broadcast %add3A_533 : i32 to vector<16xi32>
        %add3A_535 = arith.addi %iota3A, %add3A_534 : vector<16xi32>
        %and3A_536 = arith.constant 15 : i32
        %and3A_537 = vector.broadcast %and3A_536 : i32 to vector<16xi32>
        %and3A_538 = arith.andi %add3A_535, %and3A_537 : vector<16xi32>
        %add3A_539 = arith.constant 16 : i32
        %add3A_540 = vector.broadcast %add3A_539 : i32 to vector<16xi32>
        %add3A_541 = arith.addi %and3A_538, %add3A_540 : vector<16xi32>
        %gather3A_542 = tpu.vector_load_idx %arg6[%add3A_130, %add3A_541] : memref<128x128xf32, #tpu.memory_space<vmem>>[vector<16xi32>, vector<16xi32>], vector<16xf32>,
        %mul3A_543 = arith.constant 8.000000e+00 : f32
        %mul3A_544 = vector.broadcast %mul3A_543 : f32 to vector<16xf32>
        %mul3A_545 = arith.mulf %gather3A_542, %mul3A_544 : vector<16xf32>
        %add3A_546 = arith.constant 5 : i32
        %add3A_547 = vector.broadcast %add3A_546 : i32 to vector<16xi32>
        %add3A_548 = arith.addi %iota3A, %add3A_547 : vector<16xi32>
        %and3A_549 = arith.constant 15 : i32
        %and3A_550 = vector.broadcast %and3A_549 : i32 to vector<16xi32>
        %and3A_551 = arith.andi %add3A_548, %and3A_550 : vector<16xi32>
        %add3A_552 = arith.constant 16 : i32
        %add3A_553 = vector.broadcast %add3A_552 : i32 to vector<16xi32>
        %add3A_554 = arith.addi %and3A_551, %add3A_553 : vector<16xi32>
        %gather3A_555 = tpu.vector_load_idx %arg6[%add3A_130, %add3A_554] : memref<128x128xf32, #tpu.memory_space<vmem>>[vector<16xi32>, vector<16xi32>], vector<16xf32>,
        %mul3A_556 = arith.constant 8.000000e+00 : f32
        %mul3A_557 = vector.broadcast %mul3A_556 : f32 to vector<16xf32>
        %mul3A_558 = arith.mulf %gather3A_555, %mul3A_557 : vector<16xf32>
        %add3A_559 = arith.constant 6 : i32
        %add3A_560 = vector.broadcast %add3A_559 : i32 to vector<16xi32>
        %add3A_561 = arith.addi %iota3A, %add3A_560 : vector<16xi32>
        %and3A_562 = arith.constant 15 : i32
        %and3A_563 = vector.broadcast %and3A_562 : i32 to vector<16xi32>
        %and3A_564 = arith.andi %add3A_561, %and3A_563 : vector<16xi32>
        %add3A_565 = arith.constant 16 : i32
        %add3A_566 = vector.broadcast %add3A_565 : i32 to vector<16xi32>
        %add3A_567 = arith.addi %and3A_564, %add3A_566 : vector<16xi32>
        %gather3A_568 = tpu.vector_load_idx %arg6[%add3A_130, %add3A_567] : memref<128x128xf32, #tpu.memory_space<vmem>>[vector<16xi32>, vector<16xi32>], vector<16xf32>,
        %mul3A_569 = arith.constant 8.000000e+00 : f32
        %mul3A_570 = vector.broadcast %mul3A_569 : f32 to vector<16xf32>
        %mul3A_571 = arith.mulf %gather3A_568, %mul3A_570 : vector<16xf32>
        %add3A_572 = arith.constant 7 : i32
        %add3A_573 = vector.broadcast %add3A_572 : i32 to vector<16xi32>
        %add3A_574 = arith.addi %iota3A, %add3A_573 : vector<16xi32>
        %and3A_575 = arith.constant 15 : i32
        %and3A_576 = vector.broadcast %and3A_575 : i32 to vector<16xi32>
        %and3A_577 = arith.andi %add3A_574, %and3A_576 : vector<16xi32>
        %add3A_578 = arith.constant 16 : i32
        %add3A_579 = vector.broadcast %add3A_578 : i32 to vector<16xi32>
        %add3A_580 = arith.addi %and3A_577, %add3A_579 : vector<16xi32>
        %gather3A_581 = tpu.vector_load_idx %arg6[%add3A_130, %add3A_580] : memref<128x128xf32, #tpu.memory_space<vmem>>[vector<16xi32>, vector<16xi32>], vector<16xf32>,
        %mul3A_582 = arith.constant 8.000000e+00 : f32
        %mul3A_583 = vector.broadcast %mul3A_582 : f32 to vector<16xf32>
        %mul3A_584 = arith.mulf %gather3A_581, %mul3A_583 : vector<16xf32>
        %add3A_585 = arith.constant 8 : i32
        %add3A_586 = vector.broadcast %add3A_585 : i32 to vector<16xi32>
        %add3A_587 = arith.addi %iota3A, %add3A_586 : vector<16xi32>
        %and3A_588 = arith.constant 15 : i32
        %and3A_589 = vector.broadcast %and3A_588 : i32 to vector<16xi32>
        %and3A_590 = arith.andi %add3A_587, %and3A_589 : vector<16xi32>
        %add3A_591 = arith.constant 16 : i32
        %add3A_592 = vector.broadcast %add3A_591 : i32 to vector<16xi32>
        %add3A_593 = arith.addi %and3A_590, %add3A_592 : vector<16xi32>
        %gather3A_594 = tpu.vector_load_idx %arg6[%add3A_130, %add3A_593] : memref<128x128xf32, #tpu.memory_space<vmem>>[vector<16xi32>, vector<16xi32>], vector<16xf32>,
        %mul3A_595 = arith.constant 8.000000e+00 : f32
        %mul3A_596 = vector.broadcast %mul3A_595 : f32 to vector<16xf32>
        %mul3A_597 = arith.mulf %gather3A_594, %mul3A_596 : vector<16xf32>
        %add3A_598 = arith.constant 9 : i32
        %add3A_599 = vector.broadcast %add3A_598 : i32 to vector<16xi32>
        %add3A_600 = arith.addi %iota3A, %add3A_599 : vector<16xi32>
        %and3A_601 = arith.constant 15 : i32
        %and3A_602 = vector.broadcast %and3A_601 : i32 to vector<16xi32>
        %and3A_603 = arith.andi %add3A_600, %and3A_602 : vector<16xi32>
        %add3A_604 = arith.constant 16 : i32
        %add3A_605 = vector.broadcast %add3A_604 : i32 to vector<16xi32>
        %add3A_606 = arith.addi %and3A_603, %add3A_605 : vector<16xi32>
        %gather3A_607 = tpu.vector_load_idx %arg6[%add3A_130, %add3A_606] : memref<128x128xf32, #tpu.memory_space<vmem>>[vector<16xi32>, vector<16xi32>], vector<16xf32>,
        %mul3A_608 = arith.constant 8.000000e+00 : f32
        %mul3A_609 = vector.broadcast %mul3A_608 : f32 to vector<16xf32>
        %mul3A_610 = arith.mulf %gather3A_607, %mul3A_609 : vector<16xf32>
        %add3A_611 = arith.constant 10 : i32
        %add3A_612 = vector.broadcast %add3A_611 : i32 to vector<16xi32>
        %add3A_613 = arith.addi %iota3A, %add3A_612 : vector<16xi32>
        %and3A_614 = arith.constant 15 : i32
        %and3A_615 = vector.broadcast %and3A_614 : i32 to vector<16xi32>
        %and3A_616 = arith.andi %add3A_613, %and3A_615 : vector<16xi32>
        %add3A_617 = arith.constant 16 : i32
        %add3A_618 = vector.broadcast %add3A_617 : i32 to vector<16xi32>
        %add3A_619 = arith.addi %and3A_616, %add3A_618 : vector<16xi32>
        %gather3A_620 = tpu.vector_load_idx %arg6[%add3A_130, %add3A_619] : memref<128x128xf32, #tpu.memory_space<vmem>>[vector<16xi32>, vector<16xi32>], vector<16xf32>,
        %mul3A_621 = arith.constant 8.000000e+00 : f32
        %mul3A_622 = vector.broadcast %mul3A_621 : f32 to vector<16xf32>
        %mul3A_623 = arith.mulf %gather3A_620, %mul3A_622 : vector<16xf32>
        %add3A_624 = arith.constant 11 : i32
        %add3A_625 = vector.broadcast %add3A_624 : i32 to vector<16xi32>
        %add3A_626 = arith.addi %iota3A, %add3A_625 : vector<16xi32>
        %and3A_627 = arith.constant 15 : i32
        %and3A_628 = vector.broadcast %and3A_627 : i32 to vector<16xi32>
        %and3A_629 = arith.andi %add3A_626, %and3A_628 : vector<16xi32>
        %add3A_630 = arith.constant 16 : i32
        %add3A_631 = vector.broadcast %add3A_630 : i32 to vector<16xi32>
        %add3A_632 = arith.addi %and3A_629, %add3A_631 : vector<16xi32>
        %gather3A_633 = tpu.vector_load_idx %arg6[%add3A_130, %add3A_632] : memref<128x128xf32, #tpu.memory_space<vmem>>[vector<16xi32>, vector<16xi32>], vector<16xf32>,
        %mul3A_634 = arith.constant 8.000000e+00 : f32
        %mul3A_635 = vector.broadcast %mul3A_634 : f32 to vector<16xf32>
        %mul3A_636 = arith.mulf %gather3A_633, %mul3A_635 : vector<16xf32>
        %add3A_637 = arith.constant 12 : i32
        %add3A_638 = vector.broadcast %add3A_637 : i32 to vector<16xi32>
        %add3A_639 = arith.addi %iota3A, %add3A_638 : vector<16xi32>
        %and3A_640 = arith.constant 15 : i32
        %and3A_641 = vector.broadcast %and3A_640 : i32 to vector<16xi32>
        %and3A_642 = arith.andi %add3A_639, %and3A_641 : vector<16xi32>
        %add3A_643 = arith.constant 16 : i32
        %add3A_644 = vector.broadcast %add3A_643 : i32 to vector<16xi32>
        %add3A_645 = arith.addi %and3A_642, %add3A_644 : vector<16xi32>
        %gather3A_646 = tpu.vector_load_idx %arg6[%add3A_130, %add3A_645] : memref<128x128xf32, #tpu.memory_space<vmem>>[vector<16xi32>, vector<16xi32>], vector<16xf32>,
        %mul3A_647 = arith.constant 8.000000e+00 : f32
        %mul3A_648 = vector.broadcast %mul3A_647 : f32 to vector<16xf32>
        %mul3A_649 = arith.mulf %gather3A_646, %mul3A_648 : vector<16xf32>
        %add3A_650 = arith.constant 13 : i32
        %add3A_651 = vector.broadcast %add3A_650 : i32 to vector<16xi32>
        %add3A_652 = arith.addi %iota3A, %add3A_651 : vector<16xi32>
        %and3A_653 = arith.constant 15 : i32
        %and3A_654 = vector.broadcast %and3A_653 : i32 to vector<16xi32>
        %and3A_655 = arith.andi %add3A_652, %and3A_654 : vector<16xi32>
        %add3A_656 = arith.constant 16 : i32
        %add3A_657 = vector.broadcast %add3A_656 : i32 to vector<16xi32>
        %add3A_658 = arith.addi %and3A_655, %add3A_657 : vector<16xi32>
        %gather3A_659 = tpu.vector_load_idx %arg6[%add3A_130, %add3A_658] : memref<128x128xf32, #tpu.memory_space<vmem>>[vector<16xi32>, vector<16xi32>], vector<16xf32>,
        %mul3A_660 = arith.constant 8.000000e+00 : f32
        %mul3A_661 = vector.broadcast %mul3A_660 : f32 to vector<16xf32>
        %mul3A_662 = arith.mulf %gather3A_659, %mul3A_661 : vector<16xf32>
        %add3A_663 = arith.constant 14 : i32
        %add3A_664 = vector.broadcast %add3A_663 : i32 to vector<16xi32>
        %add3A_665 = arith.addi %iota3A, %add3A_664 : vector<16xi32>
        %and3A_666 = arith.constant 15 : i32
        %and3A_667 = vector.broadcast %and3A_666 : i32 to vector<16xi32>
        %and3A_668 = arith.andi %add3A_665, %and3A_667 : vector<16xi32>
        %add3A_669 = arith.constant 16 : i32
        %add3A_670 = vector.broadcast %add3A_669 : i32 to vector<16xi32>
        %add3A_671 = arith.addi %and3A_668, %add3A_670 : vector<16xi32>
        %gather3A_672 = tpu.vector_load_idx %arg6[%add3A_130, %add3A_671] : memref<128x128xf32, #tpu.memory_space<vmem>>[vector<16xi32>, vector<16xi32>], vector<16xf32>,
        %mul3A_673 = arith.constant 8.000000e+00 : f32
        %mul3A_674 = vector.broadcast %mul3A_673 : f32 to vector<16xf32>
        %mul3A_675 = arith.mulf %gather3A_672, %mul3A_674 : vector<16xf32>
        %add3A_676 = arith.constant 15 : i32
        %add3A_677 = vector.broadcast %add3A_676 : i32 to vector<16xi32>
        %add3A_678 = arith.addi %iota3A, %add3A_677 : vector<16xi32>
        %and3A_679 = arith.constant 15 : i32
        %and3A_680 = vector.broadcast %and3A_679 : i32 to vector<16xi32>
        %and3A_681 = arith.andi %add3A_678, %and3A_680 : vector<16xi32>
        %add3A_682 = arith.constant 16 : i32
        %add3A_683 = vector.broadcast %add3A_682 : i32 to vector<16xi32>
        %add3A_684 = arith.addi %and3A_681, %add3A_683 : vector<16xi32>
        %gather3A_685 = tpu.vector_load_idx %arg6[%add3A_130, %add3A_684] : memref<128x128xf32, #tpu.memory_space<vmem>>[vector<16xi32>, vector<16xi32>], vector<16xf32>,
        %mul3A_686 = arith.constant 8.000000e+00 : f32
        %mul3A_687 = vector.broadcast %mul3A_686 : f32 to vector<16xf32>
        %mul3A_688 = arith.mulf %gather3A_685, %mul3A_687 : vector<16xf32>
        %add3A_689 = arith.constant 0 : i32
        %add3A_690 = vector.broadcast %add3A_689 : i32 to vector<16xi32>
        %add3A_691 = arith.addi %iota3A, %add3A_690 : vector<16xi32>
        %and3A_692 = arith.constant 15 : i32
        %and3A_693 = vector.broadcast %and3A_692 : i32 to vector<16xi32>
        %and3A_694 = arith.andi %add3A_691, %and3A_693 : vector<16xi32>
        %add3A_695 = arith.constant 16 : i32
        %add3A_696 = vector.broadcast %add3A_695 : i32 to vector<16xi32>
        %add3A_697 = arith.addi %and3A_694, %add3A_696 : vector<16xi32>
        tpu.vector_store_idx %arg8[%add3A_697, %add3A_130], %mul3A_493 : memref<64x128xf32, #tpu.memory_space<vmem>>[vector<16xi32>, vector<16xi32>], vector<16xf32>,
        %add3A_698 = arith.constant 1 : i32
        %add3A_699 = vector.broadcast %add3A_698 : i32 to vector<16xi32>
        %add3A_700 = arith.addi %iota3A, %add3A_699 : vector<16xi32>
        %and3A_701 = arith.constant 15 : i32
        %and3A_702 = vector.broadcast %and3A_701 : i32 to vector<16xi32>
        %and3A_703 = arith.andi %add3A_700, %and3A_702 : vector<16xi32>
        %add3A_704 = arith.constant 16 : i32
        %add3A_705 = vector.broadcast %add3A_704 : i32 to vector<16xi32>
        %add3A_706 = arith.addi %and3A_703, %add3A_705 : vector<16xi32>
        tpu.vector_store_idx %arg8[%add3A_706, %add3A_130], %mul3A_506 : memref<64x128xf32, #tpu.memory_space<vmem>>[vector<16xi32>, vector<16xi32>], vector<16xf32>,
        %add3A_707 = arith.constant 2 : i32
        %add3A_708 = vector.broadcast %add3A_707 : i32 to vector<16xi32>
        %add3A_709 = arith.addi %iota3A, %add3A_708 : vector<16xi32>
        %and3A_710 = arith.constant 15 : i32
        %and3A_711 = vector.broadcast %and3A_710 : i32 to vector<16xi32>
        %and3A_712 = arith.andi %add3A_709, %and3A_711 : vector<16xi32>
        %add3A_713 = arith.constant 16 : i32
        %add3A_714 = vector.broadcast %add3A_713 : i32 to vector<16xi32>
        %add3A_715 = arith.addi %and3A_712, %add3A_714 : vector<16xi32>
        tpu.vector_store_idx %arg8[%add3A_715, %add3A_130], %mul3A_519 : memref<64x128xf32, #tpu.memory_space<vmem>>[vector<16xi32>, vector<16xi32>], vector<16xf32>,
        %add3A_716 = arith.constant 3 : i32
        %add3A_717 = vector.broadcast %add3A_716 : i32 to vector<16xi32>
        %add3A_718 = arith.addi %iota3A, %add3A_717 : vector<16xi32>
        %and3A_719 = arith.constant 15 : i32
        %and3A_720 = vector.broadcast %and3A_719 : i32 to vector<16xi32>
        %and3A_721 = arith.andi %add3A_718, %and3A_720 : vector<16xi32>
        %add3A_722 = arith.constant 16 : i32
        %add3A_723 = vector.broadcast %add3A_722 : i32 to vector<16xi32>
        %add3A_724 = arith.addi %and3A_721, %add3A_723 : vector<16xi32>
        tpu.vector_store_idx %arg8[%add3A_724, %add3A_130], %mul3A_532 : memref<64x128xf32, #tpu.memory_space<vmem>>[vector<16xi32>, vector<16xi32>], vector<16xf32>,
        %add3A_725 = arith.constant 4 : i32
        %add3A_726 = vector.broadcast %add3A_725 : i32 to vector<16xi32>
        %add3A_727 = arith.addi %iota3A, %add3A_726 : vector<16xi32>
        %and3A_728 = arith.constant 15 : i32
        %and3A_729 = vector.broadcast %and3A_728 : i32 to vector<16xi32>
        %and3A_730 = arith.andi %add3A_727, %and3A_729 : vector<16xi32>
        %add3A_731 = arith.constant 16 : i32
        %add3A_732 = vector.broadcast %add3A_731 : i32 to vector<16xi32>
        %add3A_733 = arith.addi %and3A_730, %add3A_732 : vector<16xi32>
        tpu.vector_store_idx %arg8[%add3A_733, %add3A_130], %mul3A_545 : memref<64x128xf32, #tpu.memory_space<vmem>>[vector<16xi32>, vector<16xi32>], vector<16xf32>,
        %add3A_734 = arith.constant 5 : i32
        %add3A_735 = vector.broadcast %add3A_734 : i32 to vector<16xi32>
        %add3A_736 = arith.addi %iota3A, %add3A_735 : vector<16xi32>
        %and3A_737 = arith.constant 15 : i32
        %and3A_738 = vector.broadcast %and3A_737 : i32 to vector<16xi32>
        %and3A_739 = arith.andi %add3A_736, %and3A_738 : vector<16xi32>
        %add3A_740 = arith.constant 16 : i32
        %add3A_741 = vector.broadcast %add3A_740 : i32 to vector<16xi32>
        %add3A_742 = arith.addi %and3A_739, %add3A_741 : vector<16xi32>
        tpu.vector_store_idx %arg8[%add3A_742, %add3A_130], %mul3A_558 : memref<64x128xf32, #tpu.memory_space<vmem>>[vector<16xi32>, vector<16xi32>], vector<16xf32>,
        %add3A_743 = arith.constant 6 : i32
        %add3A_744 = vector.broadcast %add3A_743 : i32 to vector<16xi32>
        %add3A_745 = arith.addi %iota3A, %add3A_744 : vector<16xi32>
        %and3A_746 = arith.constant 15 : i32
        %and3A_747 = vector.broadcast %and3A_746 : i32 to vector<16xi32>
        %and3A_748 = arith.andi %add3A_745, %and3A_747 : vector<16xi32>
        %add3A_749 = arith.constant 16 : i32
        %add3A_750 = vector.broadcast %add3A_749 : i32 to vector<16xi32>
        %add3A_751 = arith.addi %and3A_748, %add3A_750 : vector<16xi32>
        tpu.vector_store_idx %arg8[%add3A_751, %add3A_130], %mul3A_571 : memref<64x128xf32, #tpu.memory_space<vmem>>[vector<16xi32>, vector<16xi32>], vector<16xf32>,
        %add3A_752 = arith.constant 7 : i32
        %add3A_753 = vector.broadcast %add3A_752 : i32 to vector<16xi32>
        %add3A_754 = arith.addi %iota3A, %add3A_753 : vector<16xi32>
        %and3A_755 = arith.constant 15 : i32
        %and3A_756 = vector.broadcast %and3A_755 : i32 to vector<16xi32>
        %and3A_757 = arith.andi %add3A_754, %and3A_756 : vector<16xi32>
        %add3A_758 = arith.constant 16 : i32
        %add3A_759 = vector.broadcast %add3A_758 : i32 to vector<16xi32>
        %add3A_760 = arith.addi %and3A_757, %add3A_759 : vector<16xi32>
        tpu.vector_store_idx %arg8[%add3A_760, %add3A_130], %mul3A_584 : memref<64x128xf32, #tpu.memory_space<vmem>>[vector<16xi32>, vector<16xi32>], vector<16xf32>,
        %add3A_761 = arith.constant 8 : i32
        %add3A_762 = vector.broadcast %add3A_761 : i32 to vector<16xi32>
        %add3A_763 = arith.addi %iota3A, %add3A_762 : vector<16xi32>
        %and3A_764 = arith.constant 15 : i32
        %and3A_765 = vector.broadcast %and3A_764 : i32 to vector<16xi32>
        %and3A_766 = arith.andi %add3A_763, %and3A_765 : vector<16xi32>
        %add3A_767 = arith.constant 16 : i32
        %add3A_768 = vector.broadcast %add3A_767 : i32 to vector<16xi32>
        %add3A_769 = arith.addi %and3A_766, %add3A_768 : vector<16xi32>
        tpu.vector_store_idx %arg8[%add3A_769, %add3A_130], %mul3A_597 : memref<64x128xf32, #tpu.memory_space<vmem>>[vector<16xi32>, vector<16xi32>], vector<16xf32>,
        %add3A_770 = arith.constant 9 : i32
        %add3A_771 = vector.broadcast %add3A_770 : i32 to vector<16xi32>
        %add3A_772 = arith.addi %iota3A, %add3A_771 : vector<16xi32>
        %and3A_773 = arith.constant 15 : i32
        %and3A_774 = vector.broadcast %and3A_773 : i32 to vector<16xi32>
        %and3A_775 = arith.andi %add3A_772, %and3A_774 : vector<16xi32>
        %add3A_776 = arith.constant 16 : i32
        %add3A_777 = vector.broadcast %add3A_776 : i32 to vector<16xi32>
        %add3A_778 = arith.addi %and3A_775, %add3A_777 : vector<16xi32>
        tpu.vector_store_idx %arg8[%add3A_778, %add3A_130], %mul3A_610 : memref<64x128xf32, #tpu.memory_space<vmem>>[vector<16xi32>, vector<16xi32>], vector<16xf32>,
        %add3A_779 = arith.constant 10 : i32
        %add3A_780 = vector.broadcast %add3A_779 : i32 to vector<16xi32>
        %add3A_781 = arith.addi %iota3A, %add3A_780 : vector<16xi32>
        %and3A_782 = arith.constant 15 : i32
        %and3A_783 = vector.broadcast %and3A_782 : i32 to vector<16xi32>
        %and3A_784 = arith.andi %add3A_781, %and3A_783 : vector<16xi32>
        %add3A_785 = arith.constant 16 : i32
        %add3A_786 = vector.broadcast %add3A_785 : i32 to vector<16xi32>
        %add3A_787 = arith.addi %and3A_784, %add3A_786 : vector<16xi32>
        tpu.vector_store_idx %arg8[%add3A_787, %add3A_130], %mul3A_623 : memref<64x128xf32, #tpu.memory_space<vmem>>[vector<16xi32>, vector<16xi32>], vector<16xf32>,
        %add3A_788 = arith.constant 11 : i32
        %add3A_789 = vector.broadcast %add3A_788 : i32 to vector<16xi32>
        %add3A_790 = arith.addi %iota3A, %add3A_789 : vector<16xi32>
        %and3A_791 = arith.constant 15 : i32
        %and3A_792 = vector.broadcast %and3A_791 : i32 to vector<16xi32>
        %and3A_793 = arith.andi %add3A_790, %and3A_792 : vector<16xi32>
        %add3A_794 = arith.constant 16 : i32
        %add3A_795 = vector.broadcast %add3A_794 : i32 to vector<16xi32>
        %add3A_796 = arith.addi %and3A_793, %add3A_795 : vector<16xi32>
        tpu.vector_store_idx %arg8[%add3A_796, %add3A_130], %mul3A_636 : memref<64x128xf32, #tpu.memory_space<vmem>>[vector<16xi32>, vector<16xi32>], vector<16xf32>,
        %add3A_797 = arith.constant 12 : i32
        %add3A_798 = vector.broadcast %add3A_797 : i32 to vector<16xi32>
        %add3A_799 = arith.addi %iota3A, %add3A_798 : vector<16xi32>
        %and3A_800 = arith.constant 15 : i32
        %and3A_801 = vector.broadcast %and3A_800 : i32 to vector<16xi32>
        %and3A_802 = arith.andi %add3A_799, %and3A_801 : vector<16xi32>
        %add3A_803 = arith.constant 16 : i32
        %add3A_804 = vector.broadcast %add3A_803 : i32 to vector<16xi32>
        %add3A_805 = arith.addi %and3A_802, %add3A_804 : vector<16xi32>
        tpu.vector_store_idx %arg8[%add3A_805, %add3A_130], %mul3A_649 : memref<64x128xf32, #tpu.memory_space<vmem>>[vector<16xi32>, vector<16xi32>], vector<16xf32>,
        %add3A_806 = arith.constant 13 : i32
        %add3A_807 = vector.broadcast %add3A_806 : i32 to vector<16xi32>
        %add3A_808 = arith.addi %iota3A, %add3A_807 : vector<16xi32>
        %and3A_809 = arith.constant 15 : i32
        %and3A_810 = vector.broadcast %and3A_809 : i32 to vector<16xi32>
        %and3A_811 = arith.andi %add3A_808, %and3A_810 : vector<16xi32>
        %add3A_812 = arith.constant 16 : i32
        %add3A_813 = vector.broadcast %add3A_812 : i32 to vector<16xi32>
        %add3A_814 = arith.addi %and3A_811, %add3A_813 : vector<16xi32>
        tpu.vector_store_idx %arg8[%add3A_814, %add3A_130], %mul3A_662 : memref<64x128xf32, #tpu.memory_space<vmem>>[vector<16xi32>, vector<16xi32>], vector<16xf32>,
        %add3A_815 = arith.constant 14 : i32
        %add3A_816 = vector.broadcast %add3A_815 : i32 to vector<16xi32>
        %add3A_817 = arith.addi %iota3A, %add3A_816 : vector<16xi32>
        %and3A_818 = arith.constant 15 : i32
        %and3A_819 = vector.broadcast %and3A_818 : i32 to vector<16xi32>
        %and3A_820 = arith.andi %add3A_817, %and3A_819 : vector<16xi32>
        %add3A_821 = arith.constant 16 : i32
        %add3A_822 = vector.broadcast %add3A_821 : i32 to vector<16xi32>
        %add3A_823 = arith.addi %and3A_820, %add3A_822 : vector<16xi32>
        tpu.vector_store_idx %arg8[%add3A_823, %add3A_130], %mul3A_675 : memref<64x128xf32, #tpu.memory_space<vmem>>[vector<16xi32>, vector<16xi32>], vector<16xf32>,
        %add3A_824 = arith.constant 15 : i32
        %add3A_825 = vector.broadcast %add3A_824 : i32 to vector<16xi32>
        %add3A_826 = arith.addi %iota3A, %add3A_825 : vector<16xi32>
        %and3A_827 = arith.constant 15 : i32
        %and3A_828 = vector.broadcast %and3A_827 : i32 to vector<16xi32>
        %and3A_829 = arith.andi %add3A_826, %and3A_828 : vector<16xi32>
        %add3A_830 = arith.constant 16 : i32
        %add3A_831 = vector.broadcast %add3A_830 : i32 to vector<16xi32>
        %add3A_832 = arith.addi %and3A_829, %add3A_831 : vector<16xi32>
        tpu.vector_store_idx %arg8[%add3A_832, %add3A_130], %mul3A_688 : memref<64x128xf32, #tpu.memory_space<vmem>>[vector<16xi32>, vector<16xi32>], vector<16xf32>,
        %add3A_833 = arith.constant 0 : i32
        %add3A_834 = vector.broadcast %add3A_833 : i32 to vector<16xi32>
        %add3A_835 = arith.addi %iota3A, %add3A_834 : vector<16xi32>
        %and3A_836 = arith.constant 15 : i32
        %and3A_837 = vector.broadcast %and3A_836 : i32 to vector<16xi32>
        %and3A_838 = arith.andi %add3A_835, %and3A_837 : vector<16xi32>
        %add3A_839 = arith.constant 32 : i32
        %add3A_840 = vector.broadcast %add3A_839 : i32 to vector<16xi32>
        %add3A_841 = arith.addi %and3A_838, %add3A_840 : vector<16xi32>
        %gather3A_842 = tpu.vector_load_idx %arg6[%add3A_130, %add3A_841] : memref<128x128xf32, #tpu.memory_space<vmem>>[vector<16xi32>, vector<16xi32>], vector<16xf32>,
        %mul3A_843 = arith.constant 8.000000e+00 : f32
        %mul3A_844 = vector.broadcast %mul3A_843 : f32 to vector<16xf32>
        %mul3A_845 = arith.mulf %gather3A_842, %mul3A_844 : vector<16xf32>
        %add3A_846 = arith.constant 1 : i32
        %add3A_847 = vector.broadcast %add3A_846 : i32 to vector<16xi32>
        %add3A_848 = arith.addi %iota3A, %add3A_847 : vector<16xi32>
        %and3A_849 = arith.constant 15 : i32
        %and3A_850 = vector.broadcast %and3A_849 : i32 to vector<16xi32>
        %and3A_851 = arith.andi %add3A_848, %and3A_850 : vector<16xi32>
        %add3A_852 = arith.constant 32 : i32
        %add3A_853 = vector.broadcast %add3A_852 : i32 to vector<16xi32>
        %add3A_854 = arith.addi %and3A_851, %add3A_853 : vector<16xi32>
        %gather3A_855 = tpu.vector_load_idx %arg6[%add3A_130, %add3A_854] : memref<128x128xf32, #tpu.memory_space<vmem>>[vector<16xi32>, vector<16xi32>], vector<16xf32>,
        %mul3A_856 = arith.constant 8.000000e+00 : f32
        %mul3A_857 = vector.broadcast %mul3A_856 : f32 to vector<16xf32>
        %mul3A_858 = arith.mulf %gather3A_855, %mul3A_857 : vector<16xf32>
        %add3A_859 = arith.constant 2 : i32
        %add3A_860 = vector.broadcast %add3A_859 : i32 to vector<16xi32>
        %add3A_861 = arith.addi %iota3A, %add3A_860 : vector<16xi32>
        %and3A_862 = arith.constant 15 : i32
        %and3A_863 = vector.broadcast %and3A_862 : i32 to vector<16xi32>
        %and3A_864 = arith.andi %add3A_861, %and3A_863 : vector<16xi32>
        %add3A_865 = arith.constant 32 : i32
        %add3A_866 = vector.broadcast %add3A_865 : i32 to vector<16xi32>
        %add3A_867 = arith.addi %and3A_864, %add3A_866 : vector<16xi32>
        %gather3A_868 = tpu.vector_load_idx %arg6[%add3A_130, %add3A_867] : memref<128x128xf32, #tpu.memory_space<vmem>>[vector<16xi32>, vector<16xi32>], vector<16xf32>,
        %mul3A_869 = arith.constant 8.000000e+00 : f32
        %mul3A_870 = vector.broadcast %mul3A_869 : f32 to vector<16xf32>
        %mul3A_871 = arith.mulf %gather3A_868, %mul3A_870 : vector<16xf32>
        %add3A_872 = arith.constant 3 : i32
        %add3A_873 = vector.broadcast %add3A_872 : i32 to vector<16xi32>
        %add3A_874 = arith.addi %iota3A, %add3A_873 : vector<16xi32>
        %and3A_875 = arith.constant 15 : i32
        %and3A_876 = vector.broadcast %and3A_875 : i32 to vector<16xi32>
        %and3A_877 = arith.andi %add3A_874, %and3A_876 : vector<16xi32>
        %add3A_878 = arith.constant 32 : i32
        %add3A_879 = vector.broadcast %add3A_878 : i32 to vector<16xi32>
        %add3A_880 = arith.addi %and3A_877, %add3A_879 : vector<16xi32>
        %gather3A_881 = tpu.vector_load_idx %arg6[%add3A_130, %add3A_880] : memref<128x128xf32, #tpu.memory_space<vmem>>[vector<16xi32>, vector<16xi32>], vector<16xf32>,
        %mul3A_882 = arith.constant 8.000000e+00 : f32
        %mul3A_883 = vector.broadcast %mul3A_882 : f32 to vector<16xf32>
        %mul3A_884 = arith.mulf %gather3A_881, %mul3A_883 : vector<16xf32>
        %add3A_885 = arith.constant 4 : i32
        %add3A_886 = vector.broadcast %add3A_885 : i32 to vector<16xi32>
        %add3A_887 = arith.addi %iota3A, %add3A_886 : vector<16xi32>
        %and3A_888 = arith.constant 15 : i32
        %and3A_889 = vector.broadcast %and3A_888 : i32 to vector<16xi32>
        %and3A_890 = arith.andi %add3A_887, %and3A_889 : vector<16xi32>
        %add3A_891 = arith.constant 32 : i32
        %add3A_892 = vector.broadcast %add3A_891 : i32 to vector<16xi32>
        %add3A_893 = arith.addi %and3A_890, %add3A_892 : vector<16xi32>
        %gather3A_894 = tpu.vector_load_idx %arg6[%add3A_130, %add3A_893] : memref<128x128xf32, #tpu.memory_space<vmem>>[vector<16xi32>, vector<16xi32>], vector<16xf32>,
        %mul3A_895 = arith.constant 8.000000e+00 : f32
        %mul3A_896 = vector.broadcast %mul3A_895 : f32 to vector<16xf32>
        %mul3A_897 = arith.mulf %gather3A_894, %mul3A_896 : vector<16xf32>
        %add3A_898 = arith.constant 5 : i32
        %add3A_899 = vector.broadcast %add3A_898 : i32 to vector<16xi32>
        %add3A_900 = arith.addi %iota3A, %add3A_899 : vector<16xi32>
        %and3A_901 = arith.constant 15 : i32
        %and3A_902 = vector.broadcast %and3A_901 : i32 to vector<16xi32>
        %and3A_903 = arith.andi %add3A_900, %and3A_902 : vector<16xi32>
        %add3A_904 = arith.constant 32 : i32
        %add3A_905 = vector.broadcast %add3A_904 : i32 to vector<16xi32>
        %add3A_906 = arith.addi %and3A_903, %add3A_905 : vector<16xi32>
        %gather3A_907 = tpu.vector_load_idx %arg6[%add3A_130, %add3A_906] : memref<128x128xf32, #tpu.memory_space<vmem>>[vector<16xi32>, vector<16xi32>], vector<16xf32>,
        %mul3A_908 = arith.constant 8.000000e+00 : f32
        %mul3A_909 = vector.broadcast %mul3A_908 : f32 to vector<16xf32>
        %mul3A_910 = arith.mulf %gather3A_907, %mul3A_909 : vector<16xf32>
        %add3A_911 = arith.constant 6 : i32
        %add3A_912 = vector.broadcast %add3A_911 : i32 to vector<16xi32>
        %add3A_913 = arith.addi %iota3A, %add3A_912 : vector<16xi32>
        %and3A_914 = arith.constant 15 : i32
        %and3A_915 = vector.broadcast %and3A_914 : i32 to vector<16xi32>
        %and3A_916 = arith.andi %add3A_913, %and3A_915 : vector<16xi32>
        %add3A_917 = arith.constant 32 : i32
        %add3A_918 = vector.broadcast %add3A_917 : i32 to vector<16xi32>
        %add3A_919 = arith.addi %and3A_916, %add3A_918 : vector<16xi32>
        %gather3A_920 = tpu.vector_load_idx %arg6[%add3A_130, %add3A_919] : memref<128x128xf32, #tpu.memory_space<vmem>>[vector<16xi32>, vector<16xi32>], vector<16xf32>,
        %mul3A_921 = arith.constant 8.000000e+00 : f32
        %mul3A_922 = vector.broadcast %mul3A_921 : f32 to vector<16xf32>
        %mul3A_923 = arith.mulf %gather3A_920, %mul3A_922 : vector<16xf32>
        %add3A_924 = arith.constant 7 : i32
        %add3A_925 = vector.broadcast %add3A_924 : i32 to vector<16xi32>
        %add3A_926 = arith.addi %iota3A, %add3A_925 : vector<16xi32>
        %and3A_927 = arith.constant 15 : i32
        %and3A_928 = vector.broadcast %and3A_927 : i32 to vector<16xi32>
        %and3A_929 = arith.andi %add3A_926, %and3A_928 : vector<16xi32>
        %add3A_930 = arith.constant 32 : i32
        %add3A_931 = vector.broadcast %add3A_930 : i32 to vector<16xi32>
        %add3A_932 = arith.addi %and3A_929, %add3A_931 : vector<16xi32>
        %gather3A_933 = tpu.vector_load_idx %arg6[%add3A_130, %add3A_932] : memref<128x128xf32, #tpu.memory_space<vmem>>[vector<16xi32>, vector<16xi32>], vector<16xf32>,
        %mul3A_934 = arith.constant 8.000000e+00 : f32
        %mul3A_935 = vector.broadcast %mul3A_934 : f32 to vector<16xf32>
        %mul3A_936 = arith.mulf %gather3A_933, %mul3A_935 : vector<16xf32>
        %add3A_937 = arith.constant 8 : i32
        %add3A_938 = vector.broadcast %add3A_937 : i32 to vector<16xi32>
        %add3A_939 = arith.addi %iota3A, %add3A_938 : vector<16xi32>
        %and3A_940 = arith.constant 15 : i32
        %and3A_941 = vector.broadcast %and3A_940 : i32 to vector<16xi32>
        %and3A_942 = arith.andi %add3A_939, %and3A_941 : vector<16xi32>
        %add3A_943 = arith.constant 32 : i32
        %add3A_944 = vector.broadcast %add3A_943 : i32 to vector<16xi32>
        %add3A_945 = arith.addi %and3A_942, %add3A_944 : vector<16xi32>
        %gather3A_946 = tpu.vector_load_idx %arg6[%add3A_130, %add3A_945] : memref<128x128xf32, #tpu.memory_space<vmem>>[vector<16xi32>, vector<16xi32>], vector<16xf32>,
        %mul3A_947 = arith.constant 8.000000e+00 : f32
        %mul3A_948 = vector.broadcast %mul3A_947 : f32 to vector<16xf32>
        %mul3A_949 = arith.mulf %gather3A_946, %mul3A_948 : vector<16xf32>
        %add3A_950 = arith.constant 9 : i32
        %add3A_951 = vector.broadcast %add3A_950 : i32 to vector<16xi32>
        %add3A_952 = arith.addi %iota3A, %add3A_951 : vector<16xi32>
        %and3A_953 = arith.constant 15 : i32
        %and3A_954 = vector.broadcast %and3A_953 : i32 to vector<16xi32>
        %and3A_955 = arith.andi %add3A_952, %and3A_954 : vector<16xi32>
        %add3A_956 = arith.constant 32 : i32
        %add3A_957 = vector.broadcast %add3A_956 : i32 to vector<16xi32>
        %add3A_958 = arith.addi %and3A_955, %add3A_957 : vector<16xi32>
        %gather3A_959 = tpu.vector_load_idx %arg6[%add3A_130, %add3A_958] : memref<128x128xf32, #tpu.memory_space<vmem>>[vector<16xi32>, vector<16xi32>], vector<16xf32>,
        %mul3A_960 = arith.constant 8.000000e+00 : f32
        %mul3A_961 = vector.broadcast %mul3A_960 : f32 to vector<16xf32>
        %mul3A_962 = arith.mulf %gather3A_959, %mul3A_961 : vector<16xf32>
        %add3A_963 = arith.constant 10 : i32
        %add3A_964 = vector.broadcast %add3A_963 : i32 to vector<16xi32>
        %add3A_965 = arith.addi %iota3A, %add3A_964 : vector<16xi32>
        %and3A_966 = arith.constant 15 : i32
        %and3A_967 = vector.broadcast %and3A_966 : i32 to vector<16xi32>
        %and3A_968 = arith.andi %add3A_965, %and3A_967 : vector<16xi32>
        %add3A_969 = arith.constant 32 : i32
        %add3A_970 = vector.broadcast %add3A_969 : i32 to vector<16xi32>
        %add3A_971 = arith.addi %and3A_968, %add3A_970 : vector<16xi32>
        %gather3A_972 = tpu.vector_load_idx %arg6[%add3A_130, %add3A_971] : memref<128x128xf32, #tpu.memory_space<vmem>>[vector<16xi32>, vector<16xi32>], vector<16xf32>,
        %mul3A_973 = arith.constant 8.000000e+00 : f32
        %mul3A_974 = vector.broadcast %mul3A_973 : f32 to vector<16xf32>
        %mul3A_975 = arith.mulf %gather3A_972, %mul3A_974 : vector<16xf32>
        %add3A_976 = arith.constant 11 : i32
        %add3A_977 = vector.broadcast %add3A_976 : i32 to vector<16xi32>
        %add3A_978 = arith.addi %iota3A, %add3A_977 : vector<16xi32>
        %and3A_979 = arith.constant 15 : i32
        %and3A_980 = vector.broadcast %and3A_979 : i32 to vector<16xi32>
        %and3A_981 = arith.andi %add3A_978, %and3A_980 : vector<16xi32>
        %add3A_982 = arith.constant 32 : i32
        %add3A_983 = vector.broadcast %add3A_982 : i32 to vector<16xi32>
        %add3A_984 = arith.addi %and3A_981, %add3A_983 : vector<16xi32>
        %gather3A_985 = tpu.vector_load_idx %arg6[%add3A_130, %add3A_984] : memref<128x128xf32, #tpu.memory_space<vmem>>[vector<16xi32>, vector<16xi32>], vector<16xf32>,
        %mul3A_986 = arith.constant 8.000000e+00 : f32
        %mul3A_987 = vector.broadcast %mul3A_986 : f32 to vector<16xf32>
        %mul3A_988 = arith.mulf %gather3A_985, %mul3A_987 : vector<16xf32>
        %add3A_989 = arith.constant 12 : i32
        %add3A_990 = vector.broadcast %add3A_989 : i32 to vector<16xi32>
        %add3A_991 = arith.addi %iota3A, %add3A_990 : vector<16xi32>
        %and3A_992 = arith.constant 15 : i32
        %and3A_993 = vector.broadcast %and3A_992 : i32 to vector<16xi32>
        %and3A_994 = arith.andi %add3A_991, %and3A_993 : vector<16xi32>
        %add3A_995 = arith.constant 32 : i32
        %add3A_996 = vector.broadcast %add3A_995 : i32 to vector<16xi32>
        %add3A_997 = arith.addi %and3A_994, %add3A_996 : vector<16xi32>
        %gather3A_998 = tpu.vector_load_idx %arg6[%add3A_130, %add3A_997] : memref<128x128xf32, #tpu.memory_space<vmem>>[vector<16xi32>, vector<16xi32>], vector<16xf32>,
        %mul3A_999 = arith.constant 8.000000e+00 : f32
        %mul3A_1000 = vector.broadcast %mul3A_999 : f32 to vector<16xf32>
        %mul3A_1001 = arith.mulf %gather3A_998, %mul3A_1000 : vector<16xf32>
        %add3A_1002 = arith.constant 13 : i32
        %add3A_1003 = vector.broadcast %add3A_1002 : i32 to vector<16xi32>
        %add3A_1004 = arith.addi %iota3A, %add3A_1003 : vector<16xi32>
        %and3A_1005 = arith.constant 15 : i32
        %and3A_1006 = vector.broadcast %and3A_1005 : i32 to vector<16xi32>
        %and3A_1007 = arith.andi %add3A_1004, %and3A_1006 : vector<16xi32>
        %add3A_1008 = arith.constant 32 : i32
        %add3A_1009 = vector.broadcast %add3A_1008 : i32 to vector<16xi32>
        %add3A_1010 = arith.addi %and3A_1007, %add3A_1009 : vector<16xi32>
        %gather3A_1011 = tpu.vector_load_idx %arg6[%add3A_130, %add3A_1010] : memref<128x128xf32, #tpu.memory_space<vmem>>[vector<16xi32>, vector<16xi32>], vector<16xf32>,
        %mul3A_1012 = arith.constant 8.000000e+00 : f32
        %mul3A_1013 = vector.broadcast %mul3A_1012 : f32 to vector<16xf32>
        %mul3A_1014 = arith.mulf %gather3A_1011, %mul3A_1013 : vector<16xf32>
        %add3A_1015 = arith.constant 14 : i32
        %add3A_1016 = vector.broadcast %add3A_1015 : i32 to vector<16xi32>
        %add3A_1017 = arith.addi %iota3A, %add3A_1016 : vector<16xi32>
        %and3A_1018 = arith.constant 15 : i32
        %and3A_1019 = vector.broadcast %and3A_1018 : i32 to vector<16xi32>
        %and3A_1020 = arith.andi %add3A_1017, %and3A_1019 : vector<16xi32>
        %add3A_1021 = arith.constant 32 : i32
        %add3A_1022 = vector.broadcast %add3A_1021 : i32 to vector<16xi32>
        %add3A_1023 = arith.addi %and3A_1020, %add3A_1022 : vector<16xi32>
        %gather3A_1024 = tpu.vector_load_idx %arg6[%add3A_130, %add3A_1023] : memref<128x128xf32, #tpu.memory_space<vmem>>[vector<16xi32>, vector<16xi32>], vector<16xf32>,
        %mul3A_1025 = arith.constant 8.000000e+00 : f32
        %mul3A_1026 = vector.broadcast %mul3A_1025 : f32 to vector<16xf32>
        %mul3A_1027 = arith.mulf %gather3A_1024, %mul3A_1026 : vector<16xf32>
        %add3A_1028 = arith.constant 15 : i32
        %add3A_1029 = vector.broadcast %add3A_1028 : i32 to vector<16xi32>
        %add3A_1030 = arith.addi %iota3A, %add3A_1029 : vector<16xi32>
        %and3A_1031 = arith.constant 15 : i32
        %and3A_1032 = vector.broadcast %and3A_1031 : i32 to vector<16xi32>
        %and3A_1033 = arith.andi %add3A_1030, %and3A_1032 : vector<16xi32>
        %add3A_1034 = arith.constant 32 : i32
        %add3A_1035 = vector.broadcast %add3A_1034 : i32 to vector<16xi32>
        %add3A_1036 = arith.addi %and3A_1033, %add3A_1035 : vector<16xi32>
        %gather3A_1037 = tpu.vector_load_idx %arg6[%add3A_130, %add3A_1036] : memref<128x128xf32, #tpu.memory_space<vmem>>[vector<16xi32>, vector<16xi32>], vector<16xf32>,
        %mul3A_1038 = arith.constant 8.000000e+00 : f32
        %mul3A_1039 = vector.broadcast %mul3A_1038 : f32 to vector<16xf32>
        %mul3A_1040 = arith.mulf %gather3A_1037, %mul3A_1039 : vector<16xf32>
        %add3A_1041 = arith.constant 0 : i32
        %add3A_1042 = vector.broadcast %add3A_1041 : i32 to vector<16xi32>
        %add3A_1043 = arith.addi %iota3A, %add3A_1042 : vector<16xi32>
        %and3A_1044 = arith.constant 15 : i32
        %and3A_1045 = vector.broadcast %and3A_1044 : i32 to vector<16xi32>
        %and3A_1046 = arith.andi %add3A_1043, %and3A_1045 : vector<16xi32>
        %add3A_1047 = arith.constant 32 : i32
        %add3A_1048 = vector.broadcast %add3A_1047 : i32 to vector<16xi32>
        %add3A_1049 = arith.addi %and3A_1046, %add3A_1048 : vector<16xi32>
        tpu.vector_store_idx %arg8[%add3A_1049, %add3A_130], %mul3A_845 : memref<64x128xf32, #tpu.memory_space<vmem>>[vector<16xi32>, vector<16xi32>], vector<16xf32>,
        %add3A_1050 = arith.constant 1 : i32
        %add3A_1051 = vector.broadcast %add3A_1050 : i32 to vector<16xi32>
        %add3A_1052 = arith.addi %iota3A, %add3A_1051 : vector<16xi32>
        %and3A_1053 = arith.constant 15 : i32
        %and3A_1054 = vector.broadcast %and3A_1053 : i32 to vector<16xi32>
        %and3A_1055 = arith.andi %add3A_1052, %and3A_1054 : vector<16xi32>
        %add3A_1056 = arith.constant 32 : i32
        %add3A_1057 = vector.broadcast %add3A_1056 : i32 to vector<16xi32>
        %add3A_1058 = arith.addi %and3A_1055, %add3A_1057 : vector<16xi32>
        tpu.vector_store_idx %arg8[%add3A_1058, %add3A_130], %mul3A_858 : memref<64x128xf32, #tpu.memory_space<vmem>>[vector<16xi32>, vector<16xi32>], vector<16xf32>,
        %add3A_1059 = arith.constant 2 : i32
        %add3A_1060 = vector.broadcast %add3A_1059 : i32 to vector<16xi32>
        %add3A_1061 = arith.addi %iota3A, %add3A_1060 : vector<16xi32>
        %and3A_1062 = arith.constant 15 : i32
        %and3A_1063 = vector.broadcast %and3A_1062 : i32 to vector<16xi32>
        %and3A_1064 = arith.andi %add3A_1061, %and3A_1063 : vector<16xi32>
        %add3A_1065 = arith.constant 32 : i32
        %add3A_1066 = vector.broadcast %add3A_1065 : i32 to vector<16xi32>
        %add3A_1067 = arith.addi %and3A_1064, %add3A_1066 : vector<16xi32>
        tpu.vector_store_idx %arg8[%add3A_1067, %add3A_130], %mul3A_871 : memref<64x128xf32, #tpu.memory_space<vmem>>[vector<16xi32>, vector<16xi32>], vector<16xf32>,
        %add3A_1068 = arith.constant 3 : i32
        %add3A_1069 = vector.broadcast %add3A_1068 : i32 to vector<16xi32>
        %add3A_1070 = arith.addi %iota3A, %add3A_1069 : vector<16xi32>
        %and3A_1071 = arith.constant 15 : i32
        %and3A_1072 = vector.broadcast %and3A_1071 : i32 to vector<16xi32>
        %and3A_1073 = arith.andi %add3A_1070, %and3A_1072 : vector<16xi32>
        %add3A_1074 = arith.constant 32 : i32
        %add3A_1075 = vector.broadcast %add3A_1074 : i32 to vector<16xi32>
        %add3A_1076 = arith.addi %and3A_1073, %add3A_1075 : vector<16xi32>
        tpu.vector_store_idx %arg8[%add3A_1076, %add3A_130], %mul3A_884 : memref<64x128xf32, #tpu.memory_space<vmem>>[vector<16xi32>, vector<16xi32>], vector<16xf32>,
        %add3A_1077 = arith.constant 4 : i32
        %add3A_1078 = vector.broadcast %add3A_1077 : i32 to vector<16xi32>
        %add3A_1079 = arith.addi %iota3A, %add3A_1078 : vector<16xi32>
        %and3A_1080 = arith.constant 15 : i32
        %and3A_1081 = vector.broadcast %and3A_1080 : i32 to vector<16xi32>
        %and3A_1082 = arith.andi %add3A_1079, %and3A_1081 : vector<16xi32>
        %add3A_1083 = arith.constant 32 : i32
        %add3A_1084 = vector.broadcast %add3A_1083 : i32 to vector<16xi32>
        %add3A_1085 = arith.addi %and3A_1082, %add3A_1084 : vector<16xi32>
        tpu.vector_store_idx %arg8[%add3A_1085, %add3A_130], %mul3A_897 : memref<64x128xf32, #tpu.memory_space<vmem>>[vector<16xi32>, vector<16xi32>], vector<16xf32>,
        %add3A_1086 = arith.constant 5 : i32
        %add3A_1087 = vector.broadcast %add3A_1086 : i32 to vector<16xi32>
        %add3A_1088 = arith.addi %iota3A, %add3A_1087 : vector<16xi32>
        %and3A_1089 = arith.constant 15 : i32
        %and3A_1090 = vector.broadcast %and3A_1089 : i32 to vector<16xi32>
        %and3A_1091 = arith.andi %add3A_1088, %and3A_1090 : vector<16xi32>
        %add3A_1092 = arith.constant 32 : i32
        %add3A_1093 = vector.broadcast %add3A_1092 : i32 to vector<16xi32>
        %add3A_1094 = arith.addi %and3A_1091, %add3A_1093 : vector<16xi32>
        tpu.vector_store_idx %arg8[%add3A_1094, %add3A_130], %mul3A_910 : memref<64x128xf32, #tpu.memory_space<vmem>>[vector<16xi32>, vector<16xi32>], vector<16xf32>,
        %add3A_1095 = arith.constant 6 : i32
        %add3A_1096 = vector.broadcast %add3A_1095 : i32 to vector<16xi32>
        %add3A_1097 = arith.addi %iota3A, %add3A_1096 : vector<16xi32>
        %and3A_1098 = arith.constant 15 : i32
        %and3A_1099 = vector.broadcast %and3A_1098 : i32 to vector<16xi32>
        %and3A_1100 = arith.andi %add3A_1097, %and3A_1099 : vector<16xi32>
        %add3A_1101 = arith.constant 32 : i32
        %add3A_1102 = vector.broadcast %add3A_1101 : i32 to vector<16xi32>
        %add3A_1103 = arith.addi %and3A_1100, %add3A_1102 : vector<16xi32>
        tpu.vector_store_idx %arg8[%add3A_1103, %add3A_130], %mul3A_923 : memref<64x128xf32, #tpu.memory_space<vmem>>[vector<16xi32>, vector<16xi32>], vector<16xf32>,
        %add3A_1104 = arith.constant 7 : i32
        %add3A_1105 = vector.broadcast %add3A_1104 : i32 to vector<16xi32>
        %add3A_1106 = arith.addi %iota3A, %add3A_1105 : vector<16xi32>
        %and3A_1107 = arith.constant 15 : i32
        %and3A_1108 = vector.broadcast %and3A_1107 : i32 to vector<16xi32>
        %and3A_1109 = arith.andi %add3A_1106, %and3A_1108 : vector<16xi32>
        %add3A_1110 = arith.constant 32 : i32
        %add3A_1111 = vector.broadcast %add3A_1110 : i32 to vector<16xi32>
        %add3A_1112 = arith.addi %and3A_1109, %add3A_1111 : vector<16xi32>
        tpu.vector_store_idx %arg8[%add3A_1112, %add3A_130], %mul3A_936 : memref<64x128xf32, #tpu.memory_space<vmem>>[vector<16xi32>, vector<16xi32>], vector<16xf32>,
        %add3A_1113 = arith.constant 8 : i32
        %add3A_1114 = vector.broadcast %add3A_1113 : i32 to vector<16xi32>
        %add3A_1115 = arith.addi %iota3A, %add3A_1114 : vector<16xi32>
        %and3A_1116 = arith.constant 15 : i32
        %and3A_1117 = vector.broadcast %and3A_1116 : i32 to vector<16xi32>
        %and3A_1118 = arith.andi %add3A_1115, %and3A_1117 : vector<16xi32>
        %add3A_1119 = arith.constant 32 : i32
        %add3A_1120 = vector.broadcast %add3A_1119 : i32 to vector<16xi32>
        %add3A_1121 = arith.addi %and3A_1118, %add3A_1120 : vector<16xi32>
        tpu.vector_store_idx %arg8[%add3A_1121, %add3A_130], %mul3A_949 : memref<64x128xf32, #tpu.memory_space<vmem>>[vector<16xi32>, vector<16xi32>], vector<16xf32>,
        %add3A_1122 = arith.constant 9 : i32
        %add3A_1123 = vector.broadcast %add3A_1122 : i32 to vector<16xi32>
        %add3A_1124 = arith.addi %iota3A, %add3A_1123 : vector<16xi32>
        %and3A_1125 = arith.constant 15 : i32
        %and3A_1126 = vector.broadcast %and3A_1125 : i32 to vector<16xi32>
        %and3A_1127 = arith.andi %add3A_1124, %and3A_1126 : vector<16xi32>
        %add3A_1128 = arith.constant 32 : i32
        %add3A_1129 = vector.broadcast %add3A_1128 : i32 to vector<16xi32>
        %add3A_1130 = arith.addi %and3A_1127, %add3A_1129 : vector<16xi32>
        tpu.vector_store_idx %arg8[%add3A_1130, %add3A_130], %mul3A_962 : memref<64x128xf32, #tpu.memory_space<vmem>>[vector<16xi32>, vector<16xi32>], vector<16xf32>,
        %add3A_1131 = arith.constant 10 : i32
        %add3A_1132 = vector.broadcast %add3A_1131 : i32 to vector<16xi32>
        %add3A_1133 = arith.addi %iota3A, %add3A_1132 : vector<16xi32>
        %and3A_1134 = arith.constant 15 : i32
        %and3A_1135 = vector.broadcast %and3A_1134 : i32 to vector<16xi32>
        %and3A_1136 = arith.andi %add3A_1133, %and3A_1135 : vector<16xi32>
        %add3A_1137 = arith.constant 32 : i32
        %add3A_1138 = vector.broadcast %add3A_1137 : i32 to vector<16xi32>
        %add3A_1139 = arith.addi %and3A_1136, %add3A_1138 : vector<16xi32>
        tpu.vector_store_idx %arg8[%add3A_1139, %add3A_130], %mul3A_975 : memref<64x128xf32, #tpu.memory_space<vmem>>[vector<16xi32>, vector<16xi32>], vector<16xf32>,
        %add3A_1140 = arith.constant 11 : i32
        %add3A_1141 = vector.broadcast %add3A_1140 : i32 to vector<16xi32>
        %add3A_1142 = arith.addi %iota3A, %add3A_1141 : vector<16xi32>
        %and3A_1143 = arith.constant 15 : i32
        %and3A_1144 = vector.broadcast %and3A_1143 : i32 to vector<16xi32>
        %and3A_1145 = arith.andi %add3A_1142, %and3A_1144 : vector<16xi32>
        %add3A_1146 = arith.constant 32 : i32
        %add3A_1147 = vector.broadcast %add3A_1146 : i32 to vector<16xi32>
        %add3A_1148 = arith.addi %and3A_1145, %add3A_1147 : vector<16xi32>
        tpu.vector_store_idx %arg8[%add3A_1148, %add3A_130], %mul3A_988 : memref<64x128xf32, #tpu.memory_space<vmem>>[vector<16xi32>, vector<16xi32>], vector<16xf32>,
        %add3A_1149 = arith.constant 12 : i32
        %add3A_1150 = vector.broadcast %add3A_1149 : i32 to vector<16xi32>
        %add3A_1151 = arith.addi %iota3A, %add3A_1150 : vector<16xi32>
        %and3A_1152 = arith.constant 15 : i32
        %and3A_1153 = vector.broadcast %and3A_1152 : i32 to vector<16xi32>
        %and3A_1154 = arith.andi %add3A_1151, %and3A_1153 : vector<16xi32>
        %add3A_1155 = arith.constant 32 : i32
        %add3A_1156 = vector.broadcast %add3A_1155 : i32 to vector<16xi32>
        %add3A_1157 = arith.addi %and3A_1154, %add3A_1156 : vector<16xi32>
        tpu.vector_store_idx %arg8[%add3A_1157, %add3A_130], %mul3A_1001 : memref<64x128xf32, #tpu.memory_space<vmem>>[vector<16xi32>, vector<16xi32>], vector<16xf32>,
        %add3A_1158 = arith.constant 13 : i32
        %add3A_1159 = vector.broadcast %add3A_1158 : i32 to vector<16xi32>
        %add3A_1160 = arith.addi %iota3A, %add3A_1159 : vector<16xi32>
        %and3A_1161 = arith.constant 15 : i32
        %and3A_1162 = vector.broadcast %and3A_1161 : i32 to vector<16xi32>
        %and3A_1163 = arith.andi %add3A_1160, %and3A_1162 : vector<16xi32>
        %add3A_1164 = arith.constant 32 : i32
        %add3A_1165 = vector.broadcast %add3A_1164 : i32 to vector<16xi32>
        %add3A_1166 = arith.addi %and3A_1163, %add3A_1165 : vector<16xi32>
        tpu.vector_store_idx %arg8[%add3A_1166, %add3A_130], %mul3A_1014 : memref<64x128xf32, #tpu.memory_space<vmem>>[vector<16xi32>, vector<16xi32>], vector<16xf32>,
        %add3A_1167 = arith.constant 14 : i32
        %add3A_1168 = vector.broadcast %add3A_1167 : i32 to vector<16xi32>
        %add3A_1169 = arith.addi %iota3A, %add3A_1168 : vector<16xi32>
        %and3A_1170 = arith.constant 15 : i32
        %and3A_1171 = vector.broadcast %and3A_1170 : i32 to vector<16xi32>
        %and3A_1172 = arith.andi %add3A_1169, %and3A_1171 : vector<16xi32>
        %add3A_1173 = arith.constant 32 : i32
        %add3A_1174 = vector.broadcast %add3A_1173 : i32 to vector<16xi32>
        %add3A_1175 = arith.addi %and3A_1172, %add3A_1174 : vector<16xi32>
        tpu.vector_store_idx %arg8[%add3A_1175, %add3A_130], %mul3A_1027 : memref<64x128xf32, #tpu.memory_space<vmem>>[vector<16xi32>, vector<16xi32>], vector<16xf32>,
        %add3A_1176 = arith.constant 15 : i32
        %add3A_1177 = vector.broadcast %add3A_1176 : i32 to vector<16xi32>
        %add3A_1178 = arith.addi %iota3A, %add3A_1177 : vector<16xi32>
        %and3A_1179 = arith.constant 15 : i32
        %and3A_1180 = vector.broadcast %and3A_1179 : i32 to vector<16xi32>
        %and3A_1181 = arith.andi %add3A_1178, %and3A_1180 : vector<16xi32>
        %add3A_1182 = arith.constant 32 : i32
        %add3A_1183 = vector.broadcast %add3A_1182 : i32 to vector<16xi32>
        %add3A_1184 = arith.addi %and3A_1181, %add3A_1183 : vector<16xi32>
        tpu.vector_store_idx %arg8[%add3A_1184, %add3A_130], %mul3A_1040 : memref<64x128xf32, #tpu.memory_space<vmem>>[vector<16xi32>, vector<16xi32>], vector<16xf32>,
        %add3A_1185 = arith.constant 0 : i32
        %add3A_1186 = vector.broadcast %add3A_1185 : i32 to vector<16xi32>
        %add3A_1187 = arith.addi %iota3A, %add3A_1186 : vector<16xi32>
        %and3A_1188 = arith.constant 15 : i32
        %and3A_1189 = vector.broadcast %and3A_1188 : i32 to vector<16xi32>
        %and3A_1190 = arith.andi %add3A_1187, %and3A_1189 : vector<16xi32>
        %add3A_1191 = arith.constant 48 : i32
        %add3A_1192 = vector.broadcast %add3A_1191 : i32 to vector<16xi32>
        %add3A_1193 = arith.addi %and3A_1190, %add3A_1192 : vector<16xi32>
        %gather3A_1194 = tpu.vector_load_idx %arg6[%add3A_130, %add3A_1193] : memref<128x128xf32, #tpu.memory_space<vmem>>[vector<16xi32>, vector<16xi32>], vector<16xf32>,
        %mul3A_1195 = arith.constant 8.000000e+00 : f32
        %mul3A_1196 = vector.broadcast %mul3A_1195 : f32 to vector<16xf32>
        %mul3A_1197 = arith.mulf %gather3A_1194, %mul3A_1196 : vector<16xf32>
        %add3A_1198 = arith.constant 1 : i32
        %add3A_1199 = vector.broadcast %add3A_1198 : i32 to vector<16xi32>
        %add3A_1200 = arith.addi %iota3A, %add3A_1199 : vector<16xi32>
        %and3A_1201 = arith.constant 15 : i32
        %and3A_1202 = vector.broadcast %and3A_1201 : i32 to vector<16xi32>
        %and3A_1203 = arith.andi %add3A_1200, %and3A_1202 : vector<16xi32>
        %add3A_1204 = arith.constant 48 : i32
        %add3A_1205 = vector.broadcast %add3A_1204 : i32 to vector<16xi32>
        %add3A_1206 = arith.addi %and3A_1203, %add3A_1205 : vector<16xi32>
        %gather3A_1207 = tpu.vector_load_idx %arg6[%add3A_130, %add3A_1206] : memref<128x128xf32, #tpu.memory_space<vmem>>[vector<16xi32>, vector<16xi32>], vector<16xf32>,
        %mul3A_1208 = arith.constant 8.000000e+00 : f32
        %mul3A_1209 = vector.broadcast %mul3A_1208 : f32 to vector<16xf32>
        %mul3A_1210 = arith.mulf %gather3A_1207, %mul3A_1209 : vector<16xf32>
        %add3A_1211 = arith.constant 2 : i32
        %add3A_1212 = vector.broadcast %add3A_1211 : i32 to vector<16xi32>
        %add3A_1213 = arith.addi %iota3A, %add3A_1212 : vector<16xi32>
        %and3A_1214 = arith.constant 15 : i32
        %and3A_1215 = vector.broadcast %and3A_1214 : i32 to vector<16xi32>
        %and3A_1216 = arith.andi %add3A_1213, %and3A_1215 : vector<16xi32>
        %add3A_1217 = arith.constant 48 : i32
        %add3A_1218 = vector.broadcast %add3A_1217 : i32 to vector<16xi32>
        %add3A_1219 = arith.addi %and3A_1216, %add3A_1218 : vector<16xi32>
        %gather3A_1220 = tpu.vector_load_idx %arg6[%add3A_130, %add3A_1219] : memref<128x128xf32, #tpu.memory_space<vmem>>[vector<16xi32>, vector<16xi32>], vector<16xf32>,
        %mul3A_1221 = arith.constant 8.000000e+00 : f32
        %mul3A_1222 = vector.broadcast %mul3A_1221 : f32 to vector<16xf32>
        %mul3A_1223 = arith.mulf %gather3A_1220, %mul3A_1222 : vector<16xf32>
        %add3A_1224 = arith.constant 3 : i32
        %add3A_1225 = vector.broadcast %add3A_1224 : i32 to vector<16xi32>
        %add3A_1226 = arith.addi %iota3A, %add3A_1225 : vector<16xi32>
        %and3A_1227 = arith.constant 15 : i32
        %and3A_1228 = vector.broadcast %and3A_1227 : i32 to vector<16xi32>
        %and3A_1229 = arith.andi %add3A_1226, %and3A_1228 : vector<16xi32>
        %add3A_1230 = arith.constant 48 : i32
        %add3A_1231 = vector.broadcast %add3A_1230 : i32 to vector<16xi32>
        %add3A_1232 = arith.addi %and3A_1229, %add3A_1231 : vector<16xi32>
        %gather3A_1233 = tpu.vector_load_idx %arg6[%add3A_130, %add3A_1232] : memref<128x128xf32, #tpu.memory_space<vmem>>[vector<16xi32>, vector<16xi32>], vector<16xf32>,
        %mul3A_1234 = arith.constant 8.000000e+00 : f32
        %mul3A_1235 = vector.broadcast %mul3A_1234 : f32 to vector<16xf32>
        %mul3A_1236 = arith.mulf %gather3A_1233, %mul3A_1235 : vector<16xf32>
        %add3A_1237 = arith.constant 4 : i32
        %add3A_1238 = vector.broadcast %add3A_1237 : i32 to vector<16xi32>
        %add3A_1239 = arith.addi %iota3A, %add3A_1238 : vector<16xi32>
        %and3A_1240 = arith.constant 15 : i32
        %and3A_1241 = vector.broadcast %and3A_1240 : i32 to vector<16xi32>
        %and3A_1242 = arith.andi %add3A_1239, %and3A_1241 : vector<16xi32>
        %add3A_1243 = arith.constant 48 : i32
        %add3A_1244 = vector.broadcast %add3A_1243 : i32 to vector<16xi32>
        %add3A_1245 = arith.addi %and3A_1242, %add3A_1244 : vector<16xi32>
        %gather3A_1246 = tpu.vector_load_idx %arg6[%add3A_130, %add3A_1245] : memref<128x128xf32, #tpu.memory_space<vmem>>[vector<16xi32>, vector<16xi32>], vector<16xf32>,
        %mul3A_1247 = arith.constant 8.000000e+00 : f32
        %mul3A_1248 = vector.broadcast %mul3A_1247 : f32 to vector<16xf32>
        %mul3A_1249 = arith.mulf %gather3A_1246, %mul3A_1248 : vector<16xf32>
        %add3A_1250 = arith.constant 5 : i32
        %add3A_1251 = vector.broadcast %add3A_1250 : i32 to vector<16xi32>
        %add3A_1252 = arith.addi %iota3A, %add3A_1251 : vector<16xi32>
        %and3A_1253 = arith.constant 15 : i32
        %and3A_1254 = vector.broadcast %and3A_1253 : i32 to vector<16xi32>
        %and3A_1255 = arith.andi %add3A_1252, %and3A_1254 : vector<16xi32>
        %add3A_1256 = arith.constant 48 : i32
        %add3A_1257 = vector.broadcast %add3A_1256 : i32 to vector<16xi32>
        %add3A_1258 = arith.addi %and3A_1255, %add3A_1257 : vector<16xi32>
        %gather3A_1259 = tpu.vector_load_idx %arg6[%add3A_130, %add3A_1258] : memref<128x128xf32, #tpu.memory_space<vmem>>[vector<16xi32>, vector<16xi32>], vector<16xf32>,
        %mul3A_1260 = arith.constant 8.000000e+00 : f32
        %mul3A_1261 = vector.broadcast %mul3A_1260 : f32 to vector<16xf32>
        %mul3A_1262 = arith.mulf %gather3A_1259, %mul3A_1261 : vector<16xf32>
        %add3A_1263 = arith.constant 6 : i32
        %add3A_1264 = vector.broadcast %add3A_1263 : i32 to vector<16xi32>
        %add3A_1265 = arith.addi %iota3A, %add3A_1264 : vector<16xi32>
        %and3A_1266 = arith.constant 15 : i32
        %and3A_1267 = vector.broadcast %and3A_1266 : i32 to vector<16xi32>
        %and3A_1268 = arith.andi %add3A_1265, %and3A_1267 : vector<16xi32>
        %add3A_1269 = arith.constant 48 : i32
        %add3A_1270 = vector.broadcast %add3A_1269 : i32 to vector<16xi32>
        %add3A_1271 = arith.addi %and3A_1268, %add3A_1270 : vector<16xi32>
        %gather3A_1272 = tpu.vector_load_idx %arg6[%add3A_130, %add3A_1271] : memref<128x128xf32, #tpu.memory_space<vmem>>[vector<16xi32>, vector<16xi32>], vector<16xf32>,
        %mul3A_1273 = arith.constant 8.000000e+00 : f32
        %mul3A_1274 = vector.broadcast %mul3A_1273 : f32 to vector<16xf32>
        %mul3A_1275 = arith.mulf %gather3A_1272, %mul3A_1274 : vector<16xf32>
        %add3A_1276 = arith.constant 7 : i32
        %add3A_1277 = vector.broadcast %add3A_1276 : i32 to vector<16xi32>
        %add3A_1278 = arith.addi %iota3A, %add3A_1277 : vector<16xi32>
        %and3A_1279 = arith.constant 15 : i32
        %and3A_1280 = vector.broadcast %and3A_1279 : i32 to vector<16xi32>
        %and3A_1281 = arith.andi %add3A_1278, %and3A_1280 : vector<16xi32>
        %add3A_1282 = arith.constant 48 : i32
        %add3A_1283 = vector.broadcast %add3A_1282 : i32 to vector<16xi32>
        %add3A_1284 = arith.addi %and3A_1281, %add3A_1283 : vector<16xi32>
        %gather3A_1285 = tpu.vector_load_idx %arg6[%add3A_130, %add3A_1284] : memref<128x128xf32, #tpu.memory_space<vmem>>[vector<16xi32>, vector<16xi32>], vector<16xf32>,
        %mul3A_1286 = arith.constant 8.000000e+00 : f32
        %mul3A_1287 = vector.broadcast %mul3A_1286 : f32 to vector<16xf32>
        %mul3A_1288 = arith.mulf %gather3A_1285, %mul3A_1287 : vector<16xf32>
        %add3A_1289 = arith.constant 8 : i32
        %add3A_1290 = vector.broadcast %add3A_1289 : i32 to vector<16xi32>
        %add3A_1291 = arith.addi %iota3A, %add3A_1290 : vector<16xi32>
        %and3A_1292 = arith.constant 15 : i32
        %and3A_1293 = vector.broadcast %and3A_1292 : i32 to vector<16xi32>
        %and3A_1294 = arith.andi %add3A_1291, %and3A_1293 : vector<16xi32>
        %add3A_1295 = arith.constant 48 : i32
        %add3A_1296 = vector.broadcast %add3A_1295 : i32 to vector<16xi32>
        %add3A_1297 = arith.addi %and3A_1294, %add3A_1296 : vector<16xi32>
        %gather3A_1298 = tpu.vector_load_idx %arg6[%add3A_130, %add3A_1297] : memref<128x128xf32, #tpu.memory_space<vmem>>[vector<16xi32>, vector<16xi32>], vector<16xf32>,
        %mul3A_1299 = arith.constant 8.000000e+00 : f32
        %mul3A_1300 = vector.broadcast %mul3A_1299 : f32 to vector<16xf32>
        %mul3A_1301 = arith.mulf %gather3A_1298, %mul3A_1300 : vector<16xf32>
        %add3A_1302 = arith.constant 9 : i32
        %add3A_1303 = vector.broadcast %add3A_1302 : i32 to vector<16xi32>
        %add3A_1304 = arith.addi %iota3A, %add3A_1303 : vector<16xi32>
        %and3A_1305 = arith.constant 15 : i32
        %and3A_1306 = vector.broadcast %and3A_1305 : i32 to vector<16xi32>
        %and3A_1307 = arith.andi %add3A_1304, %and3A_1306 : vector<16xi32>
        %add3A_1308 = arith.constant 48 : i32
        %add3A_1309 = vector.broadcast %add3A_1308 : i32 to vector<16xi32>
        %add3A_1310 = arith.addi %and3A_1307, %add3A_1309 : vector<16xi32>
        %gather3A_1311 = tpu.vector_load_idx %arg6[%add3A_130, %add3A_1310] : memref<128x128xf32, #tpu.memory_space<vmem>>[vector<16xi32>, vector<16xi32>], vector<16xf32>,
        %mul3A_1312 = arith.constant 8.000000e+00 : f32
        %mul3A_1313 = vector.broadcast %mul3A_1312 : f32 to vector<16xf32>
        %mul3A_1314 = arith.mulf %gather3A_1311, %mul3A_1313 : vector<16xf32>
        %add3A_1315 = arith.constant 10 : i32
        %add3A_1316 = vector.broadcast %add3A_1315 : i32 to vector<16xi32>
        %add3A_1317 = arith.addi %iota3A, %add3A_1316 : vector<16xi32>
        %and3A_1318 = arith.constant 15 : i32
        %and3A_1319 = vector.broadcast %and3A_1318 : i32 to vector<16xi32>
        %and3A_1320 = arith.andi %add3A_1317, %and3A_1319 : vector<16xi32>
        %add3A_1321 = arith.constant 48 : i32
        %add3A_1322 = vector.broadcast %add3A_1321 : i32 to vector<16xi32>
        %add3A_1323 = arith.addi %and3A_1320, %add3A_1322 : vector<16xi32>
        %gather3A_1324 = tpu.vector_load_idx %arg6[%add3A_130, %add3A_1323] : memref<128x128xf32, #tpu.memory_space<vmem>>[vector<16xi32>, vector<16xi32>], vector<16xf32>,
        %mul3A_1325 = arith.constant 8.000000e+00 : f32
        %mul3A_1326 = vector.broadcast %mul3A_1325 : f32 to vector<16xf32>
        %mul3A_1327 = arith.mulf %gather3A_1324, %mul3A_1326 : vector<16xf32>
        %add3A_1328 = arith.constant 11 : i32
        %add3A_1329 = vector.broadcast %add3A_1328 : i32 to vector<16xi32>
        %add3A_1330 = arith.addi %iota3A, %add3A_1329 : vector<16xi32>
        %and3A_1331 = arith.constant 15 : i32
        %and3A_1332 = vector.broadcast %and3A_1331 : i32 to vector<16xi32>
        %and3A_1333 = arith.andi %add3A_1330, %and3A_1332 : vector<16xi32>
        %add3A_1334 = arith.constant 48 : i32
        %add3A_1335 = vector.broadcast %add3A_1334 : i32 to vector<16xi32>
        %add3A_1336 = arith.addi %and3A_1333, %add3A_1335 : vector<16xi32>
        %gather3A_1337 = tpu.vector_load_idx %arg6[%add3A_130, %add3A_1336] : memref<128x128xf32, #tpu.memory_space<vmem>>[vector<16xi32>, vector<16xi32>], vector<16xf32>,
        %mul3A_1338 = arith.constant 8.000000e+00 : f32
        %mul3A_1339 = vector.broadcast %mul3A_1338 : f32 to vector<16xf32>
        %mul3A_1340 = arith.mulf %gather3A_1337, %mul3A_1339 : vector<16xf32>
        %add3A_1341 = arith.constant 12 : i32
        %add3A_1342 = vector.broadcast %add3A_1341 : i32 to vector<16xi32>
        %add3A_1343 = arith.addi %iota3A, %add3A_1342 : vector<16xi32>
        %and3A_1344 = arith.constant 15 : i32
        %and3A_1345 = vector.broadcast %and3A_1344 : i32 to vector<16xi32>
        %and3A_1346 = arith.andi %add3A_1343, %and3A_1345 : vector<16xi32>
        %add3A_1347 = arith.constant 48 : i32
        %add3A_1348 = vector.broadcast %add3A_1347 : i32 to vector<16xi32>
        %add3A_1349 = arith.addi %and3A_1346, %add3A_1348 : vector<16xi32>
        %gather3A_1350 = tpu.vector_load_idx %arg6[%add3A_130, %add3A_1349] : memref<128x128xf32, #tpu.memory_space<vmem>>[vector<16xi32>, vector<16xi32>], vector<16xf32>,
        %mul3A_1351 = arith.constant 8.000000e+00 : f32
        %mul3A_1352 = vector.broadcast %mul3A_1351 : f32 to vector<16xf32>
        %mul3A_1353 = arith.mulf %gather3A_1350, %mul3A_1352 : vector<16xf32>
        %add3A_1354 = arith.constant 13 : i32
        %add3A_1355 = vector.broadcast %add3A_1354 : i32 to vector<16xi32>
        %add3A_1356 = arith.addi %iota3A, %add3A_1355 : vector<16xi32>
        %and3A_1357 = arith.constant 15 : i32
        %and3A_1358 = vector.broadcast %and3A_1357 : i32 to vector<16xi32>
        %and3A_1359 = arith.andi %add3A_1356, %and3A_1358 : vector<16xi32>
        %add3A_1360 = arith.constant 48 : i32
        %add3A_1361 = vector.broadcast %add3A_1360 : i32 to vector<16xi32>
        %add3A_1362 = arith.addi %and3A_1359, %add3A_1361 : vector<16xi32>
        %gather3A_1363 = tpu.vector_load_idx %arg6[%add3A_130, %add3A_1362] : memref<128x128xf32, #tpu.memory_space<vmem>>[vector<16xi32>, vector<16xi32>], vector<16xf32>,
        %mul3A_1364 = arith.constant 8.000000e+00 : f32
        %mul3A_1365 = vector.broadcast %mul3A_1364 : f32 to vector<16xf32>
        %mul3A_1366 = arith.mulf %gather3A_1363, %mul3A_1365 : vector<16xf32>
        %add3A_1367 = arith.constant 14 : i32
        %add3A_1368 = vector.broadcast %add3A_1367 : i32 to vector<16xi32>
        %add3A_1369 = arith.addi %iota3A, %add3A_1368 : vector<16xi32>
        %and3A_1370 = arith.constant 15 : i32
        %and3A_1371 = vector.broadcast %and3A_1370 : i32 to vector<16xi32>
        %and3A_1372 = arith.andi %add3A_1369, %and3A_1371 : vector<16xi32>
        %add3A_1373 = arith.constant 48 : i32
        %add3A_1374 = vector.broadcast %add3A_1373 : i32 to vector<16xi32>
        %add3A_1375 = arith.addi %and3A_1372, %add3A_1374 : vector<16xi32>
        %gather3A_1376 = tpu.vector_load_idx %arg6[%add3A_130, %add3A_1375] : memref<128x128xf32, #tpu.memory_space<vmem>>[vector<16xi32>, vector<16xi32>], vector<16xf32>,
        %mul3A_1377 = arith.constant 8.000000e+00 : f32
        %mul3A_1378 = vector.broadcast %mul3A_1377 : f32 to vector<16xf32>
        %mul3A_1379 = arith.mulf %gather3A_1376, %mul3A_1378 : vector<16xf32>
        %add3A_1380 = arith.constant 15 : i32
        %add3A_1381 = vector.broadcast %add3A_1380 : i32 to vector<16xi32>
        %add3A_1382 = arith.addi %iota3A, %add3A_1381 : vector<16xi32>
        %and3A_1383 = arith.constant 15 : i32
        %and3A_1384 = vector.broadcast %and3A_1383 : i32 to vector<16xi32>
        %and3A_1385 = arith.andi %add3A_1382, %and3A_1384 : vector<16xi32>
        %add3A_1386 = arith.constant 48 : i32
        %add3A_1387 = vector.broadcast %add3A_1386 : i32 to vector<16xi32>
        %add3A_1388 = arith.addi %and3A_1385, %add3A_1387 : vector<16xi32>
        %gather3A_1389 = tpu.vector_load_idx %arg6[%add3A_130, %add3A_1388] : memref<128x128xf32, #tpu.memory_space<vmem>>[vector<16xi32>, vector<16xi32>], vector<16xf32>,
        %mul3A_1390 = arith.constant 8.000000e+00 : f32
        %mul3A_1391 = vector.broadcast %mul3A_1390 : f32 to vector<16xf32>
        %mul3A_1392 = arith.mulf %gather3A_1389, %mul3A_1391 : vector<16xf32>
        %add3A_1393 = arith.constant 0 : i32
        %add3A_1394 = vector.broadcast %add3A_1393 : i32 to vector<16xi32>
        %add3A_1395 = arith.addi %iota3A, %add3A_1394 : vector<16xi32>
        %and3A_1396 = arith.constant 15 : i32
        %and3A_1397 = vector.broadcast %and3A_1396 : i32 to vector<16xi32>
        %and3A_1398 = arith.andi %add3A_1395, %and3A_1397 : vector<16xi32>
        %add3A_1399 = arith.constant 48 : i32
        %add3A_1400 = vector.broadcast %add3A_1399 : i32 to vector<16xi32>
        %add3A_1401 = arith.addi %and3A_1398, %add3A_1400 : vector<16xi32>
        tpu.vector_store_idx %arg8[%add3A_1401, %add3A_130], %mul3A_1197 : memref<64x128xf32, #tpu.memory_space<vmem>>[vector<16xi32>, vector<16xi32>], vector<16xf32>,
        %add3A_1402 = arith.constant 1 : i32
        %add3A_1403 = vector.broadcast %add3A_1402 : i32 to vector<16xi32>
        %add3A_1404 = arith.addi %iota3A, %add3A_1403 : vector<16xi32>
        %and3A_1405 = arith.constant 15 : i32
        %and3A_1406 = vector.broadcast %and3A_1405 : i32 to vector<16xi32>
        %and3A_1407 = arith.andi %add3A_1404, %and3A_1406 : vector<16xi32>
        %add3A_1408 = arith.constant 48 : i32
        %add3A_1409 = vector.broadcast %add3A_1408 : i32 to vector<16xi32>
        %add3A_1410 = arith.addi %and3A_1407, %add3A_1409 : vector<16xi32>
        tpu.vector_store_idx %arg8[%add3A_1410, %add3A_130], %mul3A_1210 : memref<64x128xf32, #tpu.memory_space<vmem>>[vector<16xi32>, vector<16xi32>], vector<16xf32>,
        %add3A_1411 = arith.constant 2 : i32
        %add3A_1412 = vector.broadcast %add3A_1411 : i32 to vector<16xi32>
        %add3A_1413 = arith.addi %iota3A, %add3A_1412 : vector<16xi32>
        %and3A_1414 = arith.constant 15 : i32
        %and3A_1415 = vector.broadcast %and3A_1414 : i32 to vector<16xi32>
        %and3A_1416 = arith.andi %add3A_1413, %and3A_1415 : vector<16xi32>
        %add3A_1417 = arith.constant 48 : i32
        %add3A_1418 = vector.broadcast %add3A_1417 : i32 to vector<16xi32>
        %add3A_1419 = arith.addi %and3A_1416, %add3A_1418 : vector<16xi32>
        tpu.vector_store_idx %arg8[%add3A_1419, %add3A_130], %mul3A_1223 : memref<64x128xf32, #tpu.memory_space<vmem>>[vector<16xi32>, vector<16xi32>], vector<16xf32>,
        %add3A_1420 = arith.constant 3 : i32
        %add3A_1421 = vector.broadcast %add3A_1420 : i32 to vector<16xi32>
        %add3A_1422 = arith.addi %iota3A, %add3A_1421 : vector<16xi32>
        %and3A_1423 = arith.constant 15 : i32
        %and3A_1424 = vector.broadcast %and3A_1423 : i32 to vector<16xi32>
        %and3A_1425 = arith.andi %add3A_1422, %and3A_1424 : vector<16xi32>
        %add3A_1426 = arith.constant 48 : i32
        %add3A_1427 = vector.broadcast %add3A_1426 : i32 to vector<16xi32>
        %add3A_1428 = arith.addi %and3A_1425, %add3A_1427 : vector<16xi32>
        tpu.vector_store_idx %arg8[%add3A_1428, %add3A_130], %mul3A_1236 : memref<64x128xf32, #tpu.memory_space<vmem>>[vector<16xi32>, vector<16xi32>], vector<16xf32>,
        %add3A_1429 = arith.constant 4 : i32
        %add3A_1430 = vector.broadcast %add3A_1429 : i32 to vector<16xi32>
        %add3A_1431 = arith.addi %iota3A, %add3A_1430 : vector<16xi32>
        %and3A_1432 = arith.constant 15 : i32
        %and3A_1433 = vector.broadcast %and3A_1432 : i32 to vector<16xi32>
        %and3A_1434 = arith.andi %add3A_1431, %and3A_1433 : vector<16xi32>
        %add3A_1435 = arith.constant 48 : i32
        %add3A_1436 = vector.broadcast %add3A_1435 : i32 to vector<16xi32>
        %add3A_1437 = arith.addi %and3A_1434, %add3A_1436 : vector<16xi32>
        tpu.vector_store_idx %arg8[%add3A_1437, %add3A_130], %mul3A_1249 : memref<64x128xf32, #tpu.memory_space<vmem>>[vector<16xi32>, vector<16xi32>], vector<16xf32>,
        %add3A_1438 = arith.constant 5 : i32
        %add3A_1439 = vector.broadcast %add3A_1438 : i32 to vector<16xi32>
        %add3A_1440 = arith.addi %iota3A, %add3A_1439 : vector<16xi32>
        %and3A_1441 = arith.constant 15 : i32
        %and3A_1442 = vector.broadcast %and3A_1441 : i32 to vector<16xi32>
        %and3A_1443 = arith.andi %add3A_1440, %and3A_1442 : vector<16xi32>
        %add3A_1444 = arith.constant 48 : i32
        %add3A_1445 = vector.broadcast %add3A_1444 : i32 to vector<16xi32>
        %add3A_1446 = arith.addi %and3A_1443, %add3A_1445 : vector<16xi32>
        tpu.vector_store_idx %arg8[%add3A_1446, %add3A_130], %mul3A_1262 : memref<64x128xf32, #tpu.memory_space<vmem>>[vector<16xi32>, vector<16xi32>], vector<16xf32>,
        %add3A_1447 = arith.constant 6 : i32
        %add3A_1448 = vector.broadcast %add3A_1447 : i32 to vector<16xi32>
        %add3A_1449 = arith.addi %iota3A, %add3A_1448 : vector<16xi32>
        %and3A_1450 = arith.constant 15 : i32
        %and3A_1451 = vector.broadcast %and3A_1450 : i32 to vector<16xi32>
        %and3A_1452 = arith.andi %add3A_1449, %and3A_1451 : vector<16xi32>
        %add3A_1453 = arith.constant 48 : i32
        %add3A_1454 = vector.broadcast %add3A_1453 : i32 to vector<16xi32>
        %add3A_1455 = arith.addi %and3A_1452, %add3A_1454 : vector<16xi32>
        tpu.vector_store_idx %arg8[%add3A_1455, %add3A_130], %mul3A_1275 : memref<64x128xf32, #tpu.memory_space<vmem>>[vector<16xi32>, vector<16xi32>], vector<16xf32>,
        %add3A_1456 = arith.constant 7 : i32
        %add3A_1457 = vector.broadcast %add3A_1456 : i32 to vector<16xi32>
        %add3A_1458 = arith.addi %iota3A, %add3A_1457 : vector<16xi32>
        %and3A_1459 = arith.constant 15 : i32
        %and3A_1460 = vector.broadcast %and3A_1459 : i32 to vector<16xi32>
        %and3A_1461 = arith.andi %add3A_1458, %and3A_1460 : vector<16xi32>
        %add3A_1462 = arith.constant 48 : i32
        %add3A_1463 = vector.broadcast %add3A_1462 : i32 to vector<16xi32>
        %add3A_1464 = arith.addi %and3A_1461, %add3A_1463 : vector<16xi32>
        tpu.vector_store_idx %arg8[%add3A_1464, %add3A_130], %mul3A_1288 : memref<64x128xf32, #tpu.memory_space<vmem>>[vector<16xi32>, vector<16xi32>], vector<16xf32>,
        %add3A_1465 = arith.constant 8 : i32
        %add3A_1466 = vector.broadcast %add3A_1465 : i32 to vector<16xi32>
        %add3A_1467 = arith.addi %iota3A, %add3A_1466 : vector<16xi32>
        %and3A_1468 = arith.constant 15 : i32
        %and3A_1469 = vector.broadcast %and3A_1468 : i32 to vector<16xi32>
        %and3A_1470 = arith.andi %add3A_1467, %and3A_1469 : vector<16xi32>
        %add3A_1471 = arith.constant 48 : i32
        %add3A_1472 = vector.broadcast %add3A_1471 : i32 to vector<16xi32>
        %add3A_1473 = arith.addi %and3A_1470, %add3A_1472 : vector<16xi32>
        tpu.vector_store_idx %arg8[%add3A_1473, %add3A_130], %mul3A_1301 : memref<64x128xf32, #tpu.memory_space<vmem>>[vector<16xi32>, vector<16xi32>], vector<16xf32>,
        %add3A_1474 = arith.constant 9 : i32
        %add3A_1475 = vector.broadcast %add3A_1474 : i32 to vector<16xi32>
        %add3A_1476 = arith.addi %iota3A, %add3A_1475 : vector<16xi32>
        %and3A_1477 = arith.constant 15 : i32
        %and3A_1478 = vector.broadcast %and3A_1477 : i32 to vector<16xi32>
        %and3A_1479 = arith.andi %add3A_1476, %and3A_1478 : vector<16xi32>
        %add3A_1480 = arith.constant 48 : i32
        %add3A_1481 = vector.broadcast %add3A_1480 : i32 to vector<16xi32>
        %add3A_1482 = arith.addi %and3A_1479, %add3A_1481 : vector<16xi32>
        tpu.vector_store_idx %arg8[%add3A_1482, %add3A_130], %mul3A_1314 : memref<64x128xf32, #tpu.memory_space<vmem>>[vector<16xi32>, vector<16xi32>], vector<16xf32>,
        %add3A_1483 = arith.constant 10 : i32
        %add3A_1484 = vector.broadcast %add3A_1483 : i32 to vector<16xi32>
        %add3A_1485 = arith.addi %iota3A, %add3A_1484 : vector<16xi32>
        %and3A_1486 = arith.constant 15 : i32
        %and3A_1487 = vector.broadcast %and3A_1486 : i32 to vector<16xi32>
        %and3A_1488 = arith.andi %add3A_1485, %and3A_1487 : vector<16xi32>
        %add3A_1489 = arith.constant 48 : i32
        %add3A_1490 = vector.broadcast %add3A_1489 : i32 to vector<16xi32>
        %add3A_1491 = arith.addi %and3A_1488, %add3A_1490 : vector<16xi32>
        tpu.vector_store_idx %arg8[%add3A_1491, %add3A_130], %mul3A_1327 : memref<64x128xf32, #tpu.memory_space<vmem>>[vector<16xi32>, vector<16xi32>], vector<16xf32>,
        %add3A_1492 = arith.constant 11 : i32
        %add3A_1493 = vector.broadcast %add3A_1492 : i32 to vector<16xi32>
        %add3A_1494 = arith.addi %iota3A, %add3A_1493 : vector<16xi32>
        %and3A_1495 = arith.constant 15 : i32
        %and3A_1496 = vector.broadcast %and3A_1495 : i32 to vector<16xi32>
        %and3A_1497 = arith.andi %add3A_1494, %and3A_1496 : vector<16xi32>
        %add3A_1498 = arith.constant 48 : i32
        %add3A_1499 = vector.broadcast %add3A_1498 : i32 to vector<16xi32>
        %add3A_1500 = arith.addi %and3A_1497, %add3A_1499 : vector<16xi32>
        tpu.vector_store_idx %arg8[%add3A_1500, %add3A_130], %mul3A_1340 : memref<64x128xf32, #tpu.memory_space<vmem>>[vector<16xi32>, vector<16xi32>], vector<16xf32>,
        %add3A_1501 = arith.constant 12 : i32
        %add3A_1502 = vector.broadcast %add3A_1501 : i32 to vector<16xi32>
        %add3A_1503 = arith.addi %iota3A, %add3A_1502 : vector<16xi32>
        %and3A_1504 = arith.constant 15 : i32
        %and3A_1505 = vector.broadcast %and3A_1504 : i32 to vector<16xi32>
        %and3A_1506 = arith.andi %add3A_1503, %and3A_1505 : vector<16xi32>
        %add3A_1507 = arith.constant 48 : i32
        %add3A_1508 = vector.broadcast %add3A_1507 : i32 to vector<16xi32>
        %add3A_1509 = arith.addi %and3A_1506, %add3A_1508 : vector<16xi32>
        tpu.vector_store_idx %arg8[%add3A_1509, %add3A_130], %mul3A_1353 : memref<64x128xf32, #tpu.memory_space<vmem>>[vector<16xi32>, vector<16xi32>], vector<16xf32>,
        %add3A_1510 = arith.constant 13 : i32
        %add3A_1511 = vector.broadcast %add3A_1510 : i32 to vector<16xi32>
        %add3A_1512 = arith.addi %iota3A, %add3A_1511 : vector<16xi32>
        %and3A_1513 = arith.constant 15 : i32
        %and3A_1514 = vector.broadcast %and3A_1513 : i32 to vector<16xi32>
        %and3A_1515 = arith.andi %add3A_1512, %and3A_1514 : vector<16xi32>
        %add3A_1516 = arith.constant 48 : i32
        %add3A_1517 = vector.broadcast %add3A_1516 : i32 to vector<16xi32>
        %add3A_1518 = arith.addi %and3A_1515, %add3A_1517 : vector<16xi32>
        tpu.vector_store_idx %arg8[%add3A_1518, %add3A_130], %mul3A_1366 : memref<64x128xf32, #tpu.memory_space<vmem>>[vector<16xi32>, vector<16xi32>], vector<16xf32>,
        %add3A_1519 = arith.constant 14 : i32
        %add3A_1520 = vector.broadcast %add3A_1519 : i32 to vector<16xi32>
        %add3A_1521 = arith.addi %iota3A, %add3A_1520 : vector<16xi32>
        %and3A_1522 = arith.constant 15 : i32
        %and3A_1523 = vector.broadcast %and3A_1522 : i32 to vector<16xi32>
        %and3A_1524 = arith.andi %add3A_1521, %and3A_1523 : vector<16xi32>
        %add3A_1525 = arith.constant 48 : i32
        %add3A_1526 = vector.broadcast %add3A_1525 : i32 to vector<16xi32>
        %add3A_1527 = arith.addi %and3A_1524, %add3A_1526 : vector<16xi32>
        tpu.vector_store_idx %arg8[%add3A_1527, %add3A_130], %mul3A_1379 : memref<64x128xf32, #tpu.memory_space<vmem>>[vector<16xi32>, vector<16xi32>], vector<16xf32>,
        %add3A_1528 = arith.constant 15 : i32
        %add3A_1529 = vector.broadcast %add3A_1528 : i32 to vector<16xi32>
        %add3A_1530 = arith.addi %iota3A, %add3A_1529 : vector<16xi32>
        %and3A_1531 = arith.constant 15 : i32
        %and3A_1532 = vector.broadcast %and3A_1531 : i32 to vector<16xi32>
        %and3A_1533 = arith.andi %add3A_1530, %and3A_1532 : vector<16xi32>
        %add3A_1534 = arith.constant 48 : i32
        %add3A_1535 = vector.broadcast %add3A_1534 : i32 to vector<16xi32>
        %add3A_1536 = arith.addi %and3A_1533, %add3A_1535 : vector<16xi32>
        tpu.vector_store_idx %arg8[%add3A_1536, %add3A_130], %mul3A_1392 : memref<64x128xf32, #tpu.memory_space<vmem>>[vector<16xi32>, vector<16xi32>], vector<16xf32>,
      }
      %scan3A_68 = arith.constant 8 : i32
      %dma_start3A_69 = arith.constant 0 : i32
      %dma_start3A_70 = arith.constant 0 : i32
      %dma_start3A_71 = tpu.memref_slice %arg4[%add3A_50, %dma_start3A_70, %mul3A_2] : memref<200x64x4096xf32, #tpu.memory_space<hbm>> -> memref<1x64x128xf32, #tpu.memory_space<hbm>>
      %dma_start3A_72 = tpu.memref_squeeze %dma_start3A_71 : memref<1x64x128xf32, #tpu.memory_space<hbm>> -> memref<64x128xf32, #tpu.memory_space<hbm>>
      %dma_start3A_73 = tpu.memref_slice %arg11[%dma_start3A_69] : memref<2x!tpu.dma_semaphore, #tpu.memory_space<semaphore_mem>> -> memref<1x!tpu.dma_semaphore, #tpu.memory_space<semaphore_mem>>
      %dma_start3A_74 = tpu.memref_squeeze %dma_start3A_73 : memref<1x!tpu.dma_semaphore, #tpu.memory_space<semaphore_mem>> -> memref<!tpu.dma_semaphore, #tpu.memory_space<semaphore_mem>>
      %dma_start3A_75 = arith.constant 0 : i32
      %dma_start3A_76 = tpu.memref_slice %arg4[%add3A_50, %dma_start3A_75, %mul3A_2] : memref<200x64x4096xf32, #tpu.memory_space<hbm>> -> memref<1x64x128xf32, #tpu.memory_space<hbm>>
      %dma_start3A_77 = tpu.memref_squeeze %dma_start3A_76 : memref<1x64x128xf32, #tpu.memory_space<hbm>> -> memref<64x128xf32, #tpu.memory_space<hbm>>
      tpu.enqueue_dma source(%arg8 : memref<64x128xf32, #tpu.memory_space<vmem>>) target(%dma_start3A_77 : memref<64x128xf32, #tpu.memory_space<hbm>>) target_semaphore(%dma_start3A_74 : memref<!tpu.dma_semaphore, #tpu.memory_space<semaphore_mem>>)
      %add3A_78 = arith.constant 2 : i32
      %add3A_79 = arith.addi %add3A_50, %add3A_78 : i32
      %lt3A = arith.constant 200 : i32
      %lt3A_80 = arith.cmpi slt, %add3A_79, %lt3A : i32
      %convert_element_type3A_81 = arith.extui %lt3A_80 : i1 to i32
      %cond3A_82 = arith.constant 0 : i32
      %cond3A_83 = arith.cmpi ne, %convert_element_type3A_81, %cond3A_82 : i32
      scf.if %cond3A_83 {
        %add3A_126 = arith.constant 2 : i32
        %add3A_127 = arith.addi %add3A_50, %add3A_126 : i32
        %dma_start3A_128 = arith.constant 0 : i32
        %dma_start3A_129 = arith.constant 0 : i32
        %dma_start3A_130 = tpu.memref_slice %arg5[%add3A_127, %dma_start3A_129] : memref<200x128xi32, #tpu.memory_space<vmem>> -> memref<1x128xi32, #tpu.memory_space<vmem>>
        %dma_start3A_131 = tpu.memref_squeeze %dma_start3A_130 : memref<1x128xi32, #tpu.memory_space<vmem>> -> memref<128xi32, #tpu.memory_space<vmem>>
        %dma_start3A_132 = arith.constant 0 : i32
        %dma_start3A_133 = arith.constant 0 : i32
        %dma_start3A_134 = tpu.memref_slice %arg3[%dma_start3A_132, %dma_start3A_133] : memref<1000000x128xf32, #tpu.memory_space<hbm>> -> memref<1000000x128xf32, #tpu.memory_space<hbm>>
        %dma_start3A_135 = tpu.memref_slice %arg10[%dma_start3A_128] : memref<2x!tpu.dma_semaphore, #tpu.memory_space<semaphore_mem>> -> memref<1x!tpu.dma_semaphore, #tpu.memory_space<semaphore_mem>>
        %dma_start3A_136 = tpu.memref_squeeze %dma_start3A_135 : memref<1x!tpu.dma_semaphore, #tpu.memory_space<semaphore_mem>> -> memref<!tpu.dma_semaphore, #tpu.memory_space<semaphore_mem>>
        tpu.enqueue_indirect_dma source(%dma_start3A_134 : memref<1000000x128xf32, #tpu.memory_space<hbm>>) target(%arg6 : memref<128x128xf32, #tpu.memory_space<vmem>>) offsets(%dma_start3A_131 : memref<128xi32, #tpu.memory_space<vmem>>) semaphore(%dma_start3A_136 : memref<!tpu.dma_semaphore, #tpu.memory_space<semaphore_mem>>)
      } else {
      }
      %mul3A_84 = arith.constant 2 : i32
      %mul3A_85 = arith.muli %mul3A_84, %scan3A_46 : i32
      %add3A_86 = arith.constant 1 : i32
      %add3A_87 = arith.addi %mul3A_85, %add3A_86 : i32
      %dma_wait3A_88 = arith.constant 0 : i32
      %dma_wait3A_89 = arith.constant 1 : i32
      %dma_wait3A_90 = arith.constant 0 : i32
      %dma_wait3A_91 = tpu.memref_slice %arg5[%dma_wait3A_88, %dma_wait3A_90] : memref<200x128xi32, #tpu.memory_space<vmem>> -> memref<1x128xi32, #tpu.memory_space<vmem>>
      %dma_wait3A_92 = tpu.memref_squeeze %dma_wait3A_91 : memref<1x128xi32, #tpu.memory_space<vmem>> -> memref<128xi32, #tpu.memory_space<vmem>>
      %dma_wait3A_93 = arith.constant 0 : i32
      %dma_wait3A_94 = arith.constant 0 : i32
      %dma_wait3A_95 = tpu.memref_slice %arg3[%dma_wait3A_93, %dma_wait3A_94] : memref<1000000x128xf32, #tpu.memory_space<hbm>> -> memref<1000000x128xf32, #tpu.memory_space<hbm>>
      %dma_wait3A_96 = tpu.memref_slice %arg10[%dma_wait3A_89] : memref<2x!tpu.dma_semaphore, #tpu.memory_space<semaphore_mem>> -> memref<1x!tpu.dma_semaphore, #tpu.memory_space<semaphore_mem>>
      %dma_wait3A_97 = tpu.memref_squeeze %dma_wait3A_96 : memref<1x!tpu.dma_semaphore, #tpu.memory_space<semaphore_mem>> -> memref<!tpu.dma_semaphore, #tpu.memory_space<semaphore_mem>>
      tpu.wait_indirect_dma semaphore(%dma_wait3A_97 : memref<!tpu.dma_semaphore, #tpu.memory_space<semaphore_mem>>) src(%dma_wait3A_95 : memref<1000000x128xf32, #tpu.memory_space<hbm>>) dst(%arg7 : memref<128x128xf32, #tpu.memory_space<vmem>>)
      %ge3A_98 = arith.constant 2 : i32
      %ge3A_99 = arith.cmpi sge, %add3A_87, %ge3A_98 : i32
      %convert_element_type3A_100 = arith.extui %ge3A_99 : i1 to i32
      %cond3A_101 = arith.constant 0 : i32
      %cond3A_102 = arith.cmpi ne, %convert_element_type3A_100, %cond3A_101 : i32
      scf.if %cond3A_102 {
        %dma_wait3A_126 = arith.constant 0 : i32
        %dma_wait3A_127 = arith.constant 1 : i32
        %dma_wait3A_128 = arith.constant 0 : i32
        %dma_wait3A_129 = tpu.memref_slice %arg4[%dma_wait3A_126, %dma_wait3A_128, %mul3A_2] : memref<200x64x4096xf32, #tpu.memory_space<hbm>> -> memref<1x64x128xf32, #tpu.memory_space<hbm>>
        %dma_wait3A_130 = tpu.memref_squeeze %dma_wait3A_129 : memref<1x64x128xf32, #tpu.memory_space<hbm>> -> memref<64x128xf32, #tpu.memory_space<hbm>>
        %dma_wait3A_131 = tpu.memref_slice %arg11[%dma_wait3A_127] : memref<2x!tpu.dma_semaphore, #tpu.memory_space<semaphore_mem>> -> memref<1x!tpu.dma_semaphore, #tpu.memory_space<semaphore_mem>>
        %dma_wait3A_132 = tpu.memref_squeeze %dma_wait3A_131 : memref<1x!tpu.dma_semaphore, #tpu.memory_space<semaphore_mem>> -> memref<!tpu.dma_semaphore, #tpu.memory_space<semaphore_mem>>
        %dma_wait3A_133 = arith.constant 0 : i32
        %dma_wait3A_134 = tpu.memref_slice %arg4[%dma_wait3A_126, %dma_wait3A_133, %mul3A_2] : memref<200x64x4096xf32, #tpu.memory_space<hbm>> -> memref<1x64x128xf32, #tpu.memory_space<hbm>>
        %dma_wait3A_135 = tpu.memref_squeeze %dma_wait3A_134 : memref<1x64x128xf32, #tpu.memory_space<hbm>> -> memref<64x128xf32, #tpu.memory_space<hbm>>
        tpu.wait_dma2 semaphore(%dma_wait3A_132 : memref<!tpu.dma_semaphore, #tpu.memory_space<semaphore_mem>>) src(%arg9 : memref<64x128xf32, #tpu.memory_space<vmem>>) dst(%dma_wait3A_135 : memref<64x128xf32, #tpu.memory_space<hbm>>)
      } else {
      }
      %iota3A_103 = tpu.iota {dimensions = array<i32: 0>} : vector<16xi32>
      %scan3A_104 = arith.constant 0 : i32
      %scan3A_105 = arith.constant 0 : i32
      %scan3A_106 = arith.constant 8 : i32
      %scan3A_107 = arith.addi %scan3A_105, %scan3A_106 : i32
      %scan3A_108 = arith.constant 1 : i32
      scf.for %scan3A_126 = %scan3A_105 to %scan3A_107 step %scan3A_108  : i32 {
        %mul3A_127 = arith.constant 16 : i32
        %mul3A_128 = arith.muli %scan3A_126, %mul3A_127 : i32
        %add3A_129 = vector.broadcast %mul3A_128 : i32 to vector<16xi32>
        %add3A_130 = arith.addi %iota3A_103, %add3A_129 : vector<16xi32>
        %add3A_131 = arith.constant 0 : i32
        %add3A_132 = vector.broadcast %add3A_131 : i32 to vector<16xi32>
        %add3A_133 = arith.addi %iota3A_103, %add3A_132 : vector<16xi32>
        %and3A = arith.constant 15 : i32
        %and3A_134 = vector.broadcast %and3A : i32 to vector<16xi32>
        %and3A_135 = arith.andi %add3A_133, %and3A_134 : vector<16xi32>
        %add3A_136 = arith.constant 0 : i32
        %add3A_137 = vector.broadcast %add3A_136 : i32 to vector<16xi32>
        %add3A_138 = arith.addi %and3A_135, %add3A_137 : vector<16xi32>
        %gather3A = tpu.vector_load_idx %arg7[%add3A_130, %add3A_138] : memref<128x128xf32, #tpu.memory_space<vmem>>[vector<16xi32>, vector<16xi32>], vector<16xf32>,
        %mul3A_139 = arith.constant 8.000000e+00 : f32
        %mul3A_140 = vector.broadcast %mul3A_139 : f32 to vector<16xf32>
        %mul3A_141 = arith.mulf %gather3A, %mul3A_140 : vector<16xf32>
        %add3A_142 = arith.constant 1 : i32
        %add3A_143 = vector.broadcast %add3A_142 : i32 to vector<16xi32>
        %add3A_144 = arith.addi %iota3A_103, %add3A_143 : vector<16xi32>
        %and3A_145 = arith.constant 15 : i32
        %and3A_146 = vector.broadcast %and3A_145 : i32 to vector<16xi32>
        %and3A_147 = arith.andi %add3A_144, %and3A_146 : vector<16xi32>
        %add3A_148 = arith.constant 0 : i32
        %add3A_149 = vector.broadcast %add3A_148 : i32 to vector<16xi32>
        %add3A_150 = arith.addi %and3A_147, %add3A_149 : vector<16xi32>
        %gather3A_151 = tpu.vector_load_idx %arg7[%add3A_130, %add3A_150] : memref<128x128xf32, #tpu.memory_space<vmem>>[vector<16xi32>, vector<16xi32>], vector<16xf32>,
        %mul3A_152 = arith.constant 8.000000e+00 : f32
        %mul3A_153 = vector.broadcast %mul3A_152 : f32 to vector<16xf32>
        %mul3A_154 = arith.mulf %gather3A_151, %mul3A_153 : vector<16xf32>
        %add3A_155 = arith.constant 2 : i32
        %add3A_156 = vector.broadcast %add3A_155 : i32 to vector<16xi32>
        %add3A_157 = arith.addi %iota3A_103, %add3A_156 : vector<16xi32>
        %and3A_158 = arith.constant 15 : i32
        %and3A_159 = vector.broadcast %and3A_158 : i32 to vector<16xi32>
        %and3A_160 = arith.andi %add3A_157, %and3A_159 : vector<16xi32>
        %add3A_161 = arith.constant 0 : i32
        %add3A_162 = vector.broadcast %add3A_161 : i32 to vector<16xi32>
        %add3A_163 = arith.addi %and3A_160, %add3A_162 : vector<16xi32>
        %gather3A_164 = tpu.vector_load_idx %arg7[%add3A_130, %add3A_163] : memref<128x128xf32, #tpu.memory_space<vmem>>[vector<16xi32>, vector<16xi32>], vector<16xf32>,
        %mul3A_165 = arith.constant 8.000000e+00 : f32
        %mul3A_166 = vector.broadcast %mul3A_165 : f32 to vector<16xf32>
        %mul3A_167 = arith.mulf %gather3A_164, %mul3A_166 : vector<16xf32>
        %add3A_168 = arith.constant 3 : i32
        %add3A_169 = vector.broadcast %add3A_168 : i32 to vector<16xi32>
        %add3A_170 = arith.addi %iota3A_103, %add3A_169 : vector<16xi32>
        %and3A_171 = arith.constant 15 : i32
        %and3A_172 = vector.broadcast %and3A_171 : i32 to vector<16xi32>
        %and3A_173 = arith.andi %add3A_170, %and3A_172 : vector<16xi32>
        %add3A_174 = arith.constant 0 : i32
        %add3A_175 = vector.broadcast %add3A_174 : i32 to vector<16xi32>
        %add3A_176 = arith.addi %and3A_173, %add3A_175 : vector<16xi32>
        %gather3A_177 = tpu.vector_load_idx %arg7[%add3A_130, %add3A_176] : memref<128x128xf32, #tpu.memory_space<vmem>>[vector<16xi32>, vector<16xi32>], vector<16xf32>,
        %mul3A_178 = arith.constant 8.000000e+00 : f32
        %mul3A_179 = vector.broadcast %mul3A_178 : f32 to vector<16xf32>
        %mul3A_180 = arith.mulf %gather3A_177, %mul3A_179 : vector<16xf32>
        %add3A_181 = arith.constant 4 : i32
        %add3A_182 = vector.broadcast %add3A_181 : i32 to vector<16xi32>
        %add3A_183 = arith.addi %iota3A_103, %add3A_182 : vector<16xi32>
        %and3A_184 = arith.constant 15 : i32
        %and3A_185 = vector.broadcast %and3A_184 : i32 to vector<16xi32>
        %and3A_186 = arith.andi %add3A_183, %and3A_185 : vector<16xi32>
        %add3A_187 = arith.constant 0 : i32
        %add3A_188 = vector.broadcast %add3A_187 : i32 to vector<16xi32>
        %add3A_189 = arith.addi %and3A_186, %add3A_188 : vector<16xi32>
        %gather3A_190 = tpu.vector_load_idx %arg7[%add3A_130, %add3A_189] : memref<128x128xf32, #tpu.memory_space<vmem>>[vector<16xi32>, vector<16xi32>], vector<16xf32>,
        %mul3A_191 = arith.constant 8.000000e+00 : f32
        %mul3A_192 = vector.broadcast %mul3A_191 : f32 to vector<16xf32>
        %mul3A_193 = arith.mulf %gather3A_190, %mul3A_192 : vector<16xf32>
        %add3A_194 = arith.constant 5 : i32
        %add3A_195 = vector.broadcast %add3A_194 : i32 to vector<16xi32>
        %add3A_196 = arith.addi %iota3A_103, %add3A_195 : vector<16xi32>
        %and3A_197 = arith.constant 15 : i32
        %and3A_198 = vector.broadcast %and3A_197 : i32 to vector<16xi32>
        %and3A_199 = arith.andi %add3A_196, %and3A_198 : vector<16xi32>
        %add3A_200 = arith.constant 0 : i32
        %add3A_201 = vector.broadcast %add3A_200 : i32 to vector<16xi32>
        %add3A_202 = arith.addi %and3A_199, %add3A_201 : vector<16xi32>
        %gather3A_203 = tpu.vector_load_idx %arg7[%add3A_130, %add3A_202] : memref<128x128xf32, #tpu.memory_space<vmem>>[vector<16xi32>, vector<16xi32>], vector<16xf32>,
        %mul3A_204 = arith.constant 8.000000e+00 : f32
        %mul3A_205 = vector.broadcast %mul3A_204 : f32 to vector<16xf32>
        %mul3A_206 = arith.mulf %gather3A_203, %mul3A_205 : vector<16xf32>
        %add3A_207 = arith.constant 6 : i32
        %add3A_208 = vector.broadcast %add3A_207 : i32 to vector<16xi32>
        %add3A_209 = arith.addi %iota3A_103, %add3A_208 : vector<16xi32>
        %and3A_210 = arith.constant 15 : i32
        %and3A_211 = vector.broadcast %and3A_210 : i32 to vector<16xi32>
        %and3A_212 = arith.andi %add3A_209, %and3A_211 : vector<16xi32>
        %add3A_213 = arith.constant 0 : i32
        %add3A_214 = vector.broadcast %add3A_213 : i32 to vector<16xi32>
        %add3A_215 = arith.addi %and3A_212, %add3A_214 : vector<16xi32>
        %gather3A_216 = tpu.vector_load_idx %arg7[%add3A_130, %add3A_215] : memref<128x128xf32, #tpu.memory_space<vmem>>[vector<16xi32>, vector<16xi32>], vector<16xf32>,
        %mul3A_217 = arith.constant 8.000000e+00 : f32
        %mul3A_218 = vector.broadcast %mul3A_217 : f32 to vector<16xf32>
        %mul3A_219 = arith.mulf %gather3A_216, %mul3A_218 : vector<16xf32>
        %add3A_220 = arith.constant 7 : i32
        %add3A_221 = vector.broadcast %add3A_220 : i32 to vector<16xi32>
        %add3A_222 = arith.addi %iota3A_103, %add3A_221 : vector<16xi32>
        %and3A_223 = arith.constant 15 : i32
        %and3A_224 = vector.broadcast %and3A_223 : i32 to vector<16xi32>
        %and3A_225 = arith.andi %add3A_222, %and3A_224 : vector<16xi32>
        %add3A_226 = arith.constant 0 : i32
        %add3A_227 = vector.broadcast %add3A_226 : i32 to vector<16xi32>
        %add3A_228 = arith.addi %and3A_225, %add3A_227 : vector<16xi32>
        %gather3A_229 = tpu.vector_load_idx %arg7[%add3A_130, %add3A_228] : memref<128x128xf32, #tpu.memory_space<vmem>>[vector<16xi32>, vector<16xi32>], vector<16xf32>,
        %mul3A_230 = arith.constant 8.000000e+00 : f32
        %mul3A_231 = vector.broadcast %mul3A_230 : f32 to vector<16xf32>
        %mul3A_232 = arith.mulf %gather3A_229, %mul3A_231 : vector<16xf32>
        %add3A_233 = arith.constant 8 : i32
        %add3A_234 = vector.broadcast %add3A_233 : i32 to vector<16xi32>
        %add3A_235 = arith.addi %iota3A_103, %add3A_234 : vector<16xi32>
        %and3A_236 = arith.constant 15 : i32
        %and3A_237 = vector.broadcast %and3A_236 : i32 to vector<16xi32>
        %and3A_238 = arith.andi %add3A_235, %and3A_237 : vector<16xi32>
        %add3A_239 = arith.constant 0 : i32
        %add3A_240 = vector.broadcast %add3A_239 : i32 to vector<16xi32>
        %add3A_241 = arith.addi %and3A_238, %add3A_240 : vector<16xi32>
        %gather3A_242 = tpu.vector_load_idx %arg7[%add3A_130, %add3A_241] : memref<128x128xf32, #tpu.memory_space<vmem>>[vector<16xi32>, vector<16xi32>], vector<16xf32>,
        %mul3A_243 = arith.constant 8.000000e+00 : f32
        %mul3A_244 = vector.broadcast %mul3A_243 : f32 to vector<16xf32>
        %mul3A_245 = arith.mulf %gather3A_242, %mul3A_244 : vector<16xf32>
        %add3A_246 = arith.constant 9 : i32
        %add3A_247 = vector.broadcast %add3A_246 : i32 to vector<16xi32>
        %add3A_248 = arith.addi %iota3A_103, %add3A_247 : vector<16xi32>
        %and3A_249 = arith.constant 15 : i32
        %and3A_250 = vector.broadcast %and3A_249 : i32 to vector<16xi32>
        %and3A_251 = arith.andi %add3A_248, %and3A_250 : vector<16xi32>
        %add3A_252 = arith.constant 0 : i32
        %add3A_253 = vector.broadcast %add3A_252 : i32 to vector<16xi32>
        %add3A_254 = arith.addi %and3A_251, %add3A_253 : vector<16xi32>
        %gather3A_255 = tpu.vector_load_idx %arg7[%add3A_130, %add3A_254] : memref<128x128xf32, #tpu.memory_space<vmem>>[vector<16xi32>, vector<16xi32>], vector<16xf32>,
        %mul3A_256 = arith.constant 8.000000e+00 : f32
        %mul3A_257 = vector.broadcast %mul3A_256 : f32 to vector<16xf32>
        %mul3A_258 = arith.mulf %gather3A_255, %mul3A_257 : vector<16xf32>
        %add3A_259 = arith.constant 10 : i32
        %add3A_260 = vector.broadcast %add3A_259 : i32 to vector<16xi32>
        %add3A_261 = arith.addi %iota3A_103, %add3A_260 : vector<16xi32>
        %and3A_262 = arith.constant 15 : i32
        %and3A_263 = vector.broadcast %and3A_262 : i32 to vector<16xi32>
        %and3A_264 = arith.andi %add3A_261, %and3A_263 : vector<16xi32>
        %add3A_265 = arith.constant 0 : i32
        %add3A_266 = vector.broadcast %add3A_265 : i32 to vector<16xi32>
        %add3A_267 = arith.addi %and3A_264, %add3A_266 : vector<16xi32>
        %gather3A_268 = tpu.vector_load_idx %arg7[%add3A_130, %add3A_267] : memref<128x128xf32, #tpu.memory_space<vmem>>[vector<16xi32>, vector<16xi32>], vector<16xf32>,
        %mul3A_269 = arith.constant 8.000000e+00 : f32
        %mul3A_270 = vector.broadcast %mul3A_269 : f32 to vector<16xf32>
        %mul3A_271 = arith.mulf %gather3A_268, %mul3A_270 : vector<16xf32>
        %add3A_272 = arith.constant 11 : i32
        %add3A_273 = vector.broadcast %add3A_272 : i32 to vector<16xi32>
        %add3A_274 = arith.addi %iota3A_103, %add3A_273 : vector<16xi32>
        %and3A_275 = arith.constant 15 : i32
        %and3A_276 = vector.broadcast %and3A_275 : i32 to vector<16xi32>
        %and3A_277 = arith.andi %add3A_274, %and3A_276 : vector<16xi32>
        %add3A_278 = arith.constant 0 : i32
        %add3A_279 = vector.broadcast %add3A_278 : i32 to vector<16xi32>
        %add3A_280 = arith.addi %and3A_277, %add3A_279 : vector<16xi32>
        %gather3A_281 = tpu.vector_load_idx %arg7[%add3A_130, %add3A_280] : memref<128x128xf32, #tpu.memory_space<vmem>>[vector<16xi32>, vector<16xi32>], vector<16xf32>,
        %mul3A_282 = arith.constant 8.000000e+00 : f32
        %mul3A_283 = vector.broadcast %mul3A_282 : f32 to vector<16xf32>
        %mul3A_284 = arith.mulf %gather3A_281, %mul3A_283 : vector<16xf32>
        %add3A_285 = arith.constant 12 : i32
        %add3A_286 = vector.broadcast %add3A_285 : i32 to vector<16xi32>
        %add3A_287 = arith.addi %iota3A_103, %add3A_286 : vector<16xi32>
        %and3A_288 = arith.constant 15 : i32
        %and3A_289 = vector.broadcast %and3A_288 : i32 to vector<16xi32>
        %and3A_290 = arith.andi %add3A_287, %and3A_289 : vector<16xi32>
        %add3A_291 = arith.constant 0 : i32
        %add3A_292 = vector.broadcast %add3A_291 : i32 to vector<16xi32>
        %add3A_293 = arith.addi %and3A_290, %add3A_292 : vector<16xi32>
        %gather3A_294 = tpu.vector_load_idx %arg7[%add3A_130, %add3A_293] : memref<128x128xf32, #tpu.memory_space<vmem>>[vector<16xi32>, vector<16xi32>], vector<16xf32>,
        %mul3A_295 = arith.constant 8.000000e+00 : f32
        %mul3A_296 = vector.broadcast %mul3A_295 : f32 to vector<16xf32>
        %mul3A_297 = arith.mulf %gather3A_294, %mul3A_296 : vector<16xf32>
        %add3A_298 = arith.constant 13 : i32
        %add3A_299 = vector.broadcast %add3A_298 : i32 to vector<16xi32>
        %add3A_300 = arith.addi %iota3A_103, %add3A_299 : vector<16xi32>
        %and3A_301 = arith.constant 15 : i32
        %and3A_302 = vector.broadcast %and3A_301 : i32 to vector<16xi32>
        %and3A_303 = arith.andi %add3A_300, %and3A_302 : vector<16xi32>
        %add3A_304 = arith.constant 0 : i32
        %add3A_305 = vector.broadcast %add3A_304 : i32 to vector<16xi32>
        %add3A_306 = arith.addi %and3A_303, %add3A_305 : vector<16xi32>
        %gather3A_307 = tpu.vector_load_idx %arg7[%add3A_130, %add3A_306] : memref<128x128xf32, #tpu.memory_space<vmem>>[vector<16xi32>, vector<16xi32>], vector<16xf32>,
        %mul3A_308 = arith.constant 8.000000e+00 : f32
        %mul3A_309 = vector.broadcast %mul3A_308 : f32 to vector<16xf32>
        %mul3A_310 = arith.mulf %gather3A_307, %mul3A_309 : vector<16xf32>
        %add3A_311 = arith.constant 14 : i32
        %add3A_312 = vector.broadcast %add3A_311 : i32 to vector<16xi32>
        %add3A_313 = arith.addi %iota3A_103, %add3A_312 : vector<16xi32>
        %and3A_314 = arith.constant 15 : i32
        %and3A_315 = vector.broadcast %and3A_314 : i32 to vector<16xi32>
        %and3A_316 = arith.andi %add3A_313, %and3A_315 : vector<16xi32>
        %add3A_317 = arith.constant 0 : i32
        %add3A_318 = vector.broadcast %add3A_317 : i32 to vector<16xi32>
        %add3A_319 = arith.addi %and3A_316, %add3A_318 : vector<16xi32>
        %gather3A_320 = tpu.vector_load_idx %arg7[%add3A_130, %add3A_319] : memref<128x128xf32, #tpu.memory_space<vmem>>[vector<16xi32>, vector<16xi32>], vector<16xf32>,
        %mul3A_321 = arith.constant 8.000000e+00 : f32
        %mul3A_322 = vector.broadcast %mul3A_321 : f32 to vector<16xf32>
        %mul3A_323 = arith.mulf %gather3A_320, %mul3A_322 : vector<16xf32>
        %add3A_324 = arith.constant 15 : i32
        %add3A_325 = vector.broadcast %add3A_324 : i32 to vector<16xi32>
        %add3A_326 = arith.addi %iota3A_103, %add3A_325 : vector<16xi32>
        %and3A_327 = arith.constant 15 : i32
        %and3A_328 = vector.broadcast %and3A_327 : i32 to vector<16xi32>
        %and3A_329 = arith.andi %add3A_326, %and3A_328 : vector<16xi32>
        %add3A_330 = arith.constant 0 : i32
        %add3A_331 = vector.broadcast %add3A_330 : i32 to vector<16xi32>
        %add3A_332 = arith.addi %and3A_329, %add3A_331 : vector<16xi32>
        %gather3A_333 = tpu.vector_load_idx %arg7[%add3A_130, %add3A_332] : memref<128x128xf32, #tpu.memory_space<vmem>>[vector<16xi32>, vector<16xi32>], vector<16xf32>,
        %mul3A_334 = arith.constant 8.000000e+00 : f32
        %mul3A_335 = vector.broadcast %mul3A_334 : f32 to vector<16xf32>
        %mul3A_336 = arith.mulf %gather3A_333, %mul3A_335 : vector<16xf32>
        %add3A_337 = arith.constant 0 : i32
        %add3A_338 = vector.broadcast %add3A_337 : i32 to vector<16xi32>
        %add3A_339 = arith.addi %iota3A_103, %add3A_338 : vector<16xi32>
        %and3A_340 = arith.constant 15 : i32
        %and3A_341 = vector.broadcast %and3A_340 : i32 to vector<16xi32>
        %and3A_342 = arith.andi %add3A_339, %and3A_341 : vector<16xi32>
        %add3A_343 = arith.constant 0 : i32
        %add3A_344 = vector.broadcast %add3A_343 : i32 to vector<16xi32>
        %add3A_345 = arith.addi %and3A_342, %add3A_344 : vector<16xi32>
        tpu.vector_store_idx %arg9[%add3A_345, %add3A_130], %mul3A_141 : memref<64x128xf32, #tpu.memory_space<vmem>>[vector<16xi32>, vector<16xi32>], vector<16xf32>,
        %add3A_346 = arith.constant 1 : i32
        %add3A_347 = vector.broadcast %add3A_346 : i32 to vector<16xi32>
        %add3A_348 = arith.addi %iota3A_103, %add3A_347 : vector<16xi32>
        %and3A_349 = arith.constant 15 : i32
        %and3A_350 = vector.broadcast %and3A_349 : i32 to vector<16xi32>
        %and3A_351 = arith.andi %add3A_348, %and3A_350 : vector<16xi32>
        %add3A_352 = arith.constant 0 : i32
        %add3A_353 = vector.broadcast %add3A_352 : i32 to vector<16xi32>
        %add3A_354 = arith.addi %and3A_351, %add3A_353 : vector<16xi32>
        tpu.vector_store_idx %arg9[%add3A_354, %add3A_130], %mul3A_154 : memref<64x128xf32, #tpu.memory_space<vmem>>[vector<16xi32>, vector<16xi32>], vector<16xf32>,
        %add3A_355 = arith.constant 2 : i32
        %add3A_356 = vector.broadcast %add3A_355 : i32 to vector<16xi32>
        %add3A_357 = arith.addi %iota3A_103, %add3A_356 : vector<16xi32>
        %and3A_358 = arith.constant 15 : i32
        %and3A_359 = vector.broadcast %and3A_358 : i32 to vector<16xi32>
        %and3A_360 = arith.andi %add3A_357, %and3A_359 : vector<16xi32>
        %add3A_361 = arith.constant 0 : i32
        %add3A_362 = vector.broadcast %add3A_361 : i32 to vector<16xi32>
        %add3A_363 = arith.addi %and3A_360, %add3A_362 : vector<16xi32>
        tpu.vector_store_idx %arg9[%add3A_363, %add3A_130], %mul3A_167 : memref<64x128xf32, #tpu.memory_space<vmem>>[vector<16xi32>, vector<16xi32>], vector<16xf32>,
        %add3A_364 = arith.constant 3 : i32
        %add3A_365 = vector.broadcast %add3A_364 : i32 to vector<16xi32>
        %add3A_366 = arith.addi %iota3A_103, %add3A_365 : vector<16xi32>
        %and3A_367 = arith.constant 15 : i32
        %and3A_368 = vector.broadcast %and3A_367 : i32 to vector<16xi32>
        %and3A_369 = arith.andi %add3A_366, %and3A_368 : vector<16xi32>
        %add3A_370 = arith.constant 0 : i32
        %add3A_371 = vector.broadcast %add3A_370 : i32 to vector<16xi32>
        %add3A_372 = arith.addi %and3A_369, %add3A_371 : vector<16xi32>
        tpu.vector_store_idx %arg9[%add3A_372, %add3A_130], %mul3A_180 : memref<64x128xf32, #tpu.memory_space<vmem>>[vector<16xi32>, vector<16xi32>], vector<16xf32>,
        %add3A_373 = arith.constant 4 : i32
        %add3A_374 = vector.broadcast %add3A_373 : i32 to vector<16xi32>
        %add3A_375 = arith.addi %iota3A_103, %add3A_374 : vector<16xi32>
        %and3A_376 = arith.constant 15 : i32
        %and3A_377 = vector.broadcast %and3A_376 : i32 to vector<16xi32>
        %and3A_378 = arith.andi %add3A_375, %and3A_377 : vector<16xi32>
        %add3A_379 = arith.constant 0 : i32
        %add3A_380 = vector.broadcast %add3A_379 : i32 to vector<16xi32>
        %add3A_381 = arith.addi %and3A_378, %add3A_380 : vector<16xi32>
        tpu.vector_store_idx %arg9[%add3A_381, %add3A_130], %mul3A_193 : memref<64x128xf32, #tpu.memory_space<vmem>>[vector<16xi32>, vector<16xi32>], vector<16xf32>,
        %add3A_382 = arith.constant 5 : i32
        %add3A_383 = vector.broadcast %add3A_382 : i32 to vector<16xi32>
        %add3A_384 = arith.addi %iota3A_103, %add3A_383 : vector<16xi32>
        %and3A_385 = arith.constant 15 : i32
        %and3A_386 = vector.broadcast %and3A_385 : i32 to vector<16xi32>
        %and3A_387 = arith.andi %add3A_384, %and3A_386 : vector<16xi32>
        %add3A_388 = arith.constant 0 : i32
        %add3A_389 = vector.broadcast %add3A_388 : i32 to vector<16xi32>
        %add3A_390 = arith.addi %and3A_387, %add3A_389 : vector<16xi32>
        tpu.vector_store_idx %arg9[%add3A_390, %add3A_130], %mul3A_206 : memref<64x128xf32, #tpu.memory_space<vmem>>[vector<16xi32>, vector<16xi32>], vector<16xf32>,
        %add3A_391 = arith.constant 6 : i32
        %add3A_392 = vector.broadcast %add3A_391 : i32 to vector<16xi32>
        %add3A_393 = arith.addi %iota3A_103, %add3A_392 : vector<16xi32>
        %and3A_394 = arith.constant 15 : i32
        %and3A_395 = vector.broadcast %and3A_394 : i32 to vector<16xi32>
        %and3A_396 = arith.andi %add3A_393, %and3A_395 : vector<16xi32>
        %add3A_397 = arith.constant 0 : i32
        %add3A_398 = vector.broadcast %add3A_397 : i32 to vector<16xi32>
        %add3A_399 = arith.addi %and3A_396, %add3A_398 : vector<16xi32>
        tpu.vector_store_idx %arg9[%add3A_399, %add3A_130], %mul3A_219 : memref<64x128xf32, #tpu.memory_space<vmem>>[vector<16xi32>, vector<16xi32>], vector<16xf32>,
        %add3A_400 = arith.constant 7 : i32
        %add3A_401 = vector.broadcast %add3A_400 : i32 to vector<16xi32>
        %add3A_402 = arith.addi %iota3A_103, %add3A_401 : vector<16xi32>
        %and3A_403 = arith.constant 15 : i32
        %and3A_404 = vector.broadcast %and3A_403 : i32 to vector<16xi32>
        %and3A_405 = arith.andi %add3A_402, %and3A_404 : vector<16xi32>
        %add3A_406 = arith.constant 0 : i32
        %add3A_407 = vector.broadcast %add3A_406 : i32 to vector<16xi32>
        %add3A_408 = arith.addi %and3A_405, %add3A_407 : vector<16xi32>
        tpu.vector_store_idx %arg9[%add3A_408, %add3A_130], %mul3A_232 : memref<64x128xf32, #tpu.memory_space<vmem>>[vector<16xi32>, vector<16xi32>], vector<16xf32>,
        %add3A_409 = arith.constant 8 : i32
        %add3A_410 = vector.broadcast %add3A_409 : i32 to vector<16xi32>
        %add3A_411 = arith.addi %iota3A_103, %add3A_410 : vector<16xi32>
        %and3A_412 = arith.constant 15 : i32
        %and3A_413 = vector.broadcast %and3A_412 : i32 to vector<16xi32>
        %and3A_414 = arith.andi %add3A_411, %and3A_413 : vector<16xi32>
        %add3A_415 = arith.constant 0 : i32
        %add3A_416 = vector.broadcast %add3A_415 : i32 to vector<16xi32>
        %add3A_417 = arith.addi %and3A_414, %add3A_416 : vector<16xi32>
        tpu.vector_store_idx %arg9[%add3A_417, %add3A_130], %mul3A_245 : memref<64x128xf32, #tpu.memory_space<vmem>>[vector<16xi32>, vector<16xi32>], vector<16xf32>,
        %add3A_418 = arith.constant 9 : i32
        %add3A_419 = vector.broadcast %add3A_418 : i32 to vector<16xi32>
        %add3A_420 = arith.addi %iota3A_103, %add3A_419 : vector<16xi32>
        %and3A_421 = arith.constant 15 : i32
        %and3A_422 = vector.broadcast %and3A_421 : i32 to vector<16xi32>
        %and3A_423 = arith.andi %add3A_420, %and3A_422 : vector<16xi32>
        %add3A_424 = arith.constant 0 : i32
        %add3A_425 = vector.broadcast %add3A_424 : i32 to vector<16xi32>
        %add3A_426 = arith.addi %and3A_423, %add3A_425 : vector<16xi32>
        tpu.vector_store_idx %arg9[%add3A_426, %add3A_130], %mul3A_258 : memref<64x128xf32, #tpu.memory_space<vmem>>[vector<16xi32>, vector<16xi32>], vector<16xf32>,
        %add3A_427 = arith.constant 10 : i32
        %add3A_428 = vector.broadcast %add3A_427 : i32 to vector<16xi32>
        %add3A_429 = arith.addi %iota3A_103, %add3A_428 : vector<16xi32>
        %and3A_430 = arith.constant 15 : i32
        %and3A_431 = vector.broadcast %and3A_430 : i32 to vector<16xi32>
        %and3A_432 = arith.andi %add3A_429, %and3A_431 : vector<16xi32>
        %add3A_433 = arith.constant 0 : i32
        %add3A_434 = vector.broadcast %add3A_433 : i32 to vector<16xi32>
        %add3A_435 = arith.addi %and3A_432, %add3A_434 : vector<16xi32>
        tpu.vector_store_idx %arg9[%add3A_435, %add3A_130], %mul3A_271 : memref<64x128xf32, #tpu.memory_space<vmem>>[vector<16xi32>, vector<16xi32>], vector<16xf32>,
        %add3A_436 = arith.constant 11 : i32
        %add3A_437 = vector.broadcast %add3A_436 : i32 to vector<16xi32>
        %add3A_438 = arith.addi %iota3A_103, %add3A_437 : vector<16xi32>
        %and3A_439 = arith.constant 15 : i32
        %and3A_440 = vector.broadcast %and3A_439 : i32 to vector<16xi32>
        %and3A_441 = arith.andi %add3A_438, %and3A_440 : vector<16xi32>
        %add3A_442 = arith.constant 0 : i32
        %add3A_443 = vector.broadcast %add3A_442 : i32 to vector<16xi32>
        %add3A_444 = arith.addi %and3A_441, %add3A_443 : vector<16xi32>
        tpu.vector_store_idx %arg9[%add3A_444, %add3A_130], %mul3A_284 : memref<64x128xf32, #tpu.memory_space<vmem>>[vector<16xi32>, vector<16xi32>], vector<16xf32>,
        %add3A_445 = arith.constant 12 : i32
        %add3A_446 = vector.broadcast %add3A_445 : i32 to vector<16xi32>
        %add3A_447 = arith.addi %iota3A_103, %add3A_446 : vector<16xi32>
        %and3A_448 = arith.constant 15 : i32
        %and3A_449 = vector.broadcast %and3A_448 : i32 to vector<16xi32>
        %and3A_450 = arith.andi %add3A_447, %and3A_449 : vector<16xi32>
        %add3A_451 = arith.constant 0 : i32
        %add3A_452 = vector.broadcast %add3A_451 : i32 to vector<16xi32>
        %add3A_453 = arith.addi %and3A_450, %add3A_452 : vector<16xi32>
        tpu.vector_store_idx %arg9[%add3A_453, %add3A_130], %mul3A_297 : memref<64x128xf32, #tpu.memory_space<vmem>>[vector<16xi32>, vector<16xi32>], vector<16xf32>,
        %add3A_454 = arith.constant 13 : i32
        %add3A_455 = vector.broadcast %add3A_454 : i32 to vector<16xi32>
        %add3A_456 = arith.addi %iota3A_103, %add3A_455 : vector<16xi32>
        %and3A_457 = arith.constant 15 : i32
        %and3A_458 = vector.broadcast %and3A_457 : i32 to vector<16xi32>
        %and3A_459 = arith.andi %add3A_456, %and3A_458 : vector<16xi32>
        %add3A_460 = arith.constant 0 : i32
        %add3A_461 = vector.broadcast %add3A_460 : i32 to vector<16xi32>
        %add3A_462 = arith.addi %and3A_459, %add3A_461 : vector<16xi32>
        tpu.vector_store_idx %arg9[%add3A_462, %add3A_130], %mul3A_310 : memref<64x128xf32, #tpu.memory_space<vmem>>[vector<16xi32>, vector<16xi32>], vector<16xf32>,
        %add3A_463 = arith.constant 14 : i32
        %add3A_464 = vector.broadcast %add3A_463 : i32 to vector<16xi32>
        %add3A_465 = arith.addi %iota3A_103, %add3A_464 : vector<16xi32>
        %and3A_466 = arith.constant 15 : i32
        %and3A_467 = vector.broadcast %and3A_466 : i32 to vector<16xi32>
        %and3A_468 = arith.andi %add3A_465, %and3A_467 : vector<16xi32>
        %add3A_469 = arith.constant 0 : i32
        %add3A_470 = vector.broadcast %add3A_469 : i32 to vector<16xi32>
        %add3A_471 = arith.addi %and3A_468, %add3A_470 : vector<16xi32>
        tpu.vector_store_idx %arg9[%add3A_471, %add3A_130], %mul3A_323 : memref<64x128xf32, #tpu.memory_space<vmem>>[vector<16xi32>, vector<16xi32>], vector<16xf32>,
        %add3A_472 = arith.constant 15 : i32
        %add3A_473 = vector.broadcast %add3A_472 : i32 to vector<16xi32>
        %add3A_474 = arith.addi %iota3A_103, %add3A_473 : vector<16xi32>
        %and3A_475 = arith.constant 15 : i32
        %and3A_476 = vector.broadcast %and3A_475 : i32 to vector<16xi32>
        %and3A_477 = arith.andi %add3A_474, %and3A_476 : vector<16xi32>
        %add3A_478 = arith.constant 0 : i32
        %add3A_479 = vector.broadcast %add3A_478 : i32 to vector<16xi32>
        %add3A_480 = arith.addi %and3A_477, %add3A_479 : vector<16xi32>
        tpu.vector_store_idx %arg9[%add3A_480, %add3A_130], %mul3A_336 : memref<64x128xf32, #tpu.memory_space<vmem>>[vector<16xi32>, vector<16xi32>], vector<16xf32>,
        %add3A_481 = arith.constant 0 : i32
        %add3A_482 = vector.broadcast %add3A_481 : i32 to vector<16xi32>
        %add3A_483 = arith.addi %iota3A_103, %add3A_482 : vector<16xi32>
        %and3A_484 = arith.constant 15 : i32
        %and3A_485 = vector.broadcast %and3A_484 : i32 to vector<16xi32>
        %and3A_486 = arith.andi %add3A_483, %and3A_485 : vector<16xi32>
        %add3A_487 = arith.constant 16 : i32
        %add3A_488 = vector.broadcast %add3A_487 : i32 to vector<16xi32>
        %add3A_489 = arith.addi %and3A_486, %add3A_488 : vector<16xi32>
        %gather3A_490 = tpu.vector_load_idx %arg7[%add3A_130, %add3A_489] : memref<128x128xf32, #tpu.memory_space<vmem>>[vector<16xi32>, vector<16xi32>], vector<16xf32>,
        %mul3A_491 = arith.constant 8.000000e+00 : f32
        %mul3A_492 = vector.broadcast %mul3A_491 : f32 to vector<16xf32>
        %mul3A_493 = arith.mulf %gather3A_490, %mul3A_492 : vector<16xf32>
        %add3A_494 = arith.constant 1 : i32
        %add3A_495 = vector.broadcast %add3A_494 : i32 to vector<16xi32>
        %add3A_496 = arith.addi %iota3A_103, %add3A_495 : vector<16xi32>
        %and3A_497 = arith.constant 15 : i32
        %and3A_498 = vector.broadcast %and3A_497 : i32 to vector<16xi32>
        %and3A_499 = arith.andi %add3A_496, %and3A_498 : vector<16xi32>
        %add3A_500 = arith.constant 16 : i32
        %add3A_501 = vector.broadcast %add3A_500 : i32 to vector<16xi32>
        %add3A_502 = arith.addi %and3A_499, %add3A_501 : vector<16xi32>
        %gather3A_503 = tpu.vector_load_idx %arg7[%add3A_130, %add3A_502] : memref<128x128xf32, #tpu.memory_space<vmem>>[vector<16xi32>, vector<16xi32>], vector<16xf32>,
        %mul3A_504 = arith.constant 8.000000e+00 : f32
        %mul3A_505 = vector.broadcast %mul3A_504 : f32 to vector<16xf32>
        %mul3A_506 = arith.mulf %gather3A_503, %mul3A_505 : vector<16xf32>
        %add3A_507 = arith.constant 2 : i32
        %add3A_508 = vector.broadcast %add3A_507 : i32 to vector<16xi32>
        %add3A_509 = arith.addi %iota3A_103, %add3A_508 : vector<16xi32>
        %and3A_510 = arith.constant 15 : i32
        %and3A_511 = vector.broadcast %and3A_510 : i32 to vector<16xi32>
        %and3A_512 = arith.andi %add3A_509, %and3A_511 : vector<16xi32>
        %add3A_513 = arith.constant 16 : i32
        %add3A_514 = vector.broadcast %add3A_513 : i32 to vector<16xi32>
        %add3A_515 = arith.addi %and3A_512, %add3A_514 : vector<16xi32>
        %gather3A_516 = tpu.vector_load_idx %arg7[%add3A_130, %add3A_515] : memref<128x128xf32, #tpu.memory_space<vmem>>[vector<16xi32>, vector<16xi32>], vector<16xf32>,
        %mul3A_517 = arith.constant 8.000000e+00 : f32
        %mul3A_518 = vector.broadcast %mul3A_517 : f32 to vector<16xf32>
        %mul3A_519 = arith.mulf %gather3A_516, %mul3A_518 : vector<16xf32>
        %add3A_520 = arith.constant 3 : i32
        %add3A_521 = vector.broadcast %add3A_520 : i32 to vector<16xi32>
        %add3A_522 = arith.addi %iota3A_103, %add3A_521 : vector<16xi32>
        %and3A_523 = arith.constant 15 : i32
        %and3A_524 = vector.broadcast %and3A_523 : i32 to vector<16xi32>
        %and3A_525 = arith.andi %add3A_522, %and3A_524 : vector<16xi32>
        %add3A_526 = arith.constant 16 : i32
        %add3A_527 = vector.broadcast %add3A_526 : i32 to vector<16xi32>
        %add3A_528 = arith.addi %and3A_525, %add3A_527 : vector<16xi32>
        %gather3A_529 = tpu.vector_load_idx %arg7[%add3A_130, %add3A_528] : memref<128x128xf32, #tpu.memory_space<vmem>>[vector<16xi32>, vector<16xi32>], vector<16xf32>,
        %mul3A_530 = arith.constant 8.000000e+00 : f32
        %mul3A_531 = vector.broadcast %mul3A_530 : f32 to vector<16xf32>
        %mul3A_532 = arith.mulf %gather3A_529, %mul3A_531 : vector<16xf32>
        %add3A_533 = arith.constant 4 : i32
        %add3A_534 = vector.broadcast %add3A_533 : i32 to vector<16xi32>
        %add3A_535 = arith.addi %iota3A_103, %add3A_534 : vector<16xi32>
        %and3A_536 = arith.constant 15 : i32
        %and3A_537 = vector.broadcast %and3A_536 : i32 to vector<16xi32>
        %and3A_538 = arith.andi %add3A_535, %and3A_537 : vector<16xi32>
        %add3A_539 = arith.constant 16 : i32
        %add3A_540 = vector.broadcast %add3A_539 : i32 to vector<16xi32>
        %add3A_541 = arith.addi %and3A_538, %add3A_540 : vector<16xi32>
        %gather3A_542 = tpu.vector_load_idx %arg7[%add3A_130, %add3A_541] : memref<128x128xf32, #tpu.memory_space<vmem>>[vector<16xi32>, vector<16xi32>], vector<16xf32>,
        %mul3A_543 = arith.constant 8.000000e+00 : f32
        %mul3A_544 = vector.broadcast %mul3A_543 : f32 to vector<16xf32>
        %mul3A_545 = arith.mulf %gather3A_542, %mul3A_544 : vector<16xf32>
        %add3A_546 = arith.constant 5 : i32
        %add3A_547 = vector.broadcast %add3A_546 : i32 to vector<16xi32>
        %add3A_548 = arith.addi %iota3A_103, %add3A_547 : vector<16xi32>
        %and3A_549 = arith.constant 15 : i32
        %and3A_550 = vector.broadcast %and3A_549 : i32 to vector<16xi32>
        %and3A_551 = arith.andi %add3A_548, %and3A_550 : vector<16xi32>
        %add3A_552 = arith.constant 16 : i32
        %add3A_553 = vector.broadcast %add3A_552 : i32 to vector<16xi32>
        %add3A_554 = arith.addi %and3A_551, %add3A_553 : vector<16xi32>
        %gather3A_555 = tpu.vector_load_idx %arg7[%add3A_130, %add3A_554] : memref<128x128xf32, #tpu.memory_space<vmem>>[vector<16xi32>, vector<16xi32>], vector<16xf32>,
        %mul3A_556 = arith.constant 8.000000e+00 : f32
        %mul3A_557 = vector.broadcast %mul3A_556 : f32 to vector<16xf32>
        %mul3A_558 = arith.mulf %gather3A_555, %mul3A_557 : vector<16xf32>
        %add3A_559 = arith.constant 6 : i32
        %add3A_560 = vector.broadcast %add3A_559 : i32 to vector<16xi32>
        %add3A_561 = arith.addi %iota3A_103, %add3A_560 : vector<16xi32>
        %and3A_562 = arith.constant 15 : i32
        %and3A_563 = vector.broadcast %and3A_562 : i32 to vector<16xi32>
        %and3A_564 = arith.andi %add3A_561, %and3A_563 : vector<16xi32>
        %add3A_565 = arith.constant 16 : i32
        %add3A_566 = vector.broadcast %add3A_565 : i32 to vector<16xi32>
        %add3A_567 = arith.addi %and3A_564, %add3A_566 : vector<16xi32>
        %gather3A_568 = tpu.vector_load_idx %arg7[%add3A_130, %add3A_567] : memref<128x128xf32, #tpu.memory_space<vmem>>[vector<16xi32>, vector<16xi32>], vector<16xf32>,
        %mul3A_569 = arith.constant 8.000000e+00 : f32
        %mul3A_570 = vector.broadcast %mul3A_569 : f32 to vector<16xf32>
        %mul3A_571 = arith.mulf %gather3A_568, %mul3A_570 : vector<16xf32>
        %add3A_572 = arith.constant 7 : i32
        %add3A_573 = vector.broadcast %add3A_572 : i32 to vector<16xi32>
        %add3A_574 = arith.addi %iota3A_103, %add3A_573 : vector<16xi32>
        %and3A_575 = arith.constant 15 : i32
        %and3A_576 = vector.broadcast %and3A_575 : i32 to vector<16xi32>
        %and3A_577 = arith.andi %add3A_574, %and3A_576 : vector<16xi32>
        %add3A_578 = arith.constant 16 : i32
        %add3A_579 = vector.broadcast %add3A_578 : i32 to vector<16xi32>
        %add3A_580 = arith.addi %and3A_577, %add3A_579 : vector<16xi32>
        %gather3A_581 = tpu.vector_load_idx %arg7[%add3A_130, %add3A_580] : memref<128x128xf32, #tpu.memory_space<vmem>>[vector<16xi32>, vector<16xi32>], vector<16xf32>,
        %mul3A_582 = arith.constant 8.000000e+00 : f32
        %mul3A_583 = vector.broadcast %mul3A_582 : f32 to vector<16xf32>
        %mul3A_584 = arith.mulf %gather3A_581, %mul3A_583 : vector<16xf32>
        %add3A_585 = arith.constant 8 : i32
        %add3A_586 = vector.broadcast %add3A_585 : i32 to vector<16xi32>
        %add3A_587 = arith.addi %iota3A_103, %add3A_586 : vector<16xi32>
        %and3A_588 = arith.constant 15 : i32
        %and3A_589 = vector.broadcast %and3A_588 : i32 to vector<16xi32>
        %and3A_590 = arith.andi %add3A_587, %and3A_589 : vector<16xi32>
        %add3A_591 = arith.constant 16 : i32
        %add3A_592 = vector.broadcast %add3A_591 : i32 to vector<16xi32>
        %add3A_593 = arith.addi %and3A_590, %add3A_592 : vector<16xi32>
        %gather3A_594 = tpu.vector_load_idx %arg7[%add3A_130, %add3A_593] : memref<128x128xf32, #tpu.memory_space<vmem>>[vector<16xi32>, vector<16xi32>], vector<16xf32>,
        %mul3A_595 = arith.constant 8.000000e+00 : f32
        %mul3A_596 = vector.broadcast %mul3A_595 : f32 to vector<16xf32>
        %mul3A_597 = arith.mulf %gather3A_594, %mul3A_596 : vector<16xf32>
        %add3A_598 = arith.constant 9 : i32
        %add3A_599 = vector.broadcast %add3A_598 : i32 to vector<16xi32>
        %add3A_600 = arith.addi %iota3A_103, %add3A_599 : vector<16xi32>
        %and3A_601 = arith.constant 15 : i32
        %and3A_602 = vector.broadcast %and3A_601 : i32 to vector<16xi32>
        %and3A_603 = arith.andi %add3A_600, %and3A_602 : vector<16xi32>
        %add3A_604 = arith.constant 16 : i32
        %add3A_605 = vector.broadcast %add3A_604 : i32 to vector<16xi32>
        %add3A_606 = arith.addi %and3A_603, %add3A_605 : vector<16xi32>
        %gather3A_607 = tpu.vector_load_idx %arg7[%add3A_130, %add3A_606] : memref<128x128xf32, #tpu.memory_space<vmem>>[vector<16xi32>, vector<16xi32>], vector<16xf32>,
        %mul3A_608 = arith.constant 8.000000e+00 : f32
        %mul3A_609 = vector.broadcast %mul3A_608 : f32 to vector<16xf32>
        %mul3A_610 = arith.mulf %gather3A_607, %mul3A_609 : vector<16xf32>
        %add3A_611 = arith.constant 10 : i32
        %add3A_612 = vector.broadcast %add3A_611 : i32 to vector<16xi32>
        %add3A_613 = arith.addi %iota3A_103, %add3A_612 : vector<16xi32>
        %and3A_614 = arith.constant 15 : i32
        %and3A_615 = vector.broadcast %and3A_614 : i32 to vector<16xi32>
        %and3A_616 = arith.andi %add3A_613, %and3A_615 : vector<16xi32>
        %add3A_617 = arith.constant 16 : i32
        %add3A_618 = vector.broadcast %add3A_617 : i32 to vector<16xi32>
        %add3A_619 = arith.addi %and3A_616, %add3A_618 : vector<16xi32>
        %gather3A_620 = tpu.vector_load_idx %arg7[%add3A_130, %add3A_619] : memref<128x128xf32, #tpu.memory_space<vmem>>[vector<16xi32>, vector<16xi32>], vector<16xf32>,
        %mul3A_621 = arith.constant 8.000000e+00 : f32
        %mul3A_622 = vector.broadcast %mul3A_621 : f32 to vector<16xf32>
        %mul3A_623 = arith.mulf %gather3A_620, %mul3A_622 : vector<16xf32>
        %add3A_624 = arith.constant 11 : i32
        %add3A_625 = vector.broadcast %add3A_624 : i32 to vector<16xi32>
        %add3A_626 = arith.addi %iota3A_103, %add3A_625 : vector<16xi32>
        %and3A_627 = arith.constant 15 : i32
        %and3A_628 = vector.broadcast %and3A_627 : i32 to vector<16xi32>
        %and3A_629 = arith.andi %add3A_626, %and3A_628 : vector<16xi32>
        %add3A_630 = arith.constant 16 : i32
        %add3A_631 = vector.broadcast %add3A_630 : i32 to vector<16xi32>
        %add3A_632 = arith.addi %and3A_629, %add3A_631 : vector<16xi32>
        %gather3A_633 = tpu.vector_load_idx %arg7[%add3A_130, %add3A_632] : memref<128x128xf32, #tpu.memory_space<vmem>>[vector<16xi32>, vector<16xi32>], vector<16xf32>,
        %mul3A_634 = arith.constant 8.000000e+00 : f32
        %mul3A_635 = vector.broadcast %mul3A_634 : f32 to vector<16xf32>
        %mul3A_636 = arith.mulf %gather3A_633, %mul3A_635 : vector<16xf32>
        %add3A_637 = arith.constant 12 : i32
        %add3A_638 = vector.broadcast %add3A_637 : i32 to vector<16xi32>
        %add3A_639 = arith.addi %iota3A_103, %add3A_638 : vector<16xi32>
        %and3A_640 = arith.constant 15 : i32
        %and3A_641 = vector.broadcast %and3A_640 : i32 to vector<16xi32>
        %and3A_642 = arith.andi %add3A_639, %and3A_641 : vector<16xi32>
        %add3A_643 = arith.constant 16 : i32
        %add3A_644 = vector.broadcast %add3A_643 : i32 to vector<16xi32>
        %add3A_645 = arith.addi %and3A_642, %add3A_644 : vector<16xi32>
        %gather3A_646 = tpu.vector_load_idx %arg7[%add3A_130, %add3A_645] : memref<128x128xf32, #tpu.memory_space<vmem>>[vector<16xi32>, vector<16xi32>], vector<16xf32>,
        %mul3A_647 = arith.constant 8.000000e+00 : f32
        %mul3A_648 = vector.broadcast %mul3A_647 : f32 to vector<16xf32>
        %mul3A_649 = arith.mulf %gather3A_646, %mul3A_648 : vector<16xf32>
        %add3A_650 = arith.constant 13 : i32
        %add3A_651 = vector.broadcast %add3A_650 : i32 to vector<16xi32>
        %add3A_652 = arith.addi %iota3A_103, %add3A_651 : vector<16xi32>
        %and3A_653 = arith.constant 15 : i32
        %and3A_654 = vector.broadcast %and3A_653 : i32 to vector<16xi32>
        %and3A_655 = arith.andi %add3A_652, %and3A_654 : vector<16xi32>
        %add3A_656 = arith.constant 16 : i32
        %add3A_657 = vector.broadcast %add3A_656 : i32 to vector<16xi32>
        %add3A_658 = arith.addi %and3A_655, %add3A_657 : vector<16xi32>
        %gather3A_659 = tpu.vector_load_idx %arg7[%add3A_130, %add3A_658] : memref<128x128xf32, #tpu.memory_space<vmem>>[vector<16xi32>, vector<16xi32>], vector<16xf32>,
        %mul3A_660 = arith.constant 8.000000e+00 : f32
        %mul3A_661 = vector.broadcast %mul3A_660 : f32 to vector<16xf32>
        %mul3A_662 = arith.mulf %gather3A_659, %mul3A_661 : vector<16xf32>
        %add3A_663 = arith.constant 14 : i32
        %add3A_664 = vector.broadcast %add3A_663 : i32 to vector<16xi32>
        %add3A_665 = arith.addi %iota3A_103, %add3A_664 : vector<16xi32>
        %and3A_666 = arith.constant 15 : i32
        %and3A_667 = vector.broadcast %and3A_666 : i32 to vector<16xi32>
        %and3A_668 = arith.andi %add3A_665, %and3A_667 : vector<16xi32>
        %add3A_669 = arith.constant 16 : i32
        %add3A_670 = vector.broadcast %add3A_669 : i32 to vector<16xi32>
        %add3A_671 = arith.addi %and3A_668, %add3A_670 : vector<16xi32>
        %gather3A_672 = tpu.vector_load_idx %arg7[%add3A_130, %add3A_671] : memref<128x128xf32, #tpu.memory_space<vmem>>[vector<16xi32>, vector<16xi32>], vector<16xf32>,
        %mul3A_673 = arith.constant 8.000000e+00 : f32
        %mul3A_674 = vector.broadcast %mul3A_673 : f32 to vector<16xf32>
        %mul3A_675 = arith.mulf %gather3A_672, %mul3A_674 : vector<16xf32>
        %add3A_676 = arith.constant 15 : i32
        %add3A_677 = vector.broadcast %add3A_676 : i32 to vector<16xi32>
        %add3A_678 = arith.addi %iota3A_103, %add3A_677 : vector<16xi32>
        %and3A_679 = arith.constant 15 : i32
        %and3A_680 = vector.broadcast %and3A_679 : i32 to vector<16xi32>
        %and3A_681 = arith.andi %add3A_678, %and3A_680 : vector<16xi32>
        %add3A_682 = arith.constant 16 : i32
        %add3A_683 = vector.broadcast %add3A_682 : i32 to vector<16xi32>
        %add3A_684 = arith.addi %and3A_681, %add3A_683 : vector<16xi32>
        %gather3A_685 = tpu.vector_load_idx %arg7[%add3A_130, %add3A_684] : memref<128x128xf32, #tpu.memory_space<vmem>>[vector<16xi32>, vector<16xi32>], vector<16xf32>,
        %mul3A_686 = arith.constant 8.000000e+00 : f32
        %mul3A_687 = vector.broadcast %mul3A_686 : f32 to vector<16xf32>
        %mul3A_688 = arith.mulf %gather3A_685, %mul3A_687 : vector<16xf32>
        %add3A_689 = arith.constant 0 : i32
        %add3A_690 = vector.broadcast %add3A_689 : i32 to vector<16xi32>
        %add3A_691 = arith.addi %iota3A_103, %add3A_690 : vector<16xi32>
        %and3A_692 = arith.constant 15 : i32
        %and3A_693 = vector.broadcast %and3A_692 : i32 to vector<16xi32>
        %and3A_694 = arith.andi %add3A_691, %and3A_693 : vector<16xi32>
        %add3A_695 = arith.constant 16 : i32
        %add3A_696 = vector.broadcast %add3A_695 : i32 to vector<16xi32>
        %add3A_697 = arith.addi %and3A_694, %add3A_696 : vector<16xi32>
        tpu.vector_store_idx %arg9[%add3A_697, %add3A_130], %mul3A_493 : memref<64x128xf32, #tpu.memory_space<vmem>>[vector<16xi32>, vector<16xi32>], vector<16xf32>,
        %add3A_698 = arith.constant 1 : i32
        %add3A_699 = vector.broadcast %add3A_698 : i32 to vector<16xi32>
        %add3A_700 = arith.addi %iota3A_103, %add3A_699 : vector<16xi32>
        %and3A_701 = arith.constant 15 : i32
        %and3A_702 = vector.broadcast %and3A_701 : i32 to vector<16xi32>
        %and3A_703 = arith.andi %add3A_700, %and3A_702 : vector<16xi32>
        %add3A_704 = arith.constant 16 : i32
        %add3A_705 = vector.broadcast %add3A_704 : i32 to vector<16xi32>
        %add3A_706 = arith.addi %and3A_703, %add3A_705 : vector<16xi32>
        tpu.vector_store_idx %arg9[%add3A_706, %add3A_130], %mul3A_506 : memref<64x128xf32, #tpu.memory_space<vmem>>[vector<16xi32>, vector<16xi32>], vector<16xf32>,
        %add3A_707 = arith.constant 2 : i32
        %add3A_708 = vector.broadcast %add3A_707 : i32 to vector<16xi32>
        %add3A_709 = arith.addi %iota3A_103, %add3A_708 : vector<16xi32>
        %and3A_710 = arith.constant 15 : i32
        %and3A_711 = vector.broadcast %and3A_710 : i32 to vector<16xi32>
        %and3A_712 = arith.andi %add3A_709, %and3A_711 : vector<16xi32>
        %add3A_713 = arith.constant 16 : i32
        %add3A_714 = vector.broadcast %add3A_713 : i32 to vector<16xi32>
        %add3A_715 = arith.addi %and3A_712, %add3A_714 : vector<16xi32>
        tpu.vector_store_idx %arg9[%add3A_715, %add3A_130], %mul3A_519 : memref<64x128xf32, #tpu.memory_space<vmem>>[vector<16xi32>, vector<16xi32>], vector<16xf32>,
        %add3A_716 = arith.constant 3 : i32
        %add3A_717 = vector.broadcast %add3A_716 : i32 to vector<16xi32>
        %add3A_718 = arith.addi %iota3A_103, %add3A_717 : vector<16xi32>
        %and3A_719 = arith.constant 15 : i32
        %and3A_720 = vector.broadcast %and3A_719 : i32 to vector<16xi32>
        %and3A_721 = arith.andi %add3A_718, %and3A_720 : vector<16xi32>
        %add3A_722 = arith.constant 16 : i32
        %add3A_723 = vector.broadcast %add3A_722 : i32 to vector<16xi32>
        %add3A_724 = arith.addi %and3A_721, %add3A_723 : vector<16xi32>
        tpu.vector_store_idx %arg9[%add3A_724, %add3A_130], %mul3A_532 : memref<64x128xf32, #tpu.memory_space<vmem>>[vector<16xi32>, vector<16xi32>], vector<16xf32>,
        %add3A_725 = arith.constant 4 : i32
        %add3A_726 = vector.broadcast %add3A_725 : i32 to vector<16xi32>
        %add3A_727 = arith.addi %iota3A_103, %add3A_726 : vector<16xi32>
        %and3A_728 = arith.constant 15 : i32
        %and3A_729 = vector.broadcast %and3A_728 : i32 to vector<16xi32>
        %and3A_730 = arith.andi %add3A_727, %and3A_729 : vector<16xi32>
        %add3A_731 = arith.constant 16 : i32
        %add3A_732 = vector.broadcast %add3A_731 : i32 to vector<16xi32>
        %add3A_733 = arith.addi %and3A_730, %add3A_732 : vector<16xi32>
        tpu.vector_store_idx %arg9[%add3A_733, %add3A_130], %mul3A_545 : memref<64x128xf32, #tpu.memory_space<vmem>>[vector<16xi32>, vector<16xi32>], vector<16xf32>,
        %add3A_734 = arith.constant 5 : i32
        %add3A_735 = vector.broadcast %add3A_734 : i32 to vector<16xi32>
        %add3A_736 = arith.addi %iota3A_103, %add3A_735 : vector<16xi32>
        %and3A_737 = arith.constant 15 : i32
        %and3A_738 = vector.broadcast %and3A_737 : i32 to vector<16xi32>
        %and3A_739 = arith.andi %add3A_736, %and3A_738 : vector<16xi32>
        %add3A_740 = arith.constant 16 : i32
        %add3A_741 = vector.broadcast %add3A_740 : i32 to vector<16xi32>
        %add3A_742 = arith.addi %and3A_739, %add3A_741 : vector<16xi32>
        tpu.vector_store_idx %arg9[%add3A_742, %add3A_130], %mul3A_558 : memref<64x128xf32, #tpu.memory_space<vmem>>[vector<16xi32>, vector<16xi32>], vector<16xf32>,
        %add3A_743 = arith.constant 6 : i32
        %add3A_744 = vector.broadcast %add3A_743 : i32 to vector<16xi32>
        %add3A_745 = arith.addi %iota3A_103, %add3A_744 : vector<16xi32>
        %and3A_746 = arith.constant 15 : i32
        %and3A_747 = vector.broadcast %and3A_746 : i32 to vector<16xi32>
        %and3A_748 = arith.andi %add3A_745, %and3A_747 : vector<16xi32>
        %add3A_749 = arith.constant 16 : i32
        %add3A_750 = vector.broadcast %add3A_749 : i32 to vector<16xi32>
        %add3A_751 = arith.addi %and3A_748, %add3A_750 : vector<16xi32>
        tpu.vector_store_idx %arg9[%add3A_751, %add3A_130], %mul3A_571 : memref<64x128xf32, #tpu.memory_space<vmem>>[vector<16xi32>, vector<16xi32>], vector<16xf32>,
        %add3A_752 = arith.constant 7 : i32
        %add3A_753 = vector.broadcast %add3A_752 : i32 to vector<16xi32>
        %add3A_754 = arith.addi %iota3A_103, %add3A_753 : vector<16xi32>
        %and3A_755 = arith.constant 15 : i32
        %and3A_756 = vector.broadcast %and3A_755 : i32 to vector<16xi32>
        %and3A_757 = arith.andi %add3A_754, %and3A_756 : vector<16xi32>
        %add3A_758 = arith.constant 16 : i32
        %add3A_759 = vector.broadcast %add3A_758 : i32 to vector<16xi32>
        %add3A_760 = arith.addi %and3A_757, %add3A_759 : vector<16xi32>
        tpu.vector_store_idx %arg9[%add3A_760, %add3A_130], %mul3A_584 : memref<64x128xf32, #tpu.memory_space<vmem>>[vector<16xi32>, vector<16xi32>], vector<16xf32>,
        %add3A_761 = arith.constant 8 : i32
        %add3A_762 = vector.broadcast %add3A_761 : i32 to vector<16xi32>
        %add3A_763 = arith.addi %iota3A_103, %add3A_762 : vector<16xi32>
        %and3A_764 = arith.constant 15 : i32
        %and3A_765 = vector.broadcast %and3A_764 : i32 to vector<16xi32>
        %and3A_766 = arith.andi %add3A_763, %and3A_765 : vector<16xi32>
        %add3A_767 = arith.constant 16 : i32
        %add3A_768 = vector.broadcast %add3A_767 : i32 to vector<16xi32>
        %add3A_769 = arith.addi %and3A_766, %add3A_768 : vector<16xi32>
        tpu.vector_store_idx %arg9[%add3A_769, %add3A_130], %mul3A_597 : memref<64x128xf32, #tpu.memory_space<vmem>>[vector<16xi32>, vector<16xi32>], vector<16xf32>,
        %add3A_770 = arith.constant 9 : i32
        %add3A_771 = vector.broadcast %add3A_770 : i32 to vector<16xi32>
        %add3A_772 = arith.addi %iota3A_103, %add3A_771 : vector<16xi32>
        %and3A_773 = arith.constant 15 : i32
        %and3A_774 = vector.broadcast %and3A_773 : i32 to vector<16xi32>
        %and3A_775 = arith.andi %add3A_772, %and3A_774 : vector<16xi32>
        %add3A_776 = arith.constant 16 : i32
        %add3A_777 = vector.broadcast %add3A_776 : i32 to vector<16xi32>
        %add3A_778 = arith.addi %and3A_775, %add3A_777 : vector<16xi32>
        tpu.vector_store_idx %arg9[%add3A_778, %add3A_130], %mul3A_610 : memref<64x128xf32, #tpu.memory_space<vmem>>[vector<16xi32>, vector<16xi32>], vector<16xf32>,
        %add3A_779 = arith.constant 10 : i32
        %add3A_780 = vector.broadcast %add3A_779 : i32 to vector<16xi32>
        %add3A_781 = arith.addi %iota3A_103, %add3A_780 : vector<16xi32>
        %and3A_782 = arith.constant 15 : i32
        %and3A_783 = vector.broadcast %and3A_782 : i32 to vector<16xi32>
        %and3A_784 = arith.andi %add3A_781, %and3A_783 : vector<16xi32>
        %add3A_785 = arith.constant 16 : i32
        %add3A_786 = vector.broadcast %add3A_785 : i32 to vector<16xi32>
        %add3A_787 = arith.addi %and3A_784, %add3A_786 : vector<16xi32>
        tpu.vector_store_idx %arg9[%add3A_787, %add3A_130], %mul3A_623 : memref<64x128xf32, #tpu.memory_space<vmem>>[vector<16xi32>, vector<16xi32>], vector<16xf32>,
        %add3A_788 = arith.constant 11 : i32
        %add3A_789 = vector.broadcast %add3A_788 : i32 to vector<16xi32>
        %add3A_790 = arith.addi %iota3A_103, %add3A_789 : vector<16xi32>
        %and3A_791 = arith.constant 15 : i32
        %and3A_792 = vector.broadcast %and3A_791 : i32 to vector<16xi32>
        %and3A_793 = arith.andi %add3A_790, %and3A_792 : vector<16xi32>
        %add3A_794 = arith.constant 16 : i32
        %add3A_795 = vector.broadcast %add3A_794 : i32 to vector<16xi32>
        %add3A_796 = arith.addi %and3A_793, %add3A_795 : vector<16xi32>
        tpu.vector_store_idx %arg9[%add3A_796, %add3A_130], %mul3A_636 : memref<64x128xf32, #tpu.memory_space<vmem>>[vector<16xi32>, vector<16xi32>], vector<16xf32>,
        %add3A_797 = arith.constant 12 : i32
        %add3A_798 = vector.broadcast %add3A_797 : i32 to vector<16xi32>
        %add3A_799 = arith.addi %iota3A_103, %add3A_798 : vector<16xi32>
        %and3A_800 = arith.constant 15 : i32
        %and3A_801 = vector.broadcast %and3A_800 : i32 to vector<16xi32>
        %and3A_802 = arith.andi %add3A_799, %and3A_801 : vector<16xi32>
        %add3A_803 = arith.constant 16 : i32
        %add3A_804 = vector.broadcast %add3A_803 : i32 to vector<16xi32>
        %add3A_805 = arith.addi %and3A_802, %add3A_804 : vector<16xi32>
        tpu.vector_store_idx %arg9[%add3A_805, %add3A_130], %mul3A_649 : memref<64x128xf32, #tpu.memory_space<vmem>>[vector<16xi32>, vector<16xi32>], vector<16xf32>,
        %add3A_806 = arith.constant 13 : i32
        %add3A_807 = vector.broadcast %add3A_806 : i32 to vector<16xi32>
        %add3A_808 = arith.addi %iota3A_103, %add3A_807 : vector<16xi32>
        %and3A_809 = arith.constant 15 : i32
        %and3A_810 = vector.broadcast %and3A_809 : i32 to vector<16xi32>
        %and3A_811 = arith.andi %add3A_808, %and3A_810 : vector<16xi32>
        %add3A_812 = arith.constant 16 : i32
        %add3A_813 = vector.broadcast %add3A_812 : i32 to vector<16xi32>
        %add3A_814 = arith.addi %and3A_811, %add3A_813 : vector<16xi32>
        tpu.vector_store_idx %arg9[%add3A_814, %add3A_130], %mul3A_662 : memref<64x128xf32, #tpu.memory_space<vmem>>[vector<16xi32>, vector<16xi32>], vector<16xf32>,
        %add3A_815 = arith.constant 14 : i32
        %add3A_816 = vector.broadcast %add3A_815 : i32 to vector<16xi32>
        %add3A_817 = arith.addi %iota3A_103, %add3A_816 : vector<16xi32>
        %and3A_818 = arith.constant 15 : i32
        %and3A_819 = vector.broadcast %and3A_818 : i32 to vector<16xi32>
        %and3A_820 = arith.andi %add3A_817, %and3A_819 : vector<16xi32>
        %add3A_821 = arith.constant 16 : i32
        %add3A_822 = vector.broadcast %add3A_821 : i32 to vector<16xi32>
        %add3A_823 = arith.addi %and3A_820, %add3A_822 : vector<16xi32>
        tpu.vector_store_idx %arg9[%add3A_823, %add3A_130], %mul3A_675 : memref<64x128xf32, #tpu.memory_space<vmem>>[vector<16xi32>, vector<16xi32>], vector<16xf32>,
        %add3A_824 = arith.constant 15 : i32
        %add3A_825 = vector.broadcast %add3A_824 : i32 to vector<16xi32>
        %add3A_826 = arith.addi %iota3A_103, %add3A_825 : vector<16xi32>
        %and3A_827 = arith.constant 15 : i32
        %and3A_828 = vector.broadcast %and3A_827 : i32 to vector<16xi32>
        %and3A_829 = arith.andi %add3A_826, %and3A_828 : vector<16xi32>
        %add3A_830 = arith.constant 16 : i32
        %add3A_831 = vector.broadcast %add3A_830 : i32 to vector<16xi32>
        %add3A_832 = arith.addi %and3A_829, %add3A_831 : vector<16xi32>
        tpu.vector_store_idx %arg9[%add3A_832, %add3A_130], %mul3A_688 : memref<64x128xf32, #tpu.memory_space<vmem>>[vector<16xi32>, vector<16xi32>], vector<16xf32>,
        %add3A_833 = arith.constant 0 : i32
        %add3A_834 = vector.broadcast %add3A_833 : i32 to vector<16xi32>
        %add3A_835 = arith.addi %iota3A_103, %add3A_834 : vector<16xi32>
        %and3A_836 = arith.constant 15 : i32
        %and3A_837 = vector.broadcast %and3A_836 : i32 to vector<16xi32>
        %and3A_838 = arith.andi %add3A_835, %and3A_837 : vector<16xi32>
        %add3A_839 = arith.constant 32 : i32
        %add3A_840 = vector.broadcast %add3A_839 : i32 to vector<16xi32>
        %add3A_841 = arith.addi %and3A_838, %add3A_840 : vector<16xi32>
        %gather3A_842 = tpu.vector_load_idx %arg7[%add3A_130, %add3A_841] : memref<128x128xf32, #tpu.memory_space<vmem>>[vector<16xi32>, vector<16xi32>], vector<16xf32>,
        %mul3A_843 = arith.constant 8.000000e+00 : f32
        %mul3A_844 = vector.broadcast %mul3A_843 : f32 to vector<16xf32>
        %mul3A_845 = arith.mulf %gather3A_842, %mul3A_844 : vector<16xf32>
        %add3A_846 = arith.constant 1 : i32
        %add3A_847 = vector.broadcast %add3A_846 : i32 to vector<16xi32>
        %add3A_848 = arith.addi %iota3A_103, %add3A_847 : vector<16xi32>
        %and3A_849 = arith.constant 15 : i32
        %and3A_850 = vector.broadcast %and3A_849 : i32 to vector<16xi32>
        %and3A_851 = arith.andi %add3A_848, %and3A_850 : vector<16xi32>
        %add3A_852 = arith.constant 32 : i32
        %add3A_853 = vector.broadcast %add3A_852 : i32 to vector<16xi32>
        %add3A_854 = arith.addi %and3A_851, %add3A_853 : vector<16xi32>
        %gather3A_855 = tpu.vector_load_idx %arg7[%add3A_130, %add3A_854] : memref<128x128xf32, #tpu.memory_space<vmem>>[vector<16xi32>, vector<16xi32>], vector<16xf32>,
        %mul3A_856 = arith.constant 8.000000e+00 : f32
        %mul3A_857 = vector.broadcast %mul3A_856 : f32 to vector<16xf32>
        %mul3A_858 = arith.mulf %gather3A_855, %mul3A_857 : vector<16xf32>
        %add3A_859 = arith.constant 2 : i32
        %add3A_860 = vector.broadcast %add3A_859 : i32 to vector<16xi32>
        %add3A_861 = arith.addi %iota3A_103, %add3A_860 : vector<16xi32>
        %and3A_862 = arith.constant 15 : i32
        %and3A_863 = vector.broadcast %and3A_862 : i32 to vector<16xi32>
        %and3A_864 = arith.andi %add3A_861, %and3A_863 : vector<16xi32>
        %add3A_865 = arith.constant 32 : i32
        %add3A_866 = vector.broadcast %add3A_865 : i32 to vector<16xi32>
        %add3A_867 = arith.addi %and3A_864, %add3A_866 : vector<16xi32>
        %gather3A_868 = tpu.vector_load_idx %arg7[%add3A_130, %add3A_867] : memref<128x128xf32, #tpu.memory_space<vmem>>[vector<16xi32>, vector<16xi32>], vector<16xf32>,
        %mul3A_869 = arith.constant 8.000000e+00 : f32
        %mul3A_870 = vector.broadcast %mul3A_869 : f32 to vector<16xf32>
        %mul3A_871 = arith.mulf %gather3A_868, %mul3A_870 : vector<16xf32>
        %add3A_872 = arith.constant 3 : i32
        %add3A_873 = vector.broadcast %add3A_872 : i32 to vector<16xi32>
        %add3A_874 = arith.addi %iota3A_103, %add3A_873 : vector<16xi32>
        %and3A_875 = arith.constant 15 : i32
        %and3A_876 = vector.broadcast %and3A_875 : i32 to vector<16xi32>
        %and3A_877 = arith.andi %add3A_874, %and3A_876 : vector<16xi32>
        %add3A_878 = arith.constant 32 : i32
        %add3A_879 = vector.broadcast %add3A_878 : i32 to vector<16xi32>
        %add3A_880 = arith.addi %and3A_877, %add3A_879 : vector<16xi32>
        %gather3A_881 = tpu.vector_load_idx %arg7[%add3A_130, %add3A_880] : memref<128x128xf32, #tpu.memory_space<vmem>>[vector<16xi32>, vector<16xi32>], vector<16xf32>,
        %mul3A_882 = arith.constant 8.000000e+00 : f32
        %mul3A_883 = vector.broadcast %mul3A_882 : f32 to vector<16xf32>
        %mul3A_884 = arith.mulf %gather3A_881, %mul3A_883 : vector<16xf32>
        %add3A_885 = arith.constant 4 : i32
        %add3A_886 = vector.broadcast %add3A_885 : i32 to vector<16xi32>
        %add3A_887 = arith.addi %iota3A_103, %add3A_886 : vector<16xi32>
        %and3A_888 = arith.constant 15 : i32
        %and3A_889 = vector.broadcast %and3A_888 : i32 to vector<16xi32>
        %and3A_890 = arith.andi %add3A_887, %and3A_889 : vector<16xi32>
        %add3A_891 = arith.constant 32 : i32
        %add3A_892 = vector.broadcast %add3A_891 : i32 to vector<16xi32>
        %add3A_893 = arith.addi %and3A_890, %add3A_892 : vector<16xi32>
        %gather3A_894 = tpu.vector_load_idx %arg7[%add3A_130, %add3A_893] : memref<128x128xf32, #tpu.memory_space<vmem>>[vector<16xi32>, vector<16xi32>], vector<16xf32>,
        %mul3A_895 = arith.constant 8.000000e+00 : f32
        %mul3A_896 = vector.broadcast %mul3A_895 : f32 to vector<16xf32>
        %mul3A_897 = arith.mulf %gather3A_894, %mul3A_896 : vector<16xf32>
        %add3A_898 = arith.constant 5 : i32
        %add3A_899 = vector.broadcast %add3A_898 : i32 to vector<16xi32>
        %add3A_900 = arith.addi %iota3A_103, %add3A_899 : vector<16xi32>
        %and3A_901 = arith.constant 15 : i32
        %and3A_902 = vector.broadcast %and3A_901 : i32 to vector<16xi32>
        %and3A_903 = arith.andi %add3A_900, %and3A_902 : vector<16xi32>
        %add3A_904 = arith.constant 32 : i32
        %add3A_905 = vector.broadcast %add3A_904 : i32 to vector<16xi32>
        %add3A_906 = arith.addi %and3A_903, %add3A_905 : vector<16xi32>
        %gather3A_907 = tpu.vector_load_idx %arg7[%add3A_130, %add3A_906] : memref<128x128xf32, #tpu.memory_space<vmem>>[vector<16xi32>, vector<16xi32>], vector<16xf32>,
        %mul3A_908 = arith.constant 8.000000e+00 : f32
        %mul3A_909 = vector.broadcast %mul3A_908 : f32 to vector<16xf32>
        %mul3A_910 = arith.mulf %gather3A_907, %mul3A_909 : vector<16xf32>
        %add3A_911 = arith.constant 6 : i32
        %add3A_912 = vector.broadcast %add3A_911 : i32 to vector<16xi32>
        %add3A_913 = arith.addi %iota3A_103, %add3A_912 : vector<16xi32>
        %and3A_914 = arith.constant 15 : i32
        %and3A_915 = vector.broadcast %and3A_914 : i32 to vector<16xi32>
        %and3A_916 = arith.andi %add3A_913, %and3A_915 : vector<16xi32>
        %add3A_917 = arith.constant 32 : i32
        %add3A_918 = vector.broadcast %add3A_917 : i32 to vector<16xi32>
        %add3A_919 = arith.addi %and3A_916, %add3A_918 : vector<16xi32>
        %gather3A_920 = tpu.vector_load_idx %arg7[%add3A_130, %add3A_919] : memref<128x128xf32, #tpu.memory_space<vmem>>[vector<16xi32>, vector<16xi32>], vector<16xf32>,
        %mul3A_921 = arith.constant 8.000000e+00 : f32
        %mul3A_922 = vector.broadcast %mul3A_921 : f32 to vector<16xf32>
        %mul3A_923 = arith.mulf %gather3A_920, %mul3A_922 : vector<16xf32>
        %add3A_924 = arith.constant 7 : i32
        %add3A_925 = vector.broadcast %add3A_924 : i32 to vector<16xi32>
        %add3A_926 = arith.addi %iota3A_103, %add3A_925 : vector<16xi32>
        %and3A_927 = arith.constant 15 : i32
        %and3A_928 = vector.broadcast %and3A_927 : i32 to vector<16xi32>
        %and3A_929 = arith.andi %add3A_926, %and3A_928 : vector<16xi32>
        %add3A_930 = arith.constant 32 : i32
        %add3A_931 = vector.broadcast %add3A_930 : i32 to vector<16xi32>
        %add3A_932 = arith.addi %and3A_929, %add3A_931 : vector<16xi32>
        %gather3A_933 = tpu.vector_load_idx %arg7[%add3A_130, %add3A_932] : memref<128x128xf32, #tpu.memory_space<vmem>>[vector<16xi32>, vector<16xi32>], vector<16xf32>,
        %mul3A_934 = arith.constant 8.000000e+00 : f32
        %mul3A_935 = vector.broadcast %mul3A_934 : f32 to vector<16xf32>
        %mul3A_936 = arith.mulf %gather3A_933, %mul3A_935 : vector<16xf32>
        %add3A_937 = arith.constant 8 : i32
        %add3A_938 = vector.broadcast %add3A_937 : i32 to vector<16xi32>
        %add3A_939 = arith.addi %iota3A_103, %add3A_938 : vector<16xi32>
        %and3A_940 = arith.constant 15 : i32
        %and3A_941 = vector.broadcast %and3A_940 : i32 to vector<16xi32>
        %and3A_942 = arith.andi %add3A_939, %and3A_941 : vector<16xi32>
        %add3A_943 = arith.constant 32 : i32
        %add3A_944 = vector.broadcast %add3A_943 : i32 to vector<16xi32>
        %add3A_945 = arith.addi %and3A_942, %add3A_944 : vector<16xi32>
        %gather3A_946 = tpu.vector_load_idx %arg7[%add3A_130, %add3A_945] : memref<128x128xf32, #tpu.memory_space<vmem>>[vector<16xi32>, vector<16xi32>], vector<16xf32>,
        %mul3A_947 = arith.constant 8.000000e+00 : f32
        %mul3A_948 = vector.broadcast %mul3A_947 : f32 to vector<16xf32>
        %mul3A_949 = arith.mulf %gather3A_946, %mul3A_948 : vector<16xf32>
        %add3A_950 = arith.constant 9 : i32
        %add3A_951 = vector.broadcast %add3A_950 : i32 to vector<16xi32>
        %add3A_952 = arith.addi %iota3A_103, %add3A_951 : vector<16xi32>
        %and3A_953 = arith.constant 15 : i32
        %and3A_954 = vector.broadcast %and3A_953 : i32 to vector<16xi32>
        %and3A_955 = arith.andi %add3A_952, %and3A_954 : vector<16xi32>
        %add3A_956 = arith.constant 32 : i32
        %add3A_957 = vector.broadcast %add3A_956 : i32 to vector<16xi32>
        %add3A_958 = arith.addi %and3A_955, %add3A_957 : vector<16xi32>
        %gather3A_959 = tpu.vector_load_idx %arg7[%add3A_130, %add3A_958] : memref<128x128xf32, #tpu.memory_space<vmem>>[vector<16xi32>, vector<16xi32>], vector<16xf32>,
        %mul3A_960 = arith.constant 8.000000e+00 : f32
        %mul3A_961 = vector.broadcast %mul3A_960 : f32 to vector<16xf32>
        %mul3A_962 = arith.mulf %gather3A_959, %mul3A_961 : vector<16xf32>
        %add3A_963 = arith.constant 10 : i32
        %add3A_964 = vector.broadcast %add3A_963 : i32 to vector<16xi32>
        %add3A_965 = arith.addi %iota3A_103, %add3A_964 : vector<16xi32>
        %and3A_966 = arith.constant 15 : i32
        %and3A_967 = vector.broadcast %and3A_966 : i32 to vector<16xi32>
        %and3A_968 = arith.andi %add3A_965, %and3A_967 : vector<16xi32>
        %add3A_969 = arith.constant 32 : i32
        %add3A_970 = vector.broadcast %add3A_969 : i32 to vector<16xi32>
        %add3A_971 = arith.addi %and3A_968, %add3A_970 : vector<16xi32>
        %gather3A_972 = tpu.vector_load_idx %arg7[%add3A_130, %add3A_971] : memref<128x128xf32, #tpu.memory_space<vmem>>[vector<16xi32>, vector<16xi32>], vector<16xf32>,
        %mul3A_973 = arith.constant 8.000000e+00 : f32
        %mul3A_974 = vector.broadcast %mul3A_973 : f32 to vector<16xf32>
        %mul3A_975 = arith.mulf %gather3A_972, %mul3A_974 : vector<16xf32>
        %add3A_976 = arith.constant 11 : i32
        %add3A_977 = vector.broadcast %add3A_976 : i32 to vector<16xi32>
        %add3A_978 = arith.addi %iota3A_103, %add3A_977 : vector<16xi32>
        %and3A_979 = arith.constant 15 : i32
        %and3A_980 = vector.broadcast %and3A_979 : i32 to vector<16xi32>
        %and3A_981 = arith.andi %add3A_978, %and3A_980 : vector<16xi32>
        %add3A_982 = arith.constant 32 : i32
        %add3A_983 = vector.broadcast %add3A_982 : i32 to vector<16xi32>
        %add3A_984 = arith.addi %and3A_981, %add3A_983 : vector<16xi32>
        %gather3A_985 = tpu.vector_load_idx %arg7[%add3A_130, %add3A_984] : memref<128x128xf32, #tpu.memory_space<vmem>>[vector<16xi32>, vector<16xi32>], vector<16xf32>,
        %mul3A_986 = arith.constant 8.000000e+00 : f32
        %mul3A_987 = vector.broadcast %mul3A_986 : f32 to vector<16xf32>
        %mul3A_988 = arith.mulf %gather3A_985, %mul3A_987 : vector<16xf32>
        %add3A_989 = arith.constant 12 : i32
        %add3A_990 = vector.broadcast %add3A_989 : i32 to vector<16xi32>
        %add3A_991 = arith.addi %iota3A_103, %add3A_990 : vector<16xi32>
        %and3A_992 = arith.constant 15 : i32
        %and3A_993 = vector.broadcast %and3A_992 : i32 to vector<16xi32>
        %and3A_994 = arith.andi %add3A_991, %and3A_993 : vector<16xi32>
        %add3A_995 = arith.constant 32 : i32
        %add3A_996 = vector.broadcast %add3A_995 : i32 to vector<16xi32>
        %add3A_997 = arith.addi %and3A_994, %add3A_996 : vector<16xi32>
        %gather3A_998 = tpu.vector_load_idx %arg7[%add3A_130, %add3A_997] : memref<128x128xf32, #tpu.memory_space<vmem>>[vector<16xi32>, vector<16xi32>], vector<16xf32>,
        %mul3A_999 = arith.constant 8.000000e+00 : f32
        %mul3A_1000 = vector.broadcast %mul3A_999 : f32 to vector<16xf32>
        %mul3A_1001 = arith.mulf %gather3A_998, %mul3A_1000 : vector<16xf32>
        %add3A_1002 = arith.constant 13 : i32
        %add3A_1003 = vector.broadcast %add3A_1002 : i32 to vector<16xi32>
        %add3A_1004 = arith.addi %iota3A_103, %add3A_1003 : vector<16xi32>
        %and3A_1005 = arith.constant 15 : i32
        %and3A_1006 = vector.broadcast %and3A_1005 : i32 to vector<16xi32>
        %and3A_1007 = arith.andi %add3A_1004, %and3A_1006 : vector<16xi32>
        %add3A_1008 = arith.constant 32 : i32
        %add3A_1009 = vector.broadcast %add3A_1008 : i32 to vector<16xi32>
        %add3A_1010 = arith.addi %and3A_1007, %add3A_1009 : vector<16xi32>
        %gather3A_1011 = tpu.vector_load_idx %arg7[%add3A_130, %add3A_1010] : memref<128x128xf32, #tpu.memory_space<vmem>>[vector<16xi32>, vector<16xi32>], vector<16xf32>,
        %mul3A_1012 = arith.constant 8.000000e+00 : f32
        %mul3A_1013 = vector.broadcast %mul3A_1012 : f32 to vector<16xf32>
        %mul3A_1014 = arith.mulf %gather3A_1011, %mul3A_1013 : vector<16xf32>
        %add3A_1015 = arith.constant 14 : i32
        %add3A_1016 = vector.broadcast %add3A_1015 : i32 to vector<16xi32>
        %add3A_1017 = arith.addi %iota3A_103, %add3A_1016 : vector<16xi32>
        %and3A_1018 = arith.constant 15 : i32
        %and3A_1019 = vector.broadcast %and3A_1018 : i32 to vector<16xi32>
        %and3A_1020 = arith.andi %add3A_1017, %and3A_1019 : vector<16xi32>
        %add3A_1021 = arith.constant 32 : i32
        %add3A_1022 = vector.broadcast %add3A_1021 : i32 to vector<16xi32>
        %add3A_1023 = arith.addi %and3A_1020, %add3A_1022 : vector<16xi32>
        %gather3A_1024 = tpu.vector_load_idx %arg7[%add3A_130, %add3A_1023] : memref<128x128xf32, #tpu.memory_space<vmem>>[vector<16xi32>, vector<16xi32>], vector<16xf32>,
        %mul3A_1025 = arith.constant 8.000000e+00 : f32
        %mul3A_1026 = vector.broadcast %mul3A_1025 : f32 to vector<16xf32>
        %mul3A_1027 = arith.mulf %gather3A_1024, %mul3A_1026 : vector<16xf32>
        %add3A_1028 = arith.constant 15 : i32
        %add3A_1029 = vector.broadcast %add3A_1028 : i32 to vector<16xi32>
        %add3A_1030 = arith.addi %iota3A_103, %add3A_1029 : vector<16xi32>
        %and3A_1031 = arith.constant 15 : i32
        %and3A_1032 = vector.broadcast %and3A_1031 : i32 to vector<16xi32>
        %and3A_1033 = arith.andi %add3A_1030, %and3A_1032 : vector<16xi32>
        %add3A_1034 = arith.constant 32 : i32
        %add3A_1035 = vector.broadcast %add3A_1034 : i32 to vector<16xi32>
        %add3A_1036 = arith.addi %and3A_1033, %add3A_1035 : vector<16xi32>
        %gather3A_1037 = tpu.vector_load_idx %arg7[%add3A_130, %add3A_1036] : memref<128x128xf32, #tpu.memory_space<vmem>>[vector<16xi32>, vector<16xi32>], vector<16xf32>,
        %mul3A_1038 = arith.constant 8.000000e+00 : f32
        %mul3A_1039 = vector.broadcast %mul3A_1038 : f32 to vector<16xf32>
        %mul3A_1040 = arith.mulf %gather3A_1037, %mul3A_1039 : vector<16xf32>
        %add3A_1041 = arith.constant 0 : i32
        %add3A_1042 = vector.broadcast %add3A_1041 : i32 to vector<16xi32>
        %add3A_1043 = arith.addi %iota3A_103, %add3A_1042 : vector<16xi32>
        %and3A_1044 = arith.constant 15 : i32
        %and3A_1045 = vector.broadcast %and3A_1044 : i32 to vector<16xi32>
        %and3A_1046 = arith.andi %add3A_1043, %and3A_1045 : vector<16xi32>
        %add3A_1047 = arith.constant 32 : i32
        %add3A_1048 = vector.broadcast %add3A_1047 : i32 to vector<16xi32>
        %add3A_1049 = arith.addi %and3A_1046, %add3A_1048 : vector<16xi32>
        tpu.vector_store_idx %arg9[%add3A_1049, %add3A_130], %mul3A_845 : memref<64x128xf32, #tpu.memory_space<vmem>>[vector<16xi32>, vector<16xi32>], vector<16xf32>,
        %add3A_1050 = arith.constant 1 : i32
        %add3A_1051 = vector.broadcast %add3A_1050 : i32 to vector<16xi32>
        %add3A_1052 = arith.addi %iota3A_103, %add3A_1051 : vector<16xi32>
        %and3A_1053 = arith.constant 15 : i32
        %and3A_1054 = vector.broadcast %and3A_1053 : i32 to vector<16xi32>
        %and3A_1055 = arith.andi %add3A_1052, %and3A_1054 : vector<16xi32>
        %add3A_1056 = arith.constant 32 : i32
        %add3A_1057 = vector.broadcast %add3A_1056 : i32 to vector<16xi32>
        %add3A_1058 = arith.addi %and3A_1055, %add3A_1057 : vector<16xi32>
        tpu.vector_store_idx %arg9[%add3A_1058, %add3A_130], %mul3A_858 : memref<64x128xf32, #tpu.memory_space<vmem>>[vector<16xi32>, vector<16xi32>], vector<16xf32>,
        %add3A_1059 = arith.constant 2 : i32
        %add3A_1060 = vector.broadcast %add3A_1059 : i32 to vector<16xi32>
        %add3A_1061 = arith.addi %iota3A_103, %add3A_1060 : vector<16xi32>
        %and3A_1062 = arith.constant 15 : i32
        %and3A_1063 = vector.broadcast %and3A_1062 : i32 to vector<16xi32>
        %and3A_1064 = arith.andi %add3A_1061, %and3A_1063 : vector<16xi32>
        %add3A_1065 = arith.constant 32 : i32
        %add3A_1066 = vector.broadcast %add3A_1065 : i32 to vector<16xi32>
        %add3A_1067 = arith.addi %and3A_1064, %add3A_1066 : vector<16xi32>
        tpu.vector_store_idx %arg9[%add3A_1067, %add3A_130], %mul3A_871 : memref<64x128xf32, #tpu.memory_space<vmem>>[vector<16xi32>, vector<16xi32>], vector<16xf32>,
        %add3A_1068 = arith.constant 3 : i32
        %add3A_1069 = vector.broadcast %add3A_1068 : i32 to vector<16xi32>
        %add3A_1070 = arith.addi %iota3A_103, %add3A_1069 : vector<16xi32>
        %and3A_1071 = arith.constant 15 : i32
        %and3A_1072 = vector.broadcast %and3A_1071 : i32 to vector<16xi32>
        %and3A_1073 = arith.andi %add3A_1070, %and3A_1072 : vector<16xi32>
        %add3A_1074 = arith.constant 32 : i32
        %add3A_1075 = vector.broadcast %add3A_1074 : i32 to vector<16xi32>
        %add3A_1076 = arith.addi %and3A_1073, %add3A_1075 : vector<16xi32>
        tpu.vector_store_idx %arg9[%add3A_1076, %add3A_130], %mul3A_884 : memref<64x128xf32, #tpu.memory_space<vmem>>[vector<16xi32>, vector<16xi32>], vector<16xf32>,
        %add3A_1077 = arith.constant 4 : i32
        %add3A_1078 = vector.broadcast %add3A_1077 : i32 to vector<16xi32>
        %add3A_1079 = arith.addi %iota3A_103, %add3A_1078 : vector<16xi32>
        %and3A_1080 = arith.constant 15 : i32
        %and3A_1081 = vector.broadcast %and3A_1080 : i32 to vector<16xi32>
        %and3A_1082 = arith.andi %add3A_1079, %and3A_1081 : vector<16xi32>
        %add3A_1083 = arith.constant 32 : i32
        %add3A_1084 = vector.broadcast %add3A_1083 : i32 to vector<16xi32>
        %add3A_1085 = arith.addi %and3A_1082, %add3A_1084 : vector<16xi32>
        tpu.vector_store_idx %arg9[%add3A_1085, %add3A_130], %mul3A_897 : memref<64x128xf32, #tpu.memory_space<vmem>>[vector<16xi32>, vector<16xi32>], vector<16xf32>,
        %add3A_1086 = arith.constant 5 : i32
        %add3A_1087 = vector.broadcast %add3A_1086 : i32 to vector<16xi32>
        %add3A_1088 = arith.addi %iota3A_103, %add3A_1087 : vector<16xi32>
        %and3A_1089 = arith.constant 15 : i32
        %and3A_1090 = vector.broadcast %and3A_1089 : i32 to vector<16xi32>
        %and3A_1091 = arith.andi %add3A_1088, %and3A_1090 : vector<16xi32>
        %add3A_1092 = arith.constant 32 : i32
        %add3A_1093 = vector.broadcast %add3A_1092 : i32 to vector<16xi32>
        %add3A_1094 = arith.addi %and3A_1091, %add3A_1093 : vector<16xi32>
        tpu.vector_store_idx %arg9[%add3A_1094, %add3A_130], %mul3A_910 : memref<64x128xf32, #tpu.memory_space<vmem>>[vector<16xi32>, vector<16xi32>], vector<16xf32>,
        %add3A_1095 = arith.constant 6 : i32
        %add3A_1096 = vector.broadcast %add3A_1095 : i32 to vector<16xi32>
        %add3A_1097 = arith.addi %iota3A_103, %add3A_1096 : vector<16xi32>
        %and3A_1098 = arith.constant 15 : i32
        %and3A_1099 = vector.broadcast %and3A_1098 : i32 to vector<16xi32>
        %and3A_1100 = arith.andi %add3A_1097, %and3A_1099 : vector<16xi32>
        %add3A_1101 = arith.constant 32 : i32
        %add3A_1102 = vector.broadcast %add3A_1101 : i32 to vector<16xi32>
        %add3A_1103 = arith.addi %and3A_1100, %add3A_1102 : vector<16xi32>
        tpu.vector_store_idx %arg9[%add3A_1103, %add3A_130], %mul3A_923 : memref<64x128xf32, #tpu.memory_space<vmem>>[vector<16xi32>, vector<16xi32>], vector<16xf32>,
        %add3A_1104 = arith.constant 7 : i32
        %add3A_1105 = vector.broadcast %add3A_1104 : i32 to vector<16xi32>
        %add3A_1106 = arith.addi %iota3A_103, %add3A_1105 : vector<16xi32>
        %and3A_1107 = arith.constant 15 : i32
        %and3A_1108 = vector.broadcast %and3A_1107 : i32 to vector<16xi32>
        %and3A_1109 = arith.andi %add3A_1106, %and3A_1108 : vector<16xi32>
        %add3A_1110 = arith.constant 32 : i32
        %add3A_1111 = vector.broadcast %add3A_1110 : i32 to vector<16xi32>
        %add3A_1112 = arith.addi %and3A_1109, %add3A_1111 : vector<16xi32>
        tpu.vector_store_idx %arg9[%add3A_1112, %add3A_130], %mul3A_936 : memref<64x128xf32, #tpu.memory_space<vmem>>[vector<16xi32>, vector<16xi32>], vector<16xf32>,
        %add3A_1113 = arith.constant 8 : i32
        %add3A_1114 = vector.broadcast %add3A_1113 : i32 to vector<16xi32>
        %add3A_1115 = arith.addi %iota3A_103, %add3A_1114 : vector<16xi32>
        %and3A_1116 = arith.constant 15 : i32
        %and3A_1117 = vector.broadcast %and3A_1116 : i32 to vector<16xi32>
        %and3A_1118 = arith.andi %add3A_1115, %and3A_1117 : vector<16xi32>
        %add3A_1119 = arith.constant 32 : i32
        %add3A_1120 = vector.broadcast %add3A_1119 : i32 to vector<16xi32>
        %add3A_1121 = arith.addi %and3A_1118, %add3A_1120 : vector<16xi32>
        tpu.vector_store_idx %arg9[%add3A_1121, %add3A_130], %mul3A_949 : memref<64x128xf32, #tpu.memory_space<vmem>>[vector<16xi32>, vector<16xi32>], vector<16xf32>,
        %add3A_1122 = arith.constant 9 : i32
        %add3A_1123 = vector.broadcast %add3A_1122 : i32 to vector<16xi32>
        %add3A_1124 = arith.addi %iota3A_103, %add3A_1123 : vector<16xi32>
        %and3A_1125 = arith.constant 15 : i32
        %and3A_1126 = vector.broadcast %and3A_1125 : i32 to vector<16xi32>
        %and3A_1127 = arith.andi %add3A_1124, %and3A_1126 : vector<16xi32>
        %add3A_1128 = arith.constant 32 : i32
        %add3A_1129 = vector.broadcast %add3A_1128 : i32 to vector<16xi32>
        %add3A_1130 = arith.addi %and3A_1127, %add3A_1129 : vector<16xi32>
        tpu.vector_store_idx %arg9[%add3A_1130, %add3A_130], %mul3A_962 : memref<64x128xf32, #tpu.memory_space<vmem>>[vector<16xi32>, vector<16xi32>], vector<16xf32>,
        %add3A_1131 = arith.constant 10 : i32
        %add3A_1132 = vector.broadcast %add3A_1131 : i32 to vector<16xi32>
        %add3A_1133 = arith.addi %iota3A_103, %add3A_1132 : vector<16xi32>
        %and3A_1134 = arith.constant 15 : i32
        %and3A_1135 = vector.broadcast %and3A_1134 : i32 to vector<16xi32>
        %and3A_1136 = arith.andi %add3A_1133, %and3A_1135 : vector<16xi32>
        %add3A_1137 = arith.constant 32 : i32
        %add3A_1138 = vector.broadcast %add3A_1137 : i32 to vector<16xi32>
        %add3A_1139 = arith.addi %and3A_1136, %add3A_1138 : vector<16xi32>
        tpu.vector_store_idx %arg9[%add3A_1139, %add3A_130], %mul3A_975 : memref<64x128xf32, #tpu.memory_space<vmem>>[vector<16xi32>, vector<16xi32>], vector<16xf32>,
        %add3A_1140 = arith.constant 11 : i32
        %add3A_1141 = vector.broadcast %add3A_1140 : i32 to vector<16xi32>
        %add3A_1142 = arith.addi %iota3A_103, %add3A_1141 : vector<16xi32>
        %and3A_1143 = arith.constant 15 : i32
        %and3A_1144 = vector.broadcast %and3A_1143 : i32 to vector<16xi32>
        %and3A_1145 = arith.andi %add3A_1142, %and3A_1144 : vector<16xi32>
        %add3A_1146 = arith.constant 32 : i32
        %add3A_1147 = vector.broadcast %add3A_1146 : i32 to vector<16xi32>
        %add3A_1148 = arith.addi %and3A_1145, %add3A_1147 : vector<16xi32>
        tpu.vector_store_idx %arg9[%add3A_1148, %add3A_130], %mul3A_988 : memref<64x128xf32, #tpu.memory_space<vmem>>[vector<16xi32>, vector<16xi32>], vector<16xf32>,
        %add3A_1149 = arith.constant 12 : i32
        %add3A_1150 = vector.broadcast %add3A_1149 : i32 to vector<16xi32>
        %add3A_1151 = arith.addi %iota3A_103, %add3A_1150 : vector<16xi32>
        %and3A_1152 = arith.constant 15 : i32
        %and3A_1153 = vector.broadcast %and3A_1152 : i32 to vector<16xi32>
        %and3A_1154 = arith.andi %add3A_1151, %and3A_1153 : vector<16xi32>
        %add3A_1155 = arith.constant 32 : i32
        %add3A_1156 = vector.broadcast %add3A_1155 : i32 to vector<16xi32>
        %add3A_1157 = arith.addi %and3A_1154, %add3A_1156 : vector<16xi32>
        tpu.vector_store_idx %arg9[%add3A_1157, %add3A_130], %mul3A_1001 : memref<64x128xf32, #tpu.memory_space<vmem>>[vector<16xi32>, vector<16xi32>], vector<16xf32>,
        %add3A_1158 = arith.constant 13 : i32
        %add3A_1159 = vector.broadcast %add3A_1158 : i32 to vector<16xi32>
        %add3A_1160 = arith.addi %iota3A_103, %add3A_1159 : vector<16xi32>
        %and3A_1161 = arith.constant 15 : i32
        %and3A_1162 = vector.broadcast %and3A_1161 : i32 to vector<16xi32>
        %and3A_1163 = arith.andi %add3A_1160, %and3A_1162 : vector<16xi32>
        %add3A_1164 = arith.constant 32 : i32
        %add3A_1165 = vector.broadcast %add3A_1164 : i32 to vector<16xi32>
        %add3A_1166 = arith.addi %and3A_1163, %add3A_1165 : vector<16xi32>
        tpu.vector_store_idx %arg9[%add3A_1166, %add3A_130], %mul3A_1014 : memref<64x128xf32, #tpu.memory_space<vmem>>[vector<16xi32>, vector<16xi32>], vector<16xf32>,
        %add3A_1167 = arith.constant 14 : i32
        %add3A_1168 = vector.broadcast %add3A_1167 : i32 to vector<16xi32>
        %add3A_1169 = arith.addi %iota3A_103, %add3A_1168 : vector<16xi32>
        %and3A_1170 = arith.constant 15 : i32
        %and3A_1171 = vector.broadcast %and3A_1170 : i32 to vector<16xi32>
        %and3A_1172 = arith.andi %add3A_1169, %and3A_1171 : vector<16xi32>
        %add3A_1173 = arith.constant 32 : i32
        %add3A_1174 = vector.broadcast %add3A_1173 : i32 to vector<16xi32>
        %add3A_1175 = arith.addi %and3A_1172, %add3A_1174 : vector<16xi32>
        tpu.vector_store_idx %arg9[%add3A_1175, %add3A_130], %mul3A_1027 : memref<64x128xf32, #tpu.memory_space<vmem>>[vector<16xi32>, vector<16xi32>], vector<16xf32>,
        %add3A_1176 = arith.constant 15 : i32
        %add3A_1177 = vector.broadcast %add3A_1176 : i32 to vector<16xi32>
        %add3A_1178 = arith.addi %iota3A_103, %add3A_1177 : vector<16xi32>
        %and3A_1179 = arith.constant 15 : i32
        %and3A_1180 = vector.broadcast %and3A_1179 : i32 to vector<16xi32>
        %and3A_1181 = arith.andi %add3A_1178, %and3A_1180 : vector<16xi32>
        %add3A_1182 = arith.constant 32 : i32
        %add3A_1183 = vector.broadcast %add3A_1182 : i32 to vector<16xi32>
        %add3A_1184 = arith.addi %and3A_1181, %add3A_1183 : vector<16xi32>
        tpu.vector_store_idx %arg9[%add3A_1184, %add3A_130], %mul3A_1040 : memref<64x128xf32, #tpu.memory_space<vmem>>[vector<16xi32>, vector<16xi32>], vector<16xf32>,
        %add3A_1185 = arith.constant 0 : i32
        %add3A_1186 = vector.broadcast %add3A_1185 : i32 to vector<16xi32>
        %add3A_1187 = arith.addi %iota3A_103, %add3A_1186 : vector<16xi32>
        %and3A_1188 = arith.constant 15 : i32
        %and3A_1189 = vector.broadcast %and3A_1188 : i32 to vector<16xi32>
        %and3A_1190 = arith.andi %add3A_1187, %and3A_1189 : vector<16xi32>
        %add3A_1191 = arith.constant 48 : i32
        %add3A_1192 = vector.broadcast %add3A_1191 : i32 to vector<16xi32>
        %add3A_1193 = arith.addi %and3A_1190, %add3A_1192 : vector<16xi32>
        %gather3A_1194 = tpu.vector_load_idx %arg7[%add3A_130, %add3A_1193] : memref<128x128xf32, #tpu.memory_space<vmem>>[vector<16xi32>, vector<16xi32>], vector<16xf32>,
        %mul3A_1195 = arith.constant 8.000000e+00 : f32
        %mul3A_1196 = vector.broadcast %mul3A_1195 : f32 to vector<16xf32>
        %mul3A_1197 = arith.mulf %gather3A_1194, %mul3A_1196 : vector<16xf32>
        %add3A_1198 = arith.constant 1 : i32
        %add3A_1199 = vector.broadcast %add3A_1198 : i32 to vector<16xi32>
        %add3A_1200 = arith.addi %iota3A_103, %add3A_1199 : vector<16xi32>
        %and3A_1201 = arith.constant 15 : i32
        %and3A_1202 = vector.broadcast %and3A_1201 : i32 to vector<16xi32>
        %and3A_1203 = arith.andi %add3A_1200, %and3A_1202 : vector<16xi32>
        %add3A_1204 = arith.constant 48 : i32
        %add3A_1205 = vector.broadcast %add3A_1204 : i32 to vector<16xi32>
        %add3A_1206 = arith.addi %and3A_1203, %add3A_1205 : vector<16xi32>
        %gather3A_1207 = tpu.vector_load_idx %arg7[%add3A_130, %add3A_1206] : memref<128x128xf32, #tpu.memory_space<vmem>>[vector<16xi32>, vector<16xi32>], vector<16xf32>,
        %mul3A_1208 = arith.constant 8.000000e+00 : f32
        %mul3A_1209 = vector.broadcast %mul3A_1208 : f32 to vector<16xf32>
        %mul3A_1210 = arith.mulf %gather3A_1207, %mul3A_1209 : vector<16xf32>
        %add3A_1211 = arith.constant 2 : i32
        %add3A_1212 = vector.broadcast %add3A_1211 : i32 to vector<16xi32>
        %add3A_1213 = arith.addi %iota3A_103, %add3A_1212 : vector<16xi32>
        %and3A_1214 = arith.constant 15 : i32
        %and3A_1215 = vector.broadcast %and3A_1214 : i32 to vector<16xi32>
        %and3A_1216 = arith.andi %add3A_1213, %and3A_1215 : vector<16xi32>
        %add3A_1217 = arith.constant 48 : i32
        %add3A_1218 = vector.broadcast %add3A_1217 : i32 to vector<16xi32>
        %add3A_1219 = arith.addi %and3A_1216, %add3A_1218 : vector<16xi32>
        %gather3A_1220 = tpu.vector_load_idx %arg7[%add3A_130, %add3A_1219] : memref<128x128xf32, #tpu.memory_space<vmem>>[vector<16xi32>, vector<16xi32>], vector<16xf32>,
        %mul3A_1221 = arith.constant 8.000000e+00 : f32
        %mul3A_1222 = vector.broadcast %mul3A_1221 : f32 to vector<16xf32>
        %mul3A_1223 = arith.mulf %gather3A_1220, %mul3A_1222 : vector<16xf32>
        %add3A_1224 = arith.constant 3 : i32
        %add3A_1225 = vector.broadcast %add3A_1224 : i32 to vector<16xi32>
        %add3A_1226 = arith.addi %iota3A_103, %add3A_1225 : vector<16xi32>
        %and3A_1227 = arith.constant 15 : i32
        %and3A_1228 = vector.broadcast %and3A_1227 : i32 to vector<16xi32>
        %and3A_1229 = arith.andi %add3A_1226, %and3A_1228 : vector<16xi32>
        %add3A_1230 = arith.constant 48 : i32
        %add3A_1231 = vector.broadcast %add3A_1230 : i32 to vector<16xi32>
        %add3A_1232 = arith.addi %and3A_1229, %add3A_1231 : vector<16xi32>
        %gather3A_1233 = tpu.vector_load_idx %arg7[%add3A_130, %add3A_1232] : memref<128x128xf32, #tpu.memory_space<vmem>>[vector<16xi32>, vector<16xi32>], vector<16xf32>,
        %mul3A_1234 = arith.constant 8.000000e+00 : f32
        %mul3A_1235 = vector.broadcast %mul3A_1234 : f32 to vector<16xf32>
        %mul3A_1236 = arith.mulf %gather3A_1233, %mul3A_1235 : vector<16xf32>
        %add3A_1237 = arith.constant 4 : i32
        %add3A_1238 = vector.broadcast %add3A_1237 : i32 to vector<16xi32>
        %add3A_1239 = arith.addi %iota3A_103, %add3A_1238 : vector<16xi32>
        %and3A_1240 = arith.constant 15 : i32
        %and3A_1241 = vector.broadcast %and3A_1240 : i32 to vector<16xi32>
        %and3A_1242 = arith.andi %add3A_1239, %and3A_1241 : vector<16xi32>
        %add3A_1243 = arith.constant 48 : i32
        %add3A_1244 = vector.broadcast %add3A_1243 : i32 to vector<16xi32>
        %add3A_1245 = arith.addi %and3A_1242, %add3A_1244 : vector<16xi32>
        %gather3A_1246 = tpu.vector_load_idx %arg7[%add3A_130, %add3A_1245] : memref<128x128xf32, #tpu.memory_space<vmem>>[vector<16xi32>, vector<16xi32>], vector<16xf32>,
        %mul3A_1247 = arith.constant 8.000000e+00 : f32
        %mul3A_1248 = vector.broadcast %mul3A_1247 : f32 to vector<16xf32>
        %mul3A_1249 = arith.mulf %gather3A_1246, %mul3A_1248 : vector<16xf32>
        %add3A_1250 = arith.constant 5 : i32
        %add3A_1251 = vector.broadcast %add3A_1250 : i32 to vector<16xi32>
        %add3A_1252 = arith.addi %iota3A_103, %add3A_1251 : vector<16xi32>
        %and3A_1253 = arith.constant 15 : i32
        %and3A_1254 = vector.broadcast %and3A_1253 : i32 to vector<16xi32>
        %and3A_1255 = arith.andi %add3A_1252, %and3A_1254 : vector<16xi32>
        %add3A_1256 = arith.constant 48 : i32
        %add3A_1257 = vector.broadcast %add3A_1256 : i32 to vector<16xi32>
        %add3A_1258 = arith.addi %and3A_1255, %add3A_1257 : vector<16xi32>
        %gather3A_1259 = tpu.vector_load_idx %arg7[%add3A_130, %add3A_1258] : memref<128x128xf32, #tpu.memory_space<vmem>>[vector<16xi32>, vector<16xi32>], vector<16xf32>,
        %mul3A_1260 = arith.constant 8.000000e+00 : f32
        %mul3A_1261 = vector.broadcast %mul3A_1260 : f32 to vector<16xf32>
        %mul3A_1262 = arith.mulf %gather3A_1259, %mul3A_1261 : vector<16xf32>
        %add3A_1263 = arith.constant 6 : i32
        %add3A_1264 = vector.broadcast %add3A_1263 : i32 to vector<16xi32>
        %add3A_1265 = arith.addi %iota3A_103, %add3A_1264 : vector<16xi32>
        %and3A_1266 = arith.constant 15 : i32
        %and3A_1267 = vector.broadcast %and3A_1266 : i32 to vector<16xi32>
        %and3A_1268 = arith.andi %add3A_1265, %and3A_1267 : vector<16xi32>
        %add3A_1269 = arith.constant 48 : i32
        %add3A_1270 = vector.broadcast %add3A_1269 : i32 to vector<16xi32>
        %add3A_1271 = arith.addi %and3A_1268, %add3A_1270 : vector<16xi32>
        %gather3A_1272 = tpu.vector_load_idx %arg7[%add3A_130, %add3A_1271] : memref<128x128xf32, #tpu.memory_space<vmem>>[vector<16xi32>, vector<16xi32>], vector<16xf32>,
        %mul3A_1273 = arith.constant 8.000000e+00 : f32
        %mul3A_1274 = vector.broadcast %mul3A_1273 : f32 to vector<16xf32>
        %mul3A_1275 = arith.mulf %gather3A_1272, %mul3A_1274 : vector<16xf32>
        %add3A_1276 = arith.constant 7 : i32
        %add3A_1277 = vector.broadcast %add3A_1276 : i32 to vector<16xi32>
        %add3A_1278 = arith.addi %iota3A_103, %add3A_1277 : vector<16xi32>
        %and3A_1279 = arith.constant 15 : i32
        %and3A_1280 = vector.broadcast %and3A_1279 : i32 to vector<16xi32>
        %and3A_1281 = arith.andi %add3A_1278, %and3A_1280 : vector<16xi32>
        %add3A_1282 = arith.constant 48 : i32
        %add3A_1283 = vector.broadcast %add3A_1282 : i32 to vector<16xi32>
        %add3A_1284 = arith.addi %and3A_1281, %add3A_1283 : vector<16xi32>
        %gather3A_1285 = tpu.vector_load_idx %arg7[%add3A_130, %add3A_1284] : memref<128x128xf32, #tpu.memory_space<vmem>>[vector<16xi32>, vector<16xi32>], vector<16xf32>,
        %mul3A_1286 = arith.constant 8.000000e+00 : f32
        %mul3A_1287 = vector.broadcast %mul3A_1286 : f32 to vector<16xf32>
        %mul3A_1288 = arith.mulf %gather3A_1285, %mul3A_1287 : vector<16xf32>
        %add3A_1289 = arith.constant 8 : i32
        %add3A_1290 = vector.broadcast %add3A_1289 : i32 to vector<16xi32>
        %add3A_1291 = arith.addi %iota3A_103, %add3A_1290 : vector<16xi32>
        %and3A_1292 = arith.constant 15 : i32
        %and3A_1293 = vector.broadcast %and3A_1292 : i32 to vector<16xi32>
        %and3A_1294 = arith.andi %add3A_1291, %and3A_1293 : vector<16xi32>
        %add3A_1295 = arith.constant 48 : i32
        %add3A_1296 = vector.broadcast %add3A_1295 : i32 to vector<16xi32>
        %add3A_1297 = arith.addi %and3A_1294, %add3A_1296 : vector<16xi32>
        %gather3A_1298 = tpu.vector_load_idx %arg7[%add3A_130, %add3A_1297] : memref<128x128xf32, #tpu.memory_space<vmem>>[vector<16xi32>, vector<16xi32>], vector<16xf32>,
        %mul3A_1299 = arith.constant 8.000000e+00 : f32
        %mul3A_1300 = vector.broadcast %mul3A_1299 : f32 to vector<16xf32>
        %mul3A_1301 = arith.mulf %gather3A_1298, %mul3A_1300 : vector<16xf32>
        %add3A_1302 = arith.constant 9 : i32
        %add3A_1303 = vector.broadcast %add3A_1302 : i32 to vector<16xi32>
        %add3A_1304 = arith.addi %iota3A_103, %add3A_1303 : vector<16xi32>
        %and3A_1305 = arith.constant 15 : i32
        %and3A_1306 = vector.broadcast %and3A_1305 : i32 to vector<16xi32>
        %and3A_1307 = arith.andi %add3A_1304, %and3A_1306 : vector<16xi32>
        %add3A_1308 = arith.constant 48 : i32
        %add3A_1309 = vector.broadcast %add3A_1308 : i32 to vector<16xi32>
        %add3A_1310 = arith.addi %and3A_1307, %add3A_1309 : vector<16xi32>
        %gather3A_1311 = tpu.vector_load_idx %arg7[%add3A_130, %add3A_1310] : memref<128x128xf32, #tpu.memory_space<vmem>>[vector<16xi32>, vector<16xi32>], vector<16xf32>,
        %mul3A_1312 = arith.constant 8.000000e+00 : f32
        %mul3A_1313 = vector.broadcast %mul3A_1312 : f32 to vector<16xf32>
        %mul3A_1314 = arith.mulf %gather3A_1311, %mul3A_1313 : vector<16xf32>
        %add3A_1315 = arith.constant 10 : i32
        %add3A_1316 = vector.broadcast %add3A_1315 : i32 to vector<16xi32>
        %add3A_1317 = arith.addi %iota3A_103, %add3A_1316 : vector<16xi32>
        %and3A_1318 = arith.constant 15 : i32
        %and3A_1319 = vector.broadcast %and3A_1318 : i32 to vector<16xi32>
        %and3A_1320 = arith.andi %add3A_1317, %and3A_1319 : vector<16xi32>
        %add3A_1321 = arith.constant 48 : i32
        %add3A_1322 = vector.broadcast %add3A_1321 : i32 to vector<16xi32>
        %add3A_1323 = arith.addi %and3A_1320, %add3A_1322 : vector<16xi32>
        %gather3A_1324 = tpu.vector_load_idx %arg7[%add3A_130, %add3A_1323] : memref<128x128xf32, #tpu.memory_space<vmem>>[vector<16xi32>, vector<16xi32>], vector<16xf32>,
        %mul3A_1325 = arith.constant 8.000000e+00 : f32
        %mul3A_1326 = vector.broadcast %mul3A_1325 : f32 to vector<16xf32>
        %mul3A_1327 = arith.mulf %gather3A_1324, %mul3A_1326 : vector<16xf32>
        %add3A_1328 = arith.constant 11 : i32
        %add3A_1329 = vector.broadcast %add3A_1328 : i32 to vector<16xi32>
        %add3A_1330 = arith.addi %iota3A_103, %add3A_1329 : vector<16xi32>
        %and3A_1331 = arith.constant 15 : i32
        %and3A_1332 = vector.broadcast %and3A_1331 : i32 to vector<16xi32>
        %and3A_1333 = arith.andi %add3A_1330, %and3A_1332 : vector<16xi32>
        %add3A_1334 = arith.constant 48 : i32
        %add3A_1335 = vector.broadcast %add3A_1334 : i32 to vector<16xi32>
        %add3A_1336 = arith.addi %and3A_1333, %add3A_1335 : vector<16xi32>
        %gather3A_1337 = tpu.vector_load_idx %arg7[%add3A_130, %add3A_1336] : memref<128x128xf32, #tpu.memory_space<vmem>>[vector<16xi32>, vector<16xi32>], vector<16xf32>,
        %mul3A_1338 = arith.constant 8.000000e+00 : f32
        %mul3A_1339 = vector.broadcast %mul3A_1338 : f32 to vector<16xf32>
        %mul3A_1340 = arith.mulf %gather3A_1337, %mul3A_1339 : vector<16xf32>
        %add3A_1341 = arith.constant 12 : i32
        %add3A_1342 = vector.broadcast %add3A_1341 : i32 to vector<16xi32>
        %add3A_1343 = arith.addi %iota3A_103, %add3A_1342 : vector<16xi32>
        %and3A_1344 = arith.constant 15 : i32
        %and3A_1345 = vector.broadcast %and3A_1344 : i32 to vector<16xi32>
        %and3A_1346 = arith.andi %add3A_1343, %and3A_1345 : vector<16xi32>
        %add3A_1347 = arith.constant 48 : i32
        %add3A_1348 = vector.broadcast %add3A_1347 : i32 to vector<16xi32>
        %add3A_1349 = arith.addi %and3A_1346, %add3A_1348 : vector<16xi32>
        %gather3A_1350 = tpu.vector_load_idx %arg7[%add3A_130, %add3A_1349] : memref<128x128xf32, #tpu.memory_space<vmem>>[vector<16xi32>, vector<16xi32>], vector<16xf32>,
        %mul3A_1351 = arith.constant 8.000000e+00 : f32
        %mul3A_1352 = vector.broadcast %mul3A_1351 : f32 to vector<16xf32>
        %mul3A_1353 = arith.mulf %gather3A_1350, %mul3A_1352 : vector<16xf32>
        %add3A_1354 = arith.constant 13 : i32
        %add3A_1355 = vector.broadcast %add3A_1354 : i32 to vector<16xi32>
        %add3A_1356 = arith.addi %iota3A_103, %add3A_1355 : vector<16xi32>
        %and3A_1357 = arith.constant 15 : i32
        %and3A_1358 = vector.broadcast %and3A_1357 : i32 to vector<16xi32>
        %and3A_1359 = arith.andi %add3A_1356, %and3A_1358 : vector<16xi32>
        %add3A_1360 = arith.constant 48 : i32
        %add3A_1361 = vector.broadcast %add3A_1360 : i32 to vector<16xi32>
        %add3A_1362 = arith.addi %and3A_1359, %add3A_1361 : vector<16xi32>
        %gather3A_1363 = tpu.vector_load_idx %arg7[%add3A_130, %add3A_1362] : memref<128x128xf32, #tpu.memory_space<vmem>>[vector<16xi32>, vector<16xi32>], vector<16xf32>,
        %mul3A_1364 = arith.constant 8.000000e+00 : f32
        %mul3A_1365 = vector.broadcast %mul3A_1364 : f32 to vector<16xf32>
        %mul3A_1366 = arith.mulf %gather3A_1363, %mul3A_1365 : vector<16xf32>
        %add3A_1367 = arith.constant 14 : i32
        %add3A_1368 = vector.broadcast %add3A_1367 : i32 to vector<16xi32>
        %add3A_1369 = arith.addi %iota3A_103, %add3A_1368 : vector<16xi32>
        %and3A_1370 = arith.constant 15 : i32
        %and3A_1371 = vector.broadcast %and3A_1370 : i32 to vector<16xi32>
        %and3A_1372 = arith.andi %add3A_1369, %and3A_1371 : vector<16xi32>
        %add3A_1373 = arith.constant 48 : i32
        %add3A_1374 = vector.broadcast %add3A_1373 : i32 to vector<16xi32>
        %add3A_1375 = arith.addi %and3A_1372, %add3A_1374 : vector<16xi32>
        %gather3A_1376 = tpu.vector_load_idx %arg7[%add3A_130, %add3A_1375] : memref<128x128xf32, #tpu.memory_space<vmem>>[vector<16xi32>, vector<16xi32>], vector<16xf32>,
        %mul3A_1377 = arith.constant 8.000000e+00 : f32
        %mul3A_1378 = vector.broadcast %mul3A_1377 : f32 to vector<16xf32>
        %mul3A_1379 = arith.mulf %gather3A_1376, %mul3A_1378 : vector<16xf32>
        %add3A_1380 = arith.constant 15 : i32
        %add3A_1381 = vector.broadcast %add3A_1380 : i32 to vector<16xi32>
        %add3A_1382 = arith.addi %iota3A_103, %add3A_1381 : vector<16xi32>
        %and3A_1383 = arith.constant 15 : i32
        %and3A_1384 = vector.broadcast %and3A_1383 : i32 to vector<16xi32>
        %and3A_1385 = arith.andi %add3A_1382, %and3A_1384 : vector<16xi32>
        %add3A_1386 = arith.constant 48 : i32
        %add3A_1387 = vector.broadcast %add3A_1386 : i32 to vector<16xi32>
        %add3A_1388 = arith.addi %and3A_1385, %add3A_1387 : vector<16xi32>
        %gather3A_1389 = tpu.vector_load_idx %arg7[%add3A_130, %add3A_1388] : memref<128x128xf32, #tpu.memory_space<vmem>>[vector<16xi32>, vector<16xi32>], vector<16xf32>,
        %mul3A_1390 = arith.constant 8.000000e+00 : f32
        %mul3A_1391 = vector.broadcast %mul3A_1390 : f32 to vector<16xf32>
        %mul3A_1392 = arith.mulf %gather3A_1389, %mul3A_1391 : vector<16xf32>
        %add3A_1393 = arith.constant 0 : i32
        %add3A_1394 = vector.broadcast %add3A_1393 : i32 to vector<16xi32>
        %add3A_1395 = arith.addi %iota3A_103, %add3A_1394 : vector<16xi32>
        %and3A_1396 = arith.constant 15 : i32
        %and3A_1397 = vector.broadcast %and3A_1396 : i32 to vector<16xi32>
        %and3A_1398 = arith.andi %add3A_1395, %and3A_1397 : vector<16xi32>
        %add3A_1399 = arith.constant 48 : i32
        %add3A_1400 = vector.broadcast %add3A_1399 : i32 to vector<16xi32>
        %add3A_1401 = arith.addi %and3A_1398, %add3A_1400 : vector<16xi32>
        tpu.vector_store_idx %arg9[%add3A_1401, %add3A_130], %mul3A_1197 : memref<64x128xf32, #tpu.memory_space<vmem>>[vector<16xi32>, vector<16xi32>], vector<16xf32>,
        %add3A_1402 = arith.constant 1 : i32
        %add3A_1403 = vector.broadcast %add3A_1402 : i32 to vector<16xi32>
        %add3A_1404 = arith.addi %iota3A_103, %add3A_1403 : vector<16xi32>
        %and3A_1405 = arith.constant 15 : i32
        %and3A_1406 = vector.broadcast %and3A_1405 : i32 to vector<16xi32>
        %and3A_1407 = arith.andi %add3A_1404, %and3A_1406 : vector<16xi32>
        %add3A_1408 = arith.constant 48 : i32
        %add3A_1409 = vector.broadcast %add3A_1408 : i32 to vector<16xi32>
        %add3A_1410 = arith.addi %and3A_1407, %add3A_1409 : vector<16xi32>
        tpu.vector_store_idx %arg9[%add3A_1410, %add3A_130], %mul3A_1210 : memref<64x128xf32, #tpu.memory_space<vmem>>[vector<16xi32>, vector<16xi32>], vector<16xf32>,
        %add3A_1411 = arith.constant 2 : i32
        %add3A_1412 = vector.broadcast %add3A_1411 : i32 to vector<16xi32>
        %add3A_1413 = arith.addi %iota3A_103, %add3A_1412 : vector<16xi32>
        %and3A_1414 = arith.constant 15 : i32
        %and3A_1415 = vector.broadcast %and3A_1414 : i32 to vector<16xi32>
        %and3A_1416 = arith.andi %add3A_1413, %and3A_1415 : vector<16xi32>
        %add3A_1417 = arith.constant 48 : i32
        %add3A_1418 = vector.broadcast %add3A_1417 : i32 to vector<16xi32>
        %add3A_1419 = arith.addi %and3A_1416, %add3A_1418 : vector<16xi32>
        tpu.vector_store_idx %arg9[%add3A_1419, %add3A_130], %mul3A_1223 : memref<64x128xf32, #tpu.memory_space<vmem>>[vector<16xi32>, vector<16xi32>], vector<16xf32>,
        %add3A_1420 = arith.constant 3 : i32
        %add3A_1421 = vector.broadcast %add3A_1420 : i32 to vector<16xi32>
        %add3A_1422 = arith.addi %iota3A_103, %add3A_1421 : vector<16xi32>
        %and3A_1423 = arith.constant 15 : i32
        %and3A_1424 = vector.broadcast %and3A_1423 : i32 to vector<16xi32>
        %and3A_1425 = arith.andi %add3A_1422, %and3A_1424 : vector<16xi32>
        %add3A_1426 = arith.constant 48 : i32
        %add3A_1427 = vector.broadcast %add3A_1426 : i32 to vector<16xi32>
        %add3A_1428 = arith.addi %and3A_1425, %add3A_1427 : vector<16xi32>
        tpu.vector_store_idx %arg9[%add3A_1428, %add3A_130], %mul3A_1236 : memref<64x128xf32, #tpu.memory_space<vmem>>[vector<16xi32>, vector<16xi32>], vector<16xf32>,
        %add3A_1429 = arith.constant 4 : i32
        %add3A_1430 = vector.broadcast %add3A_1429 : i32 to vector<16xi32>
        %add3A_1431 = arith.addi %iota3A_103, %add3A_1430 : vector<16xi32>
        %and3A_1432 = arith.constant 15 : i32
        %and3A_1433 = vector.broadcast %and3A_1432 : i32 to vector<16xi32>
        %and3A_1434 = arith.andi %add3A_1431, %and3A_1433 : vector<16xi32>
        %add3A_1435 = arith.constant 48 : i32
        %add3A_1436 = vector.broadcast %add3A_1435 : i32 to vector<16xi32>
        %add3A_1437 = arith.addi %and3A_1434, %add3A_1436 : vector<16xi32>
        tpu.vector_store_idx %arg9[%add3A_1437, %add3A_130], %mul3A_1249 : memref<64x128xf32, #tpu.memory_space<vmem>>[vector<16xi32>, vector<16xi32>], vector<16xf32>,
        %add3A_1438 = arith.constant 5 : i32
        %add3A_1439 = vector.broadcast %add3A_1438 : i32 to vector<16xi32>
        %add3A_1440 = arith.addi %iota3A_103, %add3A_1439 : vector<16xi32>
        %and3A_1441 = arith.constant 15 : i32
        %and3A_1442 = vector.broadcast %and3A_1441 : i32 to vector<16xi32>
        %and3A_1443 = arith.andi %add3A_1440, %and3A_1442 : vector<16xi32>
        %add3A_1444 = arith.constant 48 : i32
        %add3A_1445 = vector.broadcast %add3A_1444 : i32 to vector<16xi32>
        %add3A_1446 = arith.addi %and3A_1443, %add3A_1445 : vector<16xi32>
        tpu.vector_store_idx %arg9[%add3A_1446, %add3A_130], %mul3A_1262 : memref<64x128xf32, #tpu.memory_space<vmem>>[vector<16xi32>, vector<16xi32>], vector<16xf32>,
        %add3A_1447 = arith.constant 6 : i32
        %add3A_1448 = vector.broadcast %add3A_1447 : i32 to vector<16xi32>
        %add3A_1449 = arith.addi %iota3A_103, %add3A_1448 : vector<16xi32>
        %and3A_1450 = arith.constant 15 : i32
        %and3A_1451 = vector.broadcast %and3A_1450 : i32 to vector<16xi32>
        %and3A_1452 = arith.andi %add3A_1449, %and3A_1451 : vector<16xi32>
        %add3A_1453 = arith.constant 48 : i32
        %add3A_1454 = vector.broadcast %add3A_1453 : i32 to vector<16xi32>
        %add3A_1455 = arith.addi %and3A_1452, %add3A_1454 : vector<16xi32>
        tpu.vector_store_idx %arg9[%add3A_1455, %add3A_130], %mul3A_1275 : memref<64x128xf32, #tpu.memory_space<vmem>>[vector<16xi32>, vector<16xi32>], vector<16xf32>,
        %add3A_1456 = arith.constant 7 : i32
        %add3A_1457 = vector.broadcast %add3A_1456 : i32 to vector<16xi32>
        %add3A_1458 = arith.addi %iota3A_103, %add3A_1457 : vector<16xi32>
        %and3A_1459 = arith.constant 15 : i32
        %and3A_1460 = vector.broadcast %and3A_1459 : i32 to vector<16xi32>
        %and3A_1461 = arith.andi %add3A_1458, %and3A_1460 : vector<16xi32>
        %add3A_1462 = arith.constant 48 : i32
        %add3A_1463 = vector.broadcast %add3A_1462 : i32 to vector<16xi32>
        %add3A_1464 = arith.addi %and3A_1461, %add3A_1463 : vector<16xi32>
        tpu.vector_store_idx %arg9[%add3A_1464, %add3A_130], %mul3A_1288 : memref<64x128xf32, #tpu.memory_space<vmem>>[vector<16xi32>, vector<16xi32>], vector<16xf32>,
        %add3A_1465 = arith.constant 8 : i32
        %add3A_1466 = vector.broadcast %add3A_1465 : i32 to vector<16xi32>
        %add3A_1467 = arith.addi %iota3A_103, %add3A_1466 : vector<16xi32>
        %and3A_1468 = arith.constant 15 : i32
        %and3A_1469 = vector.broadcast %and3A_1468 : i32 to vector<16xi32>
        %and3A_1470 = arith.andi %add3A_1467, %and3A_1469 : vector<16xi32>
        %add3A_1471 = arith.constant 48 : i32
        %add3A_1472 = vector.broadcast %add3A_1471 : i32 to vector<16xi32>
        %add3A_1473 = arith.addi %and3A_1470, %add3A_1472 : vector<16xi32>
        tpu.vector_store_idx %arg9[%add3A_1473, %add3A_130], %mul3A_1301 : memref<64x128xf32, #tpu.memory_space<vmem>>[vector<16xi32>, vector<16xi32>], vector<16xf32>,
        %add3A_1474 = arith.constant 9 : i32
        %add3A_1475 = vector.broadcast %add3A_1474 : i32 to vector<16xi32>
        %add3A_1476 = arith.addi %iota3A_103, %add3A_1475 : vector<16xi32>
        %and3A_1477 = arith.constant 15 : i32
        %and3A_1478 = vector.broadcast %and3A_1477 : i32 to vector<16xi32>
        %and3A_1479 = arith.andi %add3A_1476, %and3A_1478 : vector<16xi32>
        %add3A_1480 = arith.constant 48 : i32
        %add3A_1481 = vector.broadcast %add3A_1480 : i32 to vector<16xi32>
        %add3A_1482 = arith.addi %and3A_1479, %add3A_1481 : vector<16xi32>
        tpu.vector_store_idx %arg9[%add3A_1482, %add3A_130], %mul3A_1314 : memref<64x128xf32, #tpu.memory_space<vmem>>[vector<16xi32>, vector<16xi32>], vector<16xf32>,
        %add3A_1483 = arith.constant 10 : i32
        %add3A_1484 = vector.broadcast %add3A_1483 : i32 to vector<16xi32>
        %add3A_1485 = arith.addi %iota3A_103, %add3A_1484 : vector<16xi32>
        %and3A_1486 = arith.constant 15 : i32
        %and3A_1487 = vector.broadcast %and3A_1486 : i32 to vector<16xi32>
        %and3A_1488 = arith.andi %add3A_1485, %and3A_1487 : vector<16xi32>
        %add3A_1489 = arith.constant 48 : i32
        %add3A_1490 = vector.broadcast %add3A_1489 : i32 to vector<16xi32>
        %add3A_1491 = arith.addi %and3A_1488, %add3A_1490 : vector<16xi32>
        tpu.vector_store_idx %arg9[%add3A_1491, %add3A_130], %mul3A_1327 : memref<64x128xf32, #tpu.memory_space<vmem>>[vector<16xi32>, vector<16xi32>], vector<16xf32>,
        %add3A_1492 = arith.constant 11 : i32
        %add3A_1493 = vector.broadcast %add3A_1492 : i32 to vector<16xi32>
        %add3A_1494 = arith.addi %iota3A_103, %add3A_1493 : vector<16xi32>
        %and3A_1495 = arith.constant 15 : i32
        %and3A_1496 = vector.broadcast %and3A_1495 : i32 to vector<16xi32>
        %and3A_1497 = arith.andi %add3A_1494, %and3A_1496 : vector<16xi32>
        %add3A_1498 = arith.constant 48 : i32
        %add3A_1499 = vector.broadcast %add3A_1498 : i32 to vector<16xi32>
        %add3A_1500 = arith.addi %and3A_1497, %add3A_1499 : vector<16xi32>
        tpu.vector_store_idx %arg9[%add3A_1500, %add3A_130], %mul3A_1340 : memref<64x128xf32, #tpu.memory_space<vmem>>[vector<16xi32>, vector<16xi32>], vector<16xf32>,
        %add3A_1501 = arith.constant 12 : i32
        %add3A_1502 = vector.broadcast %add3A_1501 : i32 to vector<16xi32>
        %add3A_1503 = arith.addi %iota3A_103, %add3A_1502 : vector<16xi32>
        %and3A_1504 = arith.constant 15 : i32
        %and3A_1505 = vector.broadcast %and3A_1504 : i32 to vector<16xi32>
        %and3A_1506 = arith.andi %add3A_1503, %and3A_1505 : vector<16xi32>
        %add3A_1507 = arith.constant 48 : i32
        %add3A_1508 = vector.broadcast %add3A_1507 : i32 to vector<16xi32>
        %add3A_1509 = arith.addi %and3A_1506, %add3A_1508 : vector<16xi32>
        tpu.vector_store_idx %arg9[%add3A_1509, %add3A_130], %mul3A_1353 : memref<64x128xf32, #tpu.memory_space<vmem>>[vector<16xi32>, vector<16xi32>], vector<16xf32>,
        %add3A_1510 = arith.constant 13 : i32
        %add3A_1511 = vector.broadcast %add3A_1510 : i32 to vector<16xi32>
        %add3A_1512 = arith.addi %iota3A_103, %add3A_1511 : vector<16xi32>
        %and3A_1513 = arith.constant 15 : i32
        %and3A_1514 = vector.broadcast %and3A_1513 : i32 to vector<16xi32>
        %and3A_1515 = arith.andi %add3A_1512, %and3A_1514 : vector<16xi32>
        %add3A_1516 = arith.constant 48 : i32
        %add3A_1517 = vector.broadcast %add3A_1516 : i32 to vector<16xi32>
        %add3A_1518 = arith.addi %and3A_1515, %add3A_1517 : vector<16xi32>
        tpu.vector_store_idx %arg9[%add3A_1518, %add3A_130], %mul3A_1366 : memref<64x128xf32, #tpu.memory_space<vmem>>[vector<16xi32>, vector<16xi32>], vector<16xf32>,
        %add3A_1519 = arith.constant 14 : i32
        %add3A_1520 = vector.broadcast %add3A_1519 : i32 to vector<16xi32>
        %add3A_1521 = arith.addi %iota3A_103, %add3A_1520 : vector<16xi32>
        %and3A_1522 = arith.constant 15 : i32
        %and3A_1523 = vector.broadcast %and3A_1522 : i32 to vector<16xi32>
        %and3A_1524 = arith.andi %add3A_1521, %and3A_1523 : vector<16xi32>
        %add3A_1525 = arith.constant 48 : i32
        %add3A_1526 = vector.broadcast %add3A_1525 : i32 to vector<16xi32>
        %add3A_1527 = arith.addi %and3A_1524, %add3A_1526 : vector<16xi32>
        tpu.vector_store_idx %arg9[%add3A_1527, %add3A_130], %mul3A_1379 : memref<64x128xf32, #tpu.memory_space<vmem>>[vector<16xi32>, vector<16xi32>], vector<16xf32>,
        %add3A_1528 = arith.constant 15 : i32
        %add3A_1529 = vector.broadcast %add3A_1528 : i32 to vector<16xi32>
        %add3A_1530 = arith.addi %iota3A_103, %add3A_1529 : vector<16xi32>
        %and3A_1531 = arith.constant 15 : i32
        %and3A_1532 = vector.broadcast %and3A_1531 : i32 to vector<16xi32>
        %and3A_1533 = arith.andi %add3A_1530, %and3A_1532 : vector<16xi32>
        %add3A_1534 = arith.constant 48 : i32
        %add3A_1535 = vector.broadcast %add3A_1534 : i32 to vector<16xi32>
        %add3A_1536 = arith.addi %and3A_1533, %add3A_1535 : vector<16xi32>
        tpu.vector_store_idx %arg9[%add3A_1536, %add3A_130], %mul3A_1392 : memref<64x128xf32, #tpu.memory_space<vmem>>[vector<16xi32>, vector<16xi32>], vector<16xf32>,
      }
      %scan3A_109 = arith.constant 8 : i32
      %dma_start3A_110 = arith.constant 1 : i32
      %dma_start3A_111 = arith.constant 0 : i32
      %dma_start3A_112 = tpu.memref_slice %arg4[%add3A_87, %dma_start3A_111, %mul3A_2] : memref<200x64x4096xf32, #tpu.memory_space<hbm>> -> memref<1x64x128xf32, #tpu.memory_space<hbm>>
      %dma_start3A_113 = tpu.memref_squeeze %dma_start3A_112 : memref<1x64x128xf32, #tpu.memory_space<hbm>> -> memref<64x128xf32, #tpu.memory_space<hbm>>
      %dma_start3A_114 = tpu.memref_slice %arg11[%dma_start3A_110] : memref<2x!tpu.dma_semaphore, #tpu.memory_space<semaphore_mem>> -> memref<1x!tpu.dma_semaphore, #tpu.memory_space<semaphore_mem>>
      %dma_start3A_115 = tpu.memref_squeeze %dma_start3A_114 : memref<1x!tpu.dma_semaphore, #tpu.memory_space<semaphore_mem>> -> memref<!tpu.dma_semaphore, #tpu.memory_space<semaphore_mem>>
      %dma_start3A_116 = arith.constant 0 : i32
      %dma_start3A_117 = tpu.memref_slice %arg4[%add3A_87, %dma_start3A_116, %mul3A_2] : memref<200x64x4096xf32, #tpu.memory_space<hbm>> -> memref<1x64x128xf32, #tpu.memory_space<hbm>>
      %dma_start3A_118 = tpu.memref_squeeze %dma_start3A_117 : memref<1x64x128xf32, #tpu.memory_space<hbm>> -> memref<64x128xf32, #tpu.memory_space<hbm>>
      tpu.enqueue_dma source(%arg9 : memref<64x128xf32, #tpu.memory_space<vmem>>) target(%dma_start3A_118 : memref<64x128xf32, #tpu.memory_space<hbm>>) target_semaphore(%dma_start3A_115 : memref<!tpu.dma_semaphore, #tpu.memory_space<semaphore_mem>>)
      %add3A_119 = arith.constant 2 : i32
      %add3A_120 = arith.addi %add3A_87, %add3A_119 : i32
      %lt3A_121 = arith.constant 200 : i32
      %lt3A_122 = arith.cmpi slt, %add3A_120, %lt3A_121 : i32
      %convert_element_type3A_123 = arith.extui %lt3A_122 : i1 to i32
      %cond3A_124 = arith.constant 0 : i32
      %cond3A_125 = arith.cmpi ne, %convert_element_type3A_123, %cond3A_124 : i32
      scf.if %cond3A_125 {
        %add3A_126 = arith.constant 2 : i32
        %add3A_127 = arith.addi %add3A_87, %add3A_126 : i32
        %dma_start3A_128 = arith.constant 1 : i32
        %dma_start3A_129 = arith.constant 0 : i32
        %dma_start3A_130 = tpu.memref_slice %arg5[%add3A_127, %dma_start3A_129] : memref<200x128xi32, #tpu.memory_space<vmem>> -> memref<1x128xi32, #tpu.memory_space<vmem>>
        %dma_start3A_131 = tpu.memref_squeeze %dma_start3A_130 : memref<1x128xi32, #tpu.memory_space<vmem>> -> memref<128xi32, #tpu.memory_space<vmem>>
        %dma_start3A_132 = arith.constant 0 : i32
        %dma_start3A_133 = arith.constant 0 : i32
        %dma_start3A_134 = tpu.memref_slice %arg3[%dma_start3A_132, %dma_start3A_133] : memref<1000000x128xf32, #tpu.memory_space<hbm>> -> memref<1000000x128xf32, #tpu.memory_space<hbm>>
        %dma_start3A_135 = tpu.memref_slice %arg10[%dma_start3A_128] : memref<2x!tpu.dma_semaphore, #tpu.memory_space<semaphore_mem>> -> memref<1x!tpu.dma_semaphore, #tpu.memory_space<semaphore_mem>>
        %dma_start3A_136 = tpu.memref_squeeze %dma_start3A_135 : memref<1x!tpu.dma_semaphore, #tpu.memory_space<semaphore_mem>> -> memref<!tpu.dma_semaphore, #tpu.memory_space<semaphore_mem>>
        tpu.enqueue_indirect_dma source(%dma_start3A_134 : memref<1000000x128xf32, #tpu.memory_space<hbm>>) target(%arg7 : memref<128x128xf32, #tpu.memory_space<vmem>>) offsets(%dma_start3A_131 : memref<128xi32, #tpu.memory_space<vmem>>) semaphore(%dma_start3A_136 : memref<!tpu.dma_semaphore, #tpu.memory_space<semaphore_mem>>)
      } else {
      }
    }
    %scan3A_26 = arith.constant 100 : i32
    %dma_wait3A = arith.constant 0 : i32
    %dma_wait3A_27 = arith.constant 0 : i32
    %dma_wait3A_28 = arith.constant 0 : i32
    %dma_wait3A_29 = tpu.memref_slice %arg4[%dma_wait3A, %dma_wait3A_28, %mul3A_2] : memref<200x64x4096xf32, #tpu.memory_space<hbm>> -> memref<1x64x128xf32, #tpu.memory_space<hbm>>
    %dma_wait3A_30 = tpu.memref_squeeze %dma_wait3A_29 : memref<1x64x128xf32, #tpu.memory_space<hbm>> -> memref<64x128xf32, #tpu.memory_space<hbm>>
    %dma_wait3A_31 = tpu.memref_slice %arg11[%dma_wait3A_27] : memref<2x!tpu.dma_semaphore, #tpu.memory_space<semaphore_mem>> -> memref<1x!tpu.dma_semaphore, #tpu.memory_space<semaphore_mem>>
    %dma_wait3A_32 = tpu.memref_squeeze %dma_wait3A_31 : memref<1x!tpu.dma_semaphore, #tpu.memory_space<semaphore_mem>> -> memref<!tpu.dma_semaphore, #tpu.memory_space<semaphore_mem>>
    %dma_wait3A_33 = arith.constant 0 : i32
    %dma_wait3A_34 = tpu.memref_slice %arg4[%dma_wait3A, %dma_wait3A_33, %mul3A_2] : memref<200x64x4096xf32, #tpu.memory_space<hbm>> -> memref<1x64x128xf32, #tpu.memory_space<hbm>>
    %dma_wait3A_35 = tpu.memref_squeeze %dma_wait3A_34 : memref<1x64x128xf32, #tpu.memory_space<hbm>> -> memref<64x128xf32, #tpu.memory_space<hbm>>
    tpu.wait_dma2 semaphore(%dma_wait3A_32 : memref<!tpu.dma_semaphore, #tpu.memory_space<semaphore_mem>>) src(%arg8 : memref<64x128xf32, #tpu.memory_space<vmem>>) dst(%dma_wait3A_35 : memref<64x128xf32, #tpu.memory_space<hbm>>)
    %dma_wait3A_36 = arith.constant 0 : i32
    %dma_wait3A_37 = arith.constant 1 : i32
    %dma_wait3A_38 = arith.constant 0 : i32
    %dma_wait3A_39 = tpu.memref_slice %arg4[%dma_wait3A_36, %dma_wait3A_38, %mul3A_2] : memref<200x64x4096xf32, #tpu.memory_space<hbm>> -> memref<1x64x128xf32, #tpu.memory_space<hbm>>
    %dma_wait3A_40 = tpu.memref_squeeze %dma_wait3A_39 : memref<1x64x128xf32, #tpu.memory_space<hbm>> -> memref<64x128xf32, #tpu.memory_space<hbm>>
    %dma_wait3A_41 = tpu.memref_slice %arg11[%dma_wait3A_37] : memref<2x!tpu.dma_semaphore, #tpu.memory_space<semaphore_mem>> -> memref<1x!tpu.dma_semaphore, #tpu.memory_space<semaphore_mem>>
    %dma_wait3A_42 = tpu.memref_squeeze %dma_wait3A_41 : memref<1x!tpu.dma_semaphore, #tpu.memory_space<semaphore_mem>> -> memref<!tpu.dma_semaphore, #tpu.memory_space<semaphore_mem>>
    %dma_wait3A_43 = arith.constant 0 : i32
    %dma_wait3A_44 = tpu.memref_slice %arg4[%dma_wait3A_36, %dma_wait3A_43, %mul3A_2] : memref<200x64x4096xf32, #tpu.memory_space<hbm>> -> memref<1x64x128xf32, #tpu.memory_space<hbm>>
    %dma_wait3A_45 = tpu.memref_squeeze %dma_wait3A_44 : memref<1x64x128xf32, #tpu.memory_space<hbm>> -> memref<64x128xf32, #tpu.memory_space<hbm>>
    tpu.wait_dma2 semaphore(%dma_wait3A_42 : memref<!tpu.dma_semaphore, #tpu.memory_space<semaphore_mem>>) src(%arg9 : memref<64x128xf32, #tpu.memory_space<vmem>>) dst(%dma_wait3A_45 : memref<64x128xf32, #tpu.memory_space<hbm>>)
    return
  }
}

</mosaic_0001>

<sc_bundles>
// kernel: kernel.3.cloned.1.call-start
scs
__scs_entry_jumppad:
0x0: {  	(pc) =	sbr.rel $0x88, $3  }
0x1: {  	(tag) =	ssettag $0x0;
	lr =	simm.s32 $0x1  }
0x2: {  	[smem:$0x3F9F] =	sst lr;
	_ =	strace $0xD0000000  }
0x3: {  	_ = 	snop  }
0x4: {  	_ = 	snop  }
0x5: {  	_ = 	snop  }
0x6: {  	_ = 	snop  }
0x7: {  	_ = 	snop  }
__scs_overlays_trampoline_lowered:
0x8: {  	[smem:$0x3FAE] =	sst s0  }
0x9: {  	[smem:$0x3FAF] =	sst s1  }
0xa: {  	[smem:$0x3FB0] =	sst s2  }
0xb: {  	[smem:$0x3FB1] =	sst s3  }
0xc: {  	[smem:$0x3FB2] =	sst s4  }
0xd: {  	[smem:$0x3FB3] =	sst s5  }
0xe: {  	[smem:$0x3FB4] =	sst s6  }
0xf: {  	[smem:$0x3FB5] =	sst s7  }
0x10: {  	[smem:$0x3FB6] =	sst s8  }
0x11: {  	[smem:$0x3FB7] =	sst s9;
	s0 =	simm.s32 @!p0 $0x0  }
0x12: {  	s1 =	sld [smem:$0x3F9D];
	s0 =	simm.s32 @p0 $0x1  }
0x13: {  	[smem:$0x3FB8] =	sst s0;
	s0 =	simm.s32 @!p1 $0x0  }
0x14: {  	s2 =	sld [smem:$0x3F9C];
	s0 =	simm.s32 @p1 $0x1  }
0x15: {  	[smem:$0x3FB9] =	sst s0;
	s0 =	simm.s32 @!p2 $0x0  }
0x16: {  	s3 =	sld [smem:$0x3FDB];
	s0 =	simm.s32 @p2 $0x1  }
0x17: {  	s4 =	simm.s32 $0x1BF5;
	[smem:$0x3FBB] =	sst s0  }
0x18: {  	s0 =	sld [smem:$0x3F9E];
	_ =	swait.ge [sflag:s4], $0x0  }
0x19: {  	s7 =	sld [smem:$0x3F9F]  }
0x1a: {  	s8 =	sadd.s32 $0xFFFFE003, lr  }
0x1b: {  	s9 =	sadd.s32 $0xFFFFFEF7, lr;
	s5 =	simm.s32 $0xFFFFFFFF;
	p2 =	slt.u32 s8, $0xFFFFF086  }
0x1c: {  	p1 =	slt.u32 s9, $0xF7A;
	s5 =	simm.s32 @!p2 $0x0  }
0x1d: {  	s5 =	simm.s32 @p1 $0x1;
	p0 =	seq.s32 s7, s2  }
0x1e: {  	s7 =	smul.u32 @!p0 $0xF7A, s2;
	p2 =	seq.s32 @!p0 s5, $0x0  }
0x1f: {  	s9 =	smul.u32 $0xF7A, s1;
	s8 =	simm.s32 @!p0 $0x1BF5;
	p2 =	por !p2, p0  }
0x20: {  	[sflag:s8] =	ssyncset.s32 @!p0 $0xFFFFF086;
	s6 =	sadd.s32 @!p0 s3, s7;
	s7 =	simm.s32 @!p0 $0x108  }
0x21: {  	s3 =	sadd.s32 s3, s9;
	s6 =	sadd.s32 @!p0 $0x88, s6;
	s7 =	simm.s32 @p2 $0x1082  }
0x22: {  	[simem:s7], [sflag:s8] =	dma.local @!p0 [hbm:s6], $0xF7A  }
0x23: {  	s9 =	sor.u32 $0xD0000000, s2;
	s6 =	simm.s32 $0x108;
	_ =	swait.ge @!p0 [sflag:s8], $0x0  }
0x24: {  	s3 =	sadd.s32 $0x88, s3;
	s6 =	simm.s32 @!p1 $0x1082;
	[sflag:s4] =	ssyncset.s32 $0xFFFFF086  }
0x25: {  	[simem:s6], [sflag:s4] =	dma.local [hbm:s3], $0xF7A  }
0x26: {  	[smem:$0x3F9F] =	sst s1;
	(tag) =	ssettag s2;
	_ =	strace s9  }
0x27: {  	s1 =	sld [smem:$0x3FAF]  }
0x28: {  	s2 =	sld [smem:$0x3FB0]  }
0x29: {  	s4 =	sld [smem:$0x3FB2]  }
0x2a: {  	p0 =	seq.s32 s5, $0x0;
	s5 =	sld [smem:$0x3FB3]  }
0x2b: {  	s6 =	sld [smem:$0x3FB4]  }
0x2c: {  	s7 =	sld [smem:$0x3FB5]  }
0x2d: {  	s3 =	simm.s32 $0x108;
	s8 =	sld [smem:$0x3FB6]  }
0x2e: {  	s3 =	simm.s32 @!p0 $0x1082;
	s9 =	sld [smem:$0x3FB7]  }
0x2f: {  	lr =	sadd.s32 s0, s3;
	s0 =	sld [smem:$0x3FAE]  }
0x30: {  	s3 =	sld [smem:$0x3FB1]  }
0x31: {  	[smem:$0x3FBA] =	sst s10  }
0x32: {  	s10 =	sld [smem:$0x3FB8];
	_ =	sdelay $0x3  }
0x33: {  	p0 =	seq.s32 s10, $0x1;
	s10 =	sld [smem:$0x3FBA];
	_ =	sdelay $0x3  }
0x34: {  	[smem:$0x3FBA] =	sst s10  }
0x35: {  	s10 =	sld [smem:$0x3FB9];
	_ =	sdelay $0x3  }
0x36: {  	p1 =	seq.s32 s10, $0x1;
	s10 =	sld [smem:$0x3FBA];
	_ =	sdelay $0x3  }
0x37: {  	[smem:$0x3FBA] =	sst s10  }
0x38: {  	s10 =	sld [smem:$0x3FBB]  }
0x39: {  	_ = 	snop;
	(pc) =	sbr.ind lr, $3  }
0x3a: {  	_ = 	snop  }
0x3b: {  	_ = 	snop  }
0x3c: {  	p2 =	seq.s32 s10, $0x1;
	s10 =	sld [smem:$0x3FBA]  }
0x3d: {  	_ =	shalt  }
0x3e: {  	_ =	shalt  }
0x3f: {  	_ =	shalt  }
0x40: {  	_ =	shalt  }
0x41: {  	_ =	shalt  }
0x42: {  	_ =	shalt  }
0x43: {  	_ =	shalt  }
0x44: {  	_ =	shalt  }
0x45: {  	_ =	shalt  }
0x46: {  	_ =	shalt  }
0x47: {  	_ =	shalt  }
0x48: {  	_ =	shalt  }
0x49: {  	_ =	shalt  }
0x4a: {  	_ =	shalt  }
0x4b: {  	_ =	shalt  }
0x4c: {  	_ =	shalt  }
0x4d: {  	_ =	shalt  }
0x4e: {  	_ =	shalt  }
0x4f: {  	_ =	shalt  }
0x50: {  	_ =	shalt  }
0x51: {  	_ =	shalt  }
0x52: {  	_ =	shalt  }
0x53: {  	_ =	shalt  }
0x54: {  	_ =	shalt  }
0x55: {  	_ =	shalt  }
0x56: {  	_ =	shalt  }
0x57: {  	_ =	shalt  }
0x58: {  	_ =	shalt  }
0x59: {  	_ =	shalt  }
0x5a: {  	_ =	shalt  }
0x5b: {  	_ =	shalt  }
0x5c: {  	_ =	shalt  }
0x5d: {  	_ =	shalt  }
0x5e: {  	_ =	shalt  }
0x5f: {  	_ =	shalt  }
0x60: {  	_ =	shalt  }
0x61: {  	_ =	shalt  }
0x62: {  	_ =	shalt  }
0x63: {  	_ =	shalt  }
0x64: {  	_ =	shalt  }
0x65: {  	_ =	shalt  }
0x66: {  	_ =	shalt  }
0x67: {  	_ =	shalt  }
0x68: {  	_ =	shalt  }
0x69: {  	_ =	shalt  }
0x6a: {  	_ =	shalt  }
0x6b: {  	_ =	shalt  }
0x6c: {  	_ =	shalt  }
0x6d: {  	_ =	shalt  }
0x6e: {  	_ =	shalt  }
0x6f: {  	_ =	shalt  }
0x70: {  	_ =	shalt  }
0x71: {  	_ =	shalt  }
0x72: {  	_ =	shalt  }
0x73: {  	_ =	shalt  }
0x74: {  	_ =	shalt  }
0x75: {  	_ =	shalt  }
0x76: {  	_ =	shalt  }
0x77: {  	_ =	shalt  }
0x78: {  	_ =	shalt  }
0x79: {  	_ =	shalt  }
0x7a: {  	_ =	shalt  }
0x7b: {  	_ =	shalt  }
0x7c: {  	_ =	shalt  }
0x7d: {  	_ =	shalt  }
0x7e: {  	_ =	shalt  }
0x7f: {  	_ =	shalt  }
0x80: {  	_ =	shalt  }
0x81: {  	_ =	shalt  }
0x82: {  	_ =	shalt  }
0x83: {  	_ =	shalt  }
0x84: {  	_ =	shalt  }
0x85: {  	_ =	shalt  }
0x86: {  	_ =	shalt  }
0x87: {  	_ =	shalt  }
.Lfunc_end0:
.L_simem_size_0:
called_computation_lowered:
.L_overlay_start_0:
0x88: {  	s2 =	sld [smem:$0x3FD9]  }
0x89: {  	s3 =	sld [smem:$0x3FFE];
	_ =	sdelay $0x1  }
0x8a: {  	s1 =	srdreg.scid  }
0x8b: {  	s0 =	sand.u32 $0x1, s1  }
0x8c: {  	s17 =	sshll.u32 s0, $0xA;
	s2 =	sadd.s32 s3, s2  }
0x8d: {  	s2 =	sadd.s32 s2, s17  }
0x8e: {  	[smem:$0x3FC6] =	sst s2  }
0x8f: {  	_ = 	snop  }
0x90: {  	s2 =	sld [smem:$0x3FC9]  }
0x91: {  	s18 =	sld [smem:$0x3FD0];
	(tm) =	ssettm $0x1  }
0x92: {  	s4 =	sld [smem:$0x3FFB];
	_ =	sdelay $0x3  }
0x93: {  	_ =	strace s4  }
0x94: {  	s4 =	sld [smem:$0x3FFC];
	_ =	sdelay $0x3  }
0x95: {  	_ =	strace s4  }
0x96: {  	s4 =	sld [smem:$0x3FFD];
	_ =	sdelay $0x3  }
0x97: {  	_ =	strace s4  }
0x98: {  	_ =	strace $0x8FFFFFFF  }
0x99: {  	s19 =	sld [smem:$0x3FDB];
	_ =	sdelay $0x1  }
0x9a: {  	s5 =	simm.s32 $_scs_section_size  }
0x9b: {  	s6 =	simm.s32 $_size__tile_overlayer_lowered;
	s7 =	simm.s32 $_tile_overlayer_lowered  }
0x9c: {  	s22 =	simm.s32 $0x1BFF;
	s21 =	sshll.u32 s7, $0x1;
	s4 =	sadd.s32 s5, s19  }
0x9d: {  	s8 =	simm.s32 $0x0;
	s20 =	sshll.u32 s6, $0x1;
	s6 =	sadd.s32 s21, s4  }
0x9e: {  	[timem:s8], [sflag:s22] =	dma.local [hbm:s6], s20  }
0x9f: {  	_ =	swait.ge [sflag:s22], s20  }
0xa0: {  	s5 =	ssub.s32 $0x0, s20;
	[sflag:s22] =	ssyncset.done $0x0  }
0xa1: {  	[sflag:s22] =	ssyncadd.s32 s5;
	_ =	sdelay $0x1  }
0xa2: {  	s23 =	simm.s32 $0x1B8B  }
0xa3: {  	_ =	swait.ge [sflag:s23], $0x1  }
0xa4: {  	[sflag:s23] =	ssyncset.done $0x0  }
0xa5: {  	s25 =	simm.s32 $0x1B8E;
	s24 =	sld [smem:$0x3FFE];
	[sflag:s23] =	ssyncadd.s32 $0xFFFFFFFF  }
0xa6: {  	s26 =	simm.s32 $execute0_lowered;
	[smem:$0x3FD2] =	sst s25  }
0xa7: {  	s6 =	sshll.u32 s26, $0x1;
	_ =	strace $0x80000046;
	[dreg:$0x1] =	wrdreg $0xFFFFFFFF  }
0xa8: {  	s28 =	simm.s32 $_size_execute0_lowered;
	s4 =	sadd.s32 s4, s6;
	[dreg:$0x0] =	wrdreg $0x0  }
0xa9: {  	s6 =	sshll.u32 s28, $0x1;
	[dreg:$0x2] =	wrdreg s4  }
0xaa: {  	[dreg:$0x3] =	wrdreg s6  }
0xab: {  	[dreg:$0x4] =	wrdreg $0xC0  }
0xac: {  	_ =	task [dreg:s8], $0x5FFFF  }
0xad: {  	[dreg:$0x1] =	wrdreg $0xFFFFFFFF  }
0xae: {  	[dreg:$0x0] =	wrdreg $0x60  }
0xaf: {  	[dreg:$0x2] =	wrdreg s2  }
0xb0: {  	[dreg:$0x3] =	wrdreg s24  }
0xb1: {  	[dreg:$0x4] =	wrdreg s18  }
0xb2: {  	[dreg:$0x5] =	wrdreg $0x9  }
0xb3: {  	_ =	task.clear_ibuf [dreg:s8], $0x6FFFF;
	_ =	strace $0x90000046  }
0xb4: {  	s29 =	simm.s32 $0x9;
	_ =	strace $0x80000048  }
0xb5: {  	_ =	swait.ge [sflag:s29], $0x1  }
0xb6: {  	[sflag:s29] =	ssyncadd.s32 $0xFFFFFFFF  }
0xb7: {  	_ =	strace $0x90000048  }
0xb8: {  	_ =	sfence  }
0xb9: {  	s30 =	sld [smem:$0x0];
	_ =	sdelay $0x2  }
0xba: {  	s31 =	sshll.u32 s1, $0xD;
	s1 =	sshrl.u32 s1, $0x2  }
0xbb: {  	s3 =	sand.u32 $0x4000, s31;
	s1 =	sadd.s32 s1, s30  }
0xbc: {  	s0 =	sor.u32 s3, s0;
	s1 =	sshll.u32 s1, $0x11  }
0xbd: {  	s0 =	sor.u32 s1, s0  }
0xbe: {  	s0 =	sadd.s32 $0x8F2B, s0  }
0xbf: {  	[sflag:s0] =	ssyncadd.remote.s32 $0x1  }
0xc0: {  	_ =	sfence.sel $0xFFFF  }
0xc1: {  	[dreg:$0x0] =	wrdreg $0xFFFFFFFF;
	(pc) =	sbr.abs _section_cstart, $3  }
0xc2: {  	[dreg:$0x1] =	wrdreg $0xFFFFFFFF  }
0xc3: {  	_ =	task.clear_ibuf [dreg:s8], $0x2FFFF;
	_ =	strace $0x9FFFFFFF  }
0xc4: {  	(tm) =	ssettm $0x7FFFFFFF  }
0xc5: {  	_ =	shalt  }
tec
execute0_lowered:
.L_overlay_start_1:
0x0: {  	(tag) =	ssettag $0x1  }
0x1: {  	v0 =	vimm.s32 $0xFEDCBA9;
	v1 =	vimm.s32 $0x87654321;
	v2 =	vimm.s32 $0x10FEDCBA  }
0x2: {  	v3 =	vimm.s32 $0x98765432;
	v4 =	vimm.s32 $0x210FEDCB;
	v5 =	vimm.s32 $0xA9876543  }
0x3: {  	v6 =	vimm.s32 $0x3210FEDC;
	v7 =	vimm.s32 $0xBA987654;
	v11 =	vimm.s32 $0x43210FED  }
0x4: {  	v12 =	vimm.s32 $0xCBA98765;
	v57 =	vimm.s32 $0x543210FE;
	v58 =	vimm.s32 $0xDCBA9876  }
0x5: {  	v13 =	vimm.s32 $0x6543210F;
	v14 =	vimm.s32 $0xEDCBA987;
	v16 =	vimm.s32 $0xFEDCBA98  }
0x6: {  	v17 =	vimm.s32 $0x76543210;
	vm14 =	vcmask $0x300;
	vm12 =	vcmask $0x704  }
0x7: {  	vm13 =	vcmask $0xB08;
	vm11 =	vcmask $0xF0C;
	vm9 =	vcmask $0x1310  }
0x8: {  	vm10 =	vcmask $0x1714;
	vm8 =	vcmask $0x1B18;
	vm6 =	vcmask $0x1F1C  }
0x9: {  	vm7 =	vcmask $0x2320;
	v21 =	vimm.s32 $0x8F;
	v22 =	vimm.s32 $0x10F  }
0xa: {  	vm5 =	vcmask $0x2724;
	vm4 =	vcmask $0x2B28;
	vm3 =	vcmask $0x2F2C  }
0xb: {  	vm1 =	vcmask $0x3330;
	vm2 =	vcmask $0x3734;
	vm0 =	vcmask $0x3B38  }
0xc: {  	v25 =	vimm.s32 $0x18F;
	v32 =	vimm.s32 $0x20F;
	v33 =	vimm.s32 $0x28F  }
0xd: {  	v36 =	vimm.s32 $0x30F;
	v39 =	vimm.s32 $0x38F;
	v40 =	vimm.s32 $0x40F  }
0xe: {  	v43 =	vimm.s32 $0x48F;
	v28 =	vimm.s32 $0x168F;
	v29 =	vimm.s32 $0x170F  }
0xf: {  	v30 =	vimm.s32 $0x180F;
	v31 =	vimm.s32 $0x188F;
	v0 =	vunpack.c.l.s4.s8 v0  }
0x10: {  	v1 =	vunpack.c.l.s4.s8 v1;
	v2 =	vunpack.c.l.s4.s8 v2;
	v3 =	vunpack.c.l.s4.s8 v3  }
0x11: {  	v4 =	vunpack.c.l.s4.s8 v4;
	v5 =	vunpack.c.l.s4.s8 v5;
	v6 =	vunpack.c.l.s4.s8 v6  }
0x12: {  	v7 =	vunpack.c.l.s4.s8 v7;
	v46 =	vunpack.c.l.s4.s8 v11;
	v47 =	vunpack.c.l.s4.s8 v12  }
0x13: {  	v11 =	vunpack.c.l.s4.s8 v57;
	v12 =	vunpack.c.l.s4.s8 v58;
	v13 =	vunpack.c.l.s4.s8 v13  }
0x14: {  	v14 =	vunpack.c.l.s4.s8 v14;
	v16 =	vunpack.c.l.s4.s8 v16;
	v59 =	vunpack.c.l.s4.s8 v17  }
0x15: {  	v27 =	vsel vm14, $0x200, v25;
	v38 =	vsel vm14, $0x380, v36;
	v45 =	vsel vm14, $0x500, v43  }
0x16: {  	v25 =	vimm.s32 $0x88F;
	v36 =	vimm.s32 $0xC0F;
	v43 =	vimm.s32 $0x100F  }
0x17: {  	v28 =	vsel vm14, $0x1700, v28;
	v29 =	vsel vm14, $0x1780, v29;
	v30 =	vsel vm14, $0x1880, v30  }
0x18: {  	v31 =	vsel vm14, $0x1900, v31;
	v28 =	vsel vm12, $0x1781, v28;
	v29 =	vsel vm12, $0x1001, v29  }
0x19: {  	v30 =	vsel vm12, $0x1901, v30;
	v31 =	vsel vm12, $0x1981, v31;
	v0 =	vunpack.c.0.s8.s32 v0  }
0x1a: {  	v1 =	vunpack.c.0.s8.s32 v1;
	v2 =	vunpack.c.0.s8.s32 v2;
	v3 =	vunpack.c.0.s8.s32 v3  }
0x1b: {  	v4 =	vunpack.c.0.s8.s32 v4;
	v5 =	vunpack.c.0.s8.s32 v5;
	v6 =	vunpack.c.0.s8.s32 v6  }
0x1c: {  	v7 =	vunpack.c.0.s8.s32 v7;
	v49 =	vunpack.c.0.s8.s32 v47;
	v11 =	vunpack.c.0.s8.s32 v11  }
0x1d: {  	v12 =	vunpack.c.0.s8.s32 v12;
	v13 =	vunpack.c.0.s8.s32 v13;
	v14 =	vunpack.c.0.s8.s32 v14  }
0x1e: {  	v16 =	vunpack.c.0.s8.s32 v16;
	v47 =	vimm.s32 $0x58F;
	v28 =	vsel vm13, $0x1002, v28  }
0x1f: {  	v29 =	vsel vm13, $0x1082, v29;
	v30 =	vsel vm13, $0x1982, v30;
	v31 =	vsel vm13, $0x1A02, v31  }
0x20: {  	v28 =	vsel vm11, $0x1083, v28;
	v8 =	vcombine.low v1, v0;
	v9 =	vcombine.low v3, v2  }
0x21: {  	v29 =	vsel vm11, $0x1103, v29;
	v10 =	vcombine.low v5, v4;
	v48 =	vcombine.low v7, v6  }
0x22: {  	v30 =	vsel vm11, $0x1A03, v30;
	v60 =	vcombine.low v12, v11;
	v61 =	vcombine.low v14, v13  }
0x23: {  	v31 =	vsel vm11, $0x1A83, v31;
	v0 =	vcombine.low v0, v1;
	v62 =	vcombine.low v2, v3  }
0x24: {  	v63 =	vand.u32 $0xF, v16;
	v16 =	vcombine.low v6, v7;
	v19 =	vcombine.low v11, v12  }
0x25: {  	v20 =	vcombine.low v13, v14;
	v2 =	vsel vm14, $0x180, v22;
	v12 =	vimm.s32 $0x1C1B1A19  }
0x26: {  	v22 =	vimm.s32 $0x80F;
	v28 =	vsel vm9, $0x1104, v28;
	v29 =	vsel vm9, $0x1184, v29  }
0x27: {  	v30 =	vsel vm9, $0x1A84, v30;
	v31 =	vsel vm9, $0x1B04, v31;
	v2 =	vsel vm12, $0x201, v2  }
0x28: {  	v14 =	vunpack.c.0.s8.s32 v12;
	v28 =	vsel vm10, $0x1185, v28;
	v29 =	vsel vm10, $0x1205, v29  }
0x29: {  	v30 =	vsel vm10, $0x1B05, v30;
	v31 =	vsel vm10, $0x1B85, v31;
	v8 =	vand.u32 $0xF, v8  }
0x2a: {  	v50 =	vand.u32 $0xF, v9;
	v51 =	vand.u32 $0xF, v10;
	v52 =	vand.u32 $0xF, v48  }
0x2b: {  	v9 =	vunpack.c.0.s8.s32 v59;
	v54 =	vand.u32 $0xF, v60;
	v55 =	vand.u32 $0xF, v61  }
0x2c: {  	v57 =	vand.u32 $0xF, v0;
	v58 =	vand.u32 $0xF, v62;
	v60 =	vand.u32 $0xF, v16  }
0x2d: {  	v62 =	vand.u32 $0xF, v19;
	v2 =	vsel vm13, $0x282, v2;
	v16 =	vimm.s32 $0x14131211  }
0x2e: {  	v28 =	vsel vm8, $0x1206, v28;
	v29 =	vsel vm8, $0x1286, v29;
	v30 =	vsel vm8, $0x1B86, v30  }
0x2f: {  	v31 =	vsel vm8, $0x1C06, v31;
	[tilespmem:$0x1F7C0] =	vst v8;
	v8 =	vunpack.c.0.s8.s32 v46;
	v2 =	vsel vm11, $0x303, v2  }
0x30: {  	v46 =	vimm.s32 $0x50F;
	v28 =	vsel vm6, $0x1287, v28;
	v29 =	vsel vm6, $0x1307, v29  }
0x31: {  	v30 =	vsel vm6, $0x1C07, v30;
	v31 =	vsel vm6, $0x1C87, v31;
	v56 =	vcombine.low v63, v9  }
0x32: {  	v9 =	vcombine.low v4, v5;
	v63 =	vand.u32 $0xF, v20;
	v2 =	vsel vm9, $0x384, v2  }
0x33: {  	v5 =	vimm.s32 $0x60F;
	v20 =	vimm.s32 $0x1D1C1B1A;
	v28 =	vsel vm7, $0x1308, v28  }
0x34: {  	v29 =	vsel vm7, $0x1388, v29;
	v30 =	vsel vm7, $0x1C88, v30;
	v31 =	vsel vm7, $0x1D08, v31  }
0x35: {  	v15 =	vcombine.low v49, v8;
	v18 =	vcombine.low v8, v49;
	v2 =	vsel vm10, $0x405, v2  }
0x36: {  	v7 =	vsel vm14, $0x680, v5;
	v8 =	vimm.s32 $0x68F;
	v28 =	vsel vm5, $0x1389, v28  }
0x37: {  	v29 =	vsel vm5, $0x1409, v29;
	v30 =	vsel vm5, $0x1D09, v30;
	v31 =	vsel vm5, $0x1D89, v31  }
0x38: {  	v59 =	vand.u32 $0xF, v9;
	v2 =	vsel vm8, $0x486, v2;
	v9 =	vimm.s32 $0x70F  }
0x39: {  	v53 =	vand.u32 $0xF, v15;
	v15 =	vimm.s32 $0xF;
	v61 =	vand.u32 $0xF, v18  }
0x3a: {  	v2 =	vsel vm6, $0x507, v2;
	v18 =	vunpack.c.0.s8.s32 v16;
	v1 =	vsel vm14, $0x80, v15  }
0x3b: {  	v2 =	vsel vm7, $0x588, v2;
	v15 =	vimm.s32 $0x101F1E1D;
	v17 =	vsel vm12, $0x101, v1  }
0x3c: {  	v1 =	vsel vm14, $0x100, v21;
	v2 =	vsel vm5, $0x609, v2;
	v21 =	vimm.s32 $0x11101F1E  }
0x3d: {  	[tilespmem:$0x1FA10] =	vst v18;
	v18 =	vimm.s32 $0x118F;
	v0 =	vsel vm13, $0x182, v17;
	v1 =	vsel vm12, $0x181, v1  }
0x3e: {  	v2 =	vsel vm4, $0x68A, v2;
	v17 =	vimm.s32 $0x18171615;
	v18 =	vsel vm14, $0x1200, v18  }
0x3f: {  	v0 =	vsel vm11, $0x203, v0;
	v1 =	vsel vm13, $0x202, v1;
	v2 =	vsel vm3, $0x70B, v2  }
0x40: {  	v19 =	vunpack.c.0.s8.s32 v17;
	v18 =	vsel vm12, $0x1281, v18;
	v0 =	vsel vm9, $0x284, v0  }
0x41: {  	v1 =	vsel vm11, $0x283, v1;
	v24 =	vsel vm1, $0x78C, v2;
	v2 =	vsel vm14, $0x300, v33  }
0x42: {  	v33 =	vimm.s32 $0xA8F;
	v18 =	vsel vm13, $0x1302, v18;
	v0 =	vsel vm10, $0x305, v0  }
0x43: {  	v1 =	vsel vm9, $0x304, v1;
	v2 =	vsel vm12, $0x381, v2;
	v5 =	vsel vm14, $0xB00, v33  }
0x44: {  	[tilespmem:$0x1FA20] =	vst v19;
	v19 =	vimm.s32 $0x120F;
	v33 =	vimm.s32 $0x198F;
	v18 =	vsel vm11, $0x1383, v18  }
0x45: {  	v0 =	vsel vm8, $0x386, v0;
	v1 =	vsel vm10, $0x385, v1;
	v2 =	vsel vm13, $0x402, v2  }
0x46: {  	v19 =	vsel vm14, $0x1280, v19;
	v33 =	vsel vm14, $0x1A00, v33;
	v5 =	vsel vm12, $0xB81, v5  }
0x47: {  	v18 =	vsel vm9, $0x1404, v18;
	v0 =	vsel vm6, $0x407, v0;
	v1 =	vsel vm8, $0x406, v1  }
0x48: {  	v2 =	vsel vm11, $0x483, v2;
	v5 =	vsel vm13, $0xC02, v5;
	v19 =	vsel vm12, $0x1301, v19  }
0x49: {  	v33 =	vsel vm12, $0x1A81, v33;
	v18 =	vsel vm10, $0x1485, v18;
	v0 =	vsel vm7, $0x488, v0  }
0x4a: {  	v1 =	vsel vm6, $0x487, v1;
	v2 =	vsel vm9, $0x504, v2;
	v19 =	vsel vm13, $0x1382, v19  }
0x4b: {  	v33 =	vsel vm13, $0x1B02, v33;
	v5 =	vsel vm11, $0xC83, v5;
	v18 =	vsel vm8, $0x1506, v18  }
0x4c: {  	v0 =	vsel vm5, $0x509, v0;
	v1 =	vsel vm7, $0x508, v1;
	v2 =	vsel vm10, $0x585, v2  }
0x4d: {  	v19 =	vsel vm11, $0x1403, v19;
	v33 =	vsel vm11, $0x1B83, v33;
	v5 =	vsel vm9, $0xD04, v5  }
0x4e: {  	v18 =	vsel vm6, $0x1587, v18;
	v0 =	vsel vm4, $0x58A, v0;
	v1 =	vsel vm5, $0x589, v1  }
0x4f: {  	v2 =	vsel vm8, $0x606, v2;
	v5 =	vsel vm10, $0xD85, v5;
	v19 =	vsel vm9, $0x1484, v19  }
0x50: {  	v33 =	vsel vm9, $0x1C04, v33;
	v18 =	vsel vm7, $0x1608, v18;
	v0 =	vsel vm3, $0x60B, v0  }
0x51: {  	v1 =	vsel vm4, $0x60A, v1;
	v2 =	vsel vm6, $0x687, v2;
	v19 =	vsel vm10, $0x1505, v19  }
0x52: {  	v33 =	vsel vm10, $0x1C85, v33;
	v5 =	vsel vm8, $0xE06, v5;
	v18 =	vsel vm5, $0x1689, v18  }
0x53: {  	v0 =	vsel vm1, $0x68C, v0;
	v1 =	vsel vm3, $0x68B, v1;
	v2 =	vsel vm7, $0x708, v2  }
0x54: {  	v19 =	vsel vm8, $0x1586, v19;
	v33 =	vsel vm8, $0x1D06, v33;
	v5 =	vsel vm6, $0xE87, v5  }
0x55: {  	v0 =	vsel vm2, $0x70D, v0;
	v23 =	vsel vm1, $0x70C, v1;
	v1 =	vsel vm2, $0xD, v24  }
0x56: {  	v2 =	vsel vm5, $0x789, v2;
	v24 =	vsel vm14, $0x880, v22;
	v22 =	vimm.s32 $0x138F  }
0x57: {  	v5 =	vsel vm7, $0xF08, v5;
	v19 =	vsel vm6, $0x1607, v19;
	v33 =	vsel vm6, $0x1D87, v33  }
0x58: {  	v49 =	vsel vm0, $0x78E, v0;
	v0 =	vsel vm2, $0x78D, v23;
	v26 =	vsel vm0, $0x8E, v1  }
0x59: {  	v1 =	vsel vm14, $0x280, v32;
	v2 =	vsel vm4, $0xA, v2;
	v23 =	vunpack.c.0.s8.s32 v21  }
0x5a: {  	v32 =	vimm.s32 $0xA0F;
	v21 =	vimm.s32 $0x130F;
	v22 =	vsel vm14, $0x1400, v22  }
0x5b: {  	v19 =	vsel vm7, $0x1688, v19;
	v33 =	vsel vm7, $0x1E08, v33;
	v5 =	vsel vm5, $0xF89, v5  }
0x5c: {  	v0 =	vsel vm0, $0xE, v0;
	v1 =	vsel vm12, $0x301, v1;
	v2 =	vsel vm3, $0x8B, v2  }
0x5d: {  	[tilespmem:$0x1F7E0] =	vst v26;
	v26 =	vimm.s32 $0x90F;
	v21 =	vsel vm14, $0x1380, v21;
	v22 =	vsel vm12, $0x1481, v22  }
0x5e: {  	v19 =	vsel vm5, $0x1709, v19;
	v33 =	vsel vm5, $0x1E89, v33;
	[tilespmem:$0x1F7D0] =	vst v0;
	v0 =	vsel vm12, $0x281, v27  }
0x5f: {  	v1 =	vsel vm13, $0x382, v1;
	v35 =	vsel vm1, $0x10C, v2;
	v2 =	vsel vm14, $0x480, v40  }
0x60: {  	[tilespmem:$0x1FA40] =	vst v23;
	v27 =	vimm.s32 $0x98F;
	v40 =	vimm.s32 $0xE0F;
	v23 =	vimm.s32 $0x140F  }
0x61: {  	v21 =	vsel vm12, $0x1401, v21;
	v22 =	vsel vm13, $0x1502, v22;
	v0 =	vsel vm13, $0x302, v0  }
0x62: {  	v1 =	vsel vm11, $0x403, v1;
	v2 =	vsel vm12, $0x501, v2;
	v3 =	vsel vm14, $0xA00, v27  }
0x63: {  	v12 =	vsel vm14, $0xE80, v40;
	v23 =	vsel vm14, $0x1480, v23;
	v27 =	vimm.s32 $0x160F  }
0x64: {  	v40 =	vimm.s32 $0x1D0F;
	v21 =	vsel vm13, $0x1482, v21;
	v22 =	vsel vm11, $0x1583, v22  }
0x65: {  	v0 =	vsel vm11, $0x383, v0;
	v1 =	vsel vm9, $0x484, v1;
	v2 =	vsel vm13, $0x582, v2  }
0x66: {  	v27 =	vsel vm14, $0x1680, v27;
	v40 =	vsel vm14, $0x1D80, v40;
	v3 =	vsel vm12, $0xA81, v3  }
0x67: {  	v12 =	vsel vm12, $0xF01, v12;
	v23 =	vsel vm12, $0x1501, v23;
	v21 =	vsel vm11, $0x1503, v21  }
0x68: {  	v22 =	vsel vm9, $0x1604, v22;
	v0 =	vsel vm9, $0x404, v0;
	v1 =	vsel vm10, $0x505, v1  }
0x69: {  	v2 =	vsel vm11, $0x603, v2;
	v3 =	vsel vm13, $0xB02, v3;
	v12 =	vsel vm13, $0xF82, v12  }
0x6a: {  	v23 =	vsel vm13, $0x1582, v23;
	v27 =	vsel vm12, $0x1701, v27;
	v40 =	vsel vm12, $0x1E01, v40  }
0x6b: {  	v21 =	vsel vm9, $0x1584, v21;
	v22 =	vsel vm10, $0x1685, v22;
	v0 =	vsel vm10, $0x485, v0  }
0x6c: {  	v1 =	vsel vm8, $0x586, v1;
	v2 =	vsel vm9, $0x684, v2;
	v27 =	vsel vm13, $0x1782, v27  }
0x6d: {  	v40 =	vsel vm13, $0x1E82, v40;
	v3 =	vsel vm11, $0xB83, v3;
	v12 =	vsel vm11, $0x803, v12  }
0x6e: {  	v23 =	vsel vm11, $0x1603, v23;
	v21 =	vsel vm10, $0x1605, v21;
	v22 =	vsel vm8, $0x1706, v22  }
0x6f: {  	v0 =	vsel vm8, $0x506, v0;
	v1 =	vsel vm6, $0x607, v1;
	v2 =	vsel vm10, $0x705, v2  }
0x70: {  	v27 =	vsel vm11, $0x1003, v27;
	v40 =	vsel vm11, $0x1F03, v40;
	v3 =	vsel vm9, $0xC04, v3  }
0x71: {  	v12 =	vsel vm9, $0x884, v12;
	v23 =	vsel vm9, $0x1684, v23;
	v21 =	vsel vm8, $0x1686, v21  }
0x72: {  	v22 =	vsel vm6, $0x1787, v22;
	v0 =	vsel vm6, $0x587, v0;
	v1 =	vsel vm7, $0x688, v1  }
0x73: {  	v2 =	vsel vm8, $0x786, v2;
	v3 =	vsel vm10, $0xC85, v3;
	v12 =	vsel vm10, $0x905, v12  }
0x74: {  	v23 =	vsel vm10, $0x1705, v23;
	v27 =	vsel vm9, $0x1084, v27;
	v40 =	vsel vm9, $0x1F84, v40  }
0x75: {  	v21 =	vsel vm6, $0x1707, v21;
	v22 =	vsel vm7, $0x1008, v22;
	v0 =	vsel vm7, $0x608, v0  }
0x76: {  	v1 =	vsel vm5, $0x709, v1;
	v2 =	vsel vm6, $0x7, v2;
	v27 =	vsel vm10, $0x1105, v27  }
0x77: {  	v40 =	vsel vm10, $0x1805, v40;
	v3 =	vsel vm8, $0xD06, v3;
	v12 =	vsel vm8, $0x986, v12  }
0x78: {  	v23 =	vsel vm8, $0x1786, v23;
	v21 =	vsel vm7, $0x1788, v21;
	v22 =	vsel vm5, $0x1089, v22  }
0x79: {  	v0 =	vsel vm5, $0x689, v0;
	v1 =	vsel vm4, $0x78A, v1;
	v2 =	vsel vm7, $0x88, v2  }
0x7a: {  	v27 =	vsel vm8, $0x1186, v27;
	v40 =	vsel vm8, $0x1886, v40;
	v3 =	vsel vm6, $0xD87, v3  }
0x7b: {  	v12 =	vsel vm6, $0xA07, v12;
	v23 =	vsel vm6, $0x1007, v23;
	v21 =	vsel vm5, $0x1009, v21  }
0x7c: {  	v0 =	vsel vm4, $0x70A, v0;
	v1 =	vsel vm3, $0xB, v1;
	v2 =	vsel vm5, $0x109, v2  }
0x7d: {  	v3 =	vsel vm7, $0xE08, v3;
	v12 =	vsel vm7, $0xA88, v12;
	v23 =	vsel vm7, $0x1088, v23  }
0x7e: {  	v27 =	vsel vm6, $0x1207, v27;
	v40 =	vsel vm6, $0x1907, v40;
	v0 =	vsel vm3, $0x78B, v0  }
0x7f: {  	v34 =	vsel vm1, $0x8C, v1;
	v1 =	vsel vm2, $0x18D, v35;
	v2 =	vsel vm4, $0x18A, v2  }
0x80: {  	v35 =	vimm.s32 $0xB8F;
	v27 =	vsel vm7, $0x1288, v27;
	v40 =	vsel vm7, $0x1988, v40  }
0x81: {  	v3 =	vsel vm5, $0xE89, v3;
	v12 =	vsel vm5, $0xB09, v12;
	v23 =	vsel vm5, $0x1109, v23  }
0x82: {  	v0 =	vsel vm1, $0xC, v0;
	v37 =	vsel vm0, $0x20E, v1;
	v1 =	vsel vm14, $0x400, v39  }
0x83: {  	v2 =	vsel vm3, $0x20B, v2;
	v39 =	vimm.s32 $0xD8F;
	v27 =	vsel vm5, $0x1309, v27  }
0x84: {  	v40 =	vsel vm5, $0x1A09, v40;
	v0 =	vsel vm2, $0x8D, v0;
	v1 =	vsel vm12, $0x481, v1  }
0x85: {  	[tilespmem:$0x1F810] =	vst v37;
	v42 =	vsel vm1, $0x28C, v2;
	v2 =	vsel vm14, $0x600, v47;
	v37 =	vimm.s32 $0xC8F  }
0x86: {  	v0 =	vsel vm0, $0x10E, v0;
	v1 =	vsel vm13, $0x502, v1;
	v2 =	vsel vm12, $0x681, v2  }
0x87: {  	[tilespmem:$0x1F7F0] =	vst v0;
	v0 =	vsel vm2, $0x10D, v34;
	v1 =	vsel vm11, $0x583, v1;
	v2 =	vsel vm13, $0x702, v2  }
0x88: {  	v34 =	vimm.s32 $0xB0F;
	v0 =	vsel vm0, $0x18E, v0;
	v1 =	vsel vm9, $0x604, v1  }
0x89: {  	v2 =	vsel vm11, $0x783, v2;
	[tilespmem:$0x1F800] =	vst v0;
	v0 =	vsel vm12, $0x401, v38;
	v1 =	vsel vm10, $0x685, v1  }
0x8a: {  	v2 =	vsel vm9, $0x4, v2;
	v38 =	vimm.s32 $0xD0F;
	v0 =	vsel vm13, $0x482, v0  }
0x8b: {  	v1 =	vsel vm8, $0x706, v1;
	v2 =	vsel vm10, $0x85, v2;
	v0 =	vsel vm11, $0x503, v0  }
0x8c: {  	v1 =	vsel vm6, $0x787, v1;
	v2 =	vsel vm8, $0x106, v2;
	v0 =	vsel vm9, $0x584, v0  }
0x8d: {  	v1 =	vsel vm7, $0x8, v1;
	v2 =	vsel vm6, $0x187, v2;
	v0 =	vsel vm10, $0x605, v0  }
0x8e: {  	v1 =	vsel vm5, $0x89, v1;
	v2 =	vsel vm7, $0x208, v2;
	v0 =	vsel vm8, $0x686, v0  }
0x8f: {  	v1 =	vsel vm4, $0x10A, v1;
	v2 =	vsel vm5, $0x289, v2;
	v0 =	vsel vm6, $0x707, v0  }
0x90: {  	v1 =	vsel vm3, $0x18B, v1;
	v2 =	vsel vm4, $0x30A, v2;
	v0 =	vsel vm7, $0x788, v0  }
0x91: {  	v41 =	vsel vm1, $0x20C, v1;
	v1 =	vsel vm2, $0x30D, v42;
	v2 =	vsel vm3, $0x38B, v2  }
0x92: {  	v42 =	vimm.s32 $0xF0F;
	v0 =	vsel vm5, $0x9, v0;
	v44 =	vsel vm0, $0x38E, v1  }
0x93: {  	v1 =	vsel vm14, $0x580, v46;
	v4 =	vsel vm1, $0x40C, v2;
	v2 =	vsel vm14, $0x780, v9  }
0x94: {  	[tilespmem:$0x1FA90] =	vst v14;
	v9 =	vsel vm14, $0xD00, v37;
	v14 =	vsel vm14, $0xF80, v42;
	v37 =	vimm.s32 $0x1B8F  }
0x95: {  	v42 =	vimm.s32 $0x1E0F;
	v46 =	vimm.s32 $0x1E1D1C1B;
	v0 =	vsel vm4, $0x8A, v0  }
0x96: {  	[tilespmem:$0x1F840] =	vst v44;
	v1 =	vsel vm12, $0x601, v1;
	v2 =	vsel vm12, $0x1, v2;
	v44 =	vimm.s32 $0x108F  }
0x97: {  	v37 =	vsel vm14, $0x1C00, v37;
	v42 =	vsel vm14, $0x1E80, v42;
	v9 =	vsel vm12, $0xD81, v9  }
0x98: {  	v14 =	vsel vm12, $0x801, v14;
	v0 =	vsel vm3, $0x10B, v0;
	v1 =	vsel vm13, $0x682, v1  }
0x99: {  	v2 =	vsel vm13, $0x82, v2;
	v16 =	vsel vm14, $0x1100, v44;
	v44 =	vimm.s32 $0x1F0F  }
0x9a: {  	v9 =	vsel vm13, $0xE02, v9;
	v14 =	vsel vm13, $0x882, v14;
	v37 =	vsel vm12, $0x1C81, v37  }
0x9b: {  	v42 =	vsel vm12, $0x1F01, v42;
	v0 =	vsel vm1, $0x18C, v0;
	v1 =	vsel vm11, $0x703, v1  }
0x9c: {  	v2 =	vsel vm11, $0x103, v2;
	v44 =	vsel vm14, $0x1F80, v44;
	v16 =	vsel vm12, $0x1181, v16  }
0x9d: {  	v37 =	vsel vm13, $0x1D02, v37;
	v42 =	vsel vm13, $0x1F82, v42;
	v9 =	vsel vm11, $0xE83, v9  }
0x9e: {  	v14 =	vsel vm11, $0x903, v14;
	v0 =	vsel vm2, $0x20D, v0;
	v1 =	vsel vm9, $0x784, v1  }
0x9f: {  	v2 =	vsel vm9, $0x184, v2;
	v16 =	vsel vm13, $0x1202, v16;
	v44 =	vsel vm12, $0x1801, v44  }
0xa0: {  	v37 =	vsel vm11, $0x1D83, v37;
	v42 =	vsel vm11, $0x1803, v42;
	v9 =	vsel vm9, $0xF04, v9  }
0xa1: {  	v14 =	vsel vm9, $0x984, v14;
	v0 =	vsel vm0, $0x28E, v0;
	v1 =	vsel vm10, $0x5, v1  }
0xa2: {  	v2 =	vsel vm10, $0x205, v2;
	v44 =	vsel vm13, $0x1882, v44;
	v16 =	vsel vm11, $0x1283, v16  }
0xa3: {  	v9 =	vsel vm10, $0xF85, v9;
	v14 =	vsel vm10, $0xA05, v14;
	v37 =	vsel vm9, $0x1E04, v37  }
0xa4: {  	v42 =	vsel vm9, $0x1884, v42;
	[tilespmem:$0x1F820] =	vst v0;
	v0 =	vsel vm2, $0x28D, v41;
	v1 =	vsel vm8, $0x86, v1  }
0xa5: {  	v2 =	vsel vm8, $0x286, v2;
	v41 =	vimm.s32 $0xE8F;
	v44 =	vsel vm11, $0x1903, v44  }
0xa6: {  	v16 =	vsel vm9, $0x1304, v16;
	v37 =	vsel vm10, $0x1E85, v37;
	v42 =	vsel vm10, $0x1905, v42  }
0xa7: {  	v9 =	vsel vm8, $0x806, v9;
	v14 =	vsel vm8, $0xA86, v14;
	v0 =	vsel vm0, $0x30E, v0  }
0xa8: {  	v1 =	vsel vm6, $0x107, v1;
	v2 =	vsel vm6, $0x307, v2;
	v16 =	vsel vm10, $0x1385, v16  }
0xa9: {  	v44 =	vsel vm9, $0x1984, v44;
	v37 =	vsel vm8, $0x1F06, v37;
	v42 =	vsel vm8, $0x1986, v42  }
0xaa: {  	v9 =	vsel vm6, $0x887, v9;
	v14 =	vsel vm6, $0xB07, v14;
	[tilespmem:$0x1F830] =	vst v0;
	v0 =	vsel vm12, $0x581, v45  }
0xab: {  	v1 =	vsel vm7, $0x188, v1;
	v2 =	vsel vm7, $0x388, v2;
	v45 =	vimm.s32 $0x110F  }
0xac: {  	v44 =	vsel vm10, $0x1A05, v44;
	v16 =	vsel vm8, $0x1406, v16;
	v9 =	vsel vm7, $0x908, v9  }
0xad: {  	v14 =	vsel vm7, $0xB88, v14;
	v37 =	vsel vm6, $0x1F87, v37;
	v42 =	vsel vm6, $0x1A07, v42  }
0xae: {  	v0 =	vsel vm13, $0x602, v0;
	v1 =	vsel vm5, $0x209, v1;
	v2 =	vsel vm5, $0x409, v2  }
0xaf: {  	v17 =	vsel vm14, $0x1180, v45;
	v45 =	vimm.s32 $0x15141312;
	v44 =	vsel vm8, $0x1A86, v44  }
0xb0: {  	v16 =	vsel vm6, $0x1487, v16;
	v37 =	vsel vm7, $0x1808, v37;
	v42 =	vsel vm7, $0x1A88, v42  }
0xb1: {  	v9 =	vsel vm5, $0x989, v9;
	v14 =	vsel vm5, $0xC09, v14;
	v0 =	vsel vm11, $0x683, v0  }
0xb2: {  	v1 =	vsel vm4, $0x28A, v1;
	v2 =	vsel vm4, $0x48A, v2;
	v17 =	vsel vm12, $0x1201, v17  }
0xb3: {  	v16 =	vsel vm7, $0x1508, v16;
	v44 =	vsel vm6, $0x1B07, v44;
	v37 =	vsel vm5, $0x1889, v37  }
0xb4: {  	v42 =	vsel vm5, $0x1B09, v42;
	v0 =	vsel vm9, $0x704, v0;
	v1 =	vsel vm3, $0x30B, v1  }
0xb5: {  	v2 =	vsel vm3, $0x50B, v2;
	v17 =	vsel vm13, $0x1282, v17;
	v44 =	vsel vm7, $0x1B88, v44  }
0xb6: {  	v16 =	vsel vm5, $0x1589, v16;
	v0 =	vsel vm10, $0x785, v0;
	v48 =	vsel vm1, $0x38C, v1  }
0xb7: {  	v1 =	vsel vm2, $0x48D, v4;
	v11 =	vsel vm1, $0x58C, v2;
	v2 =	vsel vm14, $0x980, v26  }
0xb8: {  	v4 =	vsel vm14, $0xA80, v32;
	v26 =	vimm.s32 $0x158F;
	v32 =	vimm.s32 $0x190F  }
0xb9: {  	v17 =	vsel vm11, $0x1303, v17;
	v44 =	vsel vm5, $0x1C09, v44;
	v0 =	vsel vm8, $0x6, v0  }
0xba: {  	v6 =	vsel vm0, $0x50E, v1;
	v1 =	vsel vm14, $0x700, v8;
	v8 =	vsel vm14, $0xC80, v36  }
0xbb: {  	v26 =	vsel vm14, $0x1600, v26;
	v32 =	vsel vm14, $0x1980, v32;
	v36 =	vimm.s32 $0x1B0F  }
0xbc: {  	v2 =	vsel vm12, $0xA01, v2;
	v4 =	vsel vm12, $0xB01, v4;
	v17 =	vsel vm9, $0x1384, v17  }
0xbd: {  	v0 =	vsel vm6, $0x87, v0;
	[tilespmem:$0x1F870] =	vst v6;
	v1 =	vsel vm12, $0x781, v1;
	v6 =	vsel vm14, $0xB80, v34  }
0xbe: {  	v34 =	vimm.s32 $0x1A0F;
	v36 =	vsel vm14, $0x1B80, v36;
	v2 =	vsel vm13, $0xA82, v2  }
0xbf: {  	v4 =	vsel vm13, $0xB82, v4;
	v8 =	vsel vm12, $0xD01, v8;
	v26 =	vsel vm12, $0x1681, v26  }
0xc0: {  	v32 =	vsel vm12, $0x1A01, v32;
	v17 =	vsel vm10, $0x1405, v17;
	v0 =	vsel vm7, $0x108, v0  }
0xc1: {  	v1 =	vsel vm13, $0x2, v1;
	v34 =	vsel vm14, $0x1A80, v34;
	v6 =	vsel vm12, $0xC01, v6  }
0xc2: {  	v8 =	vsel vm13, $0xD82, v8;
	v26 =	vsel vm13, $0x1702, v26;
	v32 =	vsel vm13, $0x1A82, v32  }
0xc3: {  	v36 =	vsel vm12, $0x1C01, v36;
	v2 =	vsel vm11, $0xB03, v2;
	v4 =	vsel vm11, $0xC03, v4  }
0xc4: {  	v17 =	vsel vm8, $0x1486, v17;
	v0 =	vsel vm5, $0x189, v0;
	v1 =	vsel vm11, $0x83, v1  }
0xc5: {  	v6 =	vsel vm13, $0xC82, v6;
	v34 =	vsel vm12, $0x1B01, v34;
	v36 =	vsel vm13, $0x1C82, v36  }
0xc6: {  	v8 =	vsel vm11, $0xE03, v8;
	v26 =	vsel vm11, $0x1783, v26;
	v32 =	vsel vm11, $0x1B03, v32  }
0xc7: {  	v2 =	vsel vm9, $0xB84, v2;
	v4 =	vsel vm9, $0xC84, v4;
	v17 =	vsel vm6, $0x1507, v17  }
0xc8: {  	v0 =	vsel vm4, $0x20A, v0;
	v1 =	vsel vm9, $0x104, v1;
	v34 =	vsel vm13, $0x1B82, v34  }
0xc9: {  	v6 =	vsel vm11, $0xD03, v6;
	v36 =	vsel vm11, $0x1D03, v36;
	v2 =	vsel vm10, $0xC05, v2  }
0xca: {  	v4 =	vsel vm10, $0xD05, v4;
	v8 =	vsel vm9, $0xE84, v8;
	v26 =	vsel vm9, $0x1004, v26  }
0xcb: {  	v32 =	vsel vm9, $0x1B84, v32;
	v17 =	vsel vm7, $0x1588, v17;
	v0 =	vsel vm3, $0x28B, v0  }
0xcc: {  	v1 =	vsel vm10, $0x185, v1;
	v34 =	vsel vm11, $0x1C03, v34;
	v6 =	vsel vm9, $0xD84, v6  }
0xcd: {  	v8 =	vsel vm10, $0xF05, v8;
	v26 =	vsel vm10, $0x1085, v26;
	v32 =	vsel vm10, $0x1C05, v32  }
0xce: {  	v36 =	vsel vm9, $0x1D84, v36;
	v2 =	vsel vm8, $0xC86, v2;
	v4 =	vsel vm8, $0xD86, v4  }
0xcf: {  	v17 =	vsel vm5, $0x1609, v17;
	v0 =	vsel vm1, $0x30C, v0;
	v1 =	vsel vm8, $0x206, v1  }
0xd0: {  	v6 =	vsel vm10, $0xE05, v6;
	v34 =	vsel vm9, $0x1C84, v34;
	v36 =	vsel vm10, $0x1E05, v36  }
0xd1: {  	v8 =	vsel vm8, $0xF86, v8;
	v26 =	vsel vm8, $0x1106, v26;
	v32 =	vsel vm8, $0x1C86, v32  }
0xd2: {  	v2 =	vsel vm6, $0xD07, v2;
	v4 =	vsel vm6, $0xE07, v4;
	v0 =	vsel vm2, $0x38D, v0  }
0xd3: {  	v1 =	vsel vm6, $0x287, v1;
	v34 =	vsel vm10, $0x1D05, v34;
	v6 =	vsel vm8, $0xE86, v6  }
0xd4: {  	v36 =	vsel vm8, $0x1E86, v36;
	v2 =	vsel vm7, $0xD88, v2;
	v4 =	vsel vm7, $0xE88, v4  }
0xd5: {  	v8 =	vsel vm6, $0x807, v8;
	v26 =	vsel vm6, $0x1187, v26;
	v32 =	vsel vm6, $0x1D07, v32  }
0xd6: {  	v0 =	vsel vm0, $0x40E, v0;
	v1 =	vsel vm7, $0x308, v1;
	v34 =	vsel vm8, $0x1D86, v34  }
0xd7: {  	v6 =	vsel vm6, $0xF07, v6;
	v8 =	vsel vm7, $0x888, v8;
	v26 =	vsel vm7, $0x1208, v26  }
0xd8: {  	v32 =	vsel vm7, $0x1D88, v32;
	v36 =	vsel vm6, $0x1F07, v36;
	v2 =	vsel vm5, $0xE09, v2  }
0xd9: {  	v4 =	vsel vm5, $0xF09, v4;
	[tilespmem:$0x1F850] =	vst v0;
	v0 =	vsel vm2, $0x40D, v48;
	v1 =	vsel vm5, $0x389, v1  }
0xda: {  	v48 =	vunpack.c.0.s8.s32 v45;
	v45 =	vimm.s32 $0x19181716;
	v6 =	vsel vm7, $0xF88, v6  }
0xdb: {  	v34 =	vsel vm6, $0x1E07, v34;
	v36 =	vsel vm7, $0x1F88, v36;
	v8 =	vsel vm5, $0x909, v8  }
0xdc: {  	v26 =	vsel vm5, $0x1289, v26;
	v32 =	vsel vm5, $0x1E09, v32;
	v2 =	vsel vm4, $0xE8A, v2  }
0xdd: {  	v4 =	vsel vm4, $0xF8A, v4;
	v0 =	vsel vm0, $0x48E, v0;
	v1 =	vsel vm4, $0x40A, v1  }
0xde: {  	v47 =	vunpack.c.0.s8.s32 v45;
	v45 =	vunpack.c.0.s8.s32 v46;
	v46 =	vimm.s32 $0x1A191817  }
0xdf: {  	v34 =	vsel vm7, $0x1E88, v34;
	v6 =	vsel vm5, $0x809, v6;
	v36 =	vsel vm5, $0x1809, v36  }
0xe0: {  	v2 =	vsel vm3, $0xF0B, v2;
	[tilespmem:$0x1F860] =	vst v0;
	v0 =	vsel vm12, $0x701, v7;
	v1 =	vsel vm3, $0x48B, v1  }
0xe1: {  	v7 =	vsel vm14, $0xC00, v35;
	v35 =	vimm.s32 $0x1A8F;
	v34 =	vsel vm5, $0x1F09, v34  }
0xe2: {  	v0 =	vsel vm13, $0x782, v0;
	v10 =	vsel vm1, $0x50C, v1;
	v1 =	vsel vm2, $0x60D, v11  }
0xe3: {  	v11 =	vsel vm14, $0xE00, v39;
	v35 =	vsel vm14, $0x1B00, v35;
	v39 =	vimm.s32 $0x1C8F  }
0xe4: {  	v7 =	vsel vm12, $0xC81, v7;
	[tilespmem:$0x1F8B0] =	vst v45;
	v45 =	vimm.s32 $0x1211101F;
	v0 =	vsel vm11, $0x3, v0  }
0xe5: {  	v13 =	vsel vm0, $0x68E, v1;
	v1 =	vsel vm14, $0x900, v25;
	v25 =	vimm.s32 $0x150F  }
0xe6: {  	v39 =	vsel vm14, $0x1D00, v39;
	v7 =	vsel vm13, $0xD02, v7;
	v11 =	vsel vm12, $0xE81, v11  }
0xe7: {  	v35 =	vsel vm12, $0x1B81, v35;
	v45 =	vunpack.c.0.s8.s32 v45;
	v0 =	vsel vm9, $0x84, v0  }
0xe8: {  	[tilespmem:$0x1F8A0] =	vst v13;
	v13 =	vsel vm14, $0xF00, v41;
	v25 =	vsel vm14, $0x1580, v25;
	v41 =	vimm.s32 $0x1D8F  }
0xe9: {  	v1 =	vsel vm12, $0x981, v1;
	v11 =	vsel vm13, $0xF02, v11;
	v35 =	vsel vm13, $0x1C02, v35  }
0xea: {  	v39 =	vsel vm12, $0x1D81, v39;
	v7 =	vsel vm11, $0xD83, v7;
	v0 =	vsel vm10, $0x105, v0  }
0xeb: {  	v41 =	vsel vm14, $0x1E00, v41;
	v1 =	vsel vm13, $0xA02, v1;
	v13 =	vsel vm12, $0xF81, v13  }
0xec: {  	v25 =	vsel vm12, $0x1601, v25;
	v39 =	vsel vm13, $0x1E02, v39;
	v11 =	vsel vm11, $0xF83, v11  }
0xed: {  	v35 =	vsel vm11, $0x1C83, v35;
	[tilespmem:$0x1F8C0] =	vst v45;
	v7 =	vsel vm9, $0xE04, v7;
	v45 =	vimm.s32 $0x16151413  }
0xee: {  	v0 =	vsel vm8, $0x186, v0;
	v13 =	vsel vm13, $0x802, v13;
	v25 =	vsel vm13, $0x1682, v25  }
0xef: {  	v41 =	vsel vm12, $0x1E81, v41;
	v1 =	vsel vm11, $0xA83, v1;
	v39 =	vsel vm11, $0x1E83, v39  }
0xf0: {  	v7 =	vsel vm10, $0xE85, v7;
	v11 =	vsel vm9, $0x804, v11;
	v35 =	vsel vm9, $0x1D04, v35  }
0xf1: {  	v45 =	vunpack.c.0.s8.s32 v45;
	v0 =	vsel vm6, $0x207, v0;
	v41 =	vsel vm13, $0x1F02, v41  }
0xf2: {  	v13 =	vsel vm11, $0x883, v13;
	v25 =	vsel vm11, $0x1703, v25;
	v1 =	vsel vm9, $0xB04, v1  }
0xf3: {  	v11 =	vsel vm10, $0x885, v11;
	v35 =	vsel vm10, $0x1D85, v35;
	v39 =	vsel vm9, $0x1F04, v39  }
0xf4: {  	v7 =	vsel vm8, $0xF06, v7;
	v0 =	vsel vm7, $0x288, v0;
	v41 =	vsel vm11, $0x1F83, v41  }
0xf5: {  	v1 =	vsel vm10, $0xB85, v1;
	v13 =	vsel vm9, $0x904, v13;
	v25 =	vsel vm9, $0x1784, v25  }
0xf6: {  	v39 =	vsel vm10, $0x1F85, v39;
	[tilespmem:$0x1F8D0] =	vst v45;
	v45 =	vunpack.c.0.s8.s32 v46;
	v11 =	vsel vm8, $0x906, v11  }
0xf7: {  	v35 =	vsel vm8, $0x1E06, v35;
	v7 =	vsel vm6, $0xF87, v7;
	v46 =	vimm.s32 $0x17161514  }
0xf8: {  	v0 =	vsel vm5, $0x309, v0;
	v13 =	vsel vm10, $0x985, v13;
	v25 =	vsel vm10, $0x1005, v25  }
0xf9: {  	v41 =	vsel vm9, $0x1804, v41;
	v1 =	vsel vm8, $0xC06, v1;
	v39 =	vsel vm8, $0x1806, v39  }
0xfa: {  	v7 =	vsel vm7, $0x808, v7;
	v11 =	vsel vm6, $0x987, v11;
	v35 =	vsel vm6, $0x1E87, v35  }
0xfb: {  	v0 =	vsel vm4, $0x38A, v0;
	v41 =	vsel vm10, $0x1885, v41;
	v13 =	vsel vm8, $0xA06, v13  }
0xfc: {  	[tilespmem:$0x1F8E0] =	vst v45;
	v25 =	vsel vm8, $0x1086, v25;
	v45 =	vimm.s32 $0x1F1E1D1C;
	v1 =	vsel vm6, $0xC87, v1  }
0xfd: {  	v11 =	vsel vm7, $0xA08, v11;
	v35 =	vsel vm7, $0x1F08, v35;
	v39 =	vsel vm6, $0x1887, v39  }
0xfe: {  	v7 =	vsel vm5, $0x889, v7;
	v0 =	vsel vm3, $0x40B, v0;
	v41 =	vsel vm8, $0x1906, v41  }
0xff: {  	v45 =	vunpack.c.0.s8.s32 v45;
	v1 =	vsel vm7, $0xD08, v1;
	v13 =	vsel vm6, $0xA87, v13  }
0x100: {  	v25 =	vsel vm6, $0x1107, v25;
	v39 =	vsel vm7, $0x1908, v39;
	v11 =	vsel vm5, $0xA89, v11  }
0x101: {  	v35 =	vsel vm5, $0x1F89, v35;
	v0 =	vsel vm1, $0x48C, v0;
	v13 =	vsel vm7, $0xB08, v13  }
0x102: {  	v25 =	vsel vm7, $0x1188, v25;
	v41 =	vsel vm6, $0x1987, v41;
	v1 =	vsel vm5, $0xD89, v1  }
0x103: {  	v39 =	vsel vm5, $0x1989, v39;
	v0 =	vsel vm2, $0x50D, v0;
	v41 =	vsel vm7, $0x1A08, v41  }
0x104: {  	[tilespmem:$0x1F8F0] =	vst v45;
	v45 =	vimm.s32 $0x13121110;
	v13 =	vsel vm5, $0xB89, v13;
	v25 =	vsel vm5, $0x1209, v25  }
0x105: {  	v1 =	vsel vm4, $0xE0A, v1;
	v0 =	vsel vm0, $0x58E, v0;
	v45 =	vunpack.c.0.s8.s32 v45  }
0x106: {  	v41 =	vsel vm5, $0x1A89, v41;
	v1 =	vsel vm3, $0xE8B, v1;
	[tilespmem:$0x1F880] =	vst v0;
	v0 =	vsel vm2, $0x58D, v10  }
0x107: {  	v10 =	vsel vm14, $0xD80, v38;
	v38 =	vimm.s32 $0x1C0F;
	v1 =	vsel vm1, $0xF0C, v1  }
0x108: {  	v0 =	vsel vm0, $0x60E, v0;
	v38 =	vsel vm14, $0x1C80, v38;
	v10 =	vsel vm12, $0xE01, v10  }
0x109: {  	[tilespmem:$0x1F900] =	vst v45;
	v45 =	vunpack.c.0.s8.s32 v46;
	v46 =	vsel vm2, $0xF8D, v1;
	v1 =	vsel vm3, $0x80B, v4  }
0x10a: {  	[tilespmem:$0x1F890] =	vst v0;
	v0 =	vunpack.c.0.s8.s32 v15;
	v15 =	vsel vm14, $0x1080, v43;
	v43 =	vimm.s32 $0x1E8F  }
0x10b: {  	v10 =	vsel vm13, $0xE82, v10;
	v38 =	vsel vm12, $0x1D01, v38;
	v1 =	vsel vm1, $0x88C, v1  }
0x10c: {  	v43 =	vsel vm14, $0x1F00, v43;
	v15 =	vsel vm12, $0x1101, v15;
	v38 =	vsel vm13, $0x1D82, v38;
	[tilespmem:$0x1F910] =	vst v45  }
0x10d: {  	v10 =	vsel vm11, $0xF03, v10;
	v45 =	vimm.s32 $0x1B1A1918;
	[tilespmem:$0x1FAB0] =	vst v0;
	v0 =	vunpack.c.0.s8.s32 v20  }
0x10e: {  	v20 =	vimm.s32 $0x128F;
	v15 =	vsel vm13, $0x1182, v15;
	v43 =	vsel vm12, $0x1F81, v43  }
0x10f: {  	v38 =	vsel vm11, $0x1E03, v38;
	v10 =	vsel vm9, $0xF84, v10;
	v45 =	vunpack.c.0.s8.s32 v45  }
0x110: {  	v20 =	vsel vm14, $0x1300, v20;
	v43 =	vsel vm13, $0x1802, v43;
	v15 =	vsel vm11, $0x1203, v15  }
0x111: {  	v10 =	vsel vm10, $0x805, v10;
	v38 =	vsel vm9, $0x1E84, v38;
	[tilespmem:$0x1FA30] =	vst v0;
	v0 =	vsel vm12, $0x901, v24  }
0x112: {  	v24 =	vimm.s32 $0x148F;
	v20 =	vsel vm12, $0x1381, v20;
	v43 =	vsel vm11, $0x1883, v43  }
0x113: {  	v15 =	vsel vm9, $0x1284, v15;
	v38 =	vsel vm10, $0x1F05, v38;
	v10 =	vsel vm8, $0x886, v10  }
0x114: {  	[tilespmem:$0x1F920] =	vst v45;
	v45 =	vsel vm1, $0xF8C, v2;
	v24 =	vsel vm14, $0x1500, v24;
	v0 =	vsel vm13, $0x982, v0  }
0x115: {  	v20 =	vsel vm13, $0x1402, v20;
	v15 =	vsel vm10, $0x1305, v15;
	v43 =	vsel vm9, $0x1904, v43  }
0x116: {  	v38 =	vsel vm8, $0x1F86, v38;
	v10 =	vsel vm6, $0x907, v10;
	v0 =	vsel vm11, $0xA03, v0  }
0x117: {  	v24 =	vsel vm12, $0x1581, v24;
	v20 =	vsel vm11, $0x1483, v20;
	v43 =	vsel vm10, $0x1985, v43  }
0x118: {  	v15 =	vsel vm8, $0x1386, v15;
	v10 =	vsel vm7, $0x988, v10;
	v38 =	vsel vm6, $0x1807, v38  }
0x119: {  	v24 =	vsel vm13, $0x1602, v24;
	v0 =	vsel vm9, $0xA84, v0;
	v20 =	vsel vm9, $0x1504, v20  }
0x11a: {  	v43 =	vsel vm8, $0x1A06, v43;
	v15 =	vsel vm6, $0x1407, v15;
	v0 =	vsel vm10, $0xB05, v0  }
0x11b: {  	v38 =	vsel vm7, $0x1888, v38;
	v10 =	vsel vm5, $0xA09, v10;
	v0 =	vsel vm8, $0xB86, v0  }
0x11c: {  	v24 =	vsel vm11, $0x1683, v24;
	v20 =	vsel vm10, $0x1585, v20;
	v0 =	vsel vm6, $0xC07, v0  }
0x11d: {  	v15 =	vsel vm7, $0x1488, v15;
	v43 =	vsel vm6, $0x1A87, v43;
	v0 =	vsel vm7, $0xC88, v0  }
0x11e: {  	v38 =	vsel vm5, $0x1909, v38;
	v24 =	vsel vm9, $0x1704, v24;
	v0 =	vsel vm5, $0xD09, v0  }
0x11f: {  	v20 =	vsel vm8, $0x1606, v20;
	v43 =	vsel vm7, $0x1B08, v43;
	v0 =	vsel vm4, $0xD8A, v0  }
0x120: {  	v15 =	vsel vm5, $0x1509, v15;
	v24 =	vsel vm10, $0x1785, v24;
	v0 =	vsel vm3, $0xE0B, v0  }
0x121: {  	v20 =	vsel vm6, $0x1687, v20;
	v24 =	vsel vm8, $0x1006, v24;
	v0 =	vsel vm1, $0xE8C, v0  }
0x122: {  	v43 =	vsel vm5, $0x1B89, v43;
	v24 =	vsel vm6, $0x1087, v24;
	v0 =	vsel vm2, $0xF0D, v0  }
0x123: {  	v20 =	vsel vm7, $0x1708, v20;
	v24 =	vsel vm7, $0x1108, v24;
	v0 =	vsel vm0, $0xF8E, v0  }
0x124: {  	v20 =	vsel vm5, $0x1789, v20;
	v24 =	vsel vm5, $0x1189, v24;
	[tilespmem:$0x1F930] =	vst v0;
	v0 =	vsel vm0, $0x80E, v46  }
0x125: {  	v46 =	vsel vm2, $0x80D, v45;
	v45 =	vsel vm4, $0xF0A, v3;
	v3 =	vsel vm4, $0x168A, v17  }
0x126: {  	v17 =	vsel vm4, $0x1E0A, v31;
	[tilespmem:$0x1F940] =	vst v0;
	v0 =	vsel vm0, $0x88E, v46;
	v46 =	vsel vm3, $0xF8B, v45  }
0x127: {  	v31 =	vimm.s32 $0x2C2B2A29;
	v45 =	vsel vm4, $0x80A, v5;
	[tilespmem:$0x1F950] =	vst v0;
	v0 =	vsel vm1, $0x80C, v46  }
0x128: {  	v2 =	vsel vm3, $0x88B, v45;
	v46 =	vsel vm2, $0x90D, v1;
	v0 =	vsel vm2, $0x88D, v0  }
0x129: {  	v45 =	vsel vm4, $0x88A, v6;
	v4 =	vsel vm1, $0x90C, v2;
	v0 =	vsel vm0, $0x90E, v0  }
0x12a: {  	v5 =	vsel vm2, $0x98D, v4;
	v4 =	vsel vm4, $0x90A, v7;
	[tilespmem:$0x1F960] =	vst v0;
	v0 =	vsel vm0, $0x98E, v46  }
0x12b: {  	v46 =	vsel vm3, $0x90B, v45;
	v1 =	vsel vm3, $0x98B, v4;
	v45 =	vsel vm4, $0xA0A, v9  }
0x12c: {  	v4 =	vsel vm4, $0xA8A, v10;
	v9 =	vsel vm4, $0xB8A, v12;
	v12 =	vsel vm4, $0xC8A, v14  }
0x12d: {  	[tilespmem:$0x1F970] =	vst v0;
	v0 =	vsel vm0, $0xA0E, v5;
	v5 =	vsel vm4, $0x98A, v8;
	v1 =	vsel vm1, $0xA0C, v1  }
0x12e: {  	v10 =	vsel vm3, $0xC0B, v9;
	v9 =	vsel vm4, $0x118A, v23;
	v23 =	vsel vm4, $0x190A, v37  }
0x12f: {  	[tilespmem:$0x1F980] =	vst v0;
	v0 =	vsel vm1, $0x98C, v46;
	v2 =	vsel vm3, $0xA0B, v5;
	v6 =	vsel vm2, $0xA8D, v1  }
0x130: {  	v46 =	vsel vm3, $0xA8B, v45;
	v1 =	vsel vm3, $0xB0B, v4;
	v5 =	vsel vm4, $0xB0A, v11  }
0x131: {  	v11 =	vsel vm4, $0xC0A, v13;
	v4 =	vsel vm4, $0x170A, v18;
	v18 =	vsel vm4, $0x1E8A, v32  }
0x132: {  	v45 =	vsel vm4, $0x1F0A, v33;
	v0 =	vsel vm2, $0xA0D, v0;
	v7 =	vsel vm1, $0xA8C, v2  }
0x133: {  	v1 =	vsel vm1, $0xB8C, v1;
	v2 =	vsel vm3, $0xB8B, v5;
	v5 =	vsel vm4, $0x178A, v19  }
0x134: {  	v45 =	vsel vm3, $0x1F8B, v45;
	v0 =	vsel vm0, $0xA8E, v0;
	v8 =	vsel vm2, $0xB0D, v7  }
0x135: {  	v7 =	vsel vm1, $0xC0C, v2;
	v2 =	vsel vm3, $0xD0B, v12;
	v12 =	vsel vm4, $0x130A, v26  }
0x136: {  	v26 =	vsel vm4, $0x1A8A, v40;
	[tilespmem:$0x1F990] =	vst v0;
	v0 =	vsel vm0, $0xB0E, v6;
	v6 =	vsel vm2, $0xC0D, v1  }
0x137: {  	v1 =	vsel vm3, $0xC8B, v11;
	v14 =	vsel vm1, $0xD8C, v2;
	v2 =	vsel vm4, $0x160A, v16  }
0x138: {  	v11 =	vsel vm4, $0x128A, v25;
	v16 =	vsel vm4, $0x1D8A, v30;
	v25 =	vsel vm4, $0x1A0A, v39  }
0x139: {  	v30 =	vsel vm4, $0x1C8A, v44;
	v44 =	vsel vm3, $0x1F0B, v18;
	v18 =	vsel vm1, $0x180C, v45  }
0x13a: {  	[tilespmem:$0x1F9A0] =	vst v0;
	v0 =	vsel vm0, $0xB8E, v8;
	v8 =	vsel vm2, $0xC8D, v7;
	v1 =	vsel vm1, $0xD0C, v1  }
0x13b: {  	v7 =	vsel vm4, $0x108A, v21;
	v21 =	vsel vm4, $0x180A, v35;
	v40 =	vsel vm3, $0x1A8B, v25  }
0x13c: {  	v18 =	vsel vm2, $0x188D, v18;
	[tilespmem:$0x1F9B0] =	vst v0;
	v0 =	vsel vm1, $0xB0C, v46;
	v13 =	vsel vm2, $0xD8D, v1  }
0x13d: {  	v1 =	vsel vm4, $0x158A, v15;
	v15 =	vsel vm4, $0x148A, v29;
	v46 =	vsel vm4, $0x1F8A, v34  }
0x13e: {  	v29 =	vsel vm4, $0x1C0A, v43;
	v43 =	vunpack.c.0.s8.s32 v31;
	v31 =	vimm.s32 $0x28272625  }
0x13f: {  	v18 =	vsel vm0, $0x190E, v18;
	v0 =	vsel vm2, $0xB8D, v0;
	v46 =	vsel vm3, $0x180B, v46  }
0x140: {  	v31 =	vunpack.c.0.s8.s32 v31;
	v0 =	vsel vm0, $0xC0E, v0;
	v19 =	vsel vm1, $0x188C, v46  }
0x141: {  	[tilespmem:$0x1F9C0] =	vst v0;
	v0 =	vsel vm0, $0xC8E, v6;
	v6 =	vsel vm4, $0x100A, v20;
	v19 =	vsel vm2, $0x190D, v19  }
0x142: {  	[tilespmem:$0x1F9D0] =	vst v0;
	v0 =	vsel vm0, $0xD0E, v8;
	v8 =	vsel vm4, $0x110A, v22;
	v22 =	vsel vm4, $0x188A, v36  }
0x143: {  	v36 =	vsel vm3, $0x188B, v21;
	v19 =	vsel vm0, $0x198E, v19;
	[tilespmem:$0x1F9E0] =	vst v0;
	v0 =	vsel vm1, $0xC8C, v10  }
0x144: {  	v10 =	vsel vm4, $0x120A, v24;
	v24 =	vsel vm4, $0x198A, v38;
	v37 =	vsel vm3, $0x190B, v22  }
0x145: {  	v38 =	vsel vm3, $0x198B, v23;
	v20 =	vsel vm1, $0x190C, v36;
	v0 =	vsel vm2, $0xD0D, v0  }
0x146: {  	v39 =	vsel vm3, $0x1A0B, v24;
	v20 =	vsel vm2, $0x198D, v20;
	v21 =	vsel vm1, $0x198C, v37  }
0x147: {  	v22 =	vsel vm1, $0x1A0C, v38;
	v24 =	vsel vm1, $0x1B0C, v40;
	v40 =	vimm.s32 $0x25242322  }
0x148: {  	v0 =	vsel vm0, $0xD8E, v0;
	v21 =	vsel vm2, $0x1A0D, v21;
	v22 =	vsel vm2, $0x1A8D, v22  }
0x149: {  	v23 =	vsel vm1, $0x1A8C, v39;
	v24 =	vsel vm2, $0x1B8D, v24;
	v20 =	vsel vm0, $0x1A0E, v20  }
0x14a: {  	[tilespmem:$0x1F9F0] =	vst v0;
	v0 =	vsel vm0, $0xE0E, v13;
	v13 =	vsel vm4, $0x138A, v27;
	v27 =	vsel vm4, $0x1B0A, v41  }
0x14b: {  	[tilespmem:$0x1FBE0] =	vst v18;
	v41 =	vsel vm3, $0x1B0B, v26;
	v23 =	vsel vm2, $0x1B0D, v23;
	v21 =	vsel vm0, $0x1A8E, v21  }
0x14c: {  	v22 =	vsel vm0, $0x1B0E, v22;
	v24 =	vsel vm0, $0x1C0E, v24;
	[tilespmem:$0x1FA00] =	vst v0;
	v0 =	vsel vm2, $0xE0D, v14  }
0x14d: {  	[tilespmem:$0x1FA60] =	vst v43;
	v14 =	vsel vm4, $0x140A, v28;
	v28 =	vsel vm4, $0x1B8A, v42;
	v42 =	vsel vm3, $0x1B8B, v27  }
0x14e: {  	[tilespmem:$0x1FAA0] =	vst v31;
	v25 =	vsel vm1, $0x1B8C, v41;
	v23 =	vsel vm0, $0x1B8E, v23;
	v41 =	vunpack.c.0.s8.s32 v40  }
0x14f: {  	[tilespmem:$0x1FC10] =	vst v21;
	v21 =	vimm.s32 $0x3E3D3C3B;
	v0 =	vsel vm0, $0xE8E, v0;
	v43 =	vsel vm3, $0x1C0B, v28  }
0x150: {  	[tilespmem:$0x1FBF0] =	vst v19;
	v28 =	vsel vm3, $0x1C8B, v29;
	v29 =	vsel vm3, $0x1D0B, v30;
	v30 =	vimm.s32 $0x202F2E2D  }
0x151: {  	[tilespmem:$0x1FC20] =	vst v22;
	v25 =	vsel vm2, $0x1C0D, v25;
	v26 =	vsel vm1, $0x1C0C, v42;
	v22 =	vunpack.c.0.s8.s32 v21  }
0x152: {  	[tilespmem:$0x1FA50] =	vst v0;
	v0 =	vsel vm3, $0x160B, v1;
	v1 =	vsel vm3, $0x168B, v2;
	v2 =	vsel vm3, $0x170B, v3  }
0x153: {  	[tilespmem:$0x1FC00] =	vst v20;
	v3 =	vsel vm3, $0x178B, v4;
	v4 =	vsel vm3, $0x100B, v5;
	v5 =	vsel vm3, $0x108B, v6  }
0x154: {  	[tilespmem:$0x1FC40] =	vst v24;
	v6 =	vsel vm3, $0x110B, v7;
	v7 =	vsel vm3, $0x118B, v8;
	v8 =	vsel vm3, $0x120B, v9  }
0x155: {  	[tilespmem:$0x1FC30] =	vst v23;
	v9 =	vsel vm3, $0x128B, v10;
	v10 =	vsel vm3, $0x130B, v11;
	v11 =	vsel vm3, $0x138B, v12  }
0x156: {  	v12 =	vsel vm3, $0x140B, v13;
	v13 =	vsel vm3, $0x148B, v14;
	v25 =	vsel vm0, $0x1C8E, v25;
	[tilespmem:$0x1FCC0] =	vst v41  }
0x157: {  	v14 =	vsel vm3, $0x150B, v15;
	v15 =	vsel vm3, $0x1E0B, v16;
	v30 =	vunpack.c.0.s8.s32 v30;
	[tilespmem:$0x1FC50] =	vst v25  }
0x158: {  	v16 =	vsel vm3, $0x1E8B, v17;
	v17 =	vsel vm1, $0x1F8C, v44;
	v26 =	vsel vm2, $0x1C8D, v26;
	[tilespmem:$0x1FDE0] =	vst v22  }
0x159: {  	v27 =	vsel vm1, $0x1C8C, v43;
	v17 =	vsel vm2, $0x180D, v17;
	v26 =	vsel vm0, $0x1D0E, v26;
	[tilespmem:$0x1FA70] =	vst v30  }
0x15a: {  	v28 =	vsel vm1, $0x1D0C, v28;
	v27 =	vsel vm2, $0x1D0D, v27;
	v17 =	vsel vm0, $0x188E, v17;
	[tilespmem:$0x1FC60] =	vst v26  }
0x15b: {  	v29 =	vsel vm1, $0x1D8C, v29;
	v28 =	vsel vm2, $0x1D8D, v28;
	v27 =	vsel vm0, $0x1D8E, v27;
	[tilespmem:$0x1FBD0] =	vst v17  }
0x15c: {  	v0 =	vsel vm1, $0x168C, v0;
	v29 =	vsel vm2, $0x1E0D, v29;
	v36 =	vsel vm0, $0x1E0E, v28;
	[tilespmem:$0x1FC70] =	vst v27  }
0x15d: {  	v1 =	vsel vm1, $0x170C, v1;
	v0 =	vsel vm2, $0x170D, v0;
	v37 =	vsel vm0, $0x1E8E, v29;
	[tilespmem:$0x1FC80] =	vst v36  }
0x15e: {  	v2 =	vsel vm1, $0x178C, v2;
	v1 =	vsel vm2, $0x178D, v1;
	v0 =	vsel vm0, $0x178E, v0;
	[tilespmem:$0x1FC90] =	vst v37  }
0x15f: {  	v3 =	vsel vm1, $0x100C, v3;
	v2 =	vsel vm2, $0x100D, v2;
	v44 =	vsel vm0, $0x100E, v1;
	[tilespmem:$0x1FAC0] =	vst v0  }
0x160: {  	v4 =	vsel vm1, $0x108C, v4;
	v3 =	vsel vm2, $0x108D, v3;
	v45 =	vsel vm0, $0x108E, v2;
	[tilespmem:$0x1FAD0] =	vst v44  }
0x161: {  	v5 =	vsel vm1, $0x110C, v5;
	v4 =	vsel vm2, $0x110D, v4;
	v46 =	vsel vm0, $0x110E, v3;
	[tilespmem:$0x1FAE0] =	vst v45  }
0x162: {  	v6 =	vsel vm1, $0x118C, v6;
	v5 =	vsel vm2, $0x118D, v5;
	v4 =	vsel vm0, $0x118E, v4;
	[tilespmem:$0x1FAF0] =	vst v46  }
0x163: {  	v7 =	vsel vm1, $0x120C, v7;
	v6 =	vsel vm2, $0x120D, v6;
	v5 =	vsel vm0, $0x120E, v5;
	[tilespmem:$0x1FB00] =	vst v4  }
0x164: {  	v8 =	vsel vm1, $0x128C, v8;
	v7 =	vsel vm2, $0x128D, v7;
	v6 =	vsel vm0, $0x128E, v6;
	[tilespmem:$0x1FB10] =	vst v5  }
0x165: {  	v38 =	vimm.s32 $0x2D2C2B2A;
	v8 =	vsel vm2, $0x130D, v8;
	v7 =	vsel vm0, $0x130E, v7;
	[tilespmem:$0x1FB20] =	vst v6  }
0x166: {  	v9 =	vsel vm1, $0x130C, v9;
	v8 =	vsel vm0, $0x138E, v8;
	[tilespmem:$0x1FB30] =	vst v7;
	v0 =	vunpack.c.0.s8.s32 v38  }
0x167: {  	v39 =	vimm.s32 $0x21202F2E;
	v9 =	vsel vm2, $0x138D, v9;
	[tilespmem:$0x1FB40] =	vst v8  }
0x168: {  	v10 =	vsel vm1, $0x138C, v10;
	v9 =	vsel vm0, $0x140E, v9;
	[tilespmem:$0x1FCA0] =	vst v0;
	v0 =	vunpack.c.0.s8.s32 v39  }
0x169: {  	v42 =	vimm.s32 $0x29282726;
	v10 =	vsel vm2, $0x140D, v10;
	[tilespmem:$0x1FB50] =	vst v9  }
0x16a: {  	v11 =	vsel vm1, $0x140C, v11;
	v10 =	vsel vm0, $0x148E, v10;
	[tilespmem:$0x1FCB0] =	vst v0;
	v0 =	vunpack.c.0.s8.s32 v42  }
0x16b: {  	v43 =	vimm.s32 $0x2E2D2C2B;
	v11 =	vsel vm2, $0x148D, v11;
	[tilespmem:$0x1FB60] =	vst v10  }
0x16c: {  	v12 =	vsel vm1, $0x148C, v12;
	v11 =	vsel vm0, $0x150E, v11;
	[tilespmem:$0x1FCD0] =	vst v0;
	v0 =	vunpack.c.0.s8.s32 v43  }
0x16d: {  	v12 =	vsel vm2, $0x150D, v12;
	[tilespmem:$0x1FB70] =	vst v11;
	v46 =	vimm.s32 $0x26252423  }
0x16e: {  	v13 =	vsel vm1, $0x150C, v13;
	v12 =	vsel vm0, $0x158E, v12;
	[tilespmem:$0x1FCE0] =	vst v0;
	v0 =	vunpack.c.0.s8.s32 v46  }
0x16f: {  	v13 =	vsel vm2, $0x158D, v13;
	[tilespmem:$0x1FB80] =	vst v12;
	v4 =	vimm.s32 $0x2A292827  }
0x170: {  	v14 =	vsel vm1, $0x158C, v14;
	v13 =	vsel vm0, $0x160E, v13;
	[tilespmem:$0x1FD00] =	vst v0;
	v0 =	vunpack.c.0.s8.s32 v4  }
0x171: {  	v14 =	vsel vm2, $0x160D, v14;
	[tilespmem:$0x1FB90] =	vst v13;
	v7 =	vimm.s32 $0x23222120  }
0x172: {  	v15 =	vsel vm1, $0x1E8C, v15;
	v14 =	vsel vm0, $0x168E, v14;
	[tilespmem:$0x1FD10] =	vst v0;
	v0 =	vunpack.c.0.s8.s32 v7  }
0x173: {  	v15 =	vsel vm2, $0x1F0D, v15;
	[tilespmem:$0x1FBA0] =	vst v14;
	v8 =	vimm.s32 $0x27262524  }
0x174: {  	v16 =	vsel vm1, $0x1F0C, v16;
	v15 =	vsel vm0, $0x1F8E, v15;
	[tilespmem:$0x1FD30] =	vst v0;
	v0 =	vunpack.c.0.s8.s32 v8  }
0x175: {  	v16 =	vsel vm2, $0x1F8D, v16;
	[tilespmem:$0x1FBB0] =	vst v15;
	v11 =	vimm.s32 $0x3C3B3A39  }
0x176: {  	v30 =	vimm.s32 $0x24232221;
	v16 =	vsel vm0, $0x180E, v16;
	[tilespmem:$0x1FD40] =	vst v0;
	v0 =	vunpack.c.0.s8.s32 v11  }
0x177: {  	v30 =	vunpack.c.0.s8.s32 v30;
	[tilespmem:$0x1FBC0] =	vst v16;
	v12 =	vimm.s32 $0x303F3E3D  }
0x178: {  	v17 =	vimm.s32 $0x31303F3E;
	[tilespmem:$0x1FD60] =	vst v0;
	v0 =	vunpack.c.0.s8.s32 v12  }
0x179: {  	v15 =	vimm.s32 $0x38373635;
	v18 =	vunpack.c.0.s8.s32 v17;
	[tilespmem:$0x1FA80] =	vst v30  }
0x17a: {  	v44 =	vimm.s32 $0x2221202F;
	[tilespmem:$0x1FD70] =	vst v0;
	v0 =	vunpack.c.0.s8.s32 v15  }
0x17b: {  	v16 =	vimm.s32 $0x3D3C3B3A;
	v45 =	vunpack.c.0.s8.s32 v44;
	[tilespmem:$0x1FDB0] =	vst v18  }
0x17c: {  	v5 =	vimm.s32 $0x2F2E2D2C;
	[tilespmem:$0x1FD90] =	vst v0;
	v0 =	vunpack.c.0.s8.s32 v16  }
0x17d: {  	v19 =	vimm.s32 $0x35343332;
	v6 =	vunpack.c.0.s8.s32 v5;
	[tilespmem:$0x1FCF0] =	vst v45  }
0x17e: {  	v9 =	vimm.s32 $0x2B2A2928;
	[tilespmem:$0x1FDA0] =	vst v0;
	v0 =	vunpack.c.0.s8.s32 v19  }
0x17f: {  	v20 =	vimm.s32 $0x39383736;
	v10 =	vunpack.c.0.s8.s32 v9;
	[tilespmem:$0x1FD20] =	vst v6  }
0x180: {  	v32 =	vld [tilespmem:$0x1FA10];
	v13 =	vimm.s32 $0x34333231;
	[tilespmem:$0x1FDC0] =	vst v0;
	v0 =	vunpack.c.0.s8.s32 v20  }
0x181: {  	s6 =	rddreg [dreg:$0x0];
	v33 =	vld [tilespmem:$0x1FA20];
	v23 =	vimm.s32 $0x3231303F;
	v14 =	vunpack.c.0.s8.s32 v13;
	[tilespmem:$0x1FD50] =	vst v10  }
0x182: {  	s5 =	rddreg [dreg:$0x1];
	s3 =	srdreg.scid;
	v35 =	vld [tilespmem:$0x1FA40];
	v25 =	vimm.s32 $0x3A393837;
	[tilespmem:$0x1FDD0] =	vst v0;
	v0 =	vunpack.c.0.s8.s32 v23  }
0x183: {  	s1 =	rddreg [dreg:$0x2];
	s4 =	sand.u32 $0x1, s3;
	s3 =	simm.s32 $0x0;
	v34 =	vld [tilespmem:$0x1FA30];
	v26 =	vunpack.c.0.s8.s32 v25;
	v37 =	vimm.s32 $0x37363534;
	[tilespmem:$0x1FD80] =	vst v14  }
0x184: {  	[smem:$0x7FF] =	sst s3;
	v31 =	vld [tilespmem:$0x1FAB0];
	v40 =	vlaneseq.u32;
	v38 =	vunpack.c.0.s8.s32 v37;
	[tilespmem:$0x1FDF0] =	vst v0  }
0x185: {  	s0 =	rddreg [dreg:$0x3];
	v41 =	vmul.u32 $0x80, v40;
	v30 =	vld [tilespmem:$0x1FA90];
	_ =	strace $0x80000047;
	[tilespmem:$0x1FE10] =	vst v26  }
0x186: {  	v42 =	vmul.u32 $0x81, v40;
	[tilespmem:$0x1FE40] =	vst v38  }
0x187: {  	[tilespmem:$0x1FE60] =	vst v41  }
0x188: {  	[tilespmem:$0x1FE70] =	vst v42  }
0x189: {  	vm0 =	vcmask $0x1F10;
	[tilespmem:$0x1FE80] =	vst v48  }
0x18a: {  	v43 =	vsel vm0, v31, v30;
	[tilespmem:$0x1FE90] =	vst v47  }
0x18b: {  	v44 =	vsel vm0, v33, v32;
	[tilespmem:$0x1FEB0] =	vst v43  }
0x18c: {  	v45 =	vsel vm0, v35, v34;
	[tilespmem:$0x1FEC0] =	vst v44  }
0x18d: {  	v46 =	vsel vm0, v47, v48;
	[tilespmem:$0x1FEE0] =	vst v45  }
0x18e: {  	[tilespmem:$0x1FEF0] =	vst v46  }
0x18f: {  	[tilespmem:$0x1FF10] =	vst v49  }
0x190: {  	[tilespmem:$0x1FF20] =	vst v50  }
0x191: {  	[tilespmem:$0x1FF30] =	vst v51  }
0x192: {  	[tilespmem:$0x1FF40] =	vst v52  }
0x193: {  	[tilespmem:$0x1FF50] =	vst v53  }
0x194: {  	[tilespmem:$0x1FF60] =	vst v54  }
0x195: {  	[tilespmem:$0x1FF70] =	vst v55  }
0x196: {  	[tilespmem:$0x1FF80] =	vst v56  }
0x197: {  	[tilespmem:$0x1FF90] =	vst v57  }
0x198: {  	[tilespmem:$0x1FFA0] =	vst v58  }
0x199: {  	[tilespmem:$0x1FFB0] =	vst v59  }
0x19a: {  	v24 =	vimm.s32 $0x36353433;
	[tilespmem:$0x1FFC0] =	vst v60  }
0x19b: {  	v0 =	vunpack.c.0.s8.s32 v24;
	[tilespmem:$0x1FFD0] =	vst v62  }
0x19c: {  	s2 =	stileid.u32;
	s10 =	simm.s32 $0x8000;
	v27 =	vimm.s32 $0x3F3E3D3C;
	[tilespmem:$0x1FFE0] =	vst v63  }
0x19d: {  	s11 =	simm.s32 $0x5;
	s12 =	simm.s32 $0x80;
	s13 =	simm.s32 $0x6400;
	[tilespmem:$0x1FE00] =	vst v0;
	v0 =	vunpack.c.0.s8.s32 v27  }
0x19e: {  	s14 =	simm.s32 $0xA400;
	s15 =	simm.s32 $0x1;
	s16 =	simm.s32 $0xE400;
	v36 =	vimm.s32 $0x33323130;
	v47 =	vcombine.low v44, v43;
	[tilespmem:$0x1FFF0] =	vst v61  }
0x19f: {  	s17 =	simm.s32 $0x2;
	s18 =	simm.s32 $0x4;
	s19 =	simm.s32 $0x10400;
	[tilespmem:$0x1FE20] =	vst v0;
	v0 =	vunpack.c.0.s8.s32 v36  }
.Ltmp0:
0x1a0: {  	s20 =	simm.s32 $0x3;
	s21 =	simm.s32 $0x0;
	v39 =	vimm.s32 $0x3B3A3938;
	v48 =	vcombine.low v46, v45;
	[tilespmem:$0x1FED0] =	vst v47;
	(pc) =	sbr.rel .LBB2_1-.Ltmp0, $4  }
0x1a1: {  	s7 =	sshll.u32 s2, $0xB;
	s8 =	sshll.u32 s4, $0xA;
	s9 =	ssub.s32 $0x2, s4;
	[tilespmem:$0x1FE30] =	vst v0;
	v0 =	vunpack.c.0.s8.s32 v39  }
0x1a2: {  	s5 =	sadd.s32 $0xF42800, s5;
	s4 =	sor.u32 s8, s7;
	s31 =	sshrl.u32 s9, $0x1;
	[tilespmem:$0x1FF00] =	vst v48  }
0x1a3: {  	s7 =	sadd.s32 $0x8000, s1;
	s8 =	sshrl.u32 s4, $0x3;
	s9 =	ssub.s32 s9, s31;
	[tilespmem:$0x1FE50] =	vst v0;
	v0 =	vor.u32 $0x10, v40  }
0x1a4: {  	s6 =	sadd.s32 s6, s8;
	s8 =	smax.u32 s9, $0x1;
	s9 =	simm.s32 $0x400;
	[tilespmem:$0x1FEA0] =	vst v0  }
.LBB2_12:
0x1a5: {  	_ =	swait.ge [sflag:s20], $0x2000  }
0x1a6: {  	[sflag:s20] =	ssyncset.done $0x0  }
0x1a7: {  	[sflag:s20] =	ssyncadd.s32 $0xFFFFE000  }
0x1a8: {  	_ =	swait.ge [sflag:s18], $0x2000  }
0x1a9: {  	s21 =	sadd.s32 $0x1, s21;
	v49 =	vld [tilespmem:$0x1FF10]  }
0x1aa: {  	p0 =	sne.s32 s21, s8;
	v30 =	vld [tilespmem:$0x1FA90]  }
.Ltmp1:
0x1ab: {  	v31 =	vld [tilespmem:$0x1FAB0];
	(pc) =	sbr.rel @!p0 .LBB2_13-.Ltmp1, $4  }
0x1ac: {  	v32 =	vld [tilespmem:$0x1FA10]  }
0x1ad: {  	v33 =	vld [tilespmem:$0x1FA20]  }
0x1ae: {  	[sflag:s18] =	ssyncset.done $0x0;
	v34 =	vld [tilespmem:$0x1FA30]  }
0x1af: {  	v35 =	vld [tilespmem:$0x1FA40];
	[sflag:s18] =	ssyncadd.s32 $0xFFFFE000  }
.LBB2_1:
0x1b0: {  	[tilespmem:s3], [sflag:$0x5] =	stream.strided.gather [hbm4b:s6+s9], $0x6400, s10, s9, $0x38;
	[tilespmem:$0x12400] =	vst v63  }
0x1b1: {  	_ =	swait.ge [sflag:s11], $0x6400  }
0x1b2: {  	[sflag:s11] =	ssyncset.done $0x0  }
0x1b3: {  	[sflag:s11] =	ssyncadd.s32 $0xFFFF9C00  }
0x1b4: {  	[tilespmem:s13], [sflag:$0x1] =	stream.indirect.gather [hbm4b:s5+s12], $0x80, s3, s12, $0xb8;
	[tilespmem:$0x12400] =	vst v63  }
0x1b5: {  	s22 =	simm.s32 $0x0  }
0x1b6: {  	[tilespmem:s14], [sflag:$0x2] =	stream.indirect.gather [hbm4b:s5+s12], $0x80, s12, s12, $0xb8;
	[tilespmem:$0x12400] =	vst v63  }
.LBB2_2:
0x1b7: {  	_ =	swait.ge [sflag:s15], $0x4000  }
0x1b8: {  	p0 =	seq.s32 s22, $0x0;
	[sflag:s15] =	ssyncset.done $0x0  }
0x1b9: {  	s24 =	simm.s32 @!p0 $0x3;
	[sflag:s15] =	ssyncadd.s32 $0xFFFFC000  }
0x1ba: {  	_ =	swait.ge @!p0 [sflag:s24], $0x2000  }
0x1bb: {  	[sflag:s24] =	ssyncset.done @!p0 $0x0  }
0x1bc: {  	s23 =	sshll.u32 s22, $0xA;
	[sflag:s24] =	ssyncadd.s32 @!p0 $0xFFFFE000;
	s24 =	simm.s32 $0x0  }
.LBB2_3:
0x1bd: {  	v1 =	vld [tilespmem:$0x1FE60];
	_ =	sdelay $0x2  }
0x1be: {  	v0 =	vmov s24  }
0x1bf: {  	v0 =	vshll.u32 v0, $0x7  }
0x1c0: {  	v37 =	vlaneseq.u32;
	v48 =	vor.u32 v1, v0  }
0x1c1: {  	v36 =	vld [tilespmem:$0x1FE70];
	v0 =	vor.u32 v37, v48  }
0x1c2: {  	v18 =	vld [tilespmem:$0x1F7D0];
	v2 =	vor.u32 v50, v48  }
0x1c3: {  	v19 =	vld [tilespmem:$0x1F7E0];
	v3 =	vor.u32 v51, v48  }
0x1c4: {  	v20 =	vld [tilespmem:$0x1F7F0];
	v4 =	vor.u32 v52, v48  }
0x1c5: {  	v1 =	vld [tilespmem:$0x1F7C0];
	v5 =	vor.u32 v53, v48  }
0x1c6: {  	v6 =	vor.u32 v54, v48;
	v0 =	vld.idx.msk [tilespmem:v0+s13+$0x0], $0xffff  }
0x1c7: {  	v7 =	vor.u32 v55, v48;
	v2 =	vld.idx.msk [tilespmem:v2+s13+$0x0], $0xffff  }
0x1c8: {  	v8 =	vor.u32 v56, v48;
	v3 =	vld.idx.msk [tilespmem:v3+s13+$0x0], $0xffff  }
0x1c9: {  	v9 =	vor.u32 v57, v48;
	v4 =	vld.idx.msk [tilespmem:v4+s13+$0x0], $0xffff  }
0x1ca: {  	v10 =	vor.u32 v58, v48;
	v5 =	vld.idx.msk [tilespmem:v5+s13+$0x0], $0xffff  }
0x1cb: {  	v1 =	vor.u32 v1, v48;
	v6 =	vld.idx.msk [tilespmem:v6+s13+$0x0], $0xffff  }
0x1cc: {  	v11 =	vor.u32 v59, v48;
	v7 =	vld.idx.msk [tilespmem:v7+s13+$0x0], $0xffff  }
0x1cd: {  	v12 =	vor.u32 v60, v48;
	v8 =	vld.idx.msk [tilespmem:v8+s13+$0x0], $0xffff  }
0x1ce: {  	v13 =	vor.u32 v61, v48;
	v9 =	vld.idx.msk [tilespmem:v9+s13+$0x0], $0xffff  }
0x1cf: {  	v14 =	vor.u32 v62, v48;
	v10 =	vld.idx.msk [tilespmem:v10+s13+$0x0], $0xffff  }
0x1d0: {  	v15 =	vor.u32 v63, v48;
	v1 =	vld.idx.msk [tilespmem:v1+s13+$0x0], $0xffff  }
0x1d1: {  	v16 =	vor.u32 s24, v36;
	v11 =	vld.idx.msk [tilespmem:v11+s13+$0x0], $0xffff  }
0x1d2: {  	v17 =	vor.u32 s24, v49;
	v12 =	vld.idx.msk [tilespmem:v12+s13+$0x0], $0xffff  }
0x1d3: {  	v18 =	vor.u32 s24, v18;
	v13 =	vld.idx.msk [tilespmem:v13+s13+$0x0], $0xffff  }
0x1d4: {  	v19 =	vor.u32 s24, v19;
	v14 =	vld.idx.msk [tilespmem:v14+s13+$0x0], $0xffff;
	v0 =	vmul.f32 $8.000000000e+00, v0  }
0x1d5: {  	v15 =	vld.idx.msk [tilespmem:v15+s13+$0x0], $0xffff;
	v1 =	vmul.f32 $8.000000000e+00, v1  }
0x1d6: {  	v2 =	vmul.f32 $8.000000000e+00, v2;
	[tilespmem:v16+s16+$0x0] =	vst.idx.msk $0xffff, v0;
	v0 =	vld [tilespmem:$0x1F800]  }
0x1d7: {  	v3 =	vmul.f32 $8.000000000e+00, v3;
	[tilespmem:v17+s16+$0x0] =	vst.idx.msk $0xffff, v1;
	v1 =	vld [tilespmem:$0x1F810]  }
0x1d8: {  	[tilespmem:v18+s16+$0x0] =	vst.idx.msk $0xffff, v2;
	v2 =	vld [tilespmem:$0x1F820]  }
0x1d9: {  	[tilespmem:v19+s16+$0x0] =	vst.idx.msk $0xffff, v3;
	v3 =	vld [tilespmem:$0x1F830]  }
0x1da: {  	v20 =	vor.u32 s24, v20  }
0x1db: {  	v0 =	vor.u32 s24, v0  }
0x1dc: {  	v1 =	vor.u32 s24, v1  }
0x1dd: {  	v4 =	vmul.f32 $8.000000000e+00, v4;
	v2 =	vor.u32 s24, v2  }
0x1de: {  	v5 =	vmul.f32 $8.000000000e+00, v5;
	v3 =	vor.u32 s24, v3  }
0x1df: {  	v6 =	vmul.f32 $8.000000000e+00, v6;
	[tilespmem:v20+s16+$0x0] =	vst.idx.msk $0xffff, v4;
	v4 =	vld [tilespmem:$0x1F840]  }
0x1e0: {  	v7 =	vmul.f32 $8.000000000e+00, v7;
	[tilespmem:v0+s16+$0x0] =	vst.idx.msk $0xffff, v5;
	v0 =	vld [tilespmem:$0x1F850]  }
0x1e1: {  	v5 =	vmul.f32 $8.000000000e+00, v8;
	[tilespmem:v1+s16+$0x0] =	vst.idx.msk $0xffff, v6;
	v1 =	vld [tilespmem:$0x1F860]  }
0x1e2: {  	[tilespmem:v2+s16+$0x0] =	vst.idx.msk $0xffff, v7;
	v2 =	vld [tilespmem:$0x1F870]  }
0x1e3: {  	[tilespmem:v3+s16+$0x0] =	vst.idx.msk $0xffff, v5;
	v3 =	vld [tilespmem:$0x1F880]  }
0x1e4: {  	v4 =	vor.u32 s24, v4  }
0x1e5: {  	v0 =	vor.u32 s24, v0  }
0x1e6: {  	v1 =	vor.u32 s24, v1  }
0x1e7: {  	v6 =	vmul.f32 $8.000000000e+00, v9;
	v2 =	vor.u32 s24, v2  }
0x1e8: {  	v7 =	vmul.f32 $8.000000000e+00, v10;
	v3 =	vor.u32 s24, v3  }
0x1e9: {  	v5 =	vmul.f32 $8.000000000e+00, v11;
	[tilespmem:v4+s16+$0x0] =	vst.idx.msk $0xffff, v6  }
0x1ea: {  	v6 =	vmul.f32 $8.000000000e+00, v12;
	[tilespmem:v0+s16+$0x0] =	vst.idx.msk $0xffff, v7  }
0x1eb: {  	v4 =	vld [tilespmem:$0x1F890];
	v0 =	vmul.f32 $8.000000000e+00, v13;
	[tilespmem:v1+s16+$0x0] =	vst.idx.msk $0xffff, v5  }
0x1ec: {  	[tilespmem:v2+s16+$0x0] =	vst.idx.msk $0xffff, v6  }
0x1ed: {  	[tilespmem:v3+s16+$0x0] =	vst.idx.msk $0xffff, v0;
	v0 =	vld [tilespmem:$0x1F8A0];
	_ =	sdelay $0x1  }
0x1ee: {  	v21 =	vld [tilespmem:$0x1F920]  }
0x1ef: {  	v25 =	vld [tilespmem:$0x1F940];
	v4 =	vor.u32 s24, v4  }
0x1f0: {  	v26 =	vld [tilespmem:$0x1F950]  }
0x1f1: {  	v16 =	vld [tilespmem:$0x1F8D0];
	v0 =	vor.u32 s24, v0  }
0x1f2: {  	v17 =	vld [tilespmem:$0x1F8E0];
	v1 =	vmul.f32 $8.000000000e+00, v14  }
0x1f3: {  	v18 =	vld [tilespmem:$0x1F8F0]  }
0x1f4: {  	v2 =	vmul.f32 $8.000000000e+00, v15;
	[tilespmem:v4+s16+$0x0] =	vst.idx.msk $0xffff, v1;
	v1 =	vld [tilespmem:$0x1FEA0]  }
0x1f5: {  	v19 =	vld [tilespmem:$0x1F900]  }
0x1f6: {  	[tilespmem:v0+s16+$0x0] =	vst.idx.msk $0xffff, v2;
	v0 =	vld [tilespmem:$0x1FED0]  }
0x1f7: {  	v14 =	vld [tilespmem:$0x1F8C0]  }
0x1f8: {  	v15 =	vld [tilespmem:$0x1F8B0]  }
0x1f9: {  	v20 =	vld [tilespmem:$0x1F910];
	v1 =	vor.u32 v1, v48  }
0x1fa: {  	v27 =	vld [tilespmem:$0x1F960]  }
0x1fb: {  	v2 =	vld [tilespmem:$0x1FF00];
	v0 =	vor.u32 v0, v48  }
0x1fc: {  	v12 =	vld [tilespmem:$0x1FE80]  }
0x1fd: {  	v13 =	vld [tilespmem:$0x1FE90];
	v4 =	vsel vm0, v17, v16;
	v3 =	vsel vm0, v14, v15;
	v14 =	vsel vm0, v16, v14  }
0x1fe: {  	v15 =	vsel vm0, v15, v17;
	v17 =	vsel vm0, v18, v21;
	v16 =	vld.idx.msk [tilespmem:v1+s13+$0x0], $0xffff;
	v1 =	vsel vm0, v20, v19  }
0x1ff: {  	v6 =	vsel vm0, v21, v20;
	v21 =	vcombine.low v17, v1;
	v1 =	vld [tilespmem:$0x1FEC0]  }
0x200: {  	v5 =	vsel vm0, v19, v18;
	v2 =	vor.u32 v2, v48;
	v18 =	vld.idx.msk [tilespmem:v0+s13+$0x0], $0xffff  }
0x201: {  	v0 =	vld [tilespmem:$0x1FEB0]  }
0x202: {  	v40 =	vld [tilespmem:$0x1FD00]  }
0x203: {  	v41 =	vld [tilespmem:$0x1FD10];
	v8 =	vsel vm0, v30, v33;
	v7 =	vsel vm0, v32, v31;
	v10 =	vcombine.low v6, v5  }
0x204: {  	v44 =	vld [tilespmem:$0x1FD20];
	v11 =	vcombine.low v8, v7;
	v12 =	vsel vm0, v12, v35;
	v13 =	vsel vm0, v34, v13  }
0x205: {  	[tilespmem:$0x1F750] =	vst v10;
	v10 =	vor.u32 v10, v48;
	v9 =	vcombine.low v4, v3;
	v17 =	vld.idx.msk [tilespmem:v2+s13+$0x0], $0xffff  }
0x206: {  	[tilespmem:$0x1F760] =	vst v11;
	v11 =	vor.u32 v11, v48;
	v22 =	vcombine.low v13, v12;
	v2 =	vcombine.low v0, v1;
	v0 =	vld [tilespmem:$0x1FEE0]  }
0x207: {  	v3 =	vcombine.low v3, v4;
	[tilespmem:$0x1F740] =	vst v9;
	v9 =	vor.u32 v9, v48;
	v1 =	vld [tilespmem:$0x1FEF0]  }
0x208: {  	v43 =	vld [tilespmem:$0x1FD30];
	[tilespmem:$0x1F770] =	vst v22;
	v19 =	vor.u32 v22, v48;
	v22 =	vor.u32 v2, v48  }
0x209: {  	v45 =	vld [tilespmem:$0x1FD40];
	v4 =	vcombine.low v5, v6;
	v24 =	vor.u32 v3, v48  }
0x20a: {  	v23 =	vcombine.low v15, v14;
	v10 =	vld.idx.msk [tilespmem:v10+s13+$0x0], $0xffff  }
0x20b: {  	v5 =	vcombine.low v7, v8;
	v8 =	vor.u32 v4, v48;
	v11 =	vld.idx.msk [tilespmem:v11+s13+$0x0], $0xffff  }
0x20c: {  	v20 =	vor.u32 v23, v48;
	v9 =	vld.idx.msk [tilespmem:v9+s13+$0x0], $0xffff;
	[tilespmem:$0x1F790] =	vst v21;
	v0 =	vcombine.low v0, v1  }
0x20d: {  	v21 =	vor.u32 v21, v48;
	[tilespmem:$0x1F7A0] =	vst v2;
	v2 =	vcombine.low v14, v15;
	v14 =	vld.idx.msk [tilespmem:v22+s13+$0x0], $0xffff  }
0x20e: {  	[tilespmem:$0x1F780] =	vst v23;
	v23 =	vor.u32 v0, v48;
	v22 =	vld.idx.msk [tilespmem:v24+s13+$0x0], $0xffff  }
0x20f: {  	v6 =	vcombine.low v12, v13;
	v13 =	vor.u32 v5, v48;
	v24 =	vld [tilespmem:$0x1F930]  }
0x210: {  	v8 =	vld.idx.msk [tilespmem:v8+s13+$0x0], $0xffff  }
0x211: {  	v7 =	vld.idx.msk [tilespmem:v20+s13+$0x0], $0xffff;
	v15 =	vor.u32 v6, v48  }
0x212: {  	v12 =	vld.idx.msk [tilespmem:v21+s13+$0x0], $0xffff;
	v21 =	vor.u32 v2, v48;
	v1 =	vor.u32 $0x800, v36  }
0x213: {  	v20 =	vld.idx.msk [tilespmem:v23+s13+$0x0], $0xffff;
	v23 =	vor.u32 s24, v1  }
0x214: {  	v13 =	vld.idx.msk [tilespmem:v13+s13+$0x0], $0xffff;
	v24 =	vor.u32 s24, v24  }
0x215: {  	v25 =	vor.u32 s24, v25;
	v19 =	vld.idx.msk [tilespmem:v19+s13+$0x0], $0xffff  }
0x216: {  	v16 =	vmul.f32 $8.000000000e+00, v16;
	v15 =	vld.idx.msk [tilespmem:v15+s13+$0x0], $0xffff  }
0x217: {  	v18 =	vmul.f32 $8.000000000e+00, v18;
	v21 =	vld.idx.msk [tilespmem:v21+s13+$0x0], $0xffff  }
0x218: {  	v26 =	vor.u32 s24, v26;
	v17 =	vmul.f32 $8.000000000e+00, v17;
	[tilespmem:v23+s16+$0x0] =	vst.idx.msk $0xffff, v16;
	v16 =	vld [tilespmem:$0x1F970]  }
0x219: {  	[tilespmem:v24+s16+$0x0] =	vst.idx.msk $0xffff, v18;
	v18 =	vld [tilespmem:$0x1F980]  }
0x21a: {  	v27 =	vor.u32 s24, v27;
	[tilespmem:v25+s16+$0x0] =	vst.idx.msk $0xffff, v17;
	v17 =	vld [tilespmem:$0x1F990]  }
0x21b: {  	v46 =	vld [tilespmem:$0x1FD50];
	v9 =	vmul.f32 $8.000000000e+00, v9  }
0x21c: {  	v60 =	vld [tilespmem:$0x1FCC0]  }
0x21d: {  	v10 =	vmul.f32 $8.000000000e+00, v10;
	[tilespmem:v26+s16+$0x0] =	vst.idx.msk $0xffff, v9;
	v9 =	vld [tilespmem:$0x1F9A0];
	v16 =	vor.u32 s24, v16  }
0x21e: {  	v61 =	vld [tilespmem:$0x1FCD0];
	v18 =	vor.u32 s24, v18  }
0x21f: {  	[tilespmem:v27+s16+$0x0] =	vst.idx.msk $0xffff, v10;
	v10 =	vld [tilespmem:$0x1F9B0];
	v17 =	vor.u32 s24, v17  }
0x220: {  	v30 =	vld [tilespmem:$0x1FCA0];
	v11 =	vmul.f32 $8.000000000e+00, v11  }
0x221: {  	v31 =	vld [tilespmem:$0x1FCB0];
	v19 =	vmul.f32 $8.000000000e+00, v19  }
0x222: {  	v7 =	vmul.f32 $8.000000000e+00, v7;
	v9 =	vor.u32 s24, v9;
	[tilespmem:v16+s16+$0x0] =	vst.idx.msk $0xffff, v11;
	v11 =	vld [tilespmem:$0x1F9C0]  }
0x223: {  	v16 =	vld [tilespmem:$0x1F9D0];
	[tilespmem:v18+s16+$0x0] =	vst.idx.msk $0xffff, v19  }
0x224: {  	v10 =	vor.u32 s24, v10;
	[tilespmem:v17+s16+$0x0] =	vst.idx.msk $0xffff, v7;
	v7 =	vld [tilespmem:$0x1F9E0]  }
0x225: {  	v62 =	vld [tilespmem:$0x1FCE0];
	v12 =	vmul.f32 $8.000000000e+00, v12  }
0x226: {  	v63 =	vld [tilespmem:$0x1FCF0]  }
0x227: {  	v14 =	vmul.f32 $8.000000000e+00, v14;
	[tilespmem:v9+s16+$0x0] =	vst.idx.msk $0xffff, v12;
	v9 =	vld [tilespmem:$0x1F9F0];
	v11 =	vor.u32 s24, v11  }
0x228: {  	v39 =	vsel vm0, v30, v61;
	v18 =	vsel vm0, v31, v30;
	v30 =	vld [tilespmem:$0x1FAC0];
	v16 =	vor.u32 s24, v16  }
0x229: {  	[tilespmem:v10+s16+$0x0] =	vst.idx.msk $0xffff, v14;
	v10 =	vld [tilespmem:$0x1FA00];
	v7 =	vor.u32 s24, v7  }
0x22a: {  	v24 =	vld [tilespmem:$0x1FA70];
	v17 =	vmul.f32 $8.000000000e+00, v20  }
0x22b: {  	v8 =	vmul.f32 $8.000000000e+00, v8;
	v25 =	vld [tilespmem:$0x1FA80];
	v20 =	vsel vm0, v63, v62;
	v12 =	vmul.f32 $8.000000000e+00, v22  }
0x22c: {  	v26 =	vld [tilespmem:$0x1FAA0];
	v9 =	vor.u32 s24, v9;
	[tilespmem:v11+s16+$0x0] =	vst.idx.msk $0xffff, v17;
	v11 =	vmul.f32 $8.000000000e+00, v13;
	v13 =	vmul.f32 $8.000000000e+00, v21  }
0x22d: {  	v21 =	vsel vm0, v41, v40;
	v41 =	vsel vm0, v62, v41;
	v62 =	vor.u32 s24, v30;
	v30 =	vld [tilespmem:$0x1FAD0];
	[tilespmem:v16+s16+$0x0] =	vst.idx.msk $0xffff, v12  }
0x22e: {  	v10 =	vor.u32 s24, v10;
	[tilespmem:v7+s16+$0x0] =	vst.idx.msk $0xffff, v8;
	v7 =	vld [tilespmem:$0x1FA50]  }
0x22f: {  	v12 =	vmul.f32 $8.000000000e+00, v15;
	v15 =	vld [tilespmem:$0x1FA60]  }
0x230: {  	v23 =	vsel vm0, v46, v45;
	v19 =	vsel vm0, v61, v60  }
0x231: {  	v22 =	vsel vm0, v43, v44;
	v17 =	vsel vm0, v26, v25;
	v40 =	vsel vm0, v40, v63  }
0x232: {  	[tilespmem:v9+s16+$0x0] =	vst.idx.msk $0xffff, v11;
	v9 =	vcombine.low v19, v18;
	v11 =	vcombine.low v21, v20  }
0x233: {  	[tilespmem:v10+s16+$0x0] =	vst.idx.msk $0xffff, v12;
	v63 =	vor.u32 s24, v30;
	v30 =	vld [tilespmem:$0x1FAE0];
	v12 =	vor.u32 s24, v7;
	v7 =	vor.u32 $0x20, v37  }
0x234: {  	v10 =	vcombine.low v23, v22;
	v16 =	vsel vm0, v24, v15;
	v14 =	vor.u32 v7, v48  }
0x235: {  	v24 =	vsel vm0, v25, v24;
	v25 =	vsel vm0, v15, v26;
	v26 =	vor.u32 v9, v48  }
0x236: {  	v38 =	vsel vm0, v60, v31;
	v18 =	vcombine.low v18, v19;
	v27 =	vor.u32 v11, v48  }
0x237: {  	v20 =	vcombine.low v20, v21;
	v21 =	vcombine.low v22, v23;
	v28 =	vor.u32 v10, v48  }
0x238: {  	v23 =	vcombine.low v38, v39;
	v53 =	vor.u32 v18, v48;
	v33 =	vor.u32 s24, v30;
	v30 =	vld [tilespmem:$0x1FAF0];
	[tilespmem:v12+s16+$0x0] =	vst.idx.msk $0xffff, v13  }
0x239: {  	v54 =	vor.u32 v20, v48;
	v8 =	vcombine.low v17, v16;
	v42 =	vld.idx.msk [tilespmem:v14+s13+$0x0], $0xffff  }
0x23a: {  	v57 =	vor.u32 v23, v48;
	v16 =	vcombine.low v16, v17;
	v26 =	vld.idx.msk [tilespmem:v26+s13+$0x0], $0xffff  }
0x23b: {  	v22 =	vcombine.low v24, v25;
	v15 =	vor.u32 v8, v48;
	v27 =	vld.idx.msk [tilespmem:v27+s13+$0x0], $0xffff  }
0x23c: {  	v47 =	vor.u32 v16, v48;
	v28 =	vld.idx.msk [tilespmem:v28+s13+$0x0], $0xffff  }
0x23d: {  	v55 =	vor.u32 v22, v48;
	v13 =	vcombine.low v25, v24;
	v58 =	vld.idx.msk [tilespmem:v53+s13+$0x0], $0xffff  }
0x23e: {  	v19 =	vcombine.low v40, v41;
	v25 =	vor.u32 v21, v48;
	v60 =	vld.idx.msk [tilespmem:v54+s13+$0x0], $0xffff  }
0x23f: {  	v12 =	vcombine.low v39, v38;
	v14 =	vcombine.low v41, v40;
	v41 =	vld.idx.msk [tilespmem:v57+s13+$0x0], $0xffff;
	v29 =	vor.u32 v13, v48  }
0x240: {  	v43 =	vsel vm0, v45, v43;
	v44 =	vsel vm0, v44, v46;
	v34 =	vld.idx.msk [tilespmem:v15+s13+$0x0], $0xffff  }
0x241: {  	v35 =	vor.u32 v12, v48;
	v15 =	vcombine.low v44, v43;
	v56 =	vld.idx.msk [tilespmem:v47+s13+$0x0], $0xffff  }
0x242: {  	v39 =	vld.idx.msk [tilespmem:v55+s13+$0x0], $0xffff;
	v52 =	vor.u32 v14, v48  }
0x243: {  	v17 =	vor.u32 $0x1000, v36;
	v44 =	vor.u32 v15, v48;
	v25 =	vld.idx.msk [tilespmem:v25+s13+$0x0], $0xffff  }
0x244: {  	v59 =	vor.u32 v19, v48;
	v61 =	vor.u32 s24, v17;
	v29 =	vld.idx.msk [tilespmem:v29+s13+$0x0], $0xffff  }
0x245: {  	v45 =	vmul.f32 $8.000000000e+00, v34;
	v34 =	vor.u32 s24, v30;
	v30 =	vld [tilespmem:$0x1FB00]  }
0x246: {  	v46 =	vld.idx.msk [tilespmem:v35+s13+$0x0], $0xffff  }
0x247: {  	v42 =	vmul.f32 $8.000000000e+00, v42;
	v24 =	vld.idx.msk [tilespmem:v52+s13+$0x0], $0xffff  }
0x248: {  	v38 =	vld.idx.msk [tilespmem:v44+s13+$0x0], $0xffff  }
0x249: {  	v26 =	vmul.f32 $8.000000000e+00, v26;
	v44 =	vld.idx.msk [tilespmem:v59+s13+$0x0], $0xffff;
	[tilespmem:v61+s16+$0x0] =	vst.idx.msk $0xffff, v42  }
0x24a: {  	[tilespmem:v62+s16+$0x0] =	vst.idx.msk $0xffff, v45;
	v35 =	vor.u32 s24, v30;
	v30 =	vld [tilespmem:$0x1FB10]  }
0x24b: {  	[tilespmem:v63+s16+$0x0] =	vst.idx.msk $0xffff, v26;
	v26 =	vld [tilespmem:$0x1FB20];
	_ =	sdelay $0x1  }
0x24c: {  	v27 =	vmul.f32 $8.000000000e+00, v27  }
0x24d: {  	v28 =	vmul.f32 $8.000000000e+00, v28  }
0x24e: {  	[tilespmem:v33+s16+$0x0] =	vst.idx.msk $0xffff, v27;
	v27 =	vld [tilespmem:$0x1FB30];
	v49 =	vor.u32 s24, v30  }
0x24f: {  	[tilespmem:v34+s16+$0x0] =	vst.idx.msk $0xffff, v28;
	v28 =	vld [tilespmem:$0x1FB40];
	v26 =	vor.u32 s24, v26  }
0x250: {  	v29 =	vmul.f32 $8.000000000e+00, v29  }
0x251: {  	v31 =	vld [tilespmem:$0x1FD70];
	v46 =	vmul.f32 $8.000000000e+00, v46  }
0x252: {  	v24 =	vmul.f32 $8.000000000e+00, v24;
	[tilespmem:v35+s16+$0x0] =	vst.idx.msk $0xffff, v29;
	v29 =	vld [tilespmem:$0x1FB50]  }
0x253: {  	v27 =	vor.u32 s24, v27;
	v30 =	vld [tilespmem:$0x1FB60];
	[tilespmem:v49+s16+$0x0] =	vst.idx.msk $0xffff, v46  }
0x254: {  	v28 =	vor.u32 s24, v28;
	[tilespmem:v26+s16+$0x0] =	vst.idx.msk $0xffff, v24;
	v24 =	vld [tilespmem:$0x1FB70]  }
0x255: {  	v53 =	vld [tilespmem:$0x1FD90]  }
0x256: {  	v57 =	vld [tilespmem:$0x1FDD0];
	v38 =	vmul.f32 $8.000000000e+00, v38  }
0x257: {  	v51 =	vmul.f32 $8.000000000e+00, v60;
	v60 =	vld [tilespmem:$0x1FE00];
	v40 =	vmul.f32 $8.000000000e+00, v56;
	v29 =	vor.u32 s24, v29  }
0x258: {  	v50 =	vor.u32 s24, v30;
	[tilespmem:v27+s16+$0x0] =	vst.idx.msk $0xffff, v38;
	v27 =	vld [tilespmem:$0x1FB80]  }
0x259: {  	[tilespmem:v28+s16+$0x0] =	vst.idx.msk $0xffff, v40;
	v28 =	vld [tilespmem:$0x1FB90];
	v24 =	vor.u32 s24, v24  }
0x25a: {  	v52 =	vld [tilespmem:$0x1FD80];
	v26 =	vmul.f32 $8.000000000e+00, v58  }
0x25b: {  	v59 =	vld [tilespmem:$0x1FDE0]  }
0x25c: {  	v61 =	vld [tilespmem:$0x1FE10];
	v25 =	vmul.f32 $8.000000000e+00, v25;
	[tilespmem:v29+s16+$0x0] =	vst.idx.msk $0xffff, v26  }
0x25d: {  	v62 =	vld [tilespmem:$0x1FE30];
	[tilespmem:v50+s16+$0x0] =	vst.idx.msk $0xffff, v51;
	v27 =	vor.u32 s24, v27  }
0x25e: {  	v28 =	vor.u32 s24, v28;
	[tilespmem:v24+s16+$0x0] =	vst.idx.msk $0xffff, v25;
	v24 =	vld [tilespmem:$0x1FBA0]  }
0x25f: {  	v63 =	vld [tilespmem:$0x1FE20]  }
0x260: {  	v34 =	vld [tilespmem:$0x1FDA0];
	v26 =	vmul.f32 $8.000000000e+00, v39  }
0x261: {  	v35 =	vld [tilespmem:$0x1FDB0];
	v29 =	vmul.f32 $8.000000000e+00, v41  }
0x262: {  	v58 =	vld [tilespmem:$0x1FDF0];
	[tilespmem:v27+s16+$0x0] =	vst.idx.msk $0xffff, v26  }
0x263: {  	v56 =	vld [tilespmem:$0x1FDC0];
	v27 =	vor.u32 $0x30, v37;
	[tilespmem:v28+s16+$0x0] =	vst.idx.msk $0xffff, v29;
	v29 =	vor.u32 s24, v24  }
0x264: {  	v30 =	vld [tilespmem:$0x1FD60];
	v39 =	vor.u32 v27, v48  }
0x265: {  	[tilespmem:$0x1F7B0] =	vst v0;
	v0 =	vld [tilespmem:$0x1FE50]  }
0x266: {  	v42 =	vsel vm0, v53, v52;
	v47 =	vsel vm0, v62, v63;
	v38 =	vmul.f32 $8.000000000e+00, v44;
	v37 =	vld [tilespmem:$0x1FE40]  }
0x267: {  	v43 =	vsel vm0, v35, v34;
	v46 =	vsel vm0, v61, v60;
	v45 =	vsel vm0, v58, v59  }
0x268: {  	v58 =	vsel vm0, v60, v58;
	v59 =	vsel vm0, v59, v61;
	[tilespmem:v29+s16+$0x0] =	vst.idx.msk $0xffff, v38  }
0x269: {  	v44 =	vsel vm0, v57, v56;
	v41 =	vsel vm0, v31, v30;
	v60 =	vld.idx.msk [tilespmem:v39+s13+$0x0], $0xffff;
	v39 =	vcombine.low v59, v58  }
0x26a: {  	v50 =	vsel vm0, v52, v31;
	v25 =	vcombine.low v44, v43;
	v28 =	vcombine.low v46, v45  }
0x26b: {  	v49 =	vsel vm0, v0, v37;
	v62 =	vsel vm0, v37, v62;
	v37 =	vor.u32 v39, v48  }
0x26c: {  	v51 =	vsel vm0, v30, v53;
	v52 =	vor.u32 v25, v48;
	v24 =	vcombine.low v42, v41  }
0x26d: {  	v53 =	vor.u32 v28, v48;
	v41 =	vcombine.low v41, v42;
	v42 =	vcombine.low v43, v44  }
0x26e: {  	v43 =	vcombine.low v45, v46;
	v45 =	vcombine.low v50, v51;
	v32 =	vor.u32 v24, v48  }
0x26f: {  	v56 =	vsel vm0, v56, v35;
	v57 =	vsel vm0, v34, v57;
	v31 =	vor.u32 v41, v48  }
0x270: {  	v26 =	vcombine.low v49, v47;
	v29 =	vcombine.low v51, v50;
	v50 =	vld.idx.msk [tilespmem:v37+s13+$0x0], $0xffff;
	v37 =	vor.u32 v45, v48  }
0x271: {  	v38 =	vcombine.low v57, v56;
	v52 =	vld.idx.msk [tilespmem:v52+s13+$0x0], $0xffff  }
0x272: {  	v54 =	vor.u32 v26, v48;
	v53 =	vld.idx.msk [tilespmem:v53+s13+$0x0], $0xffff  }
0x273: {  	v30 =	vld.idx.msk [tilespmem:v32+s13+$0x0], $0xffff;
	v61 =	vor.u32 v38, v48  }
0x274: {  	v63 =	vsel vm0, v63, v0;
	v31 =	vld.idx.msk [tilespmem:v31+s13+$0x0], $0xffff  }
0x275: {  	v46 =	vcombine.low v56, v57;
	v40 =	vcombine.low v63, v62;
	v33 =	vor.u32 v29, v48;
	v57 =	vld.idx.msk [tilespmem:v37+s13+$0x0], $0xffff  }
0x276: {  	v44 =	vcombine.low v47, v49;
	v47 =	vcombine.low v58, v59;
	v37 =	vld [tilespmem:$0x1FBC0]  }
0x277: {  	v63 =	vor.u32 v40, v48;
	v54 =	vld.idx.msk [tilespmem:v54+s13+$0x0], $0xffff  }
0x278: {  	v51 =	vor.u32 v44, v48;
	v58 =	vor.u32 v46, v48;
	v59 =	vor.u32 v47, v48;
	v49 =	vld.idx.msk [tilespmem:v61+s13+$0x0], $0xffff  }
0x279: {  	v32 =	vor.u32 v42, v48;
	v61 =	vor.u32 v43, v48;
	v48 =	vor.u32 $0x1800, v36;
	v36 =	vld [tilespmem:$0x1FBB0]  }
0x27a: {  	v55 =	vld.idx.msk [tilespmem:v33+s13+$0x0], $0xffff  }
0x27b: {  	v33 =	vor.u32 s24, v37;
	v37 =	vld [tilespmem:$0x1FBE0]  }
0x27c: {  	v56 =	vld.idx.msk [tilespmem:v63+s13+$0x0], $0xffff  }
0x27d: {  	v51 =	vld.idx.msk [tilespmem:v51+s13+$0x0], $0xffff  }
0x27e: {  	v63 =	vor.u32 s24, v36;
	v36 =	vld [tilespmem:$0x1FBD0]  }
0x27f: {  	v58 =	vld.idx.msk [tilespmem:v58+s13+$0x0], $0xffff;
	v62 =	vor.u32 s24, v48  }
0x280: {  	v35 =	vor.u32 s24, v37;
	v37 =	vld [tilespmem:$0x1FC00]  }
0x281: {  	v59 =	vld.idx.msk [tilespmem:v59+s13+$0x0], $0xffff  }
0x282: {  	v60 =	vmul.f32 $8.000000000e+00, v60;
	v32 =	vld.idx.msk [tilespmem:v32+s13+$0x0], $0xffff  }
0x283: {  	v30 =	vmul.f32 $8.000000000e+00, v30;
	v34 =	vor.u32 s24, v36;
	v36 =	vld [tilespmem:$0x1FBF0]  }
0x284: {  	v61 =	vld.idx.msk [tilespmem:v61+s13+$0x0], $0xffff;
	[tilespmem:v62+s16+$0x0] =	vst.idx.msk $0xffff, v60  }
0x285: {  	[tilespmem:v63+s16+$0x0] =	vst.idx.msk $0xffff, v30;
	v30 =	vmul.f32 $8.000000000e+00, v53;
	v53 =	vor.u32 s24, v37;
	v37 =	vld [tilespmem:$0x1FC20];
	_ =	sdelay $0x1  }
0x286: {  	v52 =	vmul.f32 $8.000000000e+00, v52  }
0x287: {  	v60 =	vor.u32 s24, v36;
	v36 =	vld [tilespmem:$0x1FC10]  }
0x288: {  	v62 =	vld [tilespmem:$0x1FFD0];
	[tilespmem:v33+s16+$0x0] =	vst.idx.msk $0xffff, v52  }
0x289: {  	[tilespmem:v34+s16+$0x0] =	vst.idx.msk $0xffff, v30;
	v34 =	vor.u32 s24, v37;
	v37 =	vld [tilespmem:$0x1FC40]  }
0x28a: {  	v63 =	vld [tilespmem:$0x1FFE0]  }
0x28b: {  	v33 =	vmul.f32 $8.000000000e+00, v54;
	v54 =	vld [tilespmem:$0x1FF60]  }
0x28c: {  	v52 =	vor.u32 s24, v36;
	v36 =	vld [tilespmem:$0x1FC30]  }
0x28d: {  	v30 =	vmul.f32 $8.000000000e+00, v55;
	v55 =	vld [tilespmem:$0x1FF70]  }
0x28e: {  	[tilespmem:v35+s16+$0x0] =	vst.idx.msk $0xffff, v33;
	v33 =	vmul.f32 $8.000000000e+00, v49;
	v49 =	vor.u32 s24, v37;
	v37 =	vld [tilespmem:$0x1FC50]  }
0x28f: {  	[tilespmem:v60+s16+$0x0] =	vst.idx.msk $0xffff, v30;
	v60 =	vld [tilespmem:$0x1FFC0]  }
0x290: {  	v30 =	vmul.f32 $8.000000000e+00, v50;
	[tilespmem:v53+s16+$0x0] =	vst.idx.msk $0xffff, v33;
	v53 =	vld [tilespmem:$0x1FF50]  }
0x291: {  	v35 =	vor.u32 s24, v36;
	v36 =	vmul.f32 $8.000000000e+00, v56;
	v56 =	vld [tilespmem:$0x1FF80]  }
0x292: {  	[tilespmem:v52+s16+$0x0] =	vst.idx.msk $0xffff, v30;
	v30 =	vmul.f32 $8.000000000e+00, v31;
	v31 =	vld [tilespmem:$0x1FC60]  }
0x293: {  	v50 =	vor.u32 s24, v37;
	v37 =	vld [tilespmem:$0x1FC80]  }
0x294: {  	[tilespmem:v34+s16+$0x0] =	vst.idx.msk $0xffff, v36;
	v36 =	vld [tilespmem:$0x1FC70]  }
0x295: {  	v32 =	vmul.f32 $8.000000000e+00, v32;
	v52 =	vld [tilespmem:$0x1FF40]  }
0x296: {  	[tilespmem:v35+s16+$0x0] =	vst.idx.msk $0xffff, v30;
	v30 =	vmul.f32 $8.000000000e+00, v61;
	v61 =	vld [tilespmem:$0x1FFF0]  }
0x297: {  	[tilespmem:v49+s16+$0x0] =	vst.idx.msk $0xffff, v32;
	v49 =	vld [tilespmem:$0x1FF10]  }
0x298: {  	v31 =	vor.u32 s24, v31;
	v34 =	vor.u32 s24, v37;
	v37 =	vld [tilespmem:$0x1FC90]  }
0x299: {  	v33 =	vor.u32 s24, v36;
	v36 =	vmul.f32 $8.000000000e+00, v51;
	v51 =	vld [tilespmem:$0x1FF30]  }
0x29a: {  	v32 =	vld [tilespmem:$0x1FA10]  }
0x29b: {  	[tilespmem:v50+s16+$0x0] =	vst.idx.msk $0xffff, v30;
	v50 =	vld [tilespmem:$0x1FF20]  }
0x29c: {  	v30 =	vmul.f32 $8.000000000e+00, v57;
	v57 =	vld [tilespmem:$0x1FF90]  }
0x29d: {  	[tilespmem:v31+s16+$0x0] =	vst.idx.msk $0xffff, v36;
	v31 =	vmul.f32 $8.000000000e+00, v58;
	v58 =	vld [tilespmem:$0x1FFA0];
	v35 =	vor.u32 s24, v37  }
0x29e: {  	p1 =	sne.s32 s24, $0x70;
	[tilespmem:v33+s16+$0x0] =	vst.idx.msk $0xffff, v30;
	v33 =	vld [tilespmem:$0x1FA20]  }
.Ltmp2:
0x29f: {  	v30 =	vmul.f32 $8.000000000e+00, v59;
	v59 =	vld [tilespmem:$0x1FFB0];
	(pc) =	sbr.rel @p1 .LBB2_3-.Ltmp2, $4  }
0x2a0: {  	[tilespmem:v34+s16+$0x0] =	vst.idx.msk $0xffff, v31;
	v34 =	vld [tilespmem:$0x1FA30]  }
0x2a1: {  	v31 =	vld [tilespmem:$0x1FAB0]  }
0x2a2: {  	[tilespmem:v35+s16+$0x0] =	vst.idx.msk $0xffff, v30;
	v35 =	vld [tilespmem:$0x1FA40]  }
0x2a3: {  	s24 =	sadd.s32 $0x10, s24;
	v30 =	vld [tilespmem:$0x1FA90]  }
0x2a4: {  	p1 =	sne.s32 s22, $0x63  }
.Ltmp3:
0x2a5: {  	[tilespmem:$0x1F700] =	vst v38;
	s24 =	sshll.u32 s22, $0x13;
	(pc) =	sbr.rel @p1 .LBB2_6-.Ltmp3, $4  }
0x2a6: {  	[tilespmem:$0x1F710] =	vst v26;
	s24 =	sor.u32 s4, s24  }
0x2a7: {  	[tilespmem:$0x1F720] =	vst v25;
	s24 =	sshrl.u32 s24, $0x3  }
0x2a8: {  	[tilespmem:$0x1F730] =	vst v27;
	s25 =	sadd.s32 s1, s24  }
0x2a9: {  	v34 =	vmov v1;
	v33 =	vmov v2;
	v2 =	vld [tilespmem:$0x1F7B0];
	[hbm4b:s25+s9] =	stream.strided.scatter [tilespmem:s16], [sflag:$0x3], $0x2000, s10, s9, $0x38  }
.Ltmp4:
0x2aa: {  	(pc) =	sbr.rel .LBB2_7-.Ltmp4, $4  }
0x2ab: {  	_ = 	snop  }
0x2ac: {  	_ =	swait.ge [sflag:s17], $0x4000  }
0x2ad: {  	[sflag:s17] =	ssyncset.done $0x0  }
0x2ae: {  	v27 =	vmovc v24;
	v25 =	vmovc v28;
	v26 =	vmov v29;
	v38 =	vmov v39;
	v39 =	vmov v40;
	[sflag:s17] =	ssyncadd.s32 $0xFFFFC000  }
.LBB2_6:
0x2af: {  	s25 =	sshrl.u32 s23, $0x2  }
.Ltmp5:
0x2b0: {  	s25 =	sadd.s32 $0x100, s25;
	(pc) =	sbr.rel @p0 .LBB2_8-.Ltmp5, $4  }
0x2b1: {  	[tilespmem:s13], [sflag:$0x1] =	stream.indirect.gather [hbm4b:s5+s12], $0x80, s25, s12, $0xb8;
	[tilespmem:$0x12400] =	vst v63  }
0x2b2: {  	_ =	swait.ge [sflag:s17], $0x4000  }
0x2b3: {  	[sflag:s17] =	ssyncset.done $0x0  }
0x2b4: {  	v27 =	vmovc v24;
	v25 =	vmovc v28;
	v26 =	vmov v29;
	v38 =	vmov v39;
	v39 =	vmov v40;
	[sflag:s17] =	ssyncadd.s32 $0xFFFFC000  }
.LBB2_7:
0x2b5: {  	_ =	swait.ge [sflag:s18], $0x2000  }
0x2b6: {  	[sflag:s18] =	ssyncset.done $0x0  }
0x2b7: {  	[sflag:s18] =	ssyncadd.s32 $0xFFFFE000  }
.LBB2_8:
0x2b8: {  	v0 =	vmov v7;
	v7 =	vmov v8  }
0x2b9: {  	v8 =	vmovc v9;
	v9 =	vmovc v11;
	v11 =	vmov v10;
	v10 =	vmov v13;
	v13 =	vmov v12  }
0x2ba: {  	v40 =	vld [tilespmem:$0x1FF10];
	v12 =	vmovc v14;
	v14 =	vmovc v15;
	v15 =	vmov v16;
	v16 =	vmov v18;
	v18 =	vmov v20  }
0x2bb: {  	v20 =	vmovc v21;
	v21 =	vmovc v22;
	v22 =	vmov v23;
	v23 =	vmov v19;
	v19 =	vmov v17;
	v17 =	vld [tilespmem:$0x1F730]  }
0x2bc: {  	v24 =	vld [tilespmem:$0x1F720]  }
0x2bd: {  	v28 =	vld [tilespmem:$0x1F710]  }
0x2be: {  	s25 =	simm.s32 $0x0;
	v1 =	vmov v33;
	v37 =	vmov v34;
	v29 =	vld [tilespmem:$0x1F700]  }
.LBB2_9:
0x2bf: {  	v32 =	vld [tilespmem:$0x1FE60];
	_ =	sdelay $0x1  }
0x2c0: {  	v31 =	vld [tilespmem:$0x1F7C0]  }
0x2c1: {  	v30 =	vmov s25  }
0x2c2: {  	v30 =	vshll.u32 v30, $0x7  }
0x2c3: {  	v49 =	vor.u32 v32, v30;
	v30 =	vlaneseq.u32  }
0x2c4: {  	v30 =	vor.u32 v30, v49  }
0x2c5: {  	v31 =	vor.u32 v31, v49  }
0x2c6: {  	v32 =	vor.u32 v50, v49  }
0x2c7: {  	v36 =	vor.u32 v54, v49  }
0x2c8: {  	v33 =	vor.u32 v51, v49;
	v54 =	vor.u32 v58, v49;
	v58 =	vor.u32 v62, v49;
	v62 =	vld [tilespmem:$0x1F7D0]  }
0x2c9: {  	v34 =	vor.u32 v52, v49;
	v30 =	vld.idx.msk [tilespmem:v30+s14+$0x0], $0xffff  }
0x2ca: {  	v35 =	vor.u32 v53, v49;
	v31 =	vld.idx.msk [tilespmem:v31+s14+$0x0], $0xffff  }
0x2cb: {  	v51 =	vor.u32 v55, v49;
	v32 =	vld.idx.msk [tilespmem:v32+s14+$0x0], $0xffff  }
0x2cc: {  	v50 =	vld.idx.msk [tilespmem:v36+s14+$0x0], $0xffff;
	v36 =	vor.u32 v59, v49  }
0x2cd: {  	v33 =	vld.idx.msk [tilespmem:v33+s14+$0x0], $0xffff  }
0x2ce: {  	v52 =	vor.u32 v56, v49;
	v34 =	vld.idx.msk [tilespmem:v34+s14+$0x0], $0xffff  }
0x2cf: {  	v53 =	vor.u32 v57, v49;
	v35 =	vld.idx.msk [tilespmem:v35+s14+$0x0], $0xffff  }
0x2d0: {  	v51 =	vld.idx.msk [tilespmem:v51+s14+$0x0], $0xffff  }
0x2d1: {  	v56 =	vor.u32 v60, v49;
	v55 =	vld.idx.msk [tilespmem:v36+s14+$0x0], $0xffff  }
0x2d2: {  	v57 =	vor.u32 v61, v49;
	v36 =	vld [tilespmem:$0x1FE70]  }
0x2d3: {  	v52 =	vld.idx.msk [tilespmem:v52+s14+$0x0], $0xffff  }
0x2d4: {  	v53 =	vld.idx.msk [tilespmem:v53+s14+$0x0], $0xffff  }
0x2d5: {  	v54 =	vld.idx.msk [tilespmem:v54+s14+$0x0], $0xffff;
	v59 =	vor.u32 v63, v49  }
0x2d6: {  	v56 =	vld.idx.msk [tilespmem:v56+s14+$0x0], $0xffff  }
0x2d7: {  	v57 =	vld.idx.msk [tilespmem:v57+s14+$0x0], $0xffff;
	v60 =	vor.u32 s25, v36  }
0x2d8: {  	v61 =	vor.u32 s25, v40;
	v58 =	vld.idx.msk [tilespmem:v58+s14+$0x0], $0xffff  }
0x2d9: {  	v63 =	vld [tilespmem:$0x1F7E0]  }
0x2da: {  	v30 =	vmul.f32 $8.000000000e+00, v30;
	v59 =	vld.idx.msk [tilespmem:v59+s14+$0x0], $0xffff  }
0x2db: {  	v31 =	vmul.f32 $8.000000000e+00, v31;
	v36 =	vld [tilespmem:$0x1F7F0]  }
0x2dc: {  	[tilespmem:v60+s19+$0x0] =	vst.idx.msk $0xffff, v30;
	v30 =	vld [tilespmem:$0x1F800]  }
0x2dd: {  	[tilespmem:v61+s19+$0x0] =	vst.idx.msk $0xffff, v31;
	v31 =	vld [tilespmem:$0x1F810]  }
0x2de: {  	v62 =	vor.u32 s25, v62  }
0x2df: {  	v63 =	vor.u32 s25, v63  }
0x2e0: {  	v36 =	vor.u32 s25, v36  }
0x2e1: {  	v32 =	vmul.f32 $8.000000000e+00, v32;
	v30 =	vor.u32 s25, v30  }
0x2e2: {  	v33 =	vmul.f32 $8.000000000e+00, v33;
	v31 =	vor.u32 s25, v31  }
0x2e3: {  	v34 =	vmul.f32 $8.000000000e+00, v34;
	[tilespmem:v62+s19+$0x0] =	vst.idx.msk $0xffff, v32;
	v62 =	vld [tilespmem:$0x1F820]  }
0x2e4: {  	v35 =	vmul.f32 $8.000000000e+00, v35;
	[tilespmem:v63+s19+$0x0] =	vst.idx.msk $0xffff, v33;
	v63 =	vld [tilespmem:$0x1F830]  }
0x2e5: {  	v50 =	vmul.f32 $8.000000000e+00, v50;
	v60 =	vld [tilespmem:$0x1F840];
	[tilespmem:v36+s19+$0x0] =	vst.idx.msk $0xffff, v34  }
0x2e6: {  	[tilespmem:v30+s19+$0x0] =	vst.idx.msk $0xffff, v35;
	v30 =	vld [tilespmem:$0x1F850]  }
0x2e7: {  	[tilespmem:v31+s19+$0x0] =	vst.idx.msk $0xffff, v50;
	v31 =	vld [tilespmem:$0x1F860]  }
0x2e8: {  	v32 =	vor.u32 s25, v62  }
0x2e9: {  	v33 =	vor.u32 s25, v63  }
0x2ea: {  	v34 =	vor.u32 s25, v60;
	v62 =	vmul.f32 $8.000000000e+00, v52;
	v52 =	vld [tilespmem:$0x1F870]  }
0x2eb: {  	v61 =	vmul.f32 $8.000000000e+00, v51;
	v30 =	vor.u32 s25, v30  }
0x2ec: {  	v31 =	vor.u32 s25, v31  }
0x2ed: {  	v63 =	vmul.f32 $8.000000000e+00, v53;
	v53 =	vmul.f32 $8.000000000e+00, v54;
	v54 =	vld [tilespmem:$0x1F880];
	[tilespmem:v32+s19+$0x0] =	vst.idx.msk $0xffff, v61  }
0x2ee: {  	v60 =	vld [tilespmem:$0x1F890];
	[tilespmem:v33+s19+$0x0] =	vst.idx.msk $0xffff, v62  }
0x2ef: {  	v55 =	vmul.f32 $8.000000000e+00, v55;
	v32 =	vor.u32 s25, v52;
	v52 =	vld [tilespmem:$0x1FED0];
	[tilespmem:v34+s19+$0x0] =	vst.idx.msk $0xffff, v63  }
0x2f0: {  	[tilespmem:v30+s19+$0x0] =	vst.idx.msk $0xffff, v53;
	v30 =	vld [tilespmem:$0x1F8A0]  }
0x2f1: {  	[tilespmem:v31+s19+$0x0] =	vst.idx.msk $0xffff, v55;
	v31 =	vld [tilespmem:$0x1FEA0]  }
0x2f2: {  	v33 =	vor.u32 s25, v54;
	v54 =	vld [tilespmem:$0x1FF00]  }
0x2f3: {  	v34 =	vor.u32 s25, v60;
	v60 =	vld [tilespmem:$0x1F7A0]  }
0x2f4: {  	v55 =	vld [tilespmem:$0x1F740]  }
0x2f5: {  	v61 =	vmul.f32 $8.000000000e+00, v56;
	v56 =	vld [tilespmem:$0x1F760];
	v30 =	vor.u32 s25, v30  }
0x2f6: {  	v62 =	vmul.f32 $8.000000000e+00, v57;
	v57 =	vld [tilespmem:$0x1F770];
	v31 =	vor.u32 v31, v49  }
0x2f7: {  	v63 =	vmul.f32 $8.000000000e+00, v58;
	v58 =	vld [tilespmem:$0x1F780];
	[tilespmem:v32+s19+$0x0] =	vst.idx.msk $0xffff, v61;
	v32 =	vor.u32 v52, v49  }
0x2f8: {  	v53 =	vmul.f32 $8.000000000e+00, v59;
	v59 =	vld [tilespmem:$0x1F790];
	[tilespmem:v33+s19+$0x0] =	vst.idx.msk $0xffff, v62;
	v33 =	vor.u32 v54, v49  }
0x2f9: {  	v52 =	vor.u32 v60, v49;
	v60 =	vld [tilespmem:$0x1F930];
	[tilespmem:v34+s19+$0x0] =	vst.idx.msk $0xffff, v63;
	v34 =	vor.u32 v55, v49  }
0x2fa: {  	v35 =	vor.u32 v56, v49;
	[tilespmem:v30+s19+$0x0] =	vst.idx.msk $0xffff, v53;
	v30 =	vld [tilespmem:$0x1F750]  }
0x2fb: {  	v36 =	vor.u32 v57, v49;
	v31 =	vld.idx.msk [tilespmem:v31+s14+$0x0], $0xffff  }
0x2fc: {  	v50 =	vor.u32 v58, v49;
	v32 =	vld.idx.msk [tilespmem:v32+s14+$0x0], $0xffff  }
0x2fd: {  	v51 =	vor.u32 v59, v49;
	v33 =	vld.idx.msk [tilespmem:v33+s14+$0x0], $0xffff  }
0x2fe: {  	v34 =	vld.idx.msk [tilespmem:v34+s14+$0x0], $0xffff  }
0x2ff: {  	v61 =	vor.u32 v2, v49;
	v35 =	vld.idx.msk [tilespmem:v35+s14+$0x0], $0xffff  }
0x300: {  	v62 =	vor.u32 v3, v49;
	v36 =	vld.idx.msk [tilespmem:v36+s14+$0x0], $0xffff  }
0x301: {  	v63 =	vor.u32 v4, v49;
	v50 =	vld.idx.msk [tilespmem:v50+s14+$0x0], $0xffff  }
0x302: {  	v56 =	vor.u32 v5, v49;
	v51 =	vld.idx.msk [tilespmem:v51+s14+$0x0], $0xffff  }
0x303: {  	v52 =	vld.idx.msk [tilespmem:v52+s14+$0x0], $0xffff  }
0x304: {  	v57 =	vor.u32 v6, v49;
	v53 =	vld.idx.msk [tilespmem:v61+s14+$0x0], $0xffff  }
0x305: {  	v54 =	vld.idx.msk [tilespmem:v62+s14+$0x0], $0xffff  }
0x306: {  	v58 =	vor.u32 v1, v49;
	v55 =	vld.idx.msk [tilespmem:v63+s14+$0x0], $0xffff  }
0x307: {  	v56 =	vld.idx.msk [tilespmem:v56+s14+$0x0], $0xffff  }
0x308: {  	v61 =	vld [tilespmem:$0x1F940];
	v30 =	vor.u32 v30, v49  }
0x309: {  	v59 =	vor.u32 s25, v37;
	v57 =	vld.idx.msk [tilespmem:v57+s14+$0x0], $0xffff  }
0x30a: {  	v62 =	vld [tilespmem:$0x1F950]  }
0x30b: {  	v58 =	vld.idx.msk [tilespmem:v58+s14+$0x0], $0xffff  }
0x30c: {  	v60 =	vor.u32 s25, v60;
	v63 =	vld [tilespmem:$0x1F960];
	v31 =	vmul.f32 $8.000000000e+00, v31  }
0x30d: {  	v30 =	vld.idx.msk [tilespmem:v30+s14+$0x0], $0xffff  }
0x30e: {  	[tilespmem:v59+s19+$0x0] =	vst.idx.msk $0xffff, v31;
	v31 =	vld [tilespmem:$0x1F970]  }
0x30f: {  	v32 =	vmul.f32 $8.000000000e+00, v32  }
0x310: {  	v61 =	vor.u32 s25, v61  }
0x311: {  	v62 =	vor.u32 s25, v62;
	[tilespmem:v60+s19+$0x0] =	vst.idx.msk $0xffff, v32;
	v60 =	vld [tilespmem:$0x1F980]  }
0x312: {  	v63 =	vor.u32 s25, v63  }
0x313: {  	v33 =	vmul.f32 $8.000000000e+00, v33;
	v31 =	vor.u32 s25, v31  }
0x314: {  	v34 =	vmul.f32 $8.000000000e+00, v34  }
0x315: {  	v59 =	vld [tilespmem:$0x1F990];
	[tilespmem:v61+s19+$0x0] =	vst.idx.msk $0xffff, v33;
	v30 =	vmul.f32 $8.000000000e+00, v30  }
0x316: {  	v35 =	vmul.f32 $8.000000000e+00, v35;
	[tilespmem:v62+s19+$0x0] =	vst.idx.msk $0xffff, v34;
	v32 =	vor.u32 s25, v60;
	v60 =	vld [tilespmem:$0x1F9A0]  }
0x317: {  	[tilespmem:v63+s19+$0x0] =	vst.idx.msk $0xffff, v30;
	v30 =	vld [tilespmem:$0x1F9B0]  }
0x318: {  	[tilespmem:v31+s19+$0x0] =	vst.idx.msk $0xffff, v35;
	v31 =	vld [tilespmem:$0x1F9C0];
	_ =	sdelay $0x1  }
0x319: {  	v33 =	vor.u32 s25, v59  }
0x31a: {  	v34 =	vor.u32 s25, v60  }
0x31b: {  	v36 =	vmul.f32 $8.000000000e+00, v36;
	v30 =	vor.u32 s25, v30  }
0x31c: {  	v50 =	vmul.f32 $8.000000000e+00, v50;
	v31 =	vor.u32 s25, v31  }
0x31d: {  	v61 =	vmul.f32 $8.000000000e+00, v51;
	v62 =	vld [tilespmem:$0x1F9D0];
	[tilespmem:v32+s19+$0x0] =	vst.idx.msk $0xffff, v36  }
0x31e: {  	v63 =	vmul.f32 $8.000000000e+00, v52;
	v52 =	vld [tilespmem:$0x1F9E0];
	[tilespmem:v33+s19+$0x0] =	vst.idx.msk $0xffff, v50  }
0x31f: {  	v59 =	vmul.f32 $8.000000000e+00, v53;
	v60 =	vld [tilespmem:$0x1F9F0];
	[tilespmem:v34+s19+$0x0] =	vst.idx.msk $0xffff, v61  }
0x320: {  	[tilespmem:v30+s19+$0x0] =	vst.idx.msk $0xffff, v63;
	v30 =	vld [tilespmem:$0x1FA00]  }
0x321: {  	[tilespmem:v31+s19+$0x0] =	vst.idx.msk $0xffff, v59;
	v31 =	vld [tilespmem:$0x1FA50]  }
0x322: {  	v32 =	vor.u32 s25, v62  }
0x323: {  	v33 =	vor.u32 s25, v52  }
0x324: {  	v34 =	vor.u32 s25, v60  }
0x325: {  	v61 =	vmul.f32 $8.000000000e+00, v54;
	v30 =	vor.u32 s25, v30  }
0x326: {  	v62 =	vmul.f32 $8.000000000e+00, v55;
	v31 =	vor.u32 s25, v31  }
0x327: {  	v51 =	vor.u32 v0, v49;
	v63 =	vmul.f32 $8.000000000e+00, v56;
	[tilespmem:v32+s19+$0x0] =	vst.idx.msk $0xffff, v61  }
0x328: {  	v53 =	vor.u32 v7, v49;
	v52 =	vmul.f32 $8.000000000e+00, v57;
	[tilespmem:v33+s19+$0x0] =	vst.idx.msk $0xffff, v62  }
0x329: {  	v55 =	vor.u32 v8, v49;
	v54 =	vmul.f32 $8.000000000e+00, v58;
	[tilespmem:v34+s19+$0x0] =	vst.idx.msk $0xffff, v63  }
0x32a: {  	v56 =	vor.u32 v10, v49;
	[tilespmem:v30+s19+$0x0] =	vst.idx.msk $0xffff, v52  }
0x32b: {  	v57 =	vor.u32 v13, v49;
	[tilespmem:v31+s19+$0x0] =	vst.idx.msk $0xffff, v54  }
0x32c: {  	v58 =	vor.u32 v12, v49;
	v32 =	vld.idx.msk [tilespmem:v51+s14+$0x0], $0xffff  }
0x32d: {  	v59 =	vor.u32 v14, v49;
	v33 =	vld.idx.msk [tilespmem:v53+s14+$0x0], $0xffff  }
0x32e: {  	v60 =	vor.u32 v15, v49;
	v34 =	vld.idx.msk [tilespmem:v55+s14+$0x0], $0xffff  }
0x32f: {  	v61 =	vor.u32 v16, v49;
	v35 =	vld.idx.msk [tilespmem:v56+s14+$0x0], $0xffff  }
0x330: {  	v62 =	vor.u32 v18, v49;
	v36 =	vld.idx.msk [tilespmem:v57+s14+$0x0], $0xffff  }
0x331: {  	v63 =	vor.u32 v20, v49;
	v50 =	vld.idx.msk [tilespmem:v58+s14+$0x0], $0xffff  }
0x332: {  	v51 =	vld.idx.msk [tilespmem:v59+s14+$0x0], $0xffff  }
0x333: {  	v52 =	vld.idx.msk [tilespmem:v60+s14+$0x0], $0xffff  }
0x334: {  	v53 =	vld.idx.msk [tilespmem:v61+s14+$0x0], $0xffff  }
0x335: {  	v54 =	vld.idx.msk [tilespmem:v62+s14+$0x0], $0xffff  }
0x336: {  	v30 =	vor.u32 v9, v49;
	v55 =	vld.idx.msk [tilespmem:v63+s14+$0x0], $0xffff  }
0x337: {  	v31 =	vor.u32 v11, v49;
	v60 =	vld [tilespmem:$0x1FAC0]  }
0x338: {  	v56 =	vor.u32 v21, v49;
	v61 =	vld [tilespmem:$0x1FAD0]  }
0x339: {  	v57 =	vor.u32 v22, v49;
	v62 =	vld [tilespmem:$0x1FAE0]  }
0x33a: {  	v58 =	vor.u32 v23, v49;
	v63 =	vld [tilespmem:$0x1FAF0]  }
0x33b: {  	v59 =	vor.u32 s25, v19;
	v30 =	vld.idx.msk [tilespmem:v30+s14+$0x0], $0xffff  }
0x33c: {  	v31 =	vld.idx.msk [tilespmem:v31+s14+$0x0], $0xffff  }
0x33d: {  	v56 =	vld.idx.msk [tilespmem:v56+s14+$0x0], $0xffff  }
0x33e: {  	v32 =	vmul.f32 $8.000000000e+00, v32;
	v57 =	vld.idx.msk [tilespmem:v57+s14+$0x0], $0xffff  }
0x33f: {  	v58 =	vld.idx.msk [tilespmem:v58+s14+$0x0], $0xffff  }
0x340: {  	v60 =	vor.u32 s25, v60;
	[tilespmem:v59+s19+$0x0] =	vst.idx.msk $0xffff, v32;
	v59 =	vld [tilespmem:$0x1FB00]  }
0x341: {  	v61 =	vor.u32 s25, v61  }
0x342: {  	v62 =	vor.u32 s25, v62  }
0x343: {  	v33 =	vmul.f32 $8.000000000e+00, v33;
	v63 =	vor.u32 s25, v63  }
0x344: {  	v32 =	vmul.f32 $8.000000000e+00, v34  }
0x345: {  	v30 =	vmul.f32 $8.000000000e+00, v30;
	[tilespmem:v60+s19+$0x0] =	vst.idx.msk $0xffff, v33;
	v34 =	vor.u32 s25, v59;
	v59 =	vld [tilespmem:$0x1FB10]  }
0x346: {  	v31 =	vmul.f32 $8.000000000e+00, v31;
	v60 =	vld [tilespmem:$0x1FB20];
	[tilespmem:v61+s19+$0x0] =	vst.idx.msk $0xffff, v32  }
0x347: {  	[tilespmem:v62+s19+$0x0] =	vst.idx.msk $0xffff, v30;
	v30 =	vld [tilespmem:$0x1FB30]  }
0x348: {  	[tilespmem:v63+s19+$0x0] =	vst.idx.msk $0xffff, v31;
	v31 =	vld [tilespmem:$0x1FB40];
	_ =	sdelay $0x1  }
0x349: {  	v33 =	vor.u32 s25, v59  }
0x34a: {  	v32 =	vor.u32 s25, v60  }
0x34b: {  	v35 =	vmul.f32 $8.000000000e+00, v35;
	v30 =	vor.u32 s25, v30  }
0x34c: {  	v36 =	vmul.f32 $8.000000000e+00, v36;
	v61 =	vld [tilespmem:$0x1FB50];
	v31 =	vor.u32 s25, v31  }
0x34d: {  	v50 =	vmul.f32 $8.000000000e+00, v50;
	v62 =	vmul.f32 $8.000000000e+00, v51;
	v51 =	vld [tilespmem:$0x1FB60];
	[tilespmem:v34+s19+$0x0] =	vst.idx.msk $0xffff, v35  }
0x34e: {  	[tilespmem:v33+s19+$0x0] =	vst.idx.msk $0xffff, v36  }
0x34f: {  	v52 =	vmul.f32 $8.000000000e+00, v52;
	v59 =	vld [tilespmem:$0x1FB70];
	[tilespmem:v32+s19+$0x0] =	vst.idx.msk $0xffff, v50  }
0x350: {  	[tilespmem:v30+s19+$0x0] =	vst.idx.msk $0xffff, v62;
	v30 =	vld [tilespmem:$0x1FB80]  }
0x351: {  	[tilespmem:v31+s19+$0x0] =	vst.idx.msk $0xffff, v52;
	v31 =	vld [tilespmem:$0x1FB90]  }
0x352: {  	v34 =	vor.u32 s25, v61;
	v33 =	vor.u32 s25, v51;
	v51 =	vld [tilespmem:$0x1FBA0];
	_ =	sdelay $0x1  }
0x353: {  	v32 =	vor.u32 s25, v59  }
0x354: {  	v60 =	vmul.f32 $8.000000000e+00, v53;
	v30 =	vor.u32 s25, v30  }
0x355: {  	v61 =	vmul.f32 $8.000000000e+00, v54;
	v31 =	vor.u32 s25, v31  }
0x356: {  	v62 =	vmul.f32 $8.000000000e+00, v55;
	[tilespmem:v34+s19+$0x0] =	vst.idx.msk $0xffff, v60;
	v34 =	vor.u32 s25, v51  }
0x357: {  	v53 =	vor.u32 v17, v49;
	v52 =	vmul.f32 $8.000000000e+00, v56;
	[tilespmem:v33+s19+$0x0] =	vst.idx.msk $0xffff, v61  }
0x358: {  	v54 =	vmul.f32 $8.000000000e+00, v57;
	v55 =	vor.u32 v27, v49;
	[tilespmem:v32+s19+$0x0] =	vst.idx.msk $0xffff, v62  }
0x359: {  	v57 =	vor.u32 v28, v49;
	v56 =	vmul.f32 $8.000000000e+00, v58;
	[tilespmem:v30+s19+$0x0] =	vst.idx.msk $0xffff, v52  }
0x35a: {  	v58 =	vor.u32 v26, v49;
	[tilespmem:v31+s19+$0x0] =	vst.idx.msk $0xffff, v54  }
0x35b: {  	v59 =	vor.u32 v29, v49;
	[tilespmem:v34+s19+$0x0] =	vst.idx.msk $0xffff, v56  }
0x35c: {  	v60 =	vor.u32 v38, v49;
	v33 =	vld.idx.msk [tilespmem:v53+s14+$0x0], $0xffff  }
0x35d: {  	v61 =	vor.u32 v39, v49;
	v32 =	vld.idx.msk [tilespmem:v55+s14+$0x0], $0xffff  }
0x35e: {  	v62 =	vor.u32 v43, v49;
	v34 =	vld.idx.msk [tilespmem:v57+s14+$0x0], $0xffff  }
0x35f: {  	v35 =	vld.idx.msk [tilespmem:v58+s14+$0x0], $0xffff  }
0x360: {  	v30 =	vor.u32 v24, v49;
	v36 =	vld.idx.msk [tilespmem:v59+s14+$0x0], $0xffff  }
0x361: {  	v52 =	vor.u32 v41, v49;
	v50 =	vld.idx.msk [tilespmem:v60+s14+$0x0], $0xffff  }
0x362: {  	v31 =	vor.u32 v25, v49;
	v51 =	vld.idx.msk [tilespmem:v61+s14+$0x0], $0xffff  }
0x363: {  	v53 =	vor.u32 v42, v49;
	v54 =	vld.idx.msk [tilespmem:v62+s14+$0x0], $0xffff  }
0x364: {  	v60 =	vor.u32 v44, v49;
	v62 =	vld [tilespmem:$0x1FBB0]  }
0x365: {  	v61 =	vor.u32 v45, v49;
	v30 =	vld.idx.msk [tilespmem:v30+s14+$0x0], $0xffff  }
0x366: {  	v52 =	vld.idx.msk [tilespmem:v52+s14+$0x0], $0xffff  }
0x367: {  	v57 =	vor.u32 v46, v49;
	v31 =	vld.idx.msk [tilespmem:v31+s14+$0x0], $0xffff  }
0x368: {  	v53 =	vld.idx.msk [tilespmem:v53+s14+$0x0], $0xffff  }
0x369: {  	v49 =	vor.u32 v47, v49;
	v55 =	vld.idx.msk [tilespmem:v60+s14+$0x0], $0xffff  }
0x36a: {  	v56 =	vld.idx.msk [tilespmem:v61+s14+$0x0], $0xffff  }
0x36b: {  	v58 =	vor.u32 s25, v48;
	v60 =	vld [tilespmem:$0x1FBC0]  }
0x36c: {  	v57 =	vld.idx.msk [tilespmem:v57+s14+$0x0], $0xffff  }
0x36d: {  	v61 =	vld [tilespmem:$0x1FBD0]  }
0x36e: {  	v33 =	vmul.f32 $8.000000000e+00, v33;
	v49 =	vld.idx.msk [tilespmem:v49+s14+$0x0], $0xffff  }
0x36f: {  	v59 =	vor.u32 s25, v62;
	v62 =	vld [tilespmem:$0x1FBE0]  }
0x370: {  	[tilespmem:v58+s19+$0x0] =	vst.idx.msk $0xffff, v33;
	v33 =	vld [tilespmem:$0x1FBF0];
	_ =	sdelay $0x1  }
0x371: {  	v60 =	vor.u32 s25, v60  }
0x372: {  	v61 =	vor.u32 s25, v61  }
0x373: {  	v32 =	vmul.f32 $8.000000000e+00, v32;
	v62 =	vor.u32 s25, v62  }
0x374: {  	v30 =	vmul.f32 $8.000000000e+00, v30;
	v33 =	vor.u32 s25, v33  }
0x375: {  	v31 =	vmul.f32 $8.000000000e+00, v31;
	[tilespmem:v59+s19+$0x0] =	vst.idx.msk $0xffff, v32;
	v32 =	vld [tilespmem:$0x1FC00]  }
0x376: {  	[tilespmem:v60+s19+$0x0] =	vst.idx.msk $0xffff, v30;
	v30 =	vmul.f32 $8.000000000e+00, v34;
	v34 =	vld [tilespmem:$0x1FC10]  }
0x377: {  	[tilespmem:v61+s19+$0x0] =	vst.idx.msk $0xffff, v31;
	v31 =	vmul.f32 $8.000000000e+00, v35;
	v35 =	vld [tilespmem:$0x1FC20]  }
0x378: {  	[tilespmem:v62+s19+$0x0] =	vst.idx.msk $0xffff, v30;
	v30 =	vmul.f32 $8.000000000e+00, v36;
	v36 =	vld [tilespmem:$0x1FC30]  }
0x379: {  	[tilespmem:v33+s19+$0x0] =	vst.idx.msk $0xffff, v31;
	v33 =	vld [tilespmem:$0x1FC40]  }
0x37a: {  	v32 =	vor.u32 s25, v32  }
0x37b: {  	v63 =	vld [tilespmem:$0x1FFE0];
	v34 =	vor.u32 s25, v34  }
0x37c: {  	v58 =	vld [tilespmem:$0x1FFA0];
	v35 =	vor.u32 s25, v35  }
0x37d: {  	v59 =	vld [tilespmem:$0x1FFB0];
	v36 =	vor.u32 s25, v36  }
0x37e: {  	v60 =	vld [tilespmem:$0x1FFC0];
	v31 =	vmul.f32 $8.000000000e+00, v50;
	v33 =	vor.u32 s25, v33  }
0x37f: {  	[tilespmem:v32+s19+$0x0] =	vst.idx.msk $0xffff, v30;
	v30 =	vmul.f32 $8.000000000e+00, v51;
	v32 =	vld [tilespmem:$0x1FC50]  }
0x380: {  	[tilespmem:v34+s19+$0x0] =	vst.idx.msk $0xffff, v31;
	v31 =	vmul.f32 $8.000000000e+00, v52;
	v34 =	vld [tilespmem:$0x1FC60]  }
0x381: {  	[tilespmem:v35+s19+$0x0] =	vst.idx.msk $0xffff, v30;
	v30 =	vmul.f32 $8.000000000e+00, v53;
	v35 =	vld [tilespmem:$0x1FC70]  }
0x382: {  	[tilespmem:v36+s19+$0x0] =	vst.idx.msk $0xffff, v31;
	v36 =	vld [tilespmem:$0x1FC80]  }
0x383: {  	[tilespmem:v33+s19+$0x0] =	vst.idx.msk $0xffff, v30;
	v33 =	vld [tilespmem:$0x1FC90]  }
0x384: {  	v61 =	vld [tilespmem:$0x1FFF0];
	v32 =	vor.u32 s25, v32  }
0x385: {  	v62 =	vld [tilespmem:$0x1FFD0];
	v34 =	vor.u32 s25, v34  }
0x386: {  	v50 =	vld [tilespmem:$0x1FF20];
	v35 =	vor.u32 s25, v35  }
0x387: {  	v51 =	vld [tilespmem:$0x1FF30];
	v31 =	vmul.f32 $8.000000000e+00, v54;
	v36 =	vor.u32 s25, v36  }
0x388: {  	p0 =	sne.s32 s25, $0x70;
	v52 =	vld [tilespmem:$0x1FF40];
	v30 =	vmul.f32 $8.000000000e+00, v55;
	v33 =	vor.u32 s25, v33  }
.Ltmp6:
0x389: {  	v53 =	vld [tilespmem:$0x1FF50];
	[tilespmem:v32+s19+$0x0] =	vst.idx.msk $0xffff, v31;
	v31 =	vmul.f32 $8.000000000e+00, v56;
	(pc) =	sbr.rel @p0 .LBB2_9-.Ltmp6, $4  }
0x38a: {  	v54 =	vld [tilespmem:$0x1FF60];
	[tilespmem:v34+s19+$0x0] =	vst.idx.msk $0xffff, v30;
	v30 =	vmul.f32 $8.000000000e+00, v57  }
0x38b: {  	v55 =	vld [tilespmem:$0x1FF70];
	[tilespmem:v35+s19+$0x0] =	vst.idx.msk $0xffff, v31;
	v31 =	vmul.f32 $8.000000000e+00, v49  }
0x38c: {  	v56 =	vld [tilespmem:$0x1FF80];
	[tilespmem:v36+s19+$0x0] =	vst.idx.msk $0xffff, v30  }
0x38d: {  	s25 =	sadd.s32 $0x10, s25;
	v57 =	vld [tilespmem:$0x1FF90];
	[tilespmem:v33+s19+$0x0] =	vst.idx.msk $0xffff, v31  }
0x38e: {  	p0 =	seq.s32 s22, $0x63  }
.Ltmp7:
0x38f: {  	_ = 	snop;
	(pc) =	sbr.rel @p0 .LBB2_12-.Ltmp7, $3  }
0x390: {  	_ =	sdelay $0x1  }
0x391: {  	s24 =	sadd.s32 s24, s7  }
0x392: {  	[hbm4b:s24+s9] =	stream.strided.scatter [tilespmem:s19], [sflag:$0x4], $0x2000, s10, s9, $0x38;
	[tilespmem:$0x12400] =	vst v63  }
0x393: {  	v49 =	vld [tilespmem:$0x1FF10]  }
0x394: {  	v30 =	vld [tilespmem:$0x1FA90]  }
.Ltmp8:
0x395: {  	v31 =	vld [tilespmem:$0x1FAB0];
	(pc) =	sbr.rel .LBB2_2-.Ltmp8, $4  }
0x396: {  	v32 =	vld [tilespmem:$0x1FA10]  }
0x397: {  	s23 =	sshrl.u32 s23, $0x2;
	v33 =	vld [tilespmem:$0x1FA20]  }
0x398: {  	s22 =	sadd.s32 $0x1, s22;
	v34 =	vld [tilespmem:$0x1FA30];
	s23 =	sadd.s32 $0x180, s23  }
0x399: {  	v35 =	vld [tilespmem:$0x1FA40];
	[tilespmem:s14], [sflag:$0x2] =	stream.indirect.gather [hbm4b:s5+s12], $0x80, s23, s12, $0xb8  }
.LBB2_13:
0x39a: {  	_ =	sfence.sel $0x180000  }
0x39b: {  	[bflag:$0x0] =	sbarrier.arrive $0xFFFF  }
0x39c: {  	p0 =	sne.s32 s2, $0x0;
	_ =	strace $0x90000047  }
0x39d: {  	s0 =	sadd.s32 @!p0 $0x100000, s0;
	[bflag:$0x2] =	sbarrier.arrive $0xFFFF  }
0x39e: {  	[sflag:s0] =	ssyncadd.tile.s32 @!p0 $0x1;
	_ =	shalt  }
.Lfunc_end2:
_tile_overlayer_lowered:
.L_overlay_start_2:
0x39f: {  	(tag) =	ssettag $0x2  }
0x3a0: {  	s0 =	rddreg [dreg:$0x0];
	s2 =	stileid.u32  }
0x3a1: {  	s1 =	rddreg [dreg:$0x1];
	p0 =	sne.s32 s2, $0x0  }
0x3a2: {  	s3 =	rddreg [dreg:$0x2];
	[bflag:$0x3] =	sbarrier.arrive $0xFFFF;
	s2 =	simm.s32 @!p0 $0x1C05  }
0x3a3: {  	[timem:s3], [sflag:s2] =	dma.local @!p0 [hbm:s0], s1  }
0x3a4: {  	s0 =	simm.s32 @!p0 $0x5  }
0x3a5: {  	_ =	swait.ge @!p0 [sflag:s0], s1  }
0x3a6: {  	s1 =	ssub.s32 @!p0 $0x0, s1;
	[sflag:s0] =	ssyncset.done @!p0 $0x0  }
0x3a7: {  	[sflag:s0] =	ssyncadd.s32 @!p0 s1  }
0x3a8: {  	[bflag:$0x3] =	sbarrier.arrive $0xFFFF  }
0x3a9: {  	_ =	shalt  }

</sc_bundles>
